<compile_context>
chip_gen: v7x
topology: tpu7x:2x2x1
jax: 0.10.2.dev20260603
libtpu: 0.0.44.dev20260713+nightly
codegen_flags: <defaults>
</compile_context>

<pallas_src>
import functools

import jax
import jax.numpy as jnp
from jax import lax
from jax.experimental import pallas as pl
from jax.experimental.pallas import tpu as pltpu
from jax.experimental.pallas import tpu_sc as plsc

_V = 1000000
_D = 64
_B = 16384
_L = 50

_NC = 2
_NS = 16
_NW = _NC * _NS
_EPW = _B // _NW
_IPW = _EPW * 128
_EPR = 8
_RPW = _EPW // _EPR
_ROWS = _EPR * _L

_mesh = plsc.VectorSubcoreMesh(core_axis_name="c", subcore_axis_name="s")


@functools.partial(
    pl.kernel,
    mesh=_mesh,
    out_type=jax.ShapeDtypeStruct((_B, 128), jnp.float32),
    scratch_types=[
        pltpu.VMEM((_IPW,), jnp.int32),
        pltpu.VMEM((_ROWS, _D), jnp.float32),
        pltpu.VMEM((_ROWS, _D), jnp.float32),
        pltpu.VMEM((_EPR, 128), jnp.float32),
        pltpu.VMEM((_EPR, 128), jnp.float32),
        pltpu.SemaphoreType.DMA,
        pltpu.SemaphoreType.DMA,
        pltpu.SemaphoreType.DMA,
        pltpu.SemaphoreType.DMA,
    ],
    compiler_params=pltpu.CompilerParams(use_tc_tiling_on_sc=False),
)
def _gather_sums(x1_hbm, table_hbm, out_hbm, idx_v, buf0, buf1, acc0, acc1,
                 semg0, semg1, semo0, semo1):
    wid = lax.axis_index("s") * _NC + lax.axis_index("c")
    bufs = (buf0, buf1)
    accs = (acc0, acc1)
    semgs = (semg0, semg1)
    semos = (semo0, semo1)

    pltpu.sync_copy(
        x1_hbm.at[pl.ds(pl.multiple_of(wid * _IPW, 8), _IPW)], idx_v
    )

    def fire(r, slot):
        for ee in range(_EPR):
            w = pl.multiple_of((r * _EPR + ee) * 128, 8)
            pltpu.async_copy(
                table_hbm.at[idx_v.at[pl.ds(w, _L)]],
                bufs[slot].at[pl.ds(ee * _L, _L), :],
                semgs[slot],
            )

    def drain_gathers(slot):
        for ee in range(_EPR):
            pltpu.make_async_copy(
                table_hbm.at[idx_v.at[pl.ds(0, _L)]],
                bufs[slot].at[pl.ds(ee * _L, _L), :],
                semgs[slot],
            ).wait()

    def out_start(r, slot):
        pltpu.async_copy(
            accs[slot],
            out_hbm.at[pl.ds(wid * _EPW + r * _EPR, _EPR), :],
            semos[slot],
        )

    def out_wait(slot):
        pltpu.make_async_copy(
            accs[slot],
            out_hbm.at[pl.ds(wid * _EPW, _EPR), :],
            semos[slot],
        ).wait()

    def accumulate(slot):
        buf, acc = bufs[slot], accs[slot]
        for e in range(_EPR):
            base = e * _L
            a0 = tuple(buf[base, pl.ds(16 * v, 16)] for v in range(4))

            def body7(k, a, base=base, buf=buf):
                row = base + 1 + k * 7
                for u in range(7):
                    a = tuple(
                        a[v] + buf[row + u, pl.ds(16 * v, 16)]
                        for v in range(4)
                    )
                return a

            a = lax.fori_loop(0, 7, body7, a0)
            for v in range(4):
                acc[e, pl.ds(16 * v, 16)] = a[v]

    fire(0, 0)

    def round_pair(j, carry):
        fire(2 * j + 1, 1)
        drain_gathers(0)

        @pl.when(j > 0)
        def _():
            out_wait(0)

        accumulate(0)
        out_start(2 * j, 0)

        @pl.when(j < _RPW // 2 - 1)
        def _():
            fire(2 * j + 2, 0)

        drain_gathers(1)

        @pl.when(j > 0)
        def _():
            out_wait(1)

        accumulate(1)
        out_start(2 * j + 1, 1)
        return carry

    lax.fori_loop(0, _RPW // 2, round_pair, 0)
    out_wait(0)
    out_wait(1)


def _tc_body(h_ref, w_ref, b_ref, g_ref, beta_ref, o_ref):
    h = h_ref[:, : _D]
    y = (
        jnp.dot(h, w_ref[...], preferred_element_type=jnp.float32)
        + b_ref[...]
    )
    mu = jnp.mean(y, axis=-1, keepdims=True)
    yc = y - mu
    var = jnp.mean(yc * yc, axis=-1, keepdims=True)
    o_ref[...] = yc * lax.rsqrt(var + 1e-3) * g_ref[...] + beta_ref[...]


_TB = 1024


def _pad_body(x_ref, o_ref):
    o_ref[...] = jnp.pad(x_ref[...], ((0, 0), (0, 128 - _L)))


_RB = 2048


def kernel(x, table, W, b, bn_gamma, bn_beta, bn_mean, bn_var, ln_gamma, ln_beta):
    x128 = pl.pallas_call(
        _pad_body,
        grid=(_B // _RB,),
        in_specs=[pl.BlockSpec((_RB, _L), lambda i: (i, 0))],
        out_specs=pl.BlockSpec((_RB, 128), lambda i: (i, 0)),
        out_shape=jax.ShapeDtypeStruct((_B, 128), jnp.int32),
    )(x.astype(jnp.int32))
    x1 = x128.reshape(-1)

    sums = _gather_sums(x1, table)

    s = bn_gamma * lax.rsqrt(bn_var + 1e-3)
    Wp = W * (s[None, :] / _L)
    bp = ((b - bn_mean) * s + bn_beta).reshape(1, _D)

    return pl.pallas_call(
        _tc_body,
        grid=(_B // _TB,),
        in_specs=[
            pl.BlockSpec((_TB, 128), lambda i: (i, 0)),
            pl.BlockSpec((_D, _D), lambda i: (0, 0)),
            pl.BlockSpec((1, _D), lambda i: (0, 0)),
            pl.BlockSpec((1, _D), lambda i: (0, 0)),
            pl.BlockSpec((1, _D), lambda i: (0, 0)),
        ],
        out_specs=pl.BlockSpec((_TB, _D), lambda i: (i, 0)),
        out_shape=jax.ShapeDtypeStruct((_B, _D), jnp.float32),
    )(sums, Wp, bp, ln_gamma.reshape(1, _D), ln_beta.reshape(1, _D))

# --- scband reference (transcript-rebuilt; emitter-appended) ---
"""Pipeline reference for scband-triplet-model-30648886624712 (READ-ONLY COPY).

The authoritative reference and input builder live on the scoring server;
editing this copy changes nothing except your own understanding.
"""

import jax, jax.numpy as jnp
import numpy as np

V = 1000000  # embedding_dim (vocab size in Keras Embedding arg order)
D = 64       # num_features (embedding output dim and Dense units)
B = 16384
L = 50


def setup_inputs(seed: int = 0) -> dict:
    key = jax.random.key(seed)
    ks = jax.random.split(key, 4)
    x = jax.random.randint(ks[0], (B, L), 0, V)
    table = jax.random.normal(ks[1], (V, D), dtype=jnp.float32) * 0.05
    W = jax.random.normal(ks[2], (D, D), dtype=jnp.float32) * 0.05
    b = jnp.zeros((D,), dtype=jnp.float32)
    bn_gamma = jnp.ones((D,), dtype=jnp.float32)
    bn_beta = jnp.zeros((D,), dtype=jnp.float32)
    bn_mean = jnp.zeros((D,), dtype=jnp.float32)
    bn_var = jnp.ones((D,), dtype=jnp.float32)
    ln_gamma = jnp.ones((D,), dtype=jnp.float32)
    ln_beta = jnp.zeros((D,), dtype=jnp.float32)
    return {"x": x, "table": table, "W": W, "b": b,
            "bn_gamma": bn_gamma, "bn_beta": bn_beta,
            "bn_mean": bn_mean, "bn_var": bn_var,
            "ln_gamma": ln_gamma, "ln_beta": ln_beta}


def reference(x, table, W, b, bn_gamma, bn_beta, bn_mean, bn_var, ln_gamma, ln_beta):
    # Embedding lookup: [B, L] -> [B, L, D]
    emb = jnp.take(table, x, axis=0)
    # GlobalAveragePooling1D over sequence axis -> [B, D]
    h = jnp.mean(emb, axis=1)
    # Flatten is a no-op on [B, D]
    # Dense(num_features)
    y = h @ W + b
    # BatchNormalization (inference mode, Keras default eps=1e-3)
    y = (y - bn_mean) / jnp.sqrt(bn_var + 1e-3) * bn_gamma + bn_beta
    # LayerNormalization (Keras default eps=1e-3, last axis)
    mu = jnp.mean(y, axis=-1, keepdims=True)
    var = jnp.mean(jnp.square(y - mu), axis=-1, keepdims=True)
    y = (y - mu) / jnp.sqrt(var + 1e-3) * ln_gamma + ln_beta
    return y

if __name__ == "__main__":
    import jax
    _d = setup_inputs()
    print(jax.jit(kernel)(*tuple(_d.values())))

</pallas_src>

<mosaic_0001>
#map = affine_map<(d0, d1) -> (0)>
#map1 = affine_map<(d0, d1) -> (0, 0)>
module attributes {stable_mosaic.version = 14 : i64} {
  func.func @_gather_sums(%arg0: i32, %arg1: i32, %arg2: memref<2097152xi32, #tpu.memory_space<hbm>>, %arg3: memref<1000000x64xf32, #tpu.memory_space<hbm>>, %arg4: memref<16384x128xf32, #tpu.memory_space<hbm>>, %arg5: memref<65536xi32, #tpu.memory_space<vmem>>, %arg6: memref<400x64xf32, #tpu.memory_space<vmem>>, %arg7: memref<400x64xf32, #tpu.memory_space<vmem>>, %arg8: memref<8x128xf32, #tpu.memory_space<vmem>>, %arg9: memref<8x128xf32, #tpu.memory_space<vmem>>, %arg10: memref<!tpu.dma_semaphore, #tpu.memory_space<semaphore_mem>>, %arg11: memref<!tpu.dma_semaphore, #tpu.memory_space<semaphore_mem>>, %arg12: memref<!tpu.dma_semaphore, #tpu.memory_space<semaphore_mem>>, %arg13: memref<!tpu.dma_semaphore, #tpu.memory_space<semaphore_mem>>) attributes {dimension_semantics = [#tpu.dimension_semantics<core_parallel>, #tpu.dimension_semantics<subcore_parallel>], iteration_bounds = array<i64: 2, 16>, scalar_prefetch = 0 : i64, scratch_operands = 9 : i64, tpu.core_type = #tpu.core_type<sc_vector_subcore>, window_params = [{transform_indices = #map}, {transform_indices = #map1}, {transform_indices = #map1}]} {
    %mul3A = arith.constant 2 : i32
    %mul3A_0 = arith.muli %arg1, %mul3A : i32
    %add3A = arith.addi %mul3A_0, %arg0 : i32
    %mul3A_1 = arith.constant 65536 : i32
    %mul3A_2 = arith.muli %add3A, %mul3A_1 : i32
    %multiple_of3A = tpu.assume_multiple %mul3A_2, 8 : i32
    "tpu.region"() ({
      %run_scoped3A = tpu.sem_alloc : memref<!tpu.dma_semaphore, #tpu.memory_space<semaphore_mem>>
      %dma_start3A_90 = tpu.memref_slice %arg2[%multiple_of3A] : memref<2097152xi32, #tpu.memory_space<hbm>> -> memref<65536xi32, #tpu.memory_space<hbm>>
      %dma_start3A_91 = tpu.memref_slice %arg2[%multiple_of3A] : memref<2097152xi32, #tpu.memory_space<hbm>> -> memref<65536xi32, #tpu.memory_space<hbm>>
      tpu.enqueue_dma source(%dma_start3A_91 : memref<65536xi32, #tpu.memory_space<hbm>>) target(%arg5 : memref<65536xi32, #tpu.memory_space<vmem>>) target_semaphore(%run_scoped3A : memref<!tpu.dma_semaphore, #tpu.memory_space<semaphore_mem>>)
      %dma_wait3A_92 = tpu.memref_slice %arg2[%multiple_of3A] : memref<2097152xi32, #tpu.memory_space<hbm>> -> memref<65536xi32, #tpu.memory_space<hbm>>
      %dma_wait3A_93 = tpu.memref_slice %arg2[%multiple_of3A] : memref<2097152xi32, #tpu.memory_space<hbm>> -> memref<65536xi32, #tpu.memory_space<hbm>>
      tpu.wait_dma2 semaphore(%run_scoped3A : memref<!tpu.dma_semaphore, #tpu.memory_space<semaphore_mem>>) src(%dma_wait3A_93 : memref<65536xi32, #tpu.memory_space<hbm>>) dst(%arg5 : memref<65536xi32, #tpu.memory_space<vmem>>)
      tpu.yield
    }) : () -> ()
    %multiple_of3A_3 = arith.constant 0 : i32
    %multiple_of3A_4 = tpu.assume_multiple %multiple_of3A_3, 8 : i32
    %dma_start3A = arith.constant 0 : i32
    %dma_start3A_5 = arith.constant 0 : i32
    %dma_start3A_6 = tpu.memref_slice %arg6[%dma_start3A, %dma_start3A_5] : memref<400x64xf32, #tpu.memory_space<vmem>> -> memref<50x64xf32, #tpu.memory_space<vmem>>
    %dma_start3A_7 = tpu.memref_slice %arg5[%multiple_of3A_4] : memref<65536xi32, #tpu.memory_space<vmem>> -> memref<50xi32, #tpu.memory_space<vmem>>
    %dma_start3A_8 = arith.constant 0 : i32
    %dma_start3A_9 = arith.constant 0 : i32
    %dma_start3A_10 = tpu.memref_slice %arg3[%dma_start3A_8, %dma_start3A_9] : memref<1000000x64xf32, #tpu.memory_space<hbm>> -> memref<1000000x64xf32, #tpu.memory_space<hbm>>
    tpu.enqueue_indirect_dma source(%dma_start3A_10 : memref<1000000x64xf32, #tpu.memory_space<hbm>>) target(%dma_start3A_6 : memref<50x64xf32, #tpu.memory_space<vmem>>) offsets(%dma_start3A_7 : memref<50xi32, #tpu.memory_space<vmem>>) semaphore(%arg10 : memref<!tpu.dma_semaphore, #tpu.memory_space<semaphore_mem>>)
    %multiple_of3A_11 = arith.constant 128 : i32
    %multiple_of3A_12 = tpu.assume_multiple %multiple_of3A_11, 8 : i32
    %dma_start3A_13 = arith.constant 50 : i32
    %dma_start3A_14 = arith.constant 0 : i32
    %dma_start3A_15 = tpu.memref_slice %arg6[%dma_start3A_13, %dma_start3A_14] : memref<400x64xf32, #tpu.memory_space<vmem>> -> memref<50x64xf32, #tpu.memory_space<vmem>>
    %dma_start3A_16 = tpu.memref_slice %arg5[%multiple_of3A_12] : memref<65536xi32, #tpu.memory_space<vmem>> -> memref<50xi32, #tpu.memory_space<vmem>>
    %dma_start3A_17 = arith.constant 0 : i32
    %dma_start3A_18 = arith.constant 0 : i32
    %dma_start3A_19 = tpu.memref_slice %arg3[%dma_start3A_17, %dma_start3A_18] : memref<1000000x64xf32, #tpu.memory_space<hbm>> -> memref<1000000x64xf32, #tpu.memory_space<hbm>>
    tpu.enqueue_indirect_dma source(%dma_start3A_19 : memref<1000000x64xf32, #tpu.memory_space<hbm>>) target(%dma_start3A_15 : memref<50x64xf32, #tpu.memory_space<vmem>>) offsets(%dma_start3A_16 : memref<50xi32, #tpu.memory_space<vmem>>) semaphore(%arg10 : memref<!tpu.dma_semaphore, #tpu.memory_space<semaphore_mem>>)
    %multiple_of3A_20 = arith.constant 256 : i32
    %multiple_of3A_21 = tpu.assume_multiple %multiple_of3A_20, 8 : i32
    %dma_start3A_22 = arith.constant 100 : i32
    %dma_start3A_23 = arith.constant 0 : i32
    %dma_start3A_24 = tpu.memref_slice %arg6[%dma_start3A_22, %dma_start3A_23] : memref<400x64xf32, #tpu.memory_space<vmem>> -> memref<50x64xf32, #tpu.memory_space<vmem>>
    %dma_start3A_25 = tpu.memref_slice %arg5[%multiple_of3A_21] : memref<65536xi32, #tpu.memory_space<vmem>> -> memref<50xi32, #tpu.memory_space<vmem>>
    %dma_start3A_26 = arith.constant 0 : i32
    %dma_start3A_27 = arith.constant 0 : i32
    %dma_start3A_28 = tpu.memref_slice %arg3[%dma_start3A_26, %dma_start3A_27] : memref<1000000x64xf32, #tpu.memory_space<hbm>> -> memref<1000000x64xf32, #tpu.memory_space<hbm>>
    tpu.enqueue_indirect_dma source(%dma_start3A_28 : memref<1000000x64xf32, #tpu.memory_space<hbm>>) target(%dma_start3A_24 : memref<50x64xf32, #tpu.memory_space<vmem>>) offsets(%dma_start3A_25 : memref<50xi32, #tpu.memory_space<vmem>>) semaphore(%arg10 : memref<!tpu.dma_semaphore, #tpu.memory_space<semaphore_mem>>)
    %multiple_of3A_29 = arith.constant 384 : i32
    %multiple_of3A_30 = tpu.assume_multiple %multiple_of3A_29, 8 : i32
    %dma_start3A_31 = arith.constant 150 : i32
    %dma_start3A_32 = arith.constant 0 : i32
    %dma_start3A_33 = tpu.memref_slice %arg6[%dma_start3A_31, %dma_start3A_32] : memref<400x64xf32, #tpu.memory_space<vmem>> -> memref<50x64xf32, #tpu.memory_space<vmem>>
    %dma_start3A_34 = tpu.memref_slice %arg5[%multiple_of3A_30] : memref<65536xi32, #tpu.memory_space<vmem>> -> memref<50xi32, #tpu.memory_space<vmem>>
    %dma_start3A_35 = arith.constant 0 : i32
    %dma_start3A_36 = arith.constant 0 : i32
    %dma_start3A_37 = tpu.memref_slice %arg3[%dma_start3A_35, %dma_start3A_36] : memref<1000000x64xf32, #tpu.memory_space<hbm>> -> memref<1000000x64xf32, #tpu.memory_space<hbm>>
    tpu.enqueue_indirect_dma source(%dma_start3A_37 : memref<1000000x64xf32, #tpu.memory_space<hbm>>) target(%dma_start3A_33 : memref<50x64xf32, #tpu.memory_space<vmem>>) offsets(%dma_start3A_34 : memref<50xi32, #tpu.memory_space<vmem>>) semaphore(%arg10 : memref<!tpu.dma_semaphore, #tpu.memory_space<semaphore_mem>>)
    %multiple_of3A_38 = arith.constant 512 : i32
    %multiple_of3A_39 = tpu.assume_multiple %multiple_of3A_38, 8 : i32
    %dma_start3A_40 = arith.constant 200 : i32
    %dma_start3A_41 = arith.constant 0 : i32
    %dma_start3A_42 = tpu.memref_slice %arg6[%dma_start3A_40, %dma_start3A_41] : memref<400x64xf32, #tpu.memory_space<vmem>> -> memref<50x64xf32, #tpu.memory_space<vmem>>
    %dma_start3A_43 = tpu.memref_slice %arg5[%multiple_of3A_39] : memref<65536xi32, #tpu.memory_space<vmem>> -> memref<50xi32, #tpu.memory_space<vmem>>
    %dma_start3A_44 = arith.constant 0 : i32
    %dma_start3A_45 = arith.constant 0 : i32
    %dma_start3A_46 = tpu.memref_slice %arg3[%dma_start3A_44, %dma_start3A_45] : memref<1000000x64xf32, #tpu.memory_space<hbm>> -> memref<1000000x64xf32, #tpu.memory_space<hbm>>
    tpu.enqueue_indirect_dma source(%dma_start3A_46 : memref<1000000x64xf32, #tpu.memory_space<hbm>>) target(%dma_start3A_42 : memref<50x64xf32, #tpu.memory_space<vmem>>) offsets(%dma_start3A_43 : memref<50xi32, #tpu.memory_space<vmem>>) semaphore(%arg10 : memref<!tpu.dma_semaphore, #tpu.memory_space<semaphore_mem>>)
    %multiple_of3A_47 = arith.constant 640 : i32
    %multiple_of3A_48 = tpu.assume_multiple %multiple_of3A_47, 8 : i32
    %dma_start3A_49 = arith.constant 250 : i32
    %dma_start3A_50 = arith.constant 0 : i32
    %dma_start3A_51 = tpu.memref_slice %arg6[%dma_start3A_49, %dma_start3A_50] : memref<400x64xf32, #tpu.memory_space<vmem>> -> memref<50x64xf32, #tpu.memory_space<vmem>>
    %dma_start3A_52 = tpu.memref_slice %arg5[%multiple_of3A_48] : memref<65536xi32, #tpu.memory_space<vmem>> -> memref<50xi32, #tpu.memory_space<vmem>>
    %dma_start3A_53 = arith.constant 0 : i32
    %dma_start3A_54 = arith.constant 0 : i32
    %dma_start3A_55 = tpu.memref_slice %arg3[%dma_start3A_53, %dma_start3A_54] : memref<1000000x64xf32, #tpu.memory_space<hbm>> -> memref<1000000x64xf32, #tpu.memory_space<hbm>>
    tpu.enqueue_indirect_dma source(%dma_start3A_55 : memref<1000000x64xf32, #tpu.memory_space<hbm>>) target(%dma_start3A_51 : memref<50x64xf32, #tpu.memory_space<vmem>>) offsets(%dma_start3A_52 : memref<50xi32, #tpu.memory_space<vmem>>) semaphore(%arg10 : memref<!tpu.dma_semaphore, #tpu.memory_space<semaphore_mem>>)
    %multiple_of3A_56 = arith.constant 768 : i32
    %multiple_of3A_57 = tpu.assume_multiple %multiple_of3A_56, 8 : i32
    %dma_start3A_58 = arith.constant 300 : i32
    %dma_start3A_59 = arith.constant 0 : i32
    %dma_start3A_60 = tpu.memref_slice %arg6[%dma_start3A_58, %dma_start3A_59] : memref<400x64xf32, #tpu.memory_space<vmem>> -> memref<50x64xf32, #tpu.memory_space<vmem>>
    %dma_start3A_61 = tpu.memref_slice %arg5[%multiple_of3A_57] : memref<65536xi32, #tpu.memory_space<vmem>> -> memref<50xi32, #tpu.memory_space<vmem>>
    %dma_start3A_62 = arith.constant 0 : i32
    %dma_start3A_63 = arith.constant 0 : i32
    %dma_start3A_64 = tpu.memref_slice %arg3[%dma_start3A_62, %dma_start3A_63] : memref<1000000x64xf32, #tpu.memory_space<hbm>> -> memref<1000000x64xf32, #tpu.memory_space<hbm>>
    tpu.enqueue_indirect_dma source(%dma_start3A_64 : memref<1000000x64xf32, #tpu.memory_space<hbm>>) target(%dma_start3A_60 : memref<50x64xf32, #tpu.memory_space<vmem>>) offsets(%dma_start3A_61 : memref<50xi32, #tpu.memory_space<vmem>>) semaphore(%arg10 : memref<!tpu.dma_semaphore, #tpu.memory_space<semaphore_mem>>)
    %multiple_of3A_65 = arith.constant 896 : i32
    %multiple_of3A_66 = tpu.assume_multiple %multiple_of3A_65, 8 : i32
    %dma_start3A_67 = arith.constant 350 : i32
    %dma_start3A_68 = arith.constant 0 : i32
    %dma_start3A_69 = tpu.memref_slice %arg6[%dma_start3A_67, %dma_start3A_68] : memref<400x64xf32, #tpu.memory_space<vmem>> -> memref<50x64xf32, #tpu.memory_space<vmem>>
    %dma_start3A_70 = tpu.memref_slice %arg5[%multiple_of3A_66] : memref<65536xi32, #tpu.memory_space<vmem>> -> memref<50xi32, #tpu.memory_space<vmem>>
    %dma_start3A_71 = arith.constant 0 : i32
    %dma_start3A_72 = arith.constant 0 : i32
    %dma_start3A_73 = tpu.memref_slice %arg3[%dma_start3A_71, %dma_start3A_72] : memref<1000000x64xf32, #tpu.memory_space<hbm>> -> memref<1000000x64xf32, #tpu.memory_space<hbm>>
    tpu.enqueue_indirect_dma source(%dma_start3A_73 : memref<1000000x64xf32, #tpu.memory_space<hbm>>) target(%dma_start3A_69 : memref<50x64xf32, #tpu.memory_space<vmem>>) offsets(%dma_start3A_70 : memref<50xi32, #tpu.memory_space<vmem>>) semaphore(%arg10 : memref<!tpu.dma_semaphore, #tpu.memory_space<semaphore_mem>>)
    %scan3A = arith.constant 0 : i32
    %scan3A_74 = arith.constant 0 : i32
    %scan3A_75 = arith.constant 32 : i32
    %scan3A_76 = arith.addi %scan3A_74, %scan3A_75 : i32
    %scan3A_77 = arith.constant 1 : i32
    scf.for %scan3A_90 = %scan3A_74 to %scan3A_76 step %scan3A_77  : i32 {
      %mul3A_91 = arith.constant 2 : i32
      %mul3A_92 = arith.muli %mul3A_91, %scan3A_90 : i32
      %add3A_93 = arith.constant 1 : i32
      %add3A_94 = arith.addi %mul3A_92, %add3A_93 : i32
      %mul3A_95 = arith.constant 8 : i32
      %mul3A_96 = arith.muli %add3A_94, %mul3A_95 : i32
      %add3A_97 = arith.constant 0 : i32
      %add3A_98 = arith.addi %mul3A_96, %add3A_97 : i32
      %mul3A_99 = arith.constant 128 : i32
      %mul3A_100 = arith.muli %add3A_98, %mul3A_99 : i32
      %multiple_of3A_101 = tpu.assume_multiple %mul3A_100, 8 : i32
      %dma_start3A_102 = arith.constant 0 : i32
      %dma_start3A_103 = arith.constant 0 : i32
      %dma_start3A_104 = tpu.memref_slice %arg7[%dma_start3A_102, %dma_start3A_103] : memref<400x64xf32, #tpu.memory_space<vmem>> -> memref<50x64xf32, #tpu.memory_space<vmem>>
      %dma_start3A_105 = tpu.memref_slice %arg5[%multiple_of3A_101] : memref<65536xi32, #tpu.memory_space<vmem>> -> memref<50xi32, #tpu.memory_space<vmem>>
      %dma_start3A_106 = arith.constant 0 : i32
      %dma_start3A_107 = arith.constant 0 : i32
      %dma_start3A_108 = tpu.memref_slice %arg3[%dma_start3A_106, %dma_start3A_107] : memref<1000000x64xf32, #tpu.memory_space<hbm>> -> memref<1000000x64xf32, #tpu.memory_space<hbm>>
      tpu.enqueue_indirect_dma source(%dma_start3A_108 : memref<1000000x64xf32, #tpu.memory_space<hbm>>) target(%dma_start3A_104 : memref<50x64xf32, #tpu.memory_space<vmem>>) offsets(%dma_start3A_105 : memref<50xi32, #tpu.memory_space<vmem>>) semaphore(%arg11 : memref<!tpu.dma_semaphore, #tpu.memory_space<semaphore_mem>>)
      %mul3A_109 = arith.constant 8 : i32
      %mul3A_110 = arith.muli %add3A_94, %mul3A_109 : i32
      %add3A_111 = arith.constant 1 : i32
      %add3A_112 = arith.addi %mul3A_110, %add3A_111 : i32
      %mul3A_113 = arith.constant 128 : i32
      %mul3A_114 = arith.muli %add3A_112, %mul3A_113 : i32
      %multiple_of3A_115 = tpu.assume_multiple %mul3A_114, 8 : i32
      %dma_start3A_116 = arith.constant 50 : i32
      %dma_start3A_117 = arith.constant 0 : i32
      %dma_start3A_118 = tpu.memref_slice %arg7[%dma_start3A_116, %dma_start3A_117] : memref<400x64xf32, #tpu.memory_space<vmem>> -> memref<50x64xf32, #tpu.memory_space<vmem>>
      %dma_start3A_119 = tpu.memref_slice %arg5[%multiple_of3A_115] : memref<65536xi32, #tpu.memory_space<vmem>> -> memref<50xi32, #tpu.memory_space<vmem>>
      %dma_start3A_120 = arith.constant 0 : i32
      %dma_start3A_121 = arith.constant 0 : i32
      %dma_start3A_122 = tpu.memref_slice %arg3[%dma_start3A_120, %dma_start3A_121] : memref<1000000x64xf32, #tpu.memory_space<hbm>> -> memref<1000000x64xf32, #tpu.memory_space<hbm>>
      tpu.enqueue_indirect_dma source(%dma_start3A_122 : memref<1000000x64xf32, #tpu.memory_space<hbm>>) target(%dma_start3A_118 : memref<50x64xf32, #tpu.memory_space<vmem>>) offsets(%dma_start3A_119 : memref<50xi32, #tpu.memory_space<vmem>>) semaphore(%arg11 : memref<!tpu.dma_semaphore, #tpu.memory_space<semaphore_mem>>)
      %mul3A_123 = arith.constant 8 : i32
      %mul3A_124 = arith.muli %add3A_94, %mul3A_123 : i32
      %add3A_125 = arith.constant 2 : i32
      %add3A_126 = arith.addi %mul3A_124, %add3A_125 : i32
      %mul3A_127 = arith.constant 128 : i32
      %mul3A_128 = arith.muli %add3A_126, %mul3A_127 : i32
      %multiple_of3A_129 = tpu.assume_multiple %mul3A_128, 8 : i32
      %dma_start3A_130 = arith.constant 100 : i32
      %dma_start3A_131 = arith.constant 0 : i32
      %dma_start3A_132 = tpu.memref_slice %arg7[%dma_start3A_130, %dma_start3A_131] : memref<400x64xf32, #tpu.memory_space<vmem>> -> memref<50x64xf32, #tpu.memory_space<vmem>>
      %dma_start3A_133 = tpu.memref_slice %arg5[%multiple_of3A_129] : memref<65536xi32, #tpu.memory_space<vmem>> -> memref<50xi32, #tpu.memory_space<vmem>>
      %dma_start3A_134 = arith.constant 0 : i32
      %dma_start3A_135 = arith.constant 0 : i32
      %dma_start3A_136 = tpu.memref_slice %arg3[%dma_start3A_134, %dma_start3A_135] : memref<1000000x64xf32, #tpu.memory_space<hbm>> -> memref<1000000x64xf32, #tpu.memory_space<hbm>>
      tpu.enqueue_indirect_dma source(%dma_start3A_136 : memref<1000000x64xf32, #tpu.memory_space<hbm>>) target(%dma_start3A_132 : memref<50x64xf32, #tpu.memory_space<vmem>>) offsets(%dma_start3A_133 : memref<50xi32, #tpu.memory_space<vmem>>) semaphore(%arg11 : memref<!tpu.dma_semaphore, #tpu.memory_space<semaphore_mem>>)
      %mul3A_137 = arith.constant 8 : i32
      %mul3A_138 = arith.muli %add3A_94, %mul3A_137 : i32
      %add3A_139 = arith.constant 3 : i32
      %add3A_140 = arith.addi %mul3A_138, %add3A_139 : i32
      %mul3A_141 = arith.constant 128 : i32
      %mul3A_142 = arith.muli %add3A_140, %mul3A_141 : i32
      %multiple_of3A_143 = tpu.assume_multiple %mul3A_142, 8 : i32
      %dma_start3A_144 = arith.constant 150 : i32
      %dma_start3A_145 = arith.constant 0 : i32
      %dma_start3A_146 = tpu.memref_slice %arg7[%dma_start3A_144, %dma_start3A_145] : memref<400x64xf32, #tpu.memory_space<vmem>> -> memref<50x64xf32, #tpu.memory_space<vmem>>
      %dma_start3A_147 = tpu.memref_slice %arg5[%multiple_of3A_143] : memref<65536xi32, #tpu.memory_space<vmem>> -> memref<50xi32, #tpu.memory_space<vmem>>
      %dma_start3A_148 = arith.constant 0 : i32
      %dma_start3A_149 = arith.constant 0 : i32
      %dma_start3A_150 = tpu.memref_slice %arg3[%dma_start3A_148, %dma_start3A_149] : memref<1000000x64xf32, #tpu.memory_space<hbm>> -> memref<1000000x64xf32, #tpu.memory_space<hbm>>
      tpu.enqueue_indirect_dma source(%dma_start3A_150 : memref<1000000x64xf32, #tpu.memory_space<hbm>>) target(%dma_start3A_146 : memref<50x64xf32, #tpu.memory_space<vmem>>) offsets(%dma_start3A_147 : memref<50xi32, #tpu.memory_space<vmem>>) semaphore(%arg11 : memref<!tpu.dma_semaphore, #tpu.memory_space<semaphore_mem>>)
      %mul3A_151 = arith.constant 8 : i32
      %mul3A_152 = arith.muli %add3A_94, %mul3A_151 : i32
      %add3A_153 = arith.constant 4 : i32
      %add3A_154 = arith.addi %mul3A_152, %add3A_153 : i32
      %mul3A_155 = arith.constant 128 : i32
      %mul3A_156 = arith.muli %add3A_154, %mul3A_155 : i32
      %multiple_of3A_157 = tpu.assume_multiple %mul3A_156, 8 : i32
      %dma_start3A_158 = arith.constant 200 : i32
      %dma_start3A_159 = arith.constant 0 : i32
      %dma_start3A_160 = tpu.memref_slice %arg7[%dma_start3A_158, %dma_start3A_159] : memref<400x64xf32, #tpu.memory_space<vmem>> -> memref<50x64xf32, #tpu.memory_space<vmem>>
      %dma_start3A_161 = tpu.memref_slice %arg5[%multiple_of3A_157] : memref<65536xi32, #tpu.memory_space<vmem>> -> memref<50xi32, #tpu.memory_space<vmem>>
      %dma_start3A_162 = arith.constant 0 : i32
      %dma_start3A_163 = arith.constant 0 : i32
      %dma_start3A_164 = tpu.memref_slice %arg3[%dma_start3A_162, %dma_start3A_163] : memref<1000000x64xf32, #tpu.memory_space<hbm>> -> memref<1000000x64xf32, #tpu.memory_space<hbm>>
      tpu.enqueue_indirect_dma source(%dma_start3A_164 : memref<1000000x64xf32, #tpu.memory_space<hbm>>) target(%dma_start3A_160 : memref<50x64xf32, #tpu.memory_space<vmem>>) offsets(%dma_start3A_161 : memref<50xi32, #tpu.memory_space<vmem>>) semaphore(%arg11 : memref<!tpu.dma_semaphore, #tpu.memory_space<semaphore_mem>>)
      %mul3A_165 = arith.constant 8 : i32
      %mul3A_166 = arith.muli %add3A_94, %mul3A_165 : i32
      %add3A_167 = arith.constant 5 : i32
      %add3A_168 = arith.addi %mul3A_166, %add3A_167 : i32
      %mul3A_169 = arith.constant 128 : i32
      %mul3A_170 = arith.muli %add3A_168, %mul3A_169 : i32
      %multiple_of3A_171 = tpu.assume_multiple %mul3A_170, 8 : i32
      %dma_start3A_172 = arith.constant 250 : i32
      %dma_start3A_173 = arith.constant 0 : i32
      %dma_start3A_174 = tpu.memref_slice %arg7[%dma_start3A_172, %dma_start3A_173] : memref<400x64xf32, #tpu.memory_space<vmem>> -> memref<50x64xf32, #tpu.memory_space<vmem>>
      %dma_start3A_175 = tpu.memref_slice %arg5[%multiple_of3A_171] : memref<65536xi32, #tpu.memory_space<vmem>> -> memref<50xi32, #tpu.memory_space<vmem>>
      %dma_start3A_176 = arith.constant 0 : i32
      %dma_start3A_177 = arith.constant 0 : i32
      %dma_start3A_178 = tpu.memref_slice %arg3[%dma_start3A_176, %dma_start3A_177] : memref<1000000x64xf32, #tpu.memory_space<hbm>> -> memref<1000000x64xf32, #tpu.memory_space<hbm>>
      tpu.enqueue_indirect_dma source(%dma_start3A_178 : memref<1000000x64xf32, #tpu.memory_space<hbm>>) target(%dma_start3A_174 : memref<50x64xf32, #tpu.memory_space<vmem>>) offsets(%dma_start3A_175 : memref<50xi32, #tpu.memory_space<vmem>>) semaphore(%arg11 : memref<!tpu.dma_semaphore, #tpu.memory_space<semaphore_mem>>)
      %mul3A_179 = arith.constant 8 : i32
      %mul3A_180 = arith.muli %add3A_94, %mul3A_179 : i32
      %add3A_181 = arith.constant 6 : i32
      %add3A_182 = arith.addi %mul3A_180, %add3A_181 : i32
      %mul3A_183 = arith.constant 128 : i32
      %mul3A_184 = arith.muli %add3A_182, %mul3A_183 : i32
      %multiple_of3A_185 = tpu.assume_multiple %mul3A_184, 8 : i32
      %dma_start3A_186 = arith.constant 300 : i32
      %dma_start3A_187 = arith.constant 0 : i32
      %dma_start3A_188 = tpu.memref_slice %arg7[%dma_start3A_186, %dma_start3A_187] : memref<400x64xf32, #tpu.memory_space<vmem>> -> memref<50x64xf32, #tpu.memory_space<vmem>>
      %dma_start3A_189 = tpu.memref_slice %arg5[%multiple_of3A_185] : memref<65536xi32, #tpu.memory_space<vmem>> -> memref<50xi32, #tpu.memory_space<vmem>>
      %dma_start3A_190 = arith.constant 0 : i32
      %dma_start3A_191 = arith.constant 0 : i32
      %dma_start3A_192 = tpu.memref_slice %arg3[%dma_start3A_190, %dma_start3A_191] : memref<1000000x64xf32, #tpu.memory_space<hbm>> -> memref<1000000x64xf32, #tpu.memory_space<hbm>>
      tpu.enqueue_indirect_dma source(%dma_start3A_192 : memref<1000000x64xf32, #tpu.memory_space<hbm>>) target(%dma_start3A_188 : memref<50x64xf32, #tpu.memory_space<vmem>>) offsets(%dma_start3A_189 : memref<50xi32, #tpu.memory_space<vmem>>) semaphore(%arg11 : memref<!tpu.dma_semaphore, #tpu.memory_space<semaphore_mem>>)
      %mul3A_193 = arith.constant 8 : i32
      %mul3A_194 = arith.muli %add3A_94, %mul3A_193 : i32
      %add3A_195 = arith.constant 7 : i32
      %add3A_196 = arith.addi %mul3A_194, %add3A_195 : i32
      %mul3A_197 = arith.constant 128 : i32
      %mul3A_198 = arith.muli %add3A_196, %mul3A_197 : i32
      %multiple_of3A_199 = tpu.assume_multiple %mul3A_198, 8 : i32
      %dma_start3A_200 = arith.constant 350 : i32
      %dma_start3A_201 = arith.constant 0 : i32
      %dma_start3A_202 = tpu.memref_slice %arg7[%dma_start3A_200, %dma_start3A_201] : memref<400x64xf32, #tpu.memory_space<vmem>> -> memref<50x64xf32, #tpu.memory_space<vmem>>
      %dma_start3A_203 = tpu.memref_slice %arg5[%multiple_of3A_199] : memref<65536xi32, #tpu.memory_space<vmem>> -> memref<50xi32, #tpu.memory_space<vmem>>
      %dma_start3A_204 = arith.constant 0 : i32
      %dma_start3A_205 = arith.constant 0 : i32
      %dma_start3A_206 = tpu.memref_slice %arg3[%dma_start3A_204, %dma_start3A_205] : memref<1000000x64xf32, #tpu.memory_space<hbm>> -> memref<1000000x64xf32, #tpu.memory_space<hbm>>
      tpu.enqueue_indirect_dma source(%dma_start3A_206 : memref<1000000x64xf32, #tpu.memory_space<hbm>>) target(%dma_start3A_202 : memref<50x64xf32, #tpu.memory_space<vmem>>) offsets(%dma_start3A_203 : memref<50xi32, #tpu.memory_space<vmem>>) semaphore(%arg11 : memref<!tpu.dma_semaphore, #tpu.memory_space<semaphore_mem>>)
      %dma_wait3A_207 = arith.constant 0 : i32
      %dma_wait3A_208 = arith.constant 0 : i32
      %dma_wait3A_209 = tpu.memref_slice %arg6[%dma_wait3A_207, %dma_wait3A_208] : memref<400x64xf32, #tpu.memory_space<vmem>> -> memref<50x64xf32, #tpu.memory_space<vmem>>
      %dma_wait3A_210 = arith.constant 0 : i32
      %dma_wait3A_211 = tpu.memref_slice %arg5[%dma_wait3A_210] : memref<65536xi32, #tpu.memory_space<vmem>> -> memref<50xi32, #tpu.memory_space<vmem>>
      %dma_wait3A_212 = arith.constant 0 : i32
      %dma_wait3A_213 = arith.constant 0 : i32
      %dma_wait3A_214 = tpu.memref_slice %arg3[%dma_wait3A_212, %dma_wait3A_213] : memref<1000000x64xf32, #tpu.memory_space<hbm>> -> memref<1000000x64xf32, #tpu.memory_space<hbm>>
      tpu.wait_indirect_dma semaphore(%arg10 : memref<!tpu.dma_semaphore, #tpu.memory_space<semaphore_mem>>) src(%dma_wait3A_214 : memref<1000000x64xf32, #tpu.memory_space<hbm>>) dst(%dma_wait3A_209 : memref<50x64xf32, #tpu.memory_space<vmem>>)
      %dma_wait3A_215 = arith.constant 50 : i32
      %dma_wait3A_216 = arith.constant 0 : i32
      %dma_wait3A_217 = tpu.memref_slice %arg6[%dma_wait3A_215, %dma_wait3A_216] : memref<400x64xf32, #tpu.memory_space<vmem>> -> memref<50x64xf32, #tpu.memory_space<vmem>>
      %dma_wait3A_218 = arith.constant 0 : i32
      %dma_wait3A_219 = tpu.memref_slice %arg5[%dma_wait3A_218] : memref<65536xi32, #tpu.memory_space<vmem>> -> memref<50xi32, #tpu.memory_space<vmem>>
      %dma_wait3A_220 = arith.constant 0 : i32
      %dma_wait3A_221 = arith.constant 0 : i32
      %dma_wait3A_222 = tpu.memref_slice %arg3[%dma_wait3A_220, %dma_wait3A_221] : memref<1000000x64xf32, #tpu.memory_space<hbm>> -> memref<1000000x64xf32, #tpu.memory_space<hbm>>
      tpu.wait_indirect_dma semaphore(%arg10 : memref<!tpu.dma_semaphore, #tpu.memory_space<semaphore_mem>>) src(%dma_wait3A_222 : memref<1000000x64xf32, #tpu.memory_space<hbm>>) dst(%dma_wait3A_217 : memref<50x64xf32, #tpu.memory_space<vmem>>)
      %dma_wait3A_223 = arith.constant 100 : i32
      %dma_wait3A_224 = arith.constant 0 : i32
      %dma_wait3A_225 = tpu.memref_slice %arg6[%dma_wait3A_223, %dma_wait3A_224] : memref<400x64xf32, #tpu.memory_space<vmem>> -> memref<50x64xf32, #tpu.memory_space<vmem>>
      %dma_wait3A_226 = arith.constant 0 : i32
      %dma_wait3A_227 = tpu.memref_slice %arg5[%dma_wait3A_226] : memref<65536xi32, #tpu.memory_space<vmem>> -> memref<50xi32, #tpu.memory_space<vmem>>
      %dma_wait3A_228 = arith.constant 0 : i32
      %dma_wait3A_229 = arith.constant 0 : i32
      %dma_wait3A_230 = tpu.memref_slice %arg3[%dma_wait3A_228, %dma_wait3A_229] : memref<1000000x64xf32, #tpu.memory_space<hbm>> -> memref<1000000x64xf32, #tpu.memory_space<hbm>>
      tpu.wait_indirect_dma semaphore(%arg10 : memref<!tpu.dma_semaphore, #tpu.memory_space<semaphore_mem>>) src(%dma_wait3A_230 : memref<1000000x64xf32, #tpu.memory_space<hbm>>) dst(%dma_wait3A_225 : memref<50x64xf32, #tpu.memory_space<vmem>>)
      %dma_wait3A_231 = arith.constant 150 : i32
      %dma_wait3A_232 = arith.constant 0 : i32
      %dma_wait3A_233 = tpu.memref_slice %arg6[%dma_wait3A_231, %dma_wait3A_232] : memref<400x64xf32, #tpu.memory_space<vmem>> -> memref<50x64xf32, #tpu.memory_space<vmem>>
      %dma_wait3A_234 = arith.constant 0 : i32
      %dma_wait3A_235 = tpu.memref_slice %arg5[%dma_wait3A_234] : memref<65536xi32, #tpu.memory_space<vmem>> -> memref<50xi32, #tpu.memory_space<vmem>>
      %dma_wait3A_236 = arith.constant 0 : i32
      %dma_wait3A_237 = arith.constant 0 : i32
      %dma_wait3A_238 = tpu.memref_slice %arg3[%dma_wait3A_236, %dma_wait3A_237] : memref<1000000x64xf32, #tpu.memory_space<hbm>> -> memref<1000000x64xf32, #tpu.memory_space<hbm>>
      tpu.wait_indirect_dma semaphore(%arg10 : memref<!tpu.dma_semaphore, #tpu.memory_space<semaphore_mem>>) src(%dma_wait3A_238 : memref<1000000x64xf32, #tpu.memory_space<hbm>>) dst(%dma_wait3A_233 : memref<50x64xf32, #tpu.memory_space<vmem>>)
      %dma_wait3A_239 = arith.constant 200 : i32
      %dma_wait3A_240 = arith.constant 0 : i32
      %dma_wait3A_241 = tpu.memref_slice %arg6[%dma_wait3A_239, %dma_wait3A_240] : memref<400x64xf32, #tpu.memory_space<vmem>> -> memref<50x64xf32, #tpu.memory_space<vmem>>
      %dma_wait3A_242 = arith.constant 0 : i32
      %dma_wait3A_243 = tpu.memref_slice %arg5[%dma_wait3A_242] : memref<65536xi32, #tpu.memory_space<vmem>> -> memref<50xi32, #tpu.memory_space<vmem>>
      %dma_wait3A_244 = arith.constant 0 : i32
      %dma_wait3A_245 = arith.constant 0 : i32
      %dma_wait3A_246 = tpu.memref_slice %arg3[%dma_wait3A_244, %dma_wait3A_245] : memref<1000000x64xf32, #tpu.memory_space<hbm>> -> memref<1000000x64xf32, #tpu.memory_space<hbm>>
      tpu.wait_indirect_dma semaphore(%arg10 : memref<!tpu.dma_semaphore, #tpu.memory_space<semaphore_mem>>) src(%dma_wait3A_246 : memref<1000000x64xf32, #tpu.memory_space<hbm>>) dst(%dma_wait3A_241 : memref<50x64xf32, #tpu.memory_space<vmem>>)
      %dma_wait3A_247 = arith.constant 250 : i32
      %dma_wait3A_248 = arith.constant 0 : i32
      %dma_wait3A_249 = tpu.memref_slice %arg6[%dma_wait3A_247, %dma_wait3A_248] : memref<400x64xf32, #tpu.memory_space<vmem>> -> memref<50x64xf32, #tpu.memory_space<vmem>>
      %dma_wait3A_250 = arith.constant 0 : i32
      %dma_wait3A_251 = tpu.memref_slice %arg5[%dma_wait3A_250] : memref<65536xi32, #tpu.memory_space<vmem>> -> memref<50xi32, #tpu.memory_space<vmem>>
      %dma_wait3A_252 = arith.constant 0 : i32
      %dma_wait3A_253 = arith.constant 0 : i32
      %dma_wait3A_254 = tpu.memref_slice %arg3[%dma_wait3A_252, %dma_wait3A_253] : memref<1000000x64xf32, #tpu.memory_space<hbm>> -> memref<1000000x64xf32, #tpu.memory_space<hbm>>
      tpu.wait_indirect_dma semaphore(%arg10 : memref<!tpu.dma_semaphore, #tpu.memory_space<semaphore_mem>>) src(%dma_wait3A_254 : memref<1000000x64xf32, #tpu.memory_space<hbm>>) dst(%dma_wait3A_249 : memref<50x64xf32, #tpu.memory_space<vmem>>)
      %dma_wait3A_255 = arith.constant 300 : i32
      %dma_wait3A_256 = arith.constant 0 : i32
      %dma_wait3A_257 = tpu.memref_slice %arg6[%dma_wait3A_255, %dma_wait3A_256] : memref<400x64xf32, #tpu.memory_space<vmem>> -> memref<50x64xf32, #tpu.memory_space<vmem>>
      %dma_wait3A_258 = arith.constant 0 : i32
      %dma_wait3A_259 = tpu.memref_slice %arg5[%dma_wait3A_258] : memref<65536xi32, #tpu.memory_space<vmem>> -> memref<50xi32, #tpu.memory_space<vmem>>
      %dma_wait3A_260 = arith.constant 0 : i32
      %dma_wait3A_261 = arith.constant 0 : i32
      %dma_wait3A_262 = tpu.memref_slice %arg3[%dma_wait3A_260, %dma_wait3A_261] : memref<1000000x64xf32, #tpu.memory_space<hbm>> -> memref<1000000x64xf32, #tpu.memory_space<hbm>>
      tpu.wait_indirect_dma semaphore(%arg10 : memref<!tpu.dma_semaphore, #tpu.memory_space<semaphore_mem>>) src(%dma_wait3A_262 : memref<1000000x64xf32, #tpu.memory_space<hbm>>) dst(%dma_wait3A_257 : memref<50x64xf32, #tpu.memory_space<vmem>>)
      %dma_wait3A_263 = arith.constant 350 : i32
      %dma_wait3A_264 = arith.constant 0 : i32
      %dma_wait3A_265 = tpu.memref_slice %arg6[%dma_wait3A_263, %dma_wait3A_264] : memref<400x64xf32, #tpu.memory_space<vmem>> -> memref<50x64xf32, #tpu.memory_space<vmem>>
      %dma_wait3A_266 = arith.constant 0 : i32
      %dma_wait3A_267 = tpu.memref_slice %arg5[%dma_wait3A_266] : memref<65536xi32, #tpu.memory_space<vmem>> -> memref<50xi32, #tpu.memory_space<vmem>>
      %dma_wait3A_268 = arith.constant 0 : i32
      %dma_wait3A_269 = arith.constant 0 : i32
      %dma_wait3A_270 = tpu.memref_slice %arg3[%dma_wait3A_268, %dma_wait3A_269] : memref<1000000x64xf32, #tpu.memory_space<hbm>> -> memref<1000000x64xf32, #tpu.memory_space<hbm>>
      tpu.wait_indirect_dma semaphore(%arg10 : memref<!tpu.dma_semaphore, #tpu.memory_space<semaphore_mem>>) src(%dma_wait3A_270 : memref<1000000x64xf32, #tpu.memory_space<hbm>>) dst(%dma_wait3A_265 : memref<50x64xf32, #tpu.memory_space<vmem>>)
      %gt3A = arith.constant 0 : i32
      %gt3A_271 = arith.cmpi sgt, %scan3A_90, %gt3A : i32
      %convert_element_type3A = arith.extui %gt3A_271 : i1 to i32
      %cond3A = arith.constant 0 : i32
      %cond3A_272 = arith.cmpi ne, %convert_element_type3A, %cond3A : i32
      scf.if %cond3A_272 {
        %mul3A_1168 = arith.constant 512 : i32
        %mul3A_1169 = arith.muli %add3A, %mul3A_1168 : i32
        %dma_wait3A_1170 = arith.constant 0 : i32
        %dma_wait3A_1171 = tpu.memref_slice %arg4[%mul3A_1169, %dma_wait3A_1170] : memref<16384x128xf32, #tpu.memory_space<hbm>> -> memref<8x128xf32, #tpu.memory_space<hbm>>
        %dma_wait3A_1172 = arith.constant 0 : i32
        %dma_wait3A_1173 = tpu.memref_slice %arg4[%mul3A_1169, %dma_wait3A_1172] : memref<16384x128xf32, #tpu.memory_space<hbm>> -> memref<8x128xf32, #tpu.memory_space<hbm>>
        tpu.wait_dma2 semaphore(%arg12 : memref<!tpu.dma_semaphore, #tpu.memory_space<semaphore_mem>>) src(%arg8 : memref<8x128xf32, #tpu.memory_space<vmem>>) dst(%dma_wait3A_1173 : memref<8x128xf32, #tpu.memory_space<hbm>>)
      } else {
      }
      %get3A = arith.constant 0 : i32
      %get3A_273 = arith.index_cast %get3A : i32 to index
      %get3A_274 = arith.constant 0 : index
      %get3A_275 = tpu.vector_load %arg6[%get3A_273, %get3A_274] {strides = array<i32>} : memref<400x64xf32, #tpu.memory_space<vmem>>, vector<1x16xf32>,
      %get3A_276 = vector.shape_cast %get3A_275 : vector<1x16xf32> to vector<16xf32>
      %get3A_277 = arith.constant 0 : i32
      %get3A_278 = arith.index_cast %get3A_277 : i32 to index
      %get3A_279 = arith.constant 16 : index
      %get3A_280 = tpu.vector_load %arg6[%get3A_278, %get3A_279] {strides = array<i32>} : memref<400x64xf32, #tpu.memory_space<vmem>>, vector<1x16xf32>,
      %get3A_281 = vector.shape_cast %get3A_280 : vector<1x16xf32> to vector<16xf32>
      %get3A_282 = arith.constant 0 : i32
      %get3A_283 = arith.index_cast %get3A_282 : i32 to index
      %get3A_284 = arith.constant 32 : index
      %get3A_285 = tpu.vector_load %arg6[%get3A_283, %get3A_284] {strides = array<i32>} : memref<400x64xf32, #tpu.memory_space<vmem>>, vector<1x16xf32>,
      %get3A_286 = vector.shape_cast %get3A_285 : vector<1x16xf32> to vector<16xf32>
      %get3A_287 = arith.constant 0 : i32
      %get3A_288 = arith.index_cast %get3A_287 : i32 to index
      %get3A_289 = arith.constant 48 : index
      %get3A_290 = tpu.vector_load %arg6[%get3A_288, %get3A_289] {strides = array<i32>} : memref<400x64xf32, #tpu.memory_space<vmem>>, vector<1x16xf32>,
      %get3A_291 = vector.shape_cast %get3A_290 : vector<1x16xf32> to vector<16xf32>
      %scan3A_292 = arith.constant 0 : i32
      %scan3A_293 = arith.constant 7 : i32
      %scan3A_294 = arith.addi %scan3A_292, %scan3A_293 : i32
      %scan3A_295 = arith.constant 1 : i32
      %scan3A_296:4 = scf.for %scan3A_1168 = %scan3A_292 to %scan3A_294 step %scan3A_295 iter_args(%scan3A_1169 = %get3A_276, %scan3A_1170 = %get3A_281, %scan3A_1171 = %get3A_286, %scan3A_1172 = %get3A_291) -> (vector<16xf32>, vector<16xf32>, vector<16xf32>, vector<16xf32>)  : i32 {
        %mul3A_1173 = arith.constant 7 : i32
        %mul3A_1174 = arith.muli %scan3A_1168, %mul3A_1173 : i32
        %add3A_1175 = arith.constant 1 : i32
        %add3A_1176 = arith.addi %add3A_1175, %mul3A_1174 : i32
        %add3A_1177 = arith.constant 0 : i32
        %add3A_1178 = arith.addi %add3A_1176, %add3A_1177 : i32
        %get3A_1179 = arith.index_cast %add3A_1178 : i32 to index
        %get3A_1180 = arith.constant 0 : index
        %get3A_1181 = tpu.vector_load %arg6[%get3A_1179, %get3A_1180] {strides = array<i32>} : memref<400x64xf32, #tpu.memory_space<vmem>>, vector<1x16xf32>,
        %get3A_1182 = vector.shape_cast %get3A_1181 : vector<1x16xf32> to vector<16xf32>
        %add3A_1183 = arith.addf %scan3A_1169, %get3A_1182 : vector<16xf32>
        %add3A_1184 = arith.constant 0 : i32
        %add3A_1185 = arith.addi %add3A_1176, %add3A_1184 : i32
        %get3A_1186 = arith.index_cast %add3A_1185 : i32 to index
        %get3A_1187 = arith.constant 16 : index
        %get3A_1188 = tpu.vector_load %arg6[%get3A_1186, %get3A_1187] {strides = array<i32>} : memref<400x64xf32, #tpu.memory_space<vmem>>, vector<1x16xf32>,
        %get3A_1189 = vector.shape_cast %get3A_1188 : vector<1x16xf32> to vector<16xf32>
        %add3A_1190 = arith.addf %scan3A_1170, %get3A_1189 : vector<16xf32>
        %add3A_1191 = arith.constant 0 : i32
        %add3A_1192 = arith.addi %add3A_1176, %add3A_1191 : i32
        %get3A_1193 = arith.index_cast %add3A_1192 : i32 to index
        %get3A_1194 = arith.constant 32 : index
        %get3A_1195 = tpu.vector_load %arg6[%get3A_1193, %get3A_1194] {strides = array<i32>} : memref<400x64xf32, #tpu.memory_space<vmem>>, vector<1x16xf32>,
        %get3A_1196 = vector.shape_cast %get3A_1195 : vector<1x16xf32> to vector<16xf32>
        %add3A_1197 = arith.addf %scan3A_1171, %get3A_1196 : vector<16xf32>
        %add3A_1198 = arith.constant 0 : i32
        %add3A_1199 = arith.addi %add3A_1176, %add3A_1198 : i32
        %get3A_1200 = arith.index_cast %add3A_1199 : i32 to index
        %get3A_1201 = arith.constant 48 : index
        %get3A_1202 = tpu.vector_load %arg6[%get3A_1200, %get3A_1201] {strides = array<i32>} : memref<400x64xf32, #tpu.memory_space<vmem>>, vector<1x16xf32>,
        %get3A_1203 = vector.shape_cast %get3A_1202 : vector<1x16xf32> to vector<16xf32>
        %add3A_1204 = arith.addf %scan3A_1172, %get3A_1203 : vector<16xf32>
        %add3A_1205 = arith.constant 1 : i32
        %add3A_1206 = arith.addi %add3A_1176, %add3A_1205 : i32
        %get3A_1207 = arith.index_cast %add3A_1206 : i32 to index
        %get3A_1208 = arith.constant 0 : index
        %get3A_1209 = tpu.vector_load %arg6[%get3A_1207, %get3A_1208] {strides = array<i32>} : memref<400x64xf32, #tpu.memory_space<vmem>>, vector<1x16xf32>,
        %get3A_1210 = vector.shape_cast %get3A_1209 : vector<1x16xf32> to vector<16xf32>
        %add3A_1211 = arith.addf %add3A_1183, %get3A_1210 : vector<16xf32>
        %add3A_1212 = arith.constant 1 : i32
        %add3A_1213 = arith.addi %add3A_1176, %add3A_1212 : i32
        %get3A_1214 = arith.index_cast %add3A_1213 : i32 to index
        %get3A_1215 = arith.constant 16 : index
        %get3A_1216 = tpu.vector_load %arg6[%get3A_1214, %get3A_1215] {strides = array<i32>} : memref<400x64xf32, #tpu.memory_space<vmem>>, vector<1x16xf32>,
        %get3A_1217 = vector.shape_cast %get3A_1216 : vector<1x16xf32> to vector<16xf32>
        %add3A_1218 = arith.addf %add3A_1190, %get3A_1217 : vector<16xf32>
        %add3A_1219 = arith.constant 1 : i32
        %add3A_1220 = arith.addi %add3A_1176, %add3A_1219 : i32
        %get3A_1221 = arith.index_cast %add3A_1220 : i32 to index
        %get3A_1222 = arith.constant 32 : index
        %get3A_1223 = tpu.vector_load %arg6[%get3A_1221, %get3A_1222] {strides = array<i32>} : memref<400x64xf32, #tpu.memory_space<vmem>>, vector<1x16xf32>,
        %get3A_1224 = vector.shape_cast %get3A_1223 : vector<1x16xf32> to vector<16xf32>
        %add3A_1225 = arith.addf %add3A_1197, %get3A_1224 : vector<16xf32>
        %add3A_1226 = arith.constant 1 : i32
        %add3A_1227 = arith.addi %add3A_1176, %add3A_1226 : i32
        %get3A_1228 = arith.index_cast %add3A_1227 : i32 to index
        %get3A_1229 = arith.constant 48 : index
        %get3A_1230 = tpu.vector_load %arg6[%get3A_1228, %get3A_1229] {strides = array<i32>} : memref<400x64xf32, #tpu.memory_space<vmem>>, vector<1x16xf32>,
        %get3A_1231 = vector.shape_cast %get3A_1230 : vector<1x16xf32> to vector<16xf32>
        %add3A_1232 = arith.addf %add3A_1204, %get3A_1231 : vector<16xf32>
        %add3A_1233 = arith.constant 2 : i32
        %add3A_1234 = arith.addi %add3A_1176, %add3A_1233 : i32
        %get3A_1235 = arith.index_cast %add3A_1234 : i32 to index
        %get3A_1236 = arith.constant 0 : index
        %get3A_1237 = tpu.vector_load %arg6[%get3A_1235, %get3A_1236] {strides = array<i32>} : memref<400x64xf32, #tpu.memory_space<vmem>>, vector<1x16xf32>,
        %get3A_1238 = vector.shape_cast %get3A_1237 : vector<1x16xf32> to vector<16xf32>
        %add3A_1239 = arith.addf %add3A_1211, %get3A_1238 : vector<16xf32>
        %add3A_1240 = arith.constant 2 : i32
        %add3A_1241 = arith.addi %add3A_1176, %add3A_1240 : i32
        %get3A_1242 = arith.index_cast %add3A_1241 : i32 to index
        %get3A_1243 = arith.constant 16 : index
        %get3A_1244 = tpu.vector_load %arg6[%get3A_1242, %get3A_1243] {strides = array<i32>} : memref<400x64xf32, #tpu.memory_space<vmem>>, vector<1x16xf32>,
        %get3A_1245 = vector.shape_cast %get3A_1244 : vector<1x16xf32> to vector<16xf32>
        %add3A_1246 = arith.addf %add3A_1218, %get3A_1245 : vector<16xf32>
        %add3A_1247 = arith.constant 2 : i32
        %add3A_1248 = arith.addi %add3A_1176, %add3A_1247 : i32
        %get3A_1249 = arith.index_cast %add3A_1248 : i32 to index
        %get3A_1250 = arith.constant 32 : index
        %get3A_1251 = tpu.vector_load %arg6[%get3A_1249, %get3A_1250] {strides = array<i32>} : memref<400x64xf32, #tpu.memory_space<vmem>>, vector<1x16xf32>,
        %get3A_1252 = vector.shape_cast %get3A_1251 : vector<1x16xf32> to vector<16xf32>
        %add3A_1253 = arith.addf %add3A_1225, %get3A_1252 : vector<16xf32>
        %add3A_1254 = arith.constant 2 : i32
        %add3A_1255 = arith.addi %add3A_1176, %add3A_1254 : i32
        %get3A_1256 = arith.index_cast %add3A_1255 : i32 to index
        %get3A_1257 = arith.constant 48 : index
        %get3A_1258 = tpu.vector_load %arg6[%get3A_1256, %get3A_1257] {strides = array<i32>} : memref<400x64xf32, #tpu.memory_space<vmem>>, vector<1x16xf32>,
        %get3A_1259 = vector.shape_cast %get3A_1258 : vector<1x16xf32> to vector<16xf32>
        %add3A_1260 = arith.addf %add3A_1232, %get3A_1259 : vector<16xf32>
        %add3A_1261 = arith.constant 3 : i32
        %add3A_1262 = arith.addi %add3A_1176, %add3A_1261 : i32
        %get3A_1263 = arith.index_cast %add3A_1262 : i32 to index
        %get3A_1264 = arith.constant 0 : index
        %get3A_1265 = tpu.vector_load %arg6[%get3A_1263, %get3A_1264] {strides = array<i32>} : memref<400x64xf32, #tpu.memory_space<vmem>>, vector<1x16xf32>,
        %get3A_1266 = vector.shape_cast %get3A_1265 : vector<1x16xf32> to vector<16xf32>
        %add3A_1267 = arith.addf %add3A_1239, %get3A_1266 : vector<16xf32>
        %add3A_1268 = arith.constant 3 : i32
        %add3A_1269 = arith.addi %add3A_1176, %add3A_1268 : i32
        %get3A_1270 = arith.index_cast %add3A_1269 : i32 to index
        %get3A_1271 = arith.constant 16 : index
        %get3A_1272 = tpu.vector_load %arg6[%get3A_1270, %get3A_1271] {strides = array<i32>} : memref<400x64xf32, #tpu.memory_space<vmem>>, vector<1x16xf32>,
        %get3A_1273 = vector.shape_cast %get3A_1272 : vector<1x16xf32> to vector<16xf32>
        %add3A_1274 = arith.addf %add3A_1246, %get3A_1273 : vector<16xf32>
        %add3A_1275 = arith.constant 3 : i32
        %add3A_1276 = arith.addi %add3A_1176, %add3A_1275 : i32
        %get3A_1277 = arith.index_cast %add3A_1276 : i32 to index
        %get3A_1278 = arith.constant 32 : index
        %get3A_1279 = tpu.vector_load %arg6[%get3A_1277, %get3A_1278] {strides = array<i32>} : memref<400x64xf32, #tpu.memory_space<vmem>>, vector<1x16xf32>,
        %get3A_1280 = vector.shape_cast %get3A_1279 : vector<1x16xf32> to vector<16xf32>
        %add3A_1281 = arith.addf %add3A_1253, %get3A_1280 : vector<16xf32>
        %add3A_1282 = arith.constant 3 : i32
        %add3A_1283 = arith.addi %add3A_1176, %add3A_1282 : i32
        %get3A_1284 = arith.index_cast %add3A_1283 : i32 to index
        %get3A_1285 = arith.constant 48 : index
        %get3A_1286 = tpu.vector_load %arg6[%get3A_1284, %get3A_1285] {strides = array<i32>} : memref<400x64xf32, #tpu.memory_space<vmem>>, vector<1x16xf32>,
        %get3A_1287 = vector.shape_cast %get3A_1286 : vector<1x16xf32> to vector<16xf32>
        %add3A_1288 = arith.addf %add3A_1260, %get3A_1287 : vector<16xf32>
        %add3A_1289 = arith.constant 4 : i32
        %add3A_1290 = arith.addi %add3A_1176, %add3A_1289 : i32
        %get3A_1291 = arith.index_cast %add3A_1290 : i32 to index
        %get3A_1292 = arith.constant 0 : index
        %get3A_1293 = tpu.vector_load %arg6[%get3A_1291, %get3A_1292] {strides = array<i32>} : memref<400x64xf32, #tpu.memory_space<vmem>>, vector<1x16xf32>,
        %get3A_1294 = vector.shape_cast %get3A_1293 : vector<1x16xf32> to vector<16xf32>
        %add3A_1295 = arith.addf %add3A_1267, %get3A_1294 : vector<16xf32>
        %add3A_1296 = arith.constant 4 : i32
        %add3A_1297 = arith.addi %add3A_1176, %add3A_1296 : i32
        %get3A_1298 = arith.index_cast %add3A_1297 : i32 to index
        %get3A_1299 = arith.constant 16 : index
        %get3A_1300 = tpu.vector_load %arg6[%get3A_1298, %get3A_1299] {strides = array<i32>} : memref<400x64xf32, #tpu.memory_space<vmem>>, vector<1x16xf32>,
        %get3A_1301 = vector.shape_cast %get3A_1300 : vector<1x16xf32> to vector<16xf32>
        %add3A_1302 = arith.addf %add3A_1274, %get3A_1301 : vector<16xf32>
        %add3A_1303 = arith.constant 4 : i32
        %add3A_1304 = arith.addi %add3A_1176, %add3A_1303 : i32
        %get3A_1305 = arith.index_cast %add3A_1304 : i32 to index
        %get3A_1306 = arith.constant 32 : index
        %get3A_1307 = tpu.vector_load %arg6[%get3A_1305, %get3A_1306] {strides = array<i32>} : memref<400x64xf32, #tpu.memory_space<vmem>>, vector<1x16xf32>,
        %get3A_1308 = vector.shape_cast %get3A_1307 : vector<1x16xf32> to vector<16xf32>
        %add3A_1309 = arith.addf %add3A_1281, %get3A_1308 : vector<16xf32>
        %add3A_1310 = arith.constant 4 : i32
        %add3A_1311 = arith.addi %add3A_1176, %add3A_1310 : i32
        %get3A_1312 = arith.index_cast %add3A_1311 : i32 to index
        %get3A_1313 = arith.constant 48 : index
        %get3A_1314 = tpu.vector_load %arg6[%get3A_1312, %get3A_1313] {strides = array<i32>} : memref<400x64xf32, #tpu.memory_space<vmem>>, vector<1x16xf32>,
        %get3A_1315 = vector.shape_cast %get3A_1314 : vector<1x16xf32> to vector<16xf32>
        %add3A_1316 = arith.addf %add3A_1288, %get3A_1315 : vector<16xf32>
        %add3A_1317 = arith.constant 5 : i32
        %add3A_1318 = arith.addi %add3A_1176, %add3A_1317 : i32
        %get3A_1319 = arith.index_cast %add3A_1318 : i32 to index
        %get3A_1320 = arith.constant 0 : index
        %get3A_1321 = tpu.vector_load %arg6[%get3A_1319, %get3A_1320] {strides = array<i32>} : memref<400x64xf32, #tpu.memory_space<vmem>>, vector<1x16xf32>,
        %get3A_1322 = vector.shape_cast %get3A_1321 : vector<1x16xf32> to vector<16xf32>
        %add3A_1323 = arith.addf %add3A_1295, %get3A_1322 : vector<16xf32>
        %add3A_1324 = arith.constant 5 : i32
        %add3A_1325 = arith.addi %add3A_1176, %add3A_1324 : i32
        %get3A_1326 = arith.index_cast %add3A_1325 : i32 to index
        %get3A_1327 = arith.constant 16 : index
        %get3A_1328 = tpu.vector_load %arg6[%get3A_1326, %get3A_1327] {strides = array<i32>} : memref<400x64xf32, #tpu.memory_space<vmem>>, vector<1x16xf32>,
        %get3A_1329 = vector.shape_cast %get3A_1328 : vector<1x16xf32> to vector<16xf32>
        %add3A_1330 = arith.addf %add3A_1302, %get3A_1329 : vector<16xf32>
        %add3A_1331 = arith.constant 5 : i32
        %add3A_1332 = arith.addi %add3A_1176, %add3A_1331 : i32
        %get3A_1333 = arith.index_cast %add3A_1332 : i32 to index
        %get3A_1334 = arith.constant 32 : index
        %get3A_1335 = tpu.vector_load %arg6[%get3A_1333, %get3A_1334] {strides = array<i32>} : memref<400x64xf32, #tpu.memory_space<vmem>>, vector<1x16xf32>,
        %get3A_1336 = vector.shape_cast %get3A_1335 : vector<1x16xf32> to vector<16xf32>
        %add3A_1337 = arith.addf %add3A_1309, %get3A_1336 : vector<16xf32>
        %add3A_1338 = arith.constant 5 : i32
        %add3A_1339 = arith.addi %add3A_1176, %add3A_1338 : i32
        %get3A_1340 = arith.index_cast %add3A_1339 : i32 to index
        %get3A_1341 = arith.constant 48 : index
        %get3A_1342 = tpu.vector_load %arg6[%get3A_1340, %get3A_1341] {strides = array<i32>} : memref<400x64xf32, #tpu.memory_space<vmem>>, vector<1x16xf32>,
        %get3A_1343 = vector.shape_cast %get3A_1342 : vector<1x16xf32> to vector<16xf32>
        %add3A_1344 = arith.addf %add3A_1316, %get3A_1343 : vector<16xf32>
        %add3A_1345 = arith.constant 6 : i32
        %add3A_1346 = arith.addi %add3A_1176, %add3A_1345 : i32
        %get3A_1347 = arith.index_cast %add3A_1346 : i32 to index
        %get3A_1348 = arith.constant 0 : index
        %get3A_1349 = tpu.vector_load %arg6[%get3A_1347, %get3A_1348] {strides = array<i32>} : memref<400x64xf32, #tpu.memory_space<vmem>>, vector<1x16xf32>,
        %get3A_1350 = vector.shape_cast %get3A_1349 : vector<1x16xf32> to vector<16xf32>
        %add3A_1351 = arith.addf %add3A_1323, %get3A_1350 : vector<16xf32>
        %add3A_1352 = arith.constant 6 : i32
        %add3A_1353 = arith.addi %add3A_1176, %add3A_1352 : i32
        %get3A_1354 = arith.index_cast %add3A_1353 : i32 to index
        %get3A_1355 = arith.constant 16 : index
        %get3A_1356 = tpu.vector_load %arg6[%get3A_1354, %get3A_1355] {strides = array<i32>} : memref<400x64xf32, #tpu.memory_space<vmem>>, vector<1x16xf32>,
        %get3A_1357 = vector.shape_cast %get3A_1356 : vector<1x16xf32> to vector<16xf32>
        %add3A_1358 = arith.addf %add3A_1330, %get3A_1357 : vector<16xf32>
        %add3A_1359 = arith.constant 6 : i32
        %add3A_1360 = arith.addi %add3A_1176, %add3A_1359 : i32
        %get3A_1361 = arith.index_cast %add3A_1360 : i32 to index
        %get3A_1362 = arith.constant 32 : index
        %get3A_1363 = tpu.vector_load %arg6[%get3A_1361, %get3A_1362] {strides = array<i32>} : memref<400x64xf32, #tpu.memory_space<vmem>>, vector<1x16xf32>,
        %get3A_1364 = vector.shape_cast %get3A_1363 : vector<1x16xf32> to vector<16xf32>
        %add3A_1365 = arith.addf %add3A_1337, %get3A_1364 : vector<16xf32>
        %add3A_1366 = arith.constant 6 : i32
        %add3A_1367 = arith.addi %add3A_1176, %add3A_1366 : i32
        %get3A_1368 = arith.index_cast %add3A_1367 : i32 to index
        %get3A_1369 = arith.constant 48 : index
        %get3A_1370 = tpu.vector_load %arg6[%get3A_1368, %get3A_1369] {strides = array<i32>} : memref<400x64xf32, #tpu.memory_space<vmem>>, vector<1x16xf32>,
        %get3A_1371 = vector.shape_cast %get3A_1370 : vector<1x16xf32> to vector<16xf32>
        %add3A_1372 = arith.addf %add3A_1344, %get3A_1371 : vector<16xf32>
        scf.yield %add3A_1351, %add3A_1358, %add3A_1365, %add3A_1372 : vector<16xf32>, vector<16xf32>, vector<16xf32>, vector<16xf32>
      }
      %scan3A_297 = arith.constant 7 : i32
      %swap3A = arith.constant 0 : i32
      %swap3A_298 = arith.index_cast %swap3A : i32 to index
      %swap3A_299 = arith.constant 0 : index
      %swap3A_300 = tpu.vector_load %arg8[%swap3A_298, %swap3A_299] {strides = array<i32>} : memref<8x128xf32, #tpu.memory_space<vmem>>, vector<1x16xf32>,
      %swap3A_301 = vector.shape_cast %swap3A_300 : vector<1x16xf32> to vector<16xf32>
      %swap3A_302 = vector.shape_cast %scan3A_296#0 : vector<16xf32> to vector<1x16xf32>
      tpu.vector_store %arg8[%swap3A_298, %swap3A_299], %swap3A_302 {strides = array<i32>} : memref<8x128xf32, #tpu.memory_space<vmem>>, vector<1x16xf32>,
      %swap3A_303 = arith.constant 0 : i32
      %swap3A_304 = arith.index_cast %swap3A_303 : i32 to index
      %swap3A_305 = arith.constant 16 : index
      %swap3A_306 = tpu.vector_load %arg8[%swap3A_304, %swap3A_305] {strides = array<i32>} : memref<8x128xf32, #tpu.memory_space<vmem>>, vector<1x16xf32>,
      %swap3A_307 = vector.shape_cast %swap3A_306 : vector<1x16xf32> to vector<16xf32>
      %swap3A_308 = vector.shape_cast %scan3A_296#1 : vector<16xf32> to vector<1x16xf32>
      tpu.vector_store %arg8[%swap3A_304, %swap3A_305], %swap3A_308 {strides = array<i32>} : memref<8x128xf32, #tpu.memory_space<vmem>>, vector<1x16xf32>,
      %swap3A_309 = arith.constant 0 : i32
      %swap3A_310 = arith.index_cast %swap3A_309 : i32 to index
      %swap3A_311 = arith.constant 32 : index
      %swap3A_312 = tpu.vector_load %arg8[%swap3A_310, %swap3A_311] {strides = array<i32>} : memref<8x128xf32, #tpu.memory_space<vmem>>, vector<1x16xf32>,
      %swap3A_313 = vector.shape_cast %swap3A_312 : vector<1x16xf32> to vector<16xf32>
      %swap3A_314 = vector.shape_cast %scan3A_296#2 : vector<16xf32> to vector<1x16xf32>
      tpu.vector_store %arg8[%swap3A_310, %swap3A_311], %swap3A_314 {strides = array<i32>} : memref<8x128xf32, #tpu.memory_space<vmem>>, vector<1x16xf32>,
      %swap3A_315 = arith.constant 0 : i32
      %swap3A_316 = arith.index_cast %swap3A_315 : i32 to index
      %swap3A_317 = arith.constant 48 : index
      %swap3A_318 = tpu.vector_load %arg8[%swap3A_316, %swap3A_317] {strides = array<i32>} : memref<8x128xf32, #tpu.memory_space<vmem>>, vector<1x16xf32>,
      %swap3A_319 = vector.shape_cast %swap3A_318 : vector<1x16xf32> to vector<16xf32>
      %swap3A_320 = vector.shape_cast %scan3A_296#3 : vector<16xf32> to vector<1x16xf32>
      tpu.vector_store %arg8[%swap3A_316, %swap3A_317], %swap3A_320 {strides = array<i32>} : memref<8x128xf32, #tpu.memory_space<vmem>>, vector<1x16xf32>,
      %get3A_321 = arith.constant 50 : i32
      %get3A_322 = arith.index_cast %get3A_321 : i32 to index
      %get3A_323 = arith.constant 0 : index
      %get3A_324 = tpu.vector_load %arg6[%get3A_322, %get3A_323] {strides = array<i32>} : memref<400x64xf32, #tpu.memory_space<vmem>>, vector<1x16xf32>,
      %get3A_325 = vector.shape_cast %get3A_324 : vector<1x16xf32> to vector<16xf32>
      %get3A_326 = arith.constant 50 : i32
      %get3A_327 = arith.index_cast %get3A_326 : i32 to index
      %get3A_328 = arith.constant 16 : index
      %get3A_329 = tpu.vector_load %arg6[%get3A_327, %get3A_328] {strides = array<i32>} : memref<400x64xf32, #tpu.memory_space<vmem>>, vector<1x16xf32>,
      %get3A_330 = vector.shape_cast %get3A_329 : vector<1x16xf32> to vector<16xf32>
      %get3A_331 = arith.constant 50 : i32
      %get3A_332 = arith.index_cast %get3A_331 : i32 to index
      %get3A_333 = arith.constant 32 : index
      %get3A_334 = tpu.vector_load %arg6[%get3A_332, %get3A_333] {strides = array<i32>} : memref<400x64xf32, #tpu.memory_space<vmem>>, vector<1x16xf32>,
      %get3A_335 = vector.shape_cast %get3A_334 : vector<1x16xf32> to vector<16xf32>
      %get3A_336 = arith.constant 50 : i32
      %get3A_337 = arith.index_cast %get3A_336 : i32 to index
      %get3A_338 = arith.constant 48 : index
      %get3A_339 = tpu.vector_load %arg6[%get3A_337, %get3A_338] {strides = array<i32>} : memref<400x64xf32, #tpu.memory_space<vmem>>, vector<1x16xf32>,
      %get3A_340 = vector.shape_cast %get3A_339 : vector<1x16xf32> to vector<16xf32>
      %scan3A_341 = arith.constant 0 : i32
      %scan3A_342 = arith.constant 7 : i32
      %scan3A_343 = arith.addi %scan3A_341, %scan3A_342 : i32
      %scan3A_344 = arith.constant 1 : i32
      %scan3A_345:4 = scf.for %scan3A_1168 = %scan3A_341 to %scan3A_343 step %scan3A_344 iter_args(%scan3A_1169 = %get3A_325, %scan3A_1170 = %get3A_330, %scan3A_1171 = %get3A_335, %scan3A_1172 = %get3A_340) -> (vector<16xf32>, vector<16xf32>, vector<16xf32>, vector<16xf32>)  : i32 {
        %mul3A_1173 = arith.constant 7 : i32
        %mul3A_1174 = arith.muli %scan3A_1168, %mul3A_1173 : i32
        %add3A_1175 = arith.constant 51 : i32
        %add3A_1176 = arith.addi %add3A_1175, %mul3A_1174 : i32
        %add3A_1177 = arith.constant 0 : i32
        %add3A_1178 = arith.addi %add3A_1176, %add3A_1177 : i32
        %get3A_1179 = arith.index_cast %add3A_1178 : i32 to index
        %get3A_1180 = arith.constant 0 : index
        %get3A_1181 = tpu.vector_load %arg6[%get3A_1179, %get3A_1180] {strides = array<i32>} : memref<400x64xf32, #tpu.memory_space<vmem>>, vector<1x16xf32>,
        %get3A_1182 = vector.shape_cast %get3A_1181 : vector<1x16xf32> to vector<16xf32>
        %add3A_1183 = arith.addf %scan3A_1169, %get3A_1182 : vector<16xf32>
        %add3A_1184 = arith.constant 0 : i32
        %add3A_1185 = arith.addi %add3A_1176, %add3A_1184 : i32
        %get3A_1186 = arith.index_cast %add3A_1185 : i32 to index
        %get3A_1187 = arith.constant 16 : index
        %get3A_1188 = tpu.vector_load %arg6[%get3A_1186, %get3A_1187] {strides = array<i32>} : memref<400x64xf32, #tpu.memory_space<vmem>>, vector<1x16xf32>,
        %get3A_1189 = vector.shape_cast %get3A_1188 : vector<1x16xf32> to vector<16xf32>
        %add3A_1190 = arith.addf %scan3A_1170, %get3A_1189 : vector<16xf32>
        %add3A_1191 = arith.constant 0 : i32
        %add3A_1192 = arith.addi %add3A_1176, %add3A_1191 : i32
        %get3A_1193 = arith.index_cast %add3A_1192 : i32 to index
        %get3A_1194 = arith.constant 32 : index
        %get3A_1195 = tpu.vector_load %arg6[%get3A_1193, %get3A_1194] {strides = array<i32>} : memref<400x64xf32, #tpu.memory_space<vmem>>, vector<1x16xf32>,
        %get3A_1196 = vector.shape_cast %get3A_1195 : vector<1x16xf32> to vector<16xf32>
        %add3A_1197 = arith.addf %scan3A_1171, %get3A_1196 : vector<16xf32>
        %add3A_1198 = arith.constant 0 : i32
        %add3A_1199 = arith.addi %add3A_1176, %add3A_1198 : i32
        %get3A_1200 = arith.index_cast %add3A_1199 : i32 to index
        %get3A_1201 = arith.constant 48 : index
        %get3A_1202 = tpu.vector_load %arg6[%get3A_1200, %get3A_1201] {strides = array<i32>} : memref<400x64xf32, #tpu.memory_space<vmem>>, vector<1x16xf32>,
        %get3A_1203 = vector.shape_cast %get3A_1202 : vector<1x16xf32> to vector<16xf32>
        %add3A_1204 = arith.addf %scan3A_1172, %get3A_1203 : vector<16xf32>
        %add3A_1205 = arith.constant 1 : i32
        %add3A_1206 = arith.addi %add3A_1176, %add3A_1205 : i32
        %get3A_1207 = arith.index_cast %add3A_1206 : i32 to index
        %get3A_1208 = arith.constant 0 : index
        %get3A_1209 = tpu.vector_load %arg6[%get3A_1207, %get3A_1208] {strides = array<i32>} : memref<400x64xf32, #tpu.memory_space<vmem>>, vector<1x16xf32>,
        %get3A_1210 = vector.shape_cast %get3A_1209 : vector<1x16xf32> to vector<16xf32>
        %add3A_1211 = arith.addf %add3A_1183, %get3A_1210 : vector<16xf32>
        %add3A_1212 = arith.constant 1 : i32
        %add3A_1213 = arith.addi %add3A_1176, %add3A_1212 : i32
        %get3A_1214 = arith.index_cast %add3A_1213 : i32 to index
        %get3A_1215 = arith.constant 16 : index
        %get3A_1216 = tpu.vector_load %arg6[%get3A_1214, %get3A_1215] {strides = array<i32>} : memref<400x64xf32, #tpu.memory_space<vmem>>, vector<1x16xf32>,
        %get3A_1217 = vector.shape_cast %get3A_1216 : vector<1x16xf32> to vector<16xf32>
        %add3A_1218 = arith.addf %add3A_1190, %get3A_1217 : vector<16xf32>
        %add3A_1219 = arith.constant 1 : i32
        %add3A_1220 = arith.addi %add3A_1176, %add3A_1219 : i32
        %get3A_1221 = arith.index_cast %add3A_1220 : i32 to index
        %get3A_1222 = arith.constant 32 : index
        %get3A_1223 = tpu.vector_load %arg6[%get3A_1221, %get3A_1222] {strides = array<i32>} : memref<400x64xf32, #tpu.memory_space<vmem>>, vector<1x16xf32>,
        %get3A_1224 = vector.shape_cast %get3A_1223 : vector<1x16xf32> to vector<16xf32>
        %add3A_1225 = arith.addf %add3A_1197, %get3A_1224 : vector<16xf32>
        %add3A_1226 = arith.constant 1 : i32
        %add3A_1227 = arith.addi %add3A_1176, %add3A_1226 : i32
        %get3A_1228 = arith.index_cast %add3A_1227 : i32 to index
        %get3A_1229 = arith.constant 48 : index
        %get3A_1230 = tpu.vector_load %arg6[%get3A_1228, %get3A_1229] {strides = array<i32>} : memref<400x64xf32, #tpu.memory_space<vmem>>, vector<1x16xf32>,
        %get3A_1231 = vector.shape_cast %get3A_1230 : vector<1x16xf32> to vector<16xf32>
        %add3A_1232 = arith.addf %add3A_1204, %get3A_1231 : vector<16xf32>
        %add3A_1233 = arith.constant 2 : i32
        %add3A_1234 = arith.addi %add3A_1176, %add3A_1233 : i32
        %get3A_1235 = arith.index_cast %add3A_1234 : i32 to index
        %get3A_1236 = arith.constant 0 : index
        %get3A_1237 = tpu.vector_load %arg6[%get3A_1235, %get3A_1236] {strides = array<i32>} : memref<400x64xf32, #tpu.memory_space<vmem>>, vector<1x16xf32>,
        %get3A_1238 = vector.shape_cast %get3A_1237 : vector<1x16xf32> to vector<16xf32>
        %add3A_1239 = arith.addf %add3A_1211, %get3A_1238 : vector<16xf32>
        %add3A_1240 = arith.constant 2 : i32
        %add3A_1241 = arith.addi %add3A_1176, %add3A_1240 : i32
        %get3A_1242 = arith.index_cast %add3A_1241 : i32 to index
        %get3A_1243 = arith.constant 16 : index
        %get3A_1244 = tpu.vector_load %arg6[%get3A_1242, %get3A_1243] {strides = array<i32>} : memref<400x64xf32, #tpu.memory_space<vmem>>, vector<1x16xf32>,
        %get3A_1245 = vector.shape_cast %get3A_1244 : vector<1x16xf32> to vector<16xf32>
        %add3A_1246 = arith.addf %add3A_1218, %get3A_1245 : vector<16xf32>
        %add3A_1247 = arith.constant 2 : i32
        %add3A_1248 = arith.addi %add3A_1176, %add3A_1247 : i32
        %get3A_1249 = arith.index_cast %add3A_1248 : i32 to index
        %get3A_1250 = arith.constant 32 : index
        %get3A_1251 = tpu.vector_load %arg6[%get3A_1249, %get3A_1250] {strides = array<i32>} : memref<400x64xf32, #tpu.memory_space<vmem>>, vector<1x16xf32>,
        %get3A_1252 = vector.shape_cast %get3A_1251 : vector<1x16xf32> to vector<16xf32>
        %add3A_1253 = arith.addf %add3A_1225, %get3A_1252 : vector<16xf32>
        %add3A_1254 = arith.constant 2 : i32
        %add3A_1255 = arith.addi %add3A_1176, %add3A_1254 : i32
        %get3A_1256 = arith.index_cast %add3A_1255 : i32 to index
        %get3A_1257 = arith.constant 48 : index
        %get3A_1258 = tpu.vector_load %arg6[%get3A_1256, %get3A_1257] {strides = array<i32>} : memref<400x64xf32, #tpu.memory_space<vmem>>, vector<1x16xf32>,
        %get3A_1259 = vector.shape_cast %get3A_1258 : vector<1x16xf32> to vector<16xf32>
        %add3A_1260 = arith.addf %add3A_1232, %get3A_1259 : vector<16xf32>
        %add3A_1261 = arith.constant 3 : i32
        %add3A_1262 = arith.addi %add3A_1176, %add3A_1261 : i32
        %get3A_1263 = arith.index_cast %add3A_1262 : i32 to index
        %get3A_1264 = arith.constant 0 : index
        %get3A_1265 = tpu.vector_load %arg6[%get3A_1263, %get3A_1264] {strides = array<i32>} : memref<400x64xf32, #tpu.memory_space<vmem>>, vector<1x16xf32>,
        %get3A_1266 = vector.shape_cast %get3A_1265 : vector<1x16xf32> to vector<16xf32>
        %add3A_1267 = arith.addf %add3A_1239, %get3A_1266 : vector<16xf32>
        %add3A_1268 = arith.constant 3 : i32
        %add3A_1269 = arith.addi %add3A_1176, %add3A_1268 : i32
        %get3A_1270 = arith.index_cast %add3A_1269 : i32 to index
        %get3A_1271 = arith.constant 16 : index
        %get3A_1272 = tpu.vector_load %arg6[%get3A_1270, %get3A_1271] {strides = array<i32>} : memref<400x64xf32, #tpu.memory_space<vmem>>, vector<1x16xf32>,
        %get3A_1273 = vector.shape_cast %get3A_1272 : vector<1x16xf32> to vector<16xf32>
        %add3A_1274 = arith.addf %add3A_1246, %get3A_1273 : vector<16xf32>
        %add3A_1275 = arith.constant 3 : i32
        %add3A_1276 = arith.addi %add3A_1176, %add3A_1275 : i32
        %get3A_1277 = arith.index_cast %add3A_1276 : i32 to index
        %get3A_1278 = arith.constant 32 : index
        %get3A_1279 = tpu.vector_load %arg6[%get3A_1277, %get3A_1278] {strides = array<i32>} : memref<400x64xf32, #tpu.memory_space<vmem>>, vector<1x16xf32>,
        %get3A_1280 = vector.shape_cast %get3A_1279 : vector<1x16xf32> to vector<16xf32>
        %add3A_1281 = arith.addf %add3A_1253, %get3A_1280 : vector<16xf32>
        %add3A_1282 = arith.constant 3 : i32
        %add3A_1283 = arith.addi %add3A_1176, %add3A_1282 : i32
        %get3A_1284 = arith.index_cast %add3A_1283 : i32 to index
        %get3A_1285 = arith.constant 48 : index
        %get3A_1286 = tpu.vector_load %arg6[%get3A_1284, %get3A_1285] {strides = array<i32>} : memref<400x64xf32, #tpu.memory_space<vmem>>, vector<1x16xf32>,
        %get3A_1287 = vector.shape_cast %get3A_1286 : vector<1x16xf32> to vector<16xf32>
        %add3A_1288 = arith.addf %add3A_1260, %get3A_1287 : vector<16xf32>
        %add3A_1289 = arith.constant 4 : i32
        %add3A_1290 = arith.addi %add3A_1176, %add3A_1289 : i32
        %get3A_1291 = arith.index_cast %add3A_1290 : i32 to index
        %get3A_1292 = arith.constant 0 : index
        %get3A_1293 = tpu.vector_load %arg6[%get3A_1291, %get3A_1292] {strides = array<i32>} : memref<400x64xf32, #tpu.memory_space<vmem>>, vector<1x16xf32>,
        %get3A_1294 = vector.shape_cast %get3A_1293 : vector<1x16xf32> to vector<16xf32>
        %add3A_1295 = arith.addf %add3A_1267, %get3A_1294 : vector<16xf32>
        %add3A_1296 = arith.constant 4 : i32
        %add3A_1297 = arith.addi %add3A_1176, %add3A_1296 : i32
        %get3A_1298 = arith.index_cast %add3A_1297 : i32 to index
        %get3A_1299 = arith.constant 16 : index
        %get3A_1300 = tpu.vector_load %arg6[%get3A_1298, %get3A_1299] {strides = array<i32>} : memref<400x64xf32, #tpu.memory_space<vmem>>, vector<1x16xf32>,
        %get3A_1301 = vector.shape_cast %get3A_1300 : vector<1x16xf32> to vector<16xf32>
        %add3A_1302 = arith.addf %add3A_1274, %get3A_1301 : vector<16xf32>
        %add3A_1303 = arith.constant 4 : i32
        %add3A_1304 = arith.addi %add3A_1176, %add3A_1303 : i32
        %get3A_1305 = arith.index_cast %add3A_1304 : i32 to index
        %get3A_1306 = arith.constant 32 : index
        %get3A_1307 = tpu.vector_load %arg6[%get3A_1305, %get3A_1306] {strides = array<i32>} : memref<400x64xf32, #tpu.memory_space<vmem>>, vector<1x16xf32>,
        %get3A_1308 = vector.shape_cast %get3A_1307 : vector<1x16xf32> to vector<16xf32>
        %add3A_1309 = arith.addf %add3A_1281, %get3A_1308 : vector<16xf32>
        %add3A_1310 = arith.constant 4 : i32
        %add3A_1311 = arith.addi %add3A_1176, %add3A_1310 : i32
        %get3A_1312 = arith.index_cast %add3A_1311 : i32 to index
        %get3A_1313 = arith.constant 48 : index
        %get3A_1314 = tpu.vector_load %arg6[%get3A_1312, %get3A_1313] {strides = array<i32>} : memref<400x64xf32, #tpu.memory_space<vmem>>, vector<1x16xf32>,
        %get3A_1315 = vector.shape_cast %get3A_1314 : vector<1x16xf32> to vector<16xf32>
        %add3A_1316 = arith.addf %add3A_1288, %get3A_1315 : vector<16xf32>
        %add3A_1317 = arith.constant 5 : i32
        %add3A_1318 = arith.addi %add3A_1176, %add3A_1317 : i32
        %get3A_1319 = arith.index_cast %add3A_1318 : i32 to index
        %get3A_1320 = arith.constant 0 : index
        %get3A_1321 = tpu.vector_load %arg6[%get3A_1319, %get3A_1320] {strides = array<i32>} : memref<400x64xf32, #tpu.memory_space<vmem>>, vector<1x16xf32>,
        %get3A_1322 = vector.shape_cast %get3A_1321 : vector<1x16xf32> to vector<16xf32>
        %add3A_1323 = arith.addf %add3A_1295, %get3A_1322 : vector<16xf32>
        %add3A_1324 = arith.constant 5 : i32
        %add3A_1325 = arith.addi %add3A_1176, %add3A_1324 : i32
        %get3A_1326 = arith.index_cast %add3A_1325 : i32 to index
        %get3A_1327 = arith.constant 16 : index
        %get3A_1328 = tpu.vector_load %arg6[%get3A_1326, %get3A_1327] {strides = array<i32>} : memref<400x64xf32, #tpu.memory_space<vmem>>, vector<1x16xf32>,
        %get3A_1329 = vector.shape_cast %get3A_1328 : vector<1x16xf32> to vector<16xf32>
        %add3A_1330 = arith.addf %add3A_1302, %get3A_1329 : vector<16xf32>
        %add3A_1331 = arith.constant 5 : i32
        %add3A_1332 = arith.addi %add3A_1176, %add3A_1331 : i32
        %get3A_1333 = arith.index_cast %add3A_1332 : i32 to index
        %get3A_1334 = arith.constant 32 : index
        %get3A_1335 = tpu.vector_load %arg6[%get3A_1333, %get3A_1334] {strides = array<i32>} : memref<400x64xf32, #tpu.memory_space<vmem>>, vector<1x16xf32>,
        %get3A_1336 = vector.shape_cast %get3A_1335 : vector<1x16xf32> to vector<16xf32>
        %add3A_1337 = arith.addf %add3A_1309, %get3A_1336 : vector<16xf32>
        %add3A_1338 = arith.constant 5 : i32
        %add3A_1339 = arith.addi %add3A_1176, %add3A_1338 : i32
        %get3A_1340 = arith.index_cast %add3A_1339 : i32 to index
        %get3A_1341 = arith.constant 48 : index
        %get3A_1342 = tpu.vector_load %arg6[%get3A_1340, %get3A_1341] {strides = array<i32>} : memref<400x64xf32, #tpu.memory_space<vmem>>, vector<1x16xf32>,
        %get3A_1343 = vector.shape_cast %get3A_1342 : vector<1x16xf32> to vector<16xf32>
        %add3A_1344 = arith.addf %add3A_1316, %get3A_1343 : vector<16xf32>
        %add3A_1345 = arith.constant 6 : i32
        %add3A_1346 = arith.addi %add3A_1176, %add3A_1345 : i32
        %get3A_1347 = arith.index_cast %add3A_1346 : i32 to index
        %get3A_1348 = arith.constant 0 : index
        %get3A_1349 = tpu.vector_load %arg6[%get3A_1347, %get3A_1348] {strides = array<i32>} : memref<400x64xf32, #tpu.memory_space<vmem>>, vector<1x16xf32>,
        %get3A_1350 = vector.shape_cast %get3A_1349 : vector<1x16xf32> to vector<16xf32>
        %add3A_1351 = arith.addf %add3A_1323, %get3A_1350 : vector<16xf32>
        %add3A_1352 = arith.constant 6 : i32
        %add3A_1353 = arith.addi %add3A_1176, %add3A_1352 : i32
        %get3A_1354 = arith.index_cast %add3A_1353 : i32 to index
        %get3A_1355 = arith.constant 16 : index
        %get3A_1356 = tpu.vector_load %arg6[%get3A_1354, %get3A_1355] {strides = array<i32>} : memref<400x64xf32, #tpu.memory_space<vmem>>, vector<1x16xf32>,
        %get3A_1357 = vector.shape_cast %get3A_1356 : vector<1x16xf32> to vector<16xf32>
        %add3A_1358 = arith.addf %add3A_1330, %get3A_1357 : vector<16xf32>
        %add3A_1359 = arith.constant 6 : i32
        %add3A_1360 = arith.addi %add3A_1176, %add3A_1359 : i32
        %get3A_1361 = arith.index_cast %add3A_1360 : i32 to index
        %get3A_1362 = arith.constant 32 : index
        %get3A_1363 = tpu.vector_load %arg6[%get3A_1361, %get3A_1362] {strides = array<i32>} : memref<400x64xf32, #tpu.memory_space<vmem>>, vector<1x16xf32>,
        %get3A_1364 = vector.shape_cast %get3A_1363 : vector<1x16xf32> to vector<16xf32>
        %add3A_1365 = arith.addf %add3A_1337, %get3A_1364 : vector<16xf32>
        %add3A_1366 = arith.constant 6 : i32
        %add3A_1367 = arith.addi %add3A_1176, %add3A_1366 : i32
        %get3A_1368 = arith.index_cast %add3A_1367 : i32 to index
        %get3A_1369 = arith.constant 48 : index
        %get3A_1370 = tpu.vector_load %arg6[%get3A_1368, %get3A_1369] {strides = array<i32>} : memref<400x64xf32, #tpu.memory_space<vmem>>, vector<1x16xf32>,
        %get3A_1371 = vector.shape_cast %get3A_1370 : vector<1x16xf32> to vector<16xf32>
        %add3A_1372 = arith.addf %add3A_1344, %get3A_1371 : vector<16xf32>
        scf.yield %add3A_1351, %add3A_1358, %add3A_1365, %add3A_1372 : vector<16xf32>, vector<16xf32>, vector<16xf32>, vector<16xf32>
      }
      %scan3A_346 = arith.constant 7 : i32
      %swap3A_347 = arith.constant 1 : i32
      %swap3A_348 = arith.index_cast %swap3A_347 : i32 to index
      %swap3A_349 = arith.constant 0 : index
      %swap3A_350 = tpu.vector_load %arg8[%swap3A_348, %swap3A_349] {strides = array<i32>} : memref<8x128xf32, #tpu.memory_space<vmem>>, vector<1x16xf32>,
      %swap3A_351 = vector.shape_cast %swap3A_350 : vector<1x16xf32> to vector<16xf32>
      %swap3A_352 = vector.shape_cast %scan3A_345#0 : vector<16xf32> to vector<1x16xf32>
      tpu.vector_store %arg8[%swap3A_348, %swap3A_349], %swap3A_352 {strides = array<i32>} : memref<8x128xf32, #tpu.memory_space<vmem>>, vector<1x16xf32>,
      %swap3A_353 = arith.constant 1 : i32
      %swap3A_354 = arith.index_cast %swap3A_353 : i32 to index
      %swap3A_355 = arith.constant 16 : index
      %swap3A_356 = tpu.vector_load %arg8[%swap3A_354, %swap3A_355] {strides = array<i32>} : memref<8x128xf32, #tpu.memory_space<vmem>>, vector<1x16xf32>,
      %swap3A_357 = vector.shape_cast %swap3A_356 : vector<1x16xf32> to vector<16xf32>
      %swap3A_358 = vector.shape_cast %scan3A_345#1 : vector<16xf32> to vector<1x16xf32>
      tpu.vector_store %arg8[%swap3A_354, %swap3A_355], %swap3A_358 {strides = array<i32>} : memref<8x128xf32, #tpu.memory_space<vmem>>, vector<1x16xf32>,
      %swap3A_359 = arith.constant 1 : i32
      %swap3A_360 = arith.index_cast %swap3A_359 : i32 to index
      %swap3A_361 = arith.constant 32 : index
      %swap3A_362 = tpu.vector_load %arg8[%swap3A_360, %swap3A_361] {strides = array<i32>} : memref<8x128xf32, #tpu.memory_space<vmem>>, vector<1x16xf32>,
      %swap3A_363 = vector.shape_cast %swap3A_362 : vector<1x16xf32> to vector<16xf32>
      %swap3A_364 = vector.shape_cast %scan3A_345#2 : vector<16xf32> to vector<1x16xf32>
      tpu.vector_store %arg8[%swap3A_360, %swap3A_361], %swap3A_364 {strides = array<i32>} : memref<8x128xf32, #tpu.memory_space<vmem>>, vector<1x16xf32>,
      %swap3A_365 = arith.constant 1 : i32
      %swap3A_366 = arith.index_cast %swap3A_365 : i32 to index
      %swap3A_367 = arith.constant 48 : index
      %swap3A_368 = tpu.vector_load %arg8[%swap3A_366, %swap3A_367] {strides = array<i32>} : memref<8x128xf32, #tpu.memory_space<vmem>>, vector<1x16xf32>,
      %swap3A_369 = vector.shape_cast %swap3A_368 : vector<1x16xf32> to vector<16xf32>
      %swap3A_370 = vector.shape_cast %scan3A_345#3 : vector<16xf32> to vector<1x16xf32>
      tpu.vector_store %arg8[%swap3A_366, %swap3A_367], %swap3A_370 {strides = array<i32>} : memref<8x128xf32, #tpu.memory_space<vmem>>, vector<1x16xf32>,
      %get3A_371 = arith.constant 100 : i32
      %get3A_372 = arith.index_cast %get3A_371 : i32 to index
      %get3A_373 = arith.constant 0 : index
      %get3A_374 = tpu.vector_load %arg6[%get3A_372, %get3A_373] {strides = array<i32>} : memref<400x64xf32, #tpu.memory_space<vmem>>, vector<1x16xf32>,
      %get3A_375 = vector.shape_cast %get3A_374 : vector<1x16xf32> to vector<16xf32>
      %get3A_376 = arith.constant 100 : i32
      %get3A_377 = arith.index_cast %get3A_376 : i32 to index
      %get3A_378 = arith.constant 16 : index
      %get3A_379 = tpu.vector_load %arg6[%get3A_377, %get3A_378] {strides = array<i32>} : memref<400x64xf32, #tpu.memory_space<vmem>>, vector<1x16xf32>,
      %get3A_380 = vector.shape_cast %get3A_379 : vector<1x16xf32> to vector<16xf32>
      %get3A_381 = arith.constant 100 : i32
      %get3A_382 = arith.index_cast %get3A_381 : i32 to index
      %get3A_383 = arith.constant 32 : index
      %get3A_384 = tpu.vector_load %arg6[%get3A_382, %get3A_383] {strides = array<i32>} : memref<400x64xf32, #tpu.memory_space<vmem>>, vector<1x16xf32>,
      %get3A_385 = vector.shape_cast %get3A_384 : vector<1x16xf32> to vector<16xf32>
      %get3A_386 = arith.constant 100 : i32
      %get3A_387 = arith.index_cast %get3A_386 : i32 to index
      %get3A_388 = arith.constant 48 : index
      %get3A_389 = tpu.vector_load %arg6[%get3A_387, %get3A_388] {strides = array<i32>} : memref<400x64xf32, #tpu.memory_space<vmem>>, vector<1x16xf32>,
      %get3A_390 = vector.shape_cast %get3A_389 : vector<1x16xf32> to vector<16xf32>
      %scan3A_391 = arith.constant 0 : i32
      %scan3A_392 = arith.constant 7 : i32
      %scan3A_393 = arith.addi %scan3A_391, %scan3A_392 : i32
      %scan3A_394 = arith.constant 1 : i32
      %scan3A_395:4 = scf.for %scan3A_1168 = %scan3A_391 to %scan3A_393 step %scan3A_394 iter_args(%scan3A_1169 = %get3A_375, %scan3A_1170 = %get3A_380, %scan3A_1171 = %get3A_385, %scan3A_1172 = %get3A_390) -> (vector<16xf32>, vector<16xf32>, vector<16xf32>, vector<16xf32>)  : i32 {
        %mul3A_1173 = arith.constant 7 : i32
        %mul3A_1174 = arith.muli %scan3A_1168, %mul3A_1173 : i32
        %add3A_1175 = arith.constant 101 : i32
        %add3A_1176 = arith.addi %add3A_1175, %mul3A_1174 : i32
        %add3A_1177 = arith.constant 0 : i32
        %add3A_1178 = arith.addi %add3A_1176, %add3A_1177 : i32
        %get3A_1179 = arith.index_cast %add3A_1178 : i32 to index
        %get3A_1180 = arith.constant 0 : index
        %get3A_1181 = tpu.vector_load %arg6[%get3A_1179, %get3A_1180] {strides = array<i32>} : memref<400x64xf32, #tpu.memory_space<vmem>>, vector<1x16xf32>,
        %get3A_1182 = vector.shape_cast %get3A_1181 : vector<1x16xf32> to vector<16xf32>
        %add3A_1183 = arith.addf %scan3A_1169, %get3A_1182 : vector<16xf32>
        %add3A_1184 = arith.constant 0 : i32
        %add3A_1185 = arith.addi %add3A_1176, %add3A_1184 : i32
        %get3A_1186 = arith.index_cast %add3A_1185 : i32 to index
        %get3A_1187 = arith.constant 16 : index
        %get3A_1188 = tpu.vector_load %arg6[%get3A_1186, %get3A_1187] {strides = array<i32>} : memref<400x64xf32, #tpu.memory_space<vmem>>, vector<1x16xf32>,
        %get3A_1189 = vector.shape_cast %get3A_1188 : vector<1x16xf32> to vector<16xf32>
        %add3A_1190 = arith.addf %scan3A_1170, %get3A_1189 : vector<16xf32>
        %add3A_1191 = arith.constant 0 : i32
        %add3A_1192 = arith.addi %add3A_1176, %add3A_1191 : i32
        %get3A_1193 = arith.index_cast %add3A_1192 : i32 to index
        %get3A_1194 = arith.constant 32 : index
        %get3A_1195 = tpu.vector_load %arg6[%get3A_1193, %get3A_1194] {strides = array<i32>} : memref<400x64xf32, #tpu.memory_space<vmem>>, vector<1x16xf32>,
        %get3A_1196 = vector.shape_cast %get3A_1195 : vector<1x16xf32> to vector<16xf32>
        %add3A_1197 = arith.addf %scan3A_1171, %get3A_1196 : vector<16xf32>
        %add3A_1198 = arith.constant 0 : i32
        %add3A_1199 = arith.addi %add3A_1176, %add3A_1198 : i32
        %get3A_1200 = arith.index_cast %add3A_1199 : i32 to index
        %get3A_1201 = arith.constant 48 : index
        %get3A_1202 = tpu.vector_load %arg6[%get3A_1200, %get3A_1201] {strides = array<i32>} : memref<400x64xf32, #tpu.memory_space<vmem>>, vector<1x16xf32>,
        %get3A_1203 = vector.shape_cast %get3A_1202 : vector<1x16xf32> to vector<16xf32>
        %add3A_1204 = arith.addf %scan3A_1172, %get3A_1203 : vector<16xf32>
        %add3A_1205 = arith.constant 1 : i32
        %add3A_1206 = arith.addi %add3A_1176, %add3A_1205 : i32
        %get3A_1207 = arith.index_cast %add3A_1206 : i32 to index
        %get3A_1208 = arith.constant 0 : index
        %get3A_1209 = tpu.vector_load %arg6[%get3A_1207, %get3A_1208] {strides = array<i32>} : memref<400x64xf32, #tpu.memory_space<vmem>>, vector<1x16xf32>,
        %get3A_1210 = vector.shape_cast %get3A_1209 : vector<1x16xf32> to vector<16xf32>
        %add3A_1211 = arith.addf %add3A_1183, %get3A_1210 : vector<16xf32>
        %add3A_1212 = arith.constant 1 : i32
        %add3A_1213 = arith.addi %add3A_1176, %add3A_1212 : i32
        %get3A_1214 = arith.index_cast %add3A_1213 : i32 to index
        %get3A_1215 = arith.constant 16 : index
        %get3A_1216 = tpu.vector_load %arg6[%get3A_1214, %get3A_1215] {strides = array<i32>} : memref<400x64xf32, #tpu.memory_space<vmem>>, vector<1x16xf32>,
        %get3A_1217 = vector.shape_cast %get3A_1216 : vector<1x16xf32> to vector<16xf32>
        %add3A_1218 = arith.addf %add3A_1190, %get3A_1217 : vector<16xf32>
        %add3A_1219 = arith.constant 1 : i32
        %add3A_1220 = arith.addi %add3A_1176, %add3A_1219 : i32
        %get3A_1221 = arith.index_cast %add3A_1220 : i32 to index
        %get3A_1222 = arith.constant 32 : index
        %get3A_1223 = tpu.vector_load %arg6[%get3A_1221, %get3A_1222] {strides = array<i32>} : memref<400x64xf32, #tpu.memory_space<vmem>>, vector<1x16xf32>,
        %get3A_1224 = vector.shape_cast %get3A_1223 : vector<1x16xf32> to vector<16xf32>
        %add3A_1225 = arith.addf %add3A_1197, %get3A_1224 : vector<16xf32>
        %add3A_1226 = arith.constant 1 : i32
        %add3A_1227 = arith.addi %add3A_1176, %add3A_1226 : i32
        %get3A_1228 = arith.index_cast %add3A_1227 : i32 to index
        %get3A_1229 = arith.constant 48 : index
        %get3A_1230 = tpu.vector_load %arg6[%get3A_1228, %get3A_1229] {strides = array<i32>} : memref<400x64xf32, #tpu.memory_space<vmem>>, vector<1x16xf32>,
        %get3A_1231 = vector.shape_cast %get3A_1230 : vector<1x16xf32> to vector<16xf32>
        %add3A_1232 = arith.addf %add3A_1204, %get3A_1231 : vector<16xf32>
        %add3A_1233 = arith.constant 2 : i32
        %add3A_1234 = arith.addi %add3A_1176, %add3A_1233 : i32
        %get3A_1235 = arith.index_cast %add3A_1234 : i32 to index
        %get3A_1236 = arith.constant 0 : index
        %get3A_1237 = tpu.vector_load %arg6[%get3A_1235, %get3A_1236] {strides = array<i32>} : memref<400x64xf32, #tpu.memory_space<vmem>>, vector<1x16xf32>,
        %get3A_1238 = vector.shape_cast %get3A_1237 : vector<1x16xf32> to vector<16xf32>
        %add3A_1239 = arith.addf %add3A_1211, %get3A_1238 : vector<16xf32>
        %add3A_1240 = arith.constant 2 : i32
        %add3A_1241 = arith.addi %add3A_1176, %add3A_1240 : i32
        %get3A_1242 = arith.index_cast %add3A_1241 : i32 to index
        %get3A_1243 = arith.constant 16 : index
        %get3A_1244 = tpu.vector_load %arg6[%get3A_1242, %get3A_1243] {strides = array<i32>} : memref<400x64xf32, #tpu.memory_space<vmem>>, vector<1x16xf32>,
        %get3A_1245 = vector.shape_cast %get3A_1244 : vector<1x16xf32> to vector<16xf32>
        %add3A_1246 = arith.addf %add3A_1218, %get3A_1245 : vector<16xf32>
        %add3A_1247 = arith.constant 2 : i32
        %add3A_1248 = arith.addi %add3A_1176, %add3A_1247 : i32
        %get3A_1249 = arith.index_cast %add3A_1248 : i32 to index
        %get3A_1250 = arith.constant 32 : index
        %get3A_1251 = tpu.vector_load %arg6[%get3A_1249, %get3A_1250] {strides = array<i32>} : memref<400x64xf32, #tpu.memory_space<vmem>>, vector<1x16xf32>,
        %get3A_1252 = vector.shape_cast %get3A_1251 : vector<1x16xf32> to vector<16xf32>
        %add3A_1253 = arith.addf %add3A_1225, %get3A_1252 : vector<16xf32>
        %add3A_1254 = arith.constant 2 : i32
        %add3A_1255 = arith.addi %add3A_1176, %add3A_1254 : i32
        %get3A_1256 = arith.index_cast %add3A_1255 : i32 to index
        %get3A_1257 = arith.constant 48 : index
        %get3A_1258 = tpu.vector_load %arg6[%get3A_1256, %get3A_1257] {strides = array<i32>} : memref<400x64xf32, #tpu.memory_space<vmem>>, vector<1x16xf32>,
        %get3A_1259 = vector.shape_cast %get3A_1258 : vector<1x16xf32> to vector<16xf32>
        %add3A_1260 = arith.addf %add3A_1232, %get3A_1259 : vector<16xf32>
        %add3A_1261 = arith.constant 3 : i32
        %add3A_1262 = arith.addi %add3A_1176, %add3A_1261 : i32
        %get3A_1263 = arith.index_cast %add3A_1262 : i32 to index
        %get3A_1264 = arith.constant 0 : index
        %get3A_1265 = tpu.vector_load %arg6[%get3A_1263, %get3A_1264] {strides = array<i32>} : memref<400x64xf32, #tpu.memory_space<vmem>>, vector<1x16xf32>,
        %get3A_1266 = vector.shape_cast %get3A_1265 : vector<1x16xf32> to vector<16xf32>
        %add3A_1267 = arith.addf %add3A_1239, %get3A_1266 : vector<16xf32>
        %add3A_1268 = arith.constant 3 : i32
        %add3A_1269 = arith.addi %add3A_1176, %add3A_1268 : i32
        %get3A_1270 = arith.index_cast %add3A_1269 : i32 to index
        %get3A_1271 = arith.constant 16 : index
        %get3A_1272 = tpu.vector_load %arg6[%get3A_1270, %get3A_1271] {strides = array<i32>} : memref<400x64xf32, #tpu.memory_space<vmem>>, vector<1x16xf32>,
        %get3A_1273 = vector.shape_cast %get3A_1272 : vector<1x16xf32> to vector<16xf32>
        %add3A_1274 = arith.addf %add3A_1246, %get3A_1273 : vector<16xf32>
        %add3A_1275 = arith.constant 3 : i32
        %add3A_1276 = arith.addi %add3A_1176, %add3A_1275 : i32
        %get3A_1277 = arith.index_cast %add3A_1276 : i32 to index
        %get3A_1278 = arith.constant 32 : index
        %get3A_1279 = tpu.vector_load %arg6[%get3A_1277, %get3A_1278] {strides = array<i32>} : memref<400x64xf32, #tpu.memory_space<vmem>>, vector<1x16xf32>,
        %get3A_1280 = vector.shape_cast %get3A_1279 : vector<1x16xf32> to vector<16xf32>
        %add3A_1281 = arith.addf %add3A_1253, %get3A_1280 : vector<16xf32>
        %add3A_1282 = arith.constant 3 : i32
        %add3A_1283 = arith.addi %add3A_1176, %add3A_1282 : i32
        %get3A_1284 = arith.index_cast %add3A_1283 : i32 to index
        %get3A_1285 = arith.constant 48 : index
        %get3A_1286 = tpu.vector_load %arg6[%get3A_1284, %get3A_1285] {strides = array<i32>} : memref<400x64xf32, #tpu.memory_space<vmem>>, vector<1x16xf32>,
        %get3A_1287 = vector.shape_cast %get3A_1286 : vector<1x16xf32> to vector<16xf32>
        %add3A_1288 = arith.addf %add3A_1260, %get3A_1287 : vector<16xf32>
        %add3A_1289 = arith.constant 4 : i32
        %add3A_1290 = arith.addi %add3A_1176, %add3A_1289 : i32
        %get3A_1291 = arith.index_cast %add3A_1290 : i32 to index
        %get3A_1292 = arith.constant 0 : index
        %get3A_1293 = tpu.vector_load %arg6[%get3A_1291, %get3A_1292] {strides = array<i32>} : memref<400x64xf32, #tpu.memory_space<vmem>>, vector<1x16xf32>,
        %get3A_1294 = vector.shape_cast %get3A_1293 : vector<1x16xf32> to vector<16xf32>
        %add3A_1295 = arith.addf %add3A_1267, %get3A_1294 : vector<16xf32>
        %add3A_1296 = arith.constant 4 : i32
        %add3A_1297 = arith.addi %add3A_1176, %add3A_1296 : i32
        %get3A_1298 = arith.index_cast %add3A_1297 : i32 to index
        %get3A_1299 = arith.constant 16 : index
        %get3A_1300 = tpu.vector_load %arg6[%get3A_1298, %get3A_1299] {strides = array<i32>} : memref<400x64xf32, #tpu.memory_space<vmem>>, vector<1x16xf32>,
        %get3A_1301 = vector.shape_cast %get3A_1300 : vector<1x16xf32> to vector<16xf32>
        %add3A_1302 = arith.addf %add3A_1274, %get3A_1301 : vector<16xf32>
        %add3A_1303 = arith.constant 4 : i32
        %add3A_1304 = arith.addi %add3A_1176, %add3A_1303 : i32
        %get3A_1305 = arith.index_cast %add3A_1304 : i32 to index
        %get3A_1306 = arith.constant 32 : index
        %get3A_1307 = tpu.vector_load %arg6[%get3A_1305, %get3A_1306] {strides = array<i32>} : memref<400x64xf32, #tpu.memory_space<vmem>>, vector<1x16xf32>,
        %get3A_1308 = vector.shape_cast %get3A_1307 : vector<1x16xf32> to vector<16xf32>
        %add3A_1309 = arith.addf %add3A_1281, %get3A_1308 : vector<16xf32>
        %add3A_1310 = arith.constant 4 : i32
        %add3A_1311 = arith.addi %add3A_1176, %add3A_1310 : i32
        %get3A_1312 = arith.index_cast %add3A_1311 : i32 to index
        %get3A_1313 = arith.constant 48 : index
        %get3A_1314 = tpu.vector_load %arg6[%get3A_1312, %get3A_1313] {strides = array<i32>} : memref<400x64xf32, #tpu.memory_space<vmem>>, vector<1x16xf32>,
        %get3A_1315 = vector.shape_cast %get3A_1314 : vector<1x16xf32> to vector<16xf32>
        %add3A_1316 = arith.addf %add3A_1288, %get3A_1315 : vector<16xf32>
        %add3A_1317 = arith.constant 5 : i32
        %add3A_1318 = arith.addi %add3A_1176, %add3A_1317 : i32
        %get3A_1319 = arith.index_cast %add3A_1318 : i32 to index
        %get3A_1320 = arith.constant 0 : index
        %get3A_1321 = tpu.vector_load %arg6[%get3A_1319, %get3A_1320] {strides = array<i32>} : memref<400x64xf32, #tpu.memory_space<vmem>>, vector<1x16xf32>,
        %get3A_1322 = vector.shape_cast %get3A_1321 : vector<1x16xf32> to vector<16xf32>
        %add3A_1323 = arith.addf %add3A_1295, %get3A_1322 : vector<16xf32>
        %add3A_1324 = arith.constant 5 : i32
        %add3A_1325 = arith.addi %add3A_1176, %add3A_1324 : i32
        %get3A_1326 = arith.index_cast %add3A_1325 : i32 to index
        %get3A_1327 = arith.constant 16 : index
        %get3A_1328 = tpu.vector_load %arg6[%get3A_1326, %get3A_1327] {strides = array<i32>} : memref<400x64xf32, #tpu.memory_space<vmem>>, vector<1x16xf32>,
        %get3A_1329 = vector.shape_cast %get3A_1328 : vector<1x16xf32> to vector<16xf32>
        %add3A_1330 = arith.addf %add3A_1302, %get3A_1329 : vector<16xf32>
        %add3A_1331 = arith.constant 5 : i32
        %add3A_1332 = arith.addi %add3A_1176, %add3A_1331 : i32
        %get3A_1333 = arith.index_cast %add3A_1332 : i32 to index
        %get3A_1334 = arith.constant 32 : index
        %get3A_1335 = tpu.vector_load %arg6[%get3A_1333, %get3A_1334] {strides = array<i32>} : memref<400x64xf32, #tpu.memory_space<vmem>>, vector<1x16xf32>,
        %get3A_1336 = vector.shape_cast %get3A_1335 : vector<1x16xf32> to vector<16xf32>
        %add3A_1337 = arith.addf %add3A_1309, %get3A_1336 : vector<16xf32>
        %add3A_1338 = arith.constant 5 : i32
        %add3A_1339 = arith.addi %add3A_1176, %add3A_1338 : i32
        %get3A_1340 = arith.index_cast %add3A_1339 : i32 to index
        %get3A_1341 = arith.constant 48 : index
        %get3A_1342 = tpu.vector_load %arg6[%get3A_1340, %get3A_1341] {strides = array<i32>} : memref<400x64xf32, #tpu.memory_space<vmem>>, vector<1x16xf32>,
        %get3A_1343 = vector.shape_cast %get3A_1342 : vector<1x16xf32> to vector<16xf32>
        %add3A_1344 = arith.addf %add3A_1316, %get3A_1343 : vector<16xf32>
        %add3A_1345 = arith.constant 6 : i32
        %add3A_1346 = arith.addi %add3A_1176, %add3A_1345 : i32
        %get3A_1347 = arith.index_cast %add3A_1346 : i32 to index
        %get3A_1348 = arith.constant 0 : index
        %get3A_1349 = tpu.vector_load %arg6[%get3A_1347, %get3A_1348] {strides = array<i32>} : memref<400x64xf32, #tpu.memory_space<vmem>>, vector<1x16xf32>,
        %get3A_1350 = vector.shape_cast %get3A_1349 : vector<1x16xf32> to vector<16xf32>
        %add3A_1351 = arith.addf %add3A_1323, %get3A_1350 : vector<16xf32>
        %add3A_1352 = arith.constant 6 : i32
        %add3A_1353 = arith.addi %add3A_1176, %add3A_1352 : i32
        %get3A_1354 = arith.index_cast %add3A_1353 : i32 to index
        %get3A_1355 = arith.constant 16 : index
        %get3A_1356 = tpu.vector_load %arg6[%get3A_1354, %get3A_1355] {strides = array<i32>} : memref<400x64xf32, #tpu.memory_space<vmem>>, vector<1x16xf32>,
        %get3A_1357 = vector.shape_cast %get3A_1356 : vector<1x16xf32> to vector<16xf32>
        %add3A_1358 = arith.addf %add3A_1330, %get3A_1357 : vector<16xf32>
        %add3A_1359 = arith.constant 6 : i32
        %add3A_1360 = arith.addi %add3A_1176, %add3A_1359 : i32
        %get3A_1361 = arith.index_cast %add3A_1360 : i32 to index
        %get3A_1362 = arith.constant 32 : index
        %get3A_1363 = tpu.vector_load %arg6[%get3A_1361, %get3A_1362] {strides = array<i32>} : memref<400x64xf32, #tpu.memory_space<vmem>>, vector<1x16xf32>,
        %get3A_1364 = vector.shape_cast %get3A_1363 : vector<1x16xf32> to vector<16xf32>
        %add3A_1365 = arith.addf %add3A_1337, %get3A_1364 : vector<16xf32>
        %add3A_1366 = arith.constant 6 : i32
        %add3A_1367 = arith.addi %add3A_1176, %add3A_1366 : i32
        %get3A_1368 = arith.index_cast %add3A_1367 : i32 to index
        %get3A_1369 = arith.constant 48 : index
        %get3A_1370 = tpu.vector_load %arg6[%get3A_1368, %get3A_1369] {strides = array<i32>} : memref<400x64xf32, #tpu.memory_space<vmem>>, vector<1x16xf32>,
        %get3A_1371 = vector.shape_cast %get3A_1370 : vector<1x16xf32> to vector<16xf32>
        %add3A_1372 = arith.addf %add3A_1344, %get3A_1371 : vector<16xf32>
        scf.yield %add3A_1351, %add3A_1358, %add3A_1365, %add3A_1372 : vector<16xf32>, vector<16xf32>, vector<16xf32>, vector<16xf32>
      }
      %scan3A_396 = arith.constant 7 : i32
      %swap3A_397 = arith.constant 2 : i32
      %swap3A_398 = arith.index_cast %swap3A_397 : i32 to index
      %swap3A_399 = arith.constant 0 : index
      %swap3A_400 = tpu.vector_load %arg8[%swap3A_398, %swap3A_399] {strides = array<i32>} : memref<8x128xf32, #tpu.memory_space<vmem>>, vector<1x16xf32>,
      %swap3A_401 = vector.shape_cast %swap3A_400 : vector<1x16xf32> to vector<16xf32>
      %swap3A_402 = vector.shape_cast %scan3A_395#0 : vector<16xf32> to vector<1x16xf32>
      tpu.vector_store %arg8[%swap3A_398, %swap3A_399], %swap3A_402 {strides = array<i32>} : memref<8x128xf32, #tpu.memory_space<vmem>>, vector<1x16xf32>,
      %swap3A_403 = arith.constant 2 : i32
      %swap3A_404 = arith.index_cast %swap3A_403 : i32 to index
      %swap3A_405 = arith.constant 16 : index
      %swap3A_406 = tpu.vector_load %arg8[%swap3A_404, %swap3A_405] {strides = array<i32>} : memref<8x128xf32, #tpu.memory_space<vmem>>, vector<1x16xf32>,
      %swap3A_407 = vector.shape_cast %swap3A_406 : vector<1x16xf32> to vector<16xf32>
      %swap3A_408 = vector.shape_cast %scan3A_395#1 : vector<16xf32> to vector<1x16xf32>
      tpu.vector_store %arg8[%swap3A_404, %swap3A_405], %swap3A_408 {strides = array<i32>} : memref<8x128xf32, #tpu.memory_space<vmem>>, vector<1x16xf32>,
      %swap3A_409 = arith.constant 2 : i32
      %swap3A_410 = arith.index_cast %swap3A_409 : i32 to index
      %swap3A_411 = arith.constant 32 : index
      %swap3A_412 = tpu.vector_load %arg8[%swap3A_410, %swap3A_411] {strides = array<i32>} : memref<8x128xf32, #tpu.memory_space<vmem>>, vector<1x16xf32>,
      %swap3A_413 = vector.shape_cast %swap3A_412 : vector<1x16xf32> to vector<16xf32>
      %swap3A_414 = vector.shape_cast %scan3A_395#2 : vector<16xf32> to vector<1x16xf32>
      tpu.vector_store %arg8[%swap3A_410, %swap3A_411], %swap3A_414 {strides = array<i32>} : memref<8x128xf32, #tpu.memory_space<vmem>>, vector<1x16xf32>,
      %swap3A_415 = arith.constant 2 : i32
      %swap3A_416 = arith.index_cast %swap3A_415 : i32 to index
      %swap3A_417 = arith.constant 48 : index
      %swap3A_418 = tpu.vector_load %arg8[%swap3A_416, %swap3A_417] {strides = array<i32>} : memref<8x128xf32, #tpu.memory_space<vmem>>, vector<1x16xf32>,
      %swap3A_419 = vector.shape_cast %swap3A_418 : vector<1x16xf32> to vector<16xf32>
      %swap3A_420 = vector.shape_cast %scan3A_395#3 : vector<16xf32> to vector<1x16xf32>
      tpu.vector_store %arg8[%swap3A_416, %swap3A_417], %swap3A_420 {strides = array<i32>} : memref<8x128xf32, #tpu.memory_space<vmem>>, vector<1x16xf32>,
      %get3A_421 = arith.constant 150 : i32
      %get3A_422 = arith.index_cast %get3A_421 : i32 to index
      %get3A_423 = arith.constant 0 : index
      %get3A_424 = tpu.vector_load %arg6[%get3A_422, %get3A_423] {strides = array<i32>} : memref<400x64xf32, #tpu.memory_space<vmem>>, vector<1x16xf32>,
      %get3A_425 = vector.shape_cast %get3A_424 : vector<1x16xf32> to vector<16xf32>
      %get3A_426 = arith.constant 150 : i32
      %get3A_427 = arith.index_cast %get3A_426 : i32 to index
      %get3A_428 = arith.constant 16 : index
      %get3A_429 = tpu.vector_load %arg6[%get3A_427, %get3A_428] {strides = array<i32>} : memref<400x64xf32, #tpu.memory_space<vmem>>, vector<1x16xf32>,
      %get3A_430 = vector.shape_cast %get3A_429 : vector<1x16xf32> to vector<16xf32>
      %get3A_431 = arith.constant 150 : i32
      %get3A_432 = arith.index_cast %get3A_431 : i32 to index
      %get3A_433 = arith.constant 32 : index
      %get3A_434 = tpu.vector_load %arg6[%get3A_432, %get3A_433] {strides = array<i32>} : memref<400x64xf32, #tpu.memory_space<vmem>>, vector<1x16xf32>,
      %get3A_435 = vector.shape_cast %get3A_434 : vector<1x16xf32> to vector<16xf32>
      %get3A_436 = arith.constant 150 : i32
      %get3A_437 = arith.index_cast %get3A_436 : i32 to index
      %get3A_438 = arith.constant 48 : index
      %get3A_439 = tpu.vector_load %arg6[%get3A_437, %get3A_438] {strides = array<i32>} : memref<400x64xf32, #tpu.memory_space<vmem>>, vector<1x16xf32>,
      %get3A_440 = vector.shape_cast %get3A_439 : vector<1x16xf32> to vector<16xf32>
      %scan3A_441 = arith.constant 0 : i32
      %scan3A_442 = arith.constant 7 : i32
      %scan3A_443 = arith.addi %scan3A_441, %scan3A_442 : i32
      %scan3A_444 = arith.constant 1 : i32
      %scan3A_445:4 = scf.for %scan3A_1168 = %scan3A_441 to %scan3A_443 step %scan3A_444 iter_args(%scan3A_1169 = %get3A_425, %scan3A_1170 = %get3A_430, %scan3A_1171 = %get3A_435, %scan3A_1172 = %get3A_440) -> (vector<16xf32>, vector<16xf32>, vector<16xf32>, vector<16xf32>)  : i32 {
        %mul3A_1173 = arith.constant 7 : i32
        %mul3A_1174 = arith.muli %scan3A_1168, %mul3A_1173 : i32
        %add3A_1175 = arith.constant 151 : i32
        %add3A_1176 = arith.addi %add3A_1175, %mul3A_1174 : i32
        %add3A_1177 = arith.constant 0 : i32
        %add3A_1178 = arith.addi %add3A_1176, %add3A_1177 : i32
        %get3A_1179 = arith.index_cast %add3A_1178 : i32 to index
        %get3A_1180 = arith.constant 0 : index
        %get3A_1181 = tpu.vector_load %arg6[%get3A_1179, %get3A_1180] {strides = array<i32>} : memref<400x64xf32, #tpu.memory_space<vmem>>, vector<1x16xf32>,
        %get3A_1182 = vector.shape_cast %get3A_1181 : vector<1x16xf32> to vector<16xf32>
        %add3A_1183 = arith.addf %scan3A_1169, %get3A_1182 : vector<16xf32>
        %add3A_1184 = arith.constant 0 : i32
        %add3A_1185 = arith.addi %add3A_1176, %add3A_1184 : i32
        %get3A_1186 = arith.index_cast %add3A_1185 : i32 to index
        %get3A_1187 = arith.constant 16 : index
        %get3A_1188 = tpu.vector_load %arg6[%get3A_1186, %get3A_1187] {strides = array<i32>} : memref<400x64xf32, #tpu.memory_space<vmem>>, vector<1x16xf32>,
        %get3A_1189 = vector.shape_cast %get3A_1188 : vector<1x16xf32> to vector<16xf32>
        %add3A_1190 = arith.addf %scan3A_1170, %get3A_1189 : vector<16xf32>
        %add3A_1191 = arith.constant 0 : i32
        %add3A_1192 = arith.addi %add3A_1176, %add3A_1191 : i32
        %get3A_1193 = arith.index_cast %add3A_1192 : i32 to index
        %get3A_1194 = arith.constant 32 : index
        %get3A_1195 = tpu.vector_load %arg6[%get3A_1193, %get3A_1194] {strides = array<i32>} : memref<400x64xf32, #tpu.memory_space<vmem>>, vector<1x16xf32>,
        %get3A_1196 = vector.shape_cast %get3A_1195 : vector<1x16xf32> to vector<16xf32>
        %add3A_1197 = arith.addf %scan3A_1171, %get3A_1196 : vector<16xf32>
        %add3A_1198 = arith.constant 0 : i32
        %add3A_1199 = arith.addi %add3A_1176, %add3A_1198 : i32
        %get3A_1200 = arith.index_cast %add3A_1199 : i32 to index
        %get3A_1201 = arith.constant 48 : index
        %get3A_1202 = tpu.vector_load %arg6[%get3A_1200, %get3A_1201] {strides = array<i32>} : memref<400x64xf32, #tpu.memory_space<vmem>>, vector<1x16xf32>,
        %get3A_1203 = vector.shape_cast %get3A_1202 : vector<1x16xf32> to vector<16xf32>
        %add3A_1204 = arith.addf %scan3A_1172, %get3A_1203 : vector<16xf32>
        %add3A_1205 = arith.constant 1 : i32
        %add3A_1206 = arith.addi %add3A_1176, %add3A_1205 : i32
        %get3A_1207 = arith.index_cast %add3A_1206 : i32 to index
        %get3A_1208 = arith.constant 0 : index
        %get3A_1209 = tpu.vector_load %arg6[%get3A_1207, %get3A_1208] {strides = array<i32>} : memref<400x64xf32, #tpu.memory_space<vmem>>, vector<1x16xf32>,
        %get3A_1210 = vector.shape_cast %get3A_1209 : vector<1x16xf32> to vector<16xf32>
        %add3A_1211 = arith.addf %add3A_1183, %get3A_1210 : vector<16xf32>
        %add3A_1212 = arith.constant 1 : i32
        %add3A_1213 = arith.addi %add3A_1176, %add3A_1212 : i32
        %get3A_1214 = arith.index_cast %add3A_1213 : i32 to index
        %get3A_1215 = arith.constant 16 : index
        %get3A_1216 = tpu.vector_load %arg6[%get3A_1214, %get3A_1215] {strides = array<i32>} : memref<400x64xf32, #tpu.memory_space<vmem>>, vector<1x16xf32>,
        %get3A_1217 = vector.shape_cast %get3A_1216 : vector<1x16xf32> to vector<16xf32>
        %add3A_1218 = arith.addf %add3A_1190, %get3A_1217 : vector<16xf32>
        %add3A_1219 = arith.constant 1 : i32
        %add3A_1220 = arith.addi %add3A_1176, %add3A_1219 : i32
        %get3A_1221 = arith.index_cast %add3A_1220 : i32 to index
        %get3A_1222 = arith.constant 32 : index
        %get3A_1223 = tpu.vector_load %arg6[%get3A_1221, %get3A_1222] {strides = array<i32>} : memref<400x64xf32, #tpu.memory_space<vmem>>, vector<1x16xf32>,
        %get3A_1224 = vector.shape_cast %get3A_1223 : vector<1x16xf32> to vector<16xf32>
        %add3A_1225 = arith.addf %add3A_1197, %get3A_1224 : vector<16xf32>
        %add3A_1226 = arith.constant 1 : i32
        %add3A_1227 = arith.addi %add3A_1176, %add3A_1226 : i32
        %get3A_1228 = arith.index_cast %add3A_1227 : i32 to index
        %get3A_1229 = arith.constant 48 : index
        %get3A_1230 = tpu.vector_load %arg6[%get3A_1228, %get3A_1229] {strides = array<i32>} : memref<400x64xf32, #tpu.memory_space<vmem>>, vector<1x16xf32>,
        %get3A_1231 = vector.shape_cast %get3A_1230 : vector<1x16xf32> to vector<16xf32>
        %add3A_1232 = arith.addf %add3A_1204, %get3A_1231 : vector<16xf32>
        %add3A_1233 = arith.constant 2 : i32
        %add3A_1234 = arith.addi %add3A_1176, %add3A_1233 : i32
        %get3A_1235 = arith.index_cast %add3A_1234 : i32 to index
        %get3A_1236 = arith.constant 0 : index
        %get3A_1237 = tpu.vector_load %arg6[%get3A_1235, %get3A_1236] {strides = array<i32>} : memref<400x64xf32, #tpu.memory_space<vmem>>, vector<1x16xf32>,
        %get3A_1238 = vector.shape_cast %get3A_1237 : vector<1x16xf32> to vector<16xf32>
        %add3A_1239 = arith.addf %add3A_1211, %get3A_1238 : vector<16xf32>
        %add3A_1240 = arith.constant 2 : i32
        %add3A_1241 = arith.addi %add3A_1176, %add3A_1240 : i32
        %get3A_1242 = arith.index_cast %add3A_1241 : i32 to index
        %get3A_1243 = arith.constant 16 : index
        %get3A_1244 = tpu.vector_load %arg6[%get3A_1242, %get3A_1243] {strides = array<i32>} : memref<400x64xf32, #tpu.memory_space<vmem>>, vector<1x16xf32>,
        %get3A_1245 = vector.shape_cast %get3A_1244 : vector<1x16xf32> to vector<16xf32>
        %add3A_1246 = arith.addf %add3A_1218, %get3A_1245 : vector<16xf32>
        %add3A_1247 = arith.constant 2 : i32
        %add3A_1248 = arith.addi %add3A_1176, %add3A_1247 : i32
        %get3A_1249 = arith.index_cast %add3A_1248 : i32 to index
        %get3A_1250 = arith.constant 32 : index
        %get3A_1251 = tpu.vector_load %arg6[%get3A_1249, %get3A_1250] {strides = array<i32>} : memref<400x64xf32, #tpu.memory_space<vmem>>, vector<1x16xf32>,
        %get3A_1252 = vector.shape_cast %get3A_1251 : vector<1x16xf32> to vector<16xf32>
        %add3A_1253 = arith.addf %add3A_1225, %get3A_1252 : vector<16xf32>
        %add3A_1254 = arith.constant 2 : i32
        %add3A_1255 = arith.addi %add3A_1176, %add3A_1254 : i32
        %get3A_1256 = arith.index_cast %add3A_1255 : i32 to index
        %get3A_1257 = arith.constant 48 : index
        %get3A_1258 = tpu.vector_load %arg6[%get3A_1256, %get3A_1257] {strides = array<i32>} : memref<400x64xf32, #tpu.memory_space<vmem>>, vector<1x16xf32>,
        %get3A_1259 = vector.shape_cast %get3A_1258 : vector<1x16xf32> to vector<16xf32>
        %add3A_1260 = arith.addf %add3A_1232, %get3A_1259 : vector<16xf32>
        %add3A_1261 = arith.constant 3 : i32
        %add3A_1262 = arith.addi %add3A_1176, %add3A_1261 : i32
        %get3A_1263 = arith.index_cast %add3A_1262 : i32 to index
        %get3A_1264 = arith.constant 0 : index
        %get3A_1265 = tpu.vector_load %arg6[%get3A_1263, %get3A_1264] {strides = array<i32>} : memref<400x64xf32, #tpu.memory_space<vmem>>, vector<1x16xf32>,
        %get3A_1266 = vector.shape_cast %get3A_1265 : vector<1x16xf32> to vector<16xf32>
        %add3A_1267 = arith.addf %add3A_1239, %get3A_1266 : vector<16xf32>
        %add3A_1268 = arith.constant 3 : i32
        %add3A_1269 = arith.addi %add3A_1176, %add3A_1268 : i32
        %get3A_1270 = arith.index_cast %add3A_1269 : i32 to index
        %get3A_1271 = arith.constant 16 : index
        %get3A_1272 = tpu.vector_load %arg6[%get3A_1270, %get3A_1271] {strides = array<i32>} : memref<400x64xf32, #tpu.memory_space<vmem>>, vector<1x16xf32>,
        %get3A_1273 = vector.shape_cast %get3A_1272 : vector<1x16xf32> to vector<16xf32>
        %add3A_1274 = arith.addf %add3A_1246, %get3A_1273 : vector<16xf32>
        %add3A_1275 = arith.constant 3 : i32
        %add3A_1276 = arith.addi %add3A_1176, %add3A_1275 : i32
        %get3A_1277 = arith.index_cast %add3A_1276 : i32 to index
        %get3A_1278 = arith.constant 32 : index
        %get3A_1279 = tpu.vector_load %arg6[%get3A_1277, %get3A_1278] {strides = array<i32>} : memref<400x64xf32, #tpu.memory_space<vmem>>, vector<1x16xf32>,
        %get3A_1280 = vector.shape_cast %get3A_1279 : vector<1x16xf32> to vector<16xf32>
        %add3A_1281 = arith.addf %add3A_1253, %get3A_1280 : vector<16xf32>
        %add3A_1282 = arith.constant 3 : i32
        %add3A_1283 = arith.addi %add3A_1176, %add3A_1282 : i32
        %get3A_1284 = arith.index_cast %add3A_1283 : i32 to index
        %get3A_1285 = arith.constant 48 : index
        %get3A_1286 = tpu.vector_load %arg6[%get3A_1284, %get3A_1285] {strides = array<i32>} : memref<400x64xf32, #tpu.memory_space<vmem>>, vector<1x16xf32>,
        %get3A_1287 = vector.shape_cast %get3A_1286 : vector<1x16xf32> to vector<16xf32>
        %add3A_1288 = arith.addf %add3A_1260, %get3A_1287 : vector<16xf32>
        %add3A_1289 = arith.constant 4 : i32
        %add3A_1290 = arith.addi %add3A_1176, %add3A_1289 : i32
        %get3A_1291 = arith.index_cast %add3A_1290 : i32 to index
        %get3A_1292 = arith.constant 0 : index
        %get3A_1293 = tpu.vector_load %arg6[%get3A_1291, %get3A_1292] {strides = array<i32>} : memref<400x64xf32, #tpu.memory_space<vmem>>, vector<1x16xf32>,
        %get3A_1294 = vector.shape_cast %get3A_1293 : vector<1x16xf32> to vector<16xf32>
        %add3A_1295 = arith.addf %add3A_1267, %get3A_1294 : vector<16xf32>
        %add3A_1296 = arith.constant 4 : i32
        %add3A_1297 = arith.addi %add3A_1176, %add3A_1296 : i32
        %get3A_1298 = arith.index_cast %add3A_1297 : i32 to index
        %get3A_1299 = arith.constant 16 : index
        %get3A_1300 = tpu.vector_load %arg6[%get3A_1298, %get3A_1299] {strides = array<i32>} : memref<400x64xf32, #tpu.memory_space<vmem>>, vector<1x16xf32>,
        %get3A_1301 = vector.shape_cast %get3A_1300 : vector<1x16xf32> to vector<16xf32>
        %add3A_1302 = arith.addf %add3A_1274, %get3A_1301 : vector<16xf32>
        %add3A_1303 = arith.constant 4 : i32
        %add3A_1304 = arith.addi %add3A_1176, %add3A_1303 : i32
        %get3A_1305 = arith.index_cast %add3A_1304 : i32 to index
        %get3A_1306 = arith.constant 32 : index
        %get3A_1307 = tpu.vector_load %arg6[%get3A_1305, %get3A_1306] {strides = array<i32>} : memref<400x64xf32, #tpu.memory_space<vmem>>, vector<1x16xf32>,
        %get3A_1308 = vector.shape_cast %get3A_1307 : vector<1x16xf32> to vector<16xf32>
        %add3A_1309 = arith.addf %add3A_1281, %get3A_1308 : vector<16xf32>
        %add3A_1310 = arith.constant 4 : i32
        %add3A_1311 = arith.addi %add3A_1176, %add3A_1310 : i32
        %get3A_1312 = arith.index_cast %add3A_1311 : i32 to index
        %get3A_1313 = arith.constant 48 : index
        %get3A_1314 = tpu.vector_load %arg6[%get3A_1312, %get3A_1313] {strides = array<i32>} : memref<400x64xf32, #tpu.memory_space<vmem>>, vector<1x16xf32>,
        %get3A_1315 = vector.shape_cast %get3A_1314 : vector<1x16xf32> to vector<16xf32>
        %add3A_1316 = arith.addf %add3A_1288, %get3A_1315 : vector<16xf32>
        %add3A_1317 = arith.constant 5 : i32
        %add3A_1318 = arith.addi %add3A_1176, %add3A_1317 : i32
        %get3A_1319 = arith.index_cast %add3A_1318 : i32 to index
        %get3A_1320 = arith.constant 0 : index
        %get3A_1321 = tpu.vector_load %arg6[%get3A_1319, %get3A_1320] {strides = array<i32>} : memref<400x64xf32, #tpu.memory_space<vmem>>, vector<1x16xf32>,
        %get3A_1322 = vector.shape_cast %get3A_1321 : vector<1x16xf32> to vector<16xf32>
        %add3A_1323 = arith.addf %add3A_1295, %get3A_1322 : vector<16xf32>
        %add3A_1324 = arith.constant 5 : i32
        %add3A_1325 = arith.addi %add3A_1176, %add3A_1324 : i32
        %get3A_1326 = arith.index_cast %add3A_1325 : i32 to index
        %get3A_1327 = arith.constant 16 : index
        %get3A_1328 = tpu.vector_load %arg6[%get3A_1326, %get3A_1327] {strides = array<i32>} : memref<400x64xf32, #tpu.memory_space<vmem>>, vector<1x16xf32>,
        %get3A_1329 = vector.shape_cast %get3A_1328 : vector<1x16xf32> to vector<16xf32>
        %add3A_1330 = arith.addf %add3A_1302, %get3A_1329 : vector<16xf32>
        %add3A_1331 = arith.constant 5 : i32
        %add3A_1332 = arith.addi %add3A_1176, %add3A_1331 : i32
        %get3A_1333 = arith.index_cast %add3A_1332 : i32 to index
        %get3A_1334 = arith.constant 32 : index
        %get3A_1335 = tpu.vector_load %arg6[%get3A_1333, %get3A_1334] {strides = array<i32>} : memref<400x64xf32, #tpu.memory_space<vmem>>, vector<1x16xf32>,
        %get3A_1336 = vector.shape_cast %get3A_1335 : vector<1x16xf32> to vector<16xf32>
        %add3A_1337 = arith.addf %add3A_1309, %get3A_1336 : vector<16xf32>
        %add3A_1338 = arith.constant 5 : i32
        %add3A_1339 = arith.addi %add3A_1176, %add3A_1338 : i32
        %get3A_1340 = arith.index_cast %add3A_1339 : i32 to index
        %get3A_1341 = arith.constant 48 : index
        %get3A_1342 = tpu.vector_load %arg6[%get3A_1340, %get3A_1341] {strides = array<i32>} : memref<400x64xf32, #tpu.memory_space<vmem>>, vector<1x16xf32>,
        %get3A_1343 = vector.shape_cast %get3A_1342 : vector<1x16xf32> to vector<16xf32>
        %add3A_1344 = arith.addf %add3A_1316, %get3A_1343 : vector<16xf32>
        %add3A_1345 = arith.constant 6 : i32
        %add3A_1346 = arith.addi %add3A_1176, %add3A_1345 : i32
        %get3A_1347 = arith.index_cast %add3A_1346 : i32 to index
        %get3A_1348 = arith.constant 0 : index
        %get3A_1349 = tpu.vector_load %arg6[%get3A_1347, %get3A_1348] {strides = array<i32>} : memref<400x64xf32, #tpu.memory_space<vmem>>, vector<1x16xf32>,
        %get3A_1350 = vector.shape_cast %get3A_1349 : vector<1x16xf32> to vector<16xf32>
        %add3A_1351 = arith.addf %add3A_1323, %get3A_1350 : vector<16xf32>
        %add3A_1352 = arith.constant 6 : i32
        %add3A_1353 = arith.addi %add3A_1176, %add3A_1352 : i32
        %get3A_1354 = arith.index_cast %add3A_1353 : i32 to index
        %get3A_1355 = arith.constant 16 : index
        %get3A_1356 = tpu.vector_load %arg6[%get3A_1354, %get3A_1355] {strides = array<i32>} : memref<400x64xf32, #tpu.memory_space<vmem>>, vector<1x16xf32>,
        %get3A_1357 = vector.shape_cast %get3A_1356 : vector<1x16xf32> to vector<16xf32>
        %add3A_1358 = arith.addf %add3A_1330, %get3A_1357 : vector<16xf32>
        %add3A_1359 = arith.constant 6 : i32
        %add3A_1360 = arith.addi %add3A_1176, %add3A_1359 : i32
        %get3A_1361 = arith.index_cast %add3A_1360 : i32 to index
        %get3A_1362 = arith.constant 32 : index
        %get3A_1363 = tpu.vector_load %arg6[%get3A_1361, %get3A_1362] {strides = array<i32>} : memref<400x64xf32, #tpu.memory_space<vmem>>, vector<1x16xf32>,
        %get3A_1364 = vector.shape_cast %get3A_1363 : vector<1x16xf32> to vector<16xf32>
        %add3A_1365 = arith.addf %add3A_1337, %get3A_1364 : vector<16xf32>
        %add3A_1366 = arith.constant 6 : i32
        %add3A_1367 = arith.addi %add3A_1176, %add3A_1366 : i32
        %get3A_1368 = arith.index_cast %add3A_1367 : i32 to index
        %get3A_1369 = arith.constant 48 : index
        %get3A_1370 = tpu.vector_load %arg6[%get3A_1368, %get3A_1369] {strides = array<i32>} : memref<400x64xf32, #tpu.memory_space<vmem>>, vector<1x16xf32>,
        %get3A_1371 = vector.shape_cast %get3A_1370 : vector<1x16xf32> to vector<16xf32>
        %add3A_1372 = arith.addf %add3A_1344, %get3A_1371 : vector<16xf32>
        scf.yield %add3A_1351, %add3A_1358, %add3A_1365, %add3A_1372 : vector<16xf32>, vector<16xf32>, vector<16xf32>, vector<16xf32>
      }
      %scan3A_446 = arith.constant 7 : i32
      %swap3A_447 = arith.constant 3 : i32
      %swap3A_448 = arith.index_cast %swap3A_447 : i32 to index
      %swap3A_449 = arith.constant 0 : index
      %swap3A_450 = tpu.vector_load %arg8[%swap3A_448, %swap3A_449] {strides = array<i32>} : memref<8x128xf32, #tpu.memory_space<vmem>>, vector<1x16xf32>,
      %swap3A_451 = vector.shape_cast %swap3A_450 : vector<1x16xf32> to vector<16xf32>
      %swap3A_452 = vector.shape_cast %scan3A_445#0 : vector<16xf32> to vector<1x16xf32>
      tpu.vector_store %arg8[%swap3A_448, %swap3A_449], %swap3A_452 {strides = array<i32>} : memref<8x128xf32, #tpu.memory_space<vmem>>, vector<1x16xf32>,
      %swap3A_453 = arith.constant 3 : i32
      %swap3A_454 = arith.index_cast %swap3A_453 : i32 to index
      %swap3A_455 = arith.constant 16 : index
      %swap3A_456 = tpu.vector_load %arg8[%swap3A_454, %swap3A_455] {strides = array<i32>} : memref<8x128xf32, #tpu.memory_space<vmem>>, vector<1x16xf32>,
      %swap3A_457 = vector.shape_cast %swap3A_456 : vector<1x16xf32> to vector<16xf32>
      %swap3A_458 = vector.shape_cast %scan3A_445#1 : vector<16xf32> to vector<1x16xf32>
      tpu.vector_store %arg8[%swap3A_454, %swap3A_455], %swap3A_458 {strides = array<i32>} : memref<8x128xf32, #tpu.memory_space<vmem>>, vector<1x16xf32>,
      %swap3A_459 = arith.constant 3 : i32
      %swap3A_460 = arith.index_cast %swap3A_459 : i32 to index
      %swap3A_461 = arith.constant 32 : index
      %swap3A_462 = tpu.vector_load %arg8[%swap3A_460, %swap3A_461] {strides = array<i32>} : memref<8x128xf32, #tpu.memory_space<vmem>>, vector<1x16xf32>,
      %swap3A_463 = vector.shape_cast %swap3A_462 : vector<1x16xf32> to vector<16xf32>
      %swap3A_464 = vector.shape_cast %scan3A_445#2 : vector<16xf32> to vector<1x16xf32>
      tpu.vector_store %arg8[%swap3A_460, %swap3A_461], %swap3A_464 {strides = array<i32>} : memref<8x128xf32, #tpu.memory_space<vmem>>, vector<1x16xf32>,
      %swap3A_465 = arith.constant 3 : i32
      %swap3A_466 = arith.index_cast %swap3A_465 : i32 to index
      %swap3A_467 = arith.constant 48 : index
      %swap3A_468 = tpu.vector_load %arg8[%swap3A_466, %swap3A_467] {strides = array<i32>} : memref<8x128xf32, #tpu.memory_space<vmem>>, vector<1x16xf32>,
      %swap3A_469 = vector.shape_cast %swap3A_468 : vector<1x16xf32> to vector<16xf32>
      %swap3A_470 = vector.shape_cast %scan3A_445#3 : vector<16xf32> to vector<1x16xf32>
      tpu.vector_store %arg8[%swap3A_466, %swap3A_467], %swap3A_470 {strides = array<i32>} : memref<8x128xf32, #tpu.memory_space<vmem>>, vector<1x16xf32>,
      %get3A_471 = arith.constant 200 : i32
      %get3A_472 = arith.index_cast %get3A_471 : i32 to index
      %get3A_473 = arith.constant 0 : index
      %get3A_474 = tpu.vector_load %arg6[%get3A_472, %get3A_473] {strides = array<i32>} : memref<400x64xf32, #tpu.memory_space<vmem>>, vector<1x16xf32>,
      %get3A_475 = vector.shape_cast %get3A_474 : vector<1x16xf32> to vector<16xf32>
      %get3A_476 = arith.constant 200 : i32
      %get3A_477 = arith.index_cast %get3A_476 : i32 to index
      %get3A_478 = arith.constant 16 : index
      %get3A_479 = tpu.vector_load %arg6[%get3A_477, %get3A_478] {strides = array<i32>} : memref<400x64xf32, #tpu.memory_space<vmem>>, vector<1x16xf32>,
      %get3A_480 = vector.shape_cast %get3A_479 : vector<1x16xf32> to vector<16xf32>
      %get3A_481 = arith.constant 200 : i32
      %get3A_482 = arith.index_cast %get3A_481 : i32 to index
      %get3A_483 = arith.constant 32 : index
      %get3A_484 = tpu.vector_load %arg6[%get3A_482, %get3A_483] {strides = array<i32>} : memref<400x64xf32, #tpu.memory_space<vmem>>, vector<1x16xf32>,
      %get3A_485 = vector.shape_cast %get3A_484 : vector<1x16xf32> to vector<16xf32>
      %get3A_486 = arith.constant 200 : i32
      %get3A_487 = arith.index_cast %get3A_486 : i32 to index
      %get3A_488 = arith.constant 48 : index
      %get3A_489 = tpu.vector_load %arg6[%get3A_487, %get3A_488] {strides = array<i32>} : memref<400x64xf32, #tpu.memory_space<vmem>>, vector<1x16xf32>,
      %get3A_490 = vector.shape_cast %get3A_489 : vector<1x16xf32> to vector<16xf32>
      %scan3A_491 = arith.constant 0 : i32
      %scan3A_492 = arith.constant 7 : i32
      %scan3A_493 = arith.addi %scan3A_491, %scan3A_492 : i32
      %scan3A_494 = arith.constant 1 : i32
      %scan3A_495:4 = scf.for %scan3A_1168 = %scan3A_491 to %scan3A_493 step %scan3A_494 iter_args(%scan3A_1169 = %get3A_475, %scan3A_1170 = %get3A_480, %scan3A_1171 = %get3A_485, %scan3A_1172 = %get3A_490) -> (vector<16xf32>, vector<16xf32>, vector<16xf32>, vector<16xf32>)  : i32 {
        %mul3A_1173 = arith.constant 7 : i32
        %mul3A_1174 = arith.muli %scan3A_1168, %mul3A_1173 : i32
        %add3A_1175 = arith.constant 201 : i32
        %add3A_1176 = arith.addi %add3A_1175, %mul3A_1174 : i32
        %add3A_1177 = arith.constant 0 : i32
        %add3A_1178 = arith.addi %add3A_1176, %add3A_1177 : i32
        %get3A_1179 = arith.index_cast %add3A_1178 : i32 to index
        %get3A_1180 = arith.constant 0 : index
        %get3A_1181 = tpu.vector_load %arg6[%get3A_1179, %get3A_1180] {strides = array<i32>} : memref<400x64xf32, #tpu.memory_space<vmem>>, vector<1x16xf32>,
        %get3A_1182 = vector.shape_cast %get3A_1181 : vector<1x16xf32> to vector<16xf32>
        %add3A_1183 = arith.addf %scan3A_1169, %get3A_1182 : vector<16xf32>
        %add3A_1184 = arith.constant 0 : i32
        %add3A_1185 = arith.addi %add3A_1176, %add3A_1184 : i32
        %get3A_1186 = arith.index_cast %add3A_1185 : i32 to index
        %get3A_1187 = arith.constant 16 : index
        %get3A_1188 = tpu.vector_load %arg6[%get3A_1186, %get3A_1187] {strides = array<i32>} : memref<400x64xf32, #tpu.memory_space<vmem>>, vector<1x16xf32>,
        %get3A_1189 = vector.shape_cast %get3A_1188 : vector<1x16xf32> to vector<16xf32>
        %add3A_1190 = arith.addf %scan3A_1170, %get3A_1189 : vector<16xf32>
        %add3A_1191 = arith.constant 0 : i32
        %add3A_1192 = arith.addi %add3A_1176, %add3A_1191 : i32
        %get3A_1193 = arith.index_cast %add3A_1192 : i32 to index
        %get3A_1194 = arith.constant 32 : index
        %get3A_1195 = tpu.vector_load %arg6[%get3A_1193, %get3A_1194] {strides = array<i32>} : memref<400x64xf32, #tpu.memory_space<vmem>>, vector<1x16xf32>,
        %get3A_1196 = vector.shape_cast %get3A_1195 : vector<1x16xf32> to vector<16xf32>
        %add3A_1197 = arith.addf %scan3A_1171, %get3A_1196 : vector<16xf32>
        %add3A_1198 = arith.constant 0 : i32
        %add3A_1199 = arith.addi %add3A_1176, %add3A_1198 : i32
        %get3A_1200 = arith.index_cast %add3A_1199 : i32 to index
        %get3A_1201 = arith.constant 48 : index
        %get3A_1202 = tpu.vector_load %arg6[%get3A_1200, %get3A_1201] {strides = array<i32>} : memref<400x64xf32, #tpu.memory_space<vmem>>, vector<1x16xf32>,
        %get3A_1203 = vector.shape_cast %get3A_1202 : vector<1x16xf32> to vector<16xf32>
        %add3A_1204 = arith.addf %scan3A_1172, %get3A_1203 : vector<16xf32>
        %add3A_1205 = arith.constant 1 : i32
        %add3A_1206 = arith.addi %add3A_1176, %add3A_1205 : i32
        %get3A_1207 = arith.index_cast %add3A_1206 : i32 to index
        %get3A_1208 = arith.constant 0 : index
        %get3A_1209 = tpu.vector_load %arg6[%get3A_1207, %get3A_1208] {strides = array<i32>} : memref<400x64xf32, #tpu.memory_space<vmem>>, vector<1x16xf32>,
        %get3A_1210 = vector.shape_cast %get3A_1209 : vector<1x16xf32> to vector<16xf32>
        %add3A_1211 = arith.addf %add3A_1183, %get3A_1210 : vector<16xf32>
        %add3A_1212 = arith.constant 1 : i32
        %add3A_1213 = arith.addi %add3A_1176, %add3A_1212 : i32
        %get3A_1214 = arith.index_cast %add3A_1213 : i32 to index
        %get3A_1215 = arith.constant 16 : index
        %get3A_1216 = tpu.vector_load %arg6[%get3A_1214, %get3A_1215] {strides = array<i32>} : memref<400x64xf32, #tpu.memory_space<vmem>>, vector<1x16xf32>,
        %get3A_1217 = vector.shape_cast %get3A_1216 : vector<1x16xf32> to vector<16xf32>
        %add3A_1218 = arith.addf %add3A_1190, %get3A_1217 : vector<16xf32>
        %add3A_1219 = arith.constant 1 : i32
        %add3A_1220 = arith.addi %add3A_1176, %add3A_1219 : i32
        %get3A_1221 = arith.index_cast %add3A_1220 : i32 to index
        %get3A_1222 = arith.constant 32 : index
        %get3A_1223 = tpu.vector_load %arg6[%get3A_1221, %get3A_1222] {strides = array<i32>} : memref<400x64xf32, #tpu.memory_space<vmem>>, vector<1x16xf32>,
        %get3A_1224 = vector.shape_cast %get3A_1223 : vector<1x16xf32> to vector<16xf32>
        %add3A_1225 = arith.addf %add3A_1197, %get3A_1224 : vector<16xf32>
        %add3A_1226 = arith.constant 1 : i32
        %add3A_1227 = arith.addi %add3A_1176, %add3A_1226 : i32
        %get3A_1228 = arith.index_cast %add3A_1227 : i32 to index
        %get3A_1229 = arith.constant 48 : index
        %get3A_1230 = tpu.vector_load %arg6[%get3A_1228, %get3A_1229] {strides = array<i32>} : memref<400x64xf32, #tpu.memory_space<vmem>>, vector<1x16xf32>,
        %get3A_1231 = vector.shape_cast %get3A_1230 : vector<1x16xf32> to vector<16xf32>
        %add3A_1232 = arith.addf %add3A_1204, %get3A_1231 : vector<16xf32>
        %add3A_1233 = arith.constant 2 : i32
        %add3A_1234 = arith.addi %add3A_1176, %add3A_1233 : i32
        %get3A_1235 = arith.index_cast %add3A_1234 : i32 to index
        %get3A_1236 = arith.constant 0 : index
        %get3A_1237 = tpu.vector_load %arg6[%get3A_1235, %get3A_1236] {strides = array<i32>} : memref<400x64xf32, #tpu.memory_space<vmem>>, vector<1x16xf32>,
        %get3A_1238 = vector.shape_cast %get3A_1237 : vector<1x16xf32> to vector<16xf32>
        %add3A_1239 = arith.addf %add3A_1211, %get3A_1238 : vector<16xf32>
        %add3A_1240 = arith.constant 2 : i32
        %add3A_1241 = arith.addi %add3A_1176, %add3A_1240 : i32
        %get3A_1242 = arith.index_cast %add3A_1241 : i32 to index
        %get3A_1243 = arith.constant 16 : index
        %get3A_1244 = tpu.vector_load %arg6[%get3A_1242, %get3A_1243] {strides = array<i32>} : memref<400x64xf32, #tpu.memory_space<vmem>>, vector<1x16xf32>,
        %get3A_1245 = vector.shape_cast %get3A_1244 : vector<1x16xf32> to vector<16xf32>
        %add3A_1246 = arith.addf %add3A_1218, %get3A_1245 : vector<16xf32>
        %add3A_1247 = arith.constant 2 : i32
        %add3A_1248 = arith.addi %add3A_1176, %add3A_1247 : i32
        %get3A_1249 = arith.index_cast %add3A_1248 : i32 to index
        %get3A_1250 = arith.constant 32 : index
        %get3A_1251 = tpu.vector_load %arg6[%get3A_1249, %get3A_1250] {strides = array<i32>} : memref<400x64xf32, #tpu.memory_space<vmem>>, vector<1x16xf32>,
        %get3A_1252 = vector.shape_cast %get3A_1251 : vector<1x16xf32> to vector<16xf32>
        %add3A_1253 = arith.addf %add3A_1225, %get3A_1252 : vector<16xf32>
        %add3A_1254 = arith.constant 2 : i32
        %add3A_1255 = arith.addi %add3A_1176, %add3A_1254 : i32
        %get3A_1256 = arith.index_cast %add3A_1255 : i32 to index
        %get3A_1257 = arith.constant 48 : index
        %get3A_1258 = tpu.vector_load %arg6[%get3A_1256, %get3A_1257] {strides = array<i32>} : memref<400x64xf32, #tpu.memory_space<vmem>>, vector<1x16xf32>,
        %get3A_1259 = vector.shape_cast %get3A_1258 : vector<1x16xf32> to vector<16xf32>
        %add3A_1260 = arith.addf %add3A_1232, %get3A_1259 : vector<16xf32>
        %add3A_1261 = arith.constant 3 : i32
        %add3A_1262 = arith.addi %add3A_1176, %add3A_1261 : i32
        %get3A_1263 = arith.index_cast %add3A_1262 : i32 to index
        %get3A_1264 = arith.constant 0 : index
        %get3A_1265 = tpu.vector_load %arg6[%get3A_1263, %get3A_1264] {strides = array<i32>} : memref<400x64xf32, #tpu.memory_space<vmem>>, vector<1x16xf32>,
        %get3A_1266 = vector.shape_cast %get3A_1265 : vector<1x16xf32> to vector<16xf32>
        %add3A_1267 = arith.addf %add3A_1239, %get3A_1266 : vector<16xf32>
        %add3A_1268 = arith.constant 3 : i32
        %add3A_1269 = arith.addi %add3A_1176, %add3A_1268 : i32
        %get3A_1270 = arith.index_cast %add3A_1269 : i32 to index
        %get3A_1271 = arith.constant 16 : index
        %get3A_1272 = tpu.vector_load %arg6[%get3A_1270, %get3A_1271] {strides = array<i32>} : memref<400x64xf32, #tpu.memory_space<vmem>>, vector<1x16xf32>,
        %get3A_1273 = vector.shape_cast %get3A_1272 : vector<1x16xf32> to vector<16xf32>
        %add3A_1274 = arith.addf %add3A_1246, %get3A_1273 : vector<16xf32>
        %add3A_1275 = arith.constant 3 : i32
        %add3A_1276 = arith.addi %add3A_1176, %add3A_1275 : i32
        %get3A_1277 = arith.index_cast %add3A_1276 : i32 to index
        %get3A_1278 = arith.constant 32 : index
        %get3A_1279 = tpu.vector_load %arg6[%get3A_1277, %get3A_1278] {strides = array<i32>} : memref<400x64xf32, #tpu.memory_space<vmem>>, vector<1x16xf32>,
        %get3A_1280 = vector.shape_cast %get3A_1279 : vector<1x16xf32> to vector<16xf32>
        %add3A_1281 = arith.addf %add3A_1253, %get3A_1280 : vector<16xf32>
        %add3A_1282 = arith.constant 3 : i32
        %add3A_1283 = arith.addi %add3A_1176, %add3A_1282 : i32
        %get3A_1284 = arith.index_cast %add3A_1283 : i32 to index
        %get3A_1285 = arith.constant 48 : index
        %get3A_1286 = tpu.vector_load %arg6[%get3A_1284, %get3A_1285] {strides = array<i32>} : memref<400x64xf32, #tpu.memory_space<vmem>>, vector<1x16xf32>,
        %get3A_1287 = vector.shape_cast %get3A_1286 : vector<1x16xf32> to vector<16xf32>
        %add3A_1288 = arith.addf %add3A_1260, %get3A_1287 : vector<16xf32>
        %add3A_1289 = arith.constant 4 : i32
        %add3A_1290 = arith.addi %add3A_1176, %add3A_1289 : i32
        %get3A_1291 = arith.index_cast %add3A_1290 : i32 to index
        %get3A_1292 = arith.constant 0 : index
        %get3A_1293 = tpu.vector_load %arg6[%get3A_1291, %get3A_1292] {strides = array<i32>} : memref<400x64xf32, #tpu.memory_space<vmem>>, vector<1x16xf32>,
        %get3A_1294 = vector.shape_cast %get3A_1293 : vector<1x16xf32> to vector<16xf32>
        %add3A_1295 = arith.addf %add3A_1267, %get3A_1294 : vector<16xf32>
        %add3A_1296 = arith.constant 4 : i32
        %add3A_1297 = arith.addi %add3A_1176, %add3A_1296 : i32
        %get3A_1298 = arith.index_cast %add3A_1297 : i32 to index
        %get3A_1299 = arith.constant 16 : index
        %get3A_1300 = tpu.vector_load %arg6[%get3A_1298, %get3A_1299] {strides = array<i32>} : memref<400x64xf32, #tpu.memory_space<vmem>>, vector<1x16xf32>,
        %get3A_1301 = vector.shape_cast %get3A_1300 : vector<1x16xf32> to vector<16xf32>
        %add3A_1302 = arith.addf %add3A_1274, %get3A_1301 : vector<16xf32>
        %add3A_1303 = arith.constant 4 : i32
        %add3A_1304 = arith.addi %add3A_1176, %add3A_1303 : i32
        %get3A_1305 = arith.index_cast %add3A_1304 : i32 to index
        %get3A_1306 = arith.constant 32 : index
        %get3A_1307 = tpu.vector_load %arg6[%get3A_1305, %get3A_1306] {strides = array<i32>} : memref<400x64xf32, #tpu.memory_space<vmem>>, vector<1x16xf32>,
        %get3A_1308 = vector.shape_cast %get3A_1307 : vector<1x16xf32> to vector<16xf32>
        %add3A_1309 = arith.addf %add3A_1281, %get3A_1308 : vector<16xf32>
        %add3A_1310 = arith.constant 4 : i32
        %add3A_1311 = arith.addi %add3A_1176, %add3A_1310 : i32
        %get3A_1312 = arith.index_cast %add3A_1311 : i32 to index
        %get3A_1313 = arith.constant 48 : index
        %get3A_1314 = tpu.vector_load %arg6[%get3A_1312, %get3A_1313] {strides = array<i32>} : memref<400x64xf32, #tpu.memory_space<vmem>>, vector<1x16xf32>,
        %get3A_1315 = vector.shape_cast %get3A_1314 : vector<1x16xf32> to vector<16xf32>
        %add3A_1316 = arith.addf %add3A_1288, %get3A_1315 : vector<16xf32>
        %add3A_1317 = arith.constant 5 : i32
        %add3A_1318 = arith.addi %add3A_1176, %add3A_1317 : i32
        %get3A_1319 = arith.index_cast %add3A_1318 : i32 to index
        %get3A_1320 = arith.constant 0 : index
        %get3A_1321 = tpu.vector_load %arg6[%get3A_1319, %get3A_1320] {strides = array<i32>} : memref<400x64xf32, #tpu.memory_space<vmem>>, vector<1x16xf32>,
        %get3A_1322 = vector.shape_cast %get3A_1321 : vector<1x16xf32> to vector<16xf32>
        %add3A_1323 = arith.addf %add3A_1295, %get3A_1322 : vector<16xf32>
        %add3A_1324 = arith.constant 5 : i32
        %add3A_1325 = arith.addi %add3A_1176, %add3A_1324 : i32
        %get3A_1326 = arith.index_cast %add3A_1325 : i32 to index
        %get3A_1327 = arith.constant 16 : index
        %get3A_1328 = tpu.vector_load %arg6[%get3A_1326, %get3A_1327] {strides = array<i32>} : memref<400x64xf32, #tpu.memory_space<vmem>>, vector<1x16xf32>,
        %get3A_1329 = vector.shape_cast %get3A_1328 : vector<1x16xf32> to vector<16xf32>
        %add3A_1330 = arith.addf %add3A_1302, %get3A_1329 : vector<16xf32>
        %add3A_1331 = arith.constant 5 : i32
        %add3A_1332 = arith.addi %add3A_1176, %add3A_1331 : i32
        %get3A_1333 = arith.index_cast %add3A_1332 : i32 to index
        %get3A_1334 = arith.constant 32 : index
        %get3A_1335 = tpu.vector_load %arg6[%get3A_1333, %get3A_1334] {strides = array<i32>} : memref<400x64xf32, #tpu.memory_space<vmem>>, vector<1x16xf32>,
        %get3A_1336 = vector.shape_cast %get3A_1335 : vector<1x16xf32> to vector<16xf32>
        %add3A_1337 = arith.addf %add3A_1309, %get3A_1336 : vector<16xf32>
        %add3A_1338 = arith.constant 5 : i32
        %add3A_1339 = arith.addi %add3A_1176, %add3A_1338 : i32
        %get3A_1340 = arith.index_cast %add3A_1339 : i32 to index
        %get3A_1341 = arith.constant 48 : index
        %get3A_1342 = tpu.vector_load %arg6[%get3A_1340, %get3A_1341] {strides = array<i32>} : memref<400x64xf32, #tpu.memory_space<vmem>>, vector<1x16xf32>,
        %get3A_1343 = vector.shape_cast %get3A_1342 : vector<1x16xf32> to vector<16xf32>
        %add3A_1344 = arith.addf %add3A_1316, %get3A_1343 : vector<16xf32>
        %add3A_1345 = arith.constant 6 : i32
        %add3A_1346 = arith.addi %add3A_1176, %add3A_1345 : i32
        %get3A_1347 = arith.index_cast %add3A_1346 : i32 to index
        %get3A_1348 = arith.constant 0 : index
        %get3A_1349 = tpu.vector_load %arg6[%get3A_1347, %get3A_1348] {strides = array<i32>} : memref<400x64xf32, #tpu.memory_space<vmem>>, vector<1x16xf32>,
        %get3A_1350 = vector.shape_cast %get3A_1349 : vector<1x16xf32> to vector<16xf32>
        %add3A_1351 = arith.addf %add3A_1323, %get3A_1350 : vector<16xf32>
        %add3A_1352 = arith.constant 6 : i32
        %add3A_1353 = arith.addi %add3A_1176, %add3A_1352 : i32
        %get3A_1354 = arith.index_cast %add3A_1353 : i32 to index
        %get3A_1355 = arith.constant 16 : index
        %get3A_1356 = tpu.vector_load %arg6[%get3A_1354, %get3A_1355] {strides = array<i32>} : memref<400x64xf32, #tpu.memory_space<vmem>>, vector<1x16xf32>,
        %get3A_1357 = vector.shape_cast %get3A_1356 : vector<1x16xf32> to vector<16xf32>
        %add3A_1358 = arith.addf %add3A_1330, %get3A_1357 : vector<16xf32>
        %add3A_1359 = arith.constant 6 : i32
        %add3A_1360 = arith.addi %add3A_1176, %add3A_1359 : i32
        %get3A_1361 = arith.index_cast %add3A_1360 : i32 to index
        %get3A_1362 = arith.constant 32 : index
        %get3A_1363 = tpu.vector_load %arg6[%get3A_1361, %get3A_1362] {strides = array<i32>} : memref<400x64xf32, #tpu.memory_space<vmem>>, vector<1x16xf32>,
        %get3A_1364 = vector.shape_cast %get3A_1363 : vector<1x16xf32> to vector<16xf32>
        %add3A_1365 = arith.addf %add3A_1337, %get3A_1364 : vector<16xf32>
        %add3A_1366 = arith.constant 6 : i32
        %add3A_1367 = arith.addi %add3A_1176, %add3A_1366 : i32
        %get3A_1368 = arith.index_cast %add3A_1367 : i32 to index
        %get3A_1369 = arith.constant 48 : index
        %get3A_1370 = tpu.vector_load %arg6[%get3A_1368, %get3A_1369] {strides = array<i32>} : memref<400x64xf32, #tpu.memory_space<vmem>>, vector<1x16xf32>,
        %get3A_1371 = vector.shape_cast %get3A_1370 : vector<1x16xf32> to vector<16xf32>
        %add3A_1372 = arith.addf %add3A_1344, %get3A_1371 : vector<16xf32>
        scf.yield %add3A_1351, %add3A_1358, %add3A_1365, %add3A_1372 : vector<16xf32>, vector<16xf32>, vector<16xf32>, vector<16xf32>
      }
      %scan3A_496 = arith.constant 7 : i32
      %swap3A_497 = arith.constant 4 : i32
      %swap3A_498 = arith.index_cast %swap3A_497 : i32 to index
      %swap3A_499 = arith.constant 0 : index
      %swap3A_500 = tpu.vector_load %arg8[%swap3A_498, %swap3A_499] {strides = array<i32>} : memref<8x128xf32, #tpu.memory_space<vmem>>, vector<1x16xf32>,
      %swap3A_501 = vector.shape_cast %swap3A_500 : vector<1x16xf32> to vector<16xf32>
      %swap3A_502 = vector.shape_cast %scan3A_495#0 : vector<16xf32> to vector<1x16xf32>
      tpu.vector_store %arg8[%swap3A_498, %swap3A_499], %swap3A_502 {strides = array<i32>} : memref<8x128xf32, #tpu.memory_space<vmem>>, vector<1x16xf32>,
      %swap3A_503 = arith.constant 4 : i32
      %swap3A_504 = arith.index_cast %swap3A_503 : i32 to index
      %swap3A_505 = arith.constant 16 : index
      %swap3A_506 = tpu.vector_load %arg8[%swap3A_504, %swap3A_505] {strides = array<i32>} : memref<8x128xf32, #tpu.memory_space<vmem>>, vector<1x16xf32>,
      %swap3A_507 = vector.shape_cast %swap3A_506 : vector<1x16xf32> to vector<16xf32>
      %swap3A_508 = vector.shape_cast %scan3A_495#1 : vector<16xf32> to vector<1x16xf32>
      tpu.vector_store %arg8[%swap3A_504, %swap3A_505], %swap3A_508 {strides = array<i32>} : memref<8x128xf32, #tpu.memory_space<vmem>>, vector<1x16xf32>,
      %swap3A_509 = arith.constant 4 : i32
      %swap3A_510 = arith.index_cast %swap3A_509 : i32 to index
      %swap3A_511 = arith.constant 32 : index
      %swap3A_512 = tpu.vector_load %arg8[%swap3A_510, %swap3A_511] {strides = array<i32>} : memref<8x128xf32, #tpu.memory_space<vmem>>, vector<1x16xf32>,
      %swap3A_513 = vector.shape_cast %swap3A_512 : vector<1x16xf32> to vector<16xf32>
      %swap3A_514 = vector.shape_cast %scan3A_495#2 : vector<16xf32> to vector<1x16xf32>
      tpu.vector_store %arg8[%swap3A_510, %swap3A_511], %swap3A_514 {strides = array<i32>} : memref<8x128xf32, #tpu.memory_space<vmem>>, vector<1x16xf32>,
      %swap3A_515 = arith.constant 4 : i32
      %swap3A_516 = arith.index_cast %swap3A_515 : i32 to index
      %swap3A_517 = arith.constant 48 : index
      %swap3A_518 = tpu.vector_load %arg8[%swap3A_516, %swap3A_517] {strides = array<i32>} : memref<8x128xf32, #tpu.memory_space<vmem>>, vector<1x16xf32>,
      %swap3A_519 = vector.shape_cast %swap3A_518 : vector<1x16xf32> to vector<16xf32>
      %swap3A_520 = vector.shape_cast %scan3A_495#3 : vector<16xf32> to vector<1x16xf32>
      tpu.vector_store %arg8[%swap3A_516, %swap3A_517], %swap3A_520 {strides = array<i32>} : memref<8x128xf32, #tpu.memory_space<vmem>>, vector<1x16xf32>,
      %get3A_521 = arith.constant 250 : i32
      %get3A_522 = arith.index_cast %get3A_521 : i32 to index
      %get3A_523 = arith.constant 0 : index
      %get3A_524 = tpu.vector_load %arg6[%get3A_522, %get3A_523] {strides = array<i32>} : memref<400x64xf32, #tpu.memory_space<vmem>>, vector<1x16xf32>,
      %get3A_525 = vector.shape_cast %get3A_524 : vector<1x16xf32> to vector<16xf32>
      %get3A_526 = arith.constant 250 : i32
      %get3A_527 = arith.index_cast %get3A_526 : i32 to index
      %get3A_528 = arith.constant 16 : index
      %get3A_529 = tpu.vector_load %arg6[%get3A_527, %get3A_528] {strides = array<i32>} : memref<400x64xf32, #tpu.memory_space<vmem>>, vector<1x16xf32>,
      %get3A_530 = vector.shape_cast %get3A_529 : vector<1x16xf32> to vector<16xf32>
      %get3A_531 = arith.constant 250 : i32
      %get3A_532 = arith.index_cast %get3A_531 : i32 to index
      %get3A_533 = arith.constant 32 : index
      %get3A_534 = tpu.vector_load %arg6[%get3A_532, %get3A_533] {strides = array<i32>} : memref<400x64xf32, #tpu.memory_space<vmem>>, vector<1x16xf32>,
      %get3A_535 = vector.shape_cast %get3A_534 : vector<1x16xf32> to vector<16xf32>
      %get3A_536 = arith.constant 250 : i32
      %get3A_537 = arith.index_cast %get3A_536 : i32 to index
      %get3A_538 = arith.constant 48 : index
      %get3A_539 = tpu.vector_load %arg6[%get3A_537, %get3A_538] {strides = array<i32>} : memref<400x64xf32, #tpu.memory_space<vmem>>, vector<1x16xf32>,
      %get3A_540 = vector.shape_cast %get3A_539 : vector<1x16xf32> to vector<16xf32>
      %scan3A_541 = arith.constant 0 : i32
      %scan3A_542 = arith.constant 7 : i32
      %scan3A_543 = arith.addi %scan3A_541, %scan3A_542 : i32
      %scan3A_544 = arith.constant 1 : i32
      %scan3A_545:4 = scf.for %scan3A_1168 = %scan3A_541 to %scan3A_543 step %scan3A_544 iter_args(%scan3A_1169 = %get3A_525, %scan3A_1170 = %get3A_530, %scan3A_1171 = %get3A_535, %scan3A_1172 = %get3A_540) -> (vector<16xf32>, vector<16xf32>, vector<16xf32>, vector<16xf32>)  : i32 {
        %mul3A_1173 = arith.constant 7 : i32
        %mul3A_1174 = arith.muli %scan3A_1168, %mul3A_1173 : i32
        %add3A_1175 = arith.constant 251 : i32
        %add3A_1176 = arith.addi %add3A_1175, %mul3A_1174 : i32
        %add3A_1177 = arith.constant 0 : i32
        %add3A_1178 = arith.addi %add3A_1176, %add3A_1177 : i32
        %get3A_1179 = arith.index_cast %add3A_1178 : i32 to index
        %get3A_1180 = arith.constant 0 : index
        %get3A_1181 = tpu.vector_load %arg6[%get3A_1179, %get3A_1180] {strides = array<i32>} : memref<400x64xf32, #tpu.memory_space<vmem>>, vector<1x16xf32>,
        %get3A_1182 = vector.shape_cast %get3A_1181 : vector<1x16xf32> to vector<16xf32>
        %add3A_1183 = arith.addf %scan3A_1169, %get3A_1182 : vector<16xf32>
        %add3A_1184 = arith.constant 0 : i32
        %add3A_1185 = arith.addi %add3A_1176, %add3A_1184 : i32
        %get3A_1186 = arith.index_cast %add3A_1185 : i32 to index
        %get3A_1187 = arith.constant 16 : index
        %get3A_1188 = tpu.vector_load %arg6[%get3A_1186, %get3A_1187] {strides = array<i32>} : memref<400x64xf32, #tpu.memory_space<vmem>>, vector<1x16xf32>,
        %get3A_1189 = vector.shape_cast %get3A_1188 : vector<1x16xf32> to vector<16xf32>
        %add3A_1190 = arith.addf %scan3A_1170, %get3A_1189 : vector<16xf32>
        %add3A_1191 = arith.constant 0 : i32
        %add3A_1192 = arith.addi %add3A_1176, %add3A_1191 : i32
        %get3A_1193 = arith.index_cast %add3A_1192 : i32 to index
        %get3A_1194 = arith.constant 32 : index
        %get3A_1195 = tpu.vector_load %arg6[%get3A_1193, %get3A_1194] {strides = array<i32>} : memref<400x64xf32, #tpu.memory_space<vmem>>, vector<1x16xf32>,
        %get3A_1196 = vector.shape_cast %get3A_1195 : vector<1x16xf32> to vector<16xf32>
        %add3A_1197 = arith.addf %scan3A_1171, %get3A_1196 : vector<16xf32>
        %add3A_1198 = arith.constant 0 : i32
        %add3A_1199 = arith.addi %add3A_1176, %add3A_1198 : i32
        %get3A_1200 = arith.index_cast %add3A_1199 : i32 to index
        %get3A_1201 = arith.constant 48 : index
        %get3A_1202 = tpu.vector_load %arg6[%get3A_1200, %get3A_1201] {strides = array<i32>} : memref<400x64xf32, #tpu.memory_space<vmem>>, vector<1x16xf32>,
        %get3A_1203 = vector.shape_cast %get3A_1202 : vector<1x16xf32> to vector<16xf32>
        %add3A_1204 = arith.addf %scan3A_1172, %get3A_1203 : vector<16xf32>
        %add3A_1205 = arith.constant 1 : i32
        %add3A_1206 = arith.addi %add3A_1176, %add3A_1205 : i32
        %get3A_1207 = arith.index_cast %add3A_1206 : i32 to index
        %get3A_1208 = arith.constant 0 : index
        %get3A_1209 = tpu.vector_load %arg6[%get3A_1207, %get3A_1208] {strides = array<i32>} : memref<400x64xf32, #tpu.memory_space<vmem>>, vector<1x16xf32>,
        %get3A_1210 = vector.shape_cast %get3A_1209 : vector<1x16xf32> to vector<16xf32>
        %add3A_1211 = arith.addf %add3A_1183, %get3A_1210 : vector<16xf32>
        %add3A_1212 = arith.constant 1 : i32
        %add3A_1213 = arith.addi %add3A_1176, %add3A_1212 : i32
        %get3A_1214 = arith.index_cast %add3A_1213 : i32 to index
        %get3A_1215 = arith.constant 16 : index
        %get3A_1216 = tpu.vector_load %arg6[%get3A_1214, %get3A_1215] {strides = array<i32>} : memref<400x64xf32, #tpu.memory_space<vmem>>, vector<1x16xf32>,
        %get3A_1217 = vector.shape_cast %get3A_1216 : vector<1x16xf32> to vector<16xf32>
        %add3A_1218 = arith.addf %add3A_1190, %get3A_1217 : vector<16xf32>
        %add3A_1219 = arith.constant 1 : i32
        %add3A_1220 = arith.addi %add3A_1176, %add3A_1219 : i32
        %get3A_1221 = arith.index_cast %add3A_1220 : i32 to index
        %get3A_1222 = arith.constant 32 : index
        %get3A_1223 = tpu.vector_load %arg6[%get3A_1221, %get3A_1222] {strides = array<i32>} : memref<400x64xf32, #tpu.memory_space<vmem>>, vector<1x16xf32>,
        %get3A_1224 = vector.shape_cast %get3A_1223 : vector<1x16xf32> to vector<16xf32>
        %add3A_1225 = arith.addf %add3A_1197, %get3A_1224 : vector<16xf32>
        %add3A_1226 = arith.constant 1 : i32
        %add3A_1227 = arith.addi %add3A_1176, %add3A_1226 : i32
        %get3A_1228 = arith.index_cast %add3A_1227 : i32 to index
        %get3A_1229 = arith.constant 48 : index
        %get3A_1230 = tpu.vector_load %arg6[%get3A_1228, %get3A_1229] {strides = array<i32>} : memref<400x64xf32, #tpu.memory_space<vmem>>, vector<1x16xf32>,
        %get3A_1231 = vector.shape_cast %get3A_1230 : vector<1x16xf32> to vector<16xf32>
        %add3A_1232 = arith.addf %add3A_1204, %get3A_1231 : vector<16xf32>
        %add3A_1233 = arith.constant 2 : i32
        %add3A_1234 = arith.addi %add3A_1176, %add3A_1233 : i32
        %get3A_1235 = arith.index_cast %add3A_1234 : i32 to index
        %get3A_1236 = arith.constant 0 : index
        %get3A_1237 = tpu.vector_load %arg6[%get3A_1235, %get3A_1236] {strides = array<i32>} : memref<400x64xf32, #tpu.memory_space<vmem>>, vector<1x16xf32>,
        %get3A_1238 = vector.shape_cast %get3A_1237 : vector<1x16xf32> to vector<16xf32>
        %add3A_1239 = arith.addf %add3A_1211, %get3A_1238 : vector<16xf32>
        %add3A_1240 = arith.constant 2 : i32
        %add3A_1241 = arith.addi %add3A_1176, %add3A_1240 : i32
        %get3A_1242 = arith.index_cast %add3A_1241 : i32 to index
        %get3A_1243 = arith.constant 16 : index
        %get3A_1244 = tpu.vector_load %arg6[%get3A_1242, %get3A_1243] {strides = array<i32>} : memref<400x64xf32, #tpu.memory_space<vmem>>, vector<1x16xf32>,
        %get3A_1245 = vector.shape_cast %get3A_1244 : vector<1x16xf32> to vector<16xf32>
        %add3A_1246 = arith.addf %add3A_1218, %get3A_1245 : vector<16xf32>
        %add3A_1247 = arith.constant 2 : i32
        %add3A_1248 = arith.addi %add3A_1176, %add3A_1247 : i32
        %get3A_1249 = arith.index_cast %add3A_1248 : i32 to index
        %get3A_1250 = arith.constant 32 : index
        %get3A_1251 = tpu.vector_load %arg6[%get3A_1249, %get3A_1250] {strides = array<i32>} : memref<400x64xf32, #tpu.memory_space<vmem>>, vector<1x16xf32>,
        %get3A_1252 = vector.shape_cast %get3A_1251 : vector<1x16xf32> to vector<16xf32>
        %add3A_1253 = arith.addf %add3A_1225, %get3A_1252 : vector<16xf32>
        %add3A_1254 = arith.constant 2 : i32
        %add3A_1255 = arith.addi %add3A_1176, %add3A_1254 : i32
        %get3A_1256 = arith.index_cast %add3A_1255 : i32 to index
        %get3A_1257 = arith.constant 48 : index
        %get3A_1258 = tpu.vector_load %arg6[%get3A_1256, %get3A_1257] {strides = array<i32>} : memref<400x64xf32, #tpu.memory_space<vmem>>, vector<1x16xf32>,
        %get3A_1259 = vector.shape_cast %get3A_1258 : vector<1x16xf32> to vector<16xf32>
        %add3A_1260 = arith.addf %add3A_1232, %get3A_1259 : vector<16xf32>
        %add3A_1261 = arith.constant 3 : i32
        %add3A_1262 = arith.addi %add3A_1176, %add3A_1261 : i32
        %get3A_1263 = arith.index_cast %add3A_1262 : i32 to index
        %get3A_1264 = arith.constant 0 : index
        %get3A_1265 = tpu.vector_load %arg6[%get3A_1263, %get3A_1264] {strides = array<i32>} : memref<400x64xf32, #tpu.memory_space<vmem>>, vector<1x16xf32>,
        %get3A_1266 = vector.shape_cast %get3A_1265 : vector<1x16xf32> to vector<16xf32>
        %add3A_1267 = arith.addf %add3A_1239, %get3A_1266 : vector<16xf32>
        %add3A_1268 = arith.constant 3 : i32
        %add3A_1269 = arith.addi %add3A_1176, %add3A_1268 : i32
        %get3A_1270 = arith.index_cast %add3A_1269 : i32 to index
        %get3A_1271 = arith.constant 16 : index
        %get3A_1272 = tpu.vector_load %arg6[%get3A_1270, %get3A_1271] {strides = array<i32>} : memref<400x64xf32, #tpu.memory_space<vmem>>, vector<1x16xf32>,
        %get3A_1273 = vector.shape_cast %get3A_1272 : vector<1x16xf32> to vector<16xf32>
        %add3A_1274 = arith.addf %add3A_1246, %get3A_1273 : vector<16xf32>
        %add3A_1275 = arith.constant 3 : i32
        %add3A_1276 = arith.addi %add3A_1176, %add3A_1275 : i32
        %get3A_1277 = arith.index_cast %add3A_1276 : i32 to index
        %get3A_1278 = arith.constant 32 : index
        %get3A_1279 = tpu.vector_load %arg6[%get3A_1277, %get3A_1278] {strides = array<i32>} : memref<400x64xf32, #tpu.memory_space<vmem>>, vector<1x16xf32>,
        %get3A_1280 = vector.shape_cast %get3A_1279 : vector<1x16xf32> to vector<16xf32>
        %add3A_1281 = arith.addf %add3A_1253, %get3A_1280 : vector<16xf32>
        %add3A_1282 = arith.constant 3 : i32
        %add3A_1283 = arith.addi %add3A_1176, %add3A_1282 : i32
        %get3A_1284 = arith.index_cast %add3A_1283 : i32 to index
        %get3A_1285 = arith.constant 48 : index
        %get3A_1286 = tpu.vector_load %arg6[%get3A_1284, %get3A_1285] {strides = array<i32>} : memref<400x64xf32, #tpu.memory_space<vmem>>, vector<1x16xf32>,
        %get3A_1287 = vector.shape_cast %get3A_1286 : vector<1x16xf32> to vector<16xf32>
        %add3A_1288 = arith.addf %add3A_1260, %get3A_1287 : vector<16xf32>
        %add3A_1289 = arith.constant 4 : i32
        %add3A_1290 = arith.addi %add3A_1176, %add3A_1289 : i32
        %get3A_1291 = arith.index_cast %add3A_1290 : i32 to index
        %get3A_1292 = arith.constant 0 : index
        %get3A_1293 = tpu.vector_load %arg6[%get3A_1291, %get3A_1292] {strides = array<i32>} : memref<400x64xf32, #tpu.memory_space<vmem>>, vector<1x16xf32>,
        %get3A_1294 = vector.shape_cast %get3A_1293 : vector<1x16xf32> to vector<16xf32>
        %add3A_1295 = arith.addf %add3A_1267, %get3A_1294 : vector<16xf32>
        %add3A_1296 = arith.constant 4 : i32
        %add3A_1297 = arith.addi %add3A_1176, %add3A_1296 : i32
        %get3A_1298 = arith.index_cast %add3A_1297 : i32 to index
        %get3A_1299 = arith.constant 16 : index
        %get3A_1300 = tpu.vector_load %arg6[%get3A_1298, %get3A_1299] {strides = array<i32>} : memref<400x64xf32, #tpu.memory_space<vmem>>, vector<1x16xf32>,
        %get3A_1301 = vector.shape_cast %get3A_1300 : vector<1x16xf32> to vector<16xf32>
        %add3A_1302 = arith.addf %add3A_1274, %get3A_1301 : vector<16xf32>
        %add3A_1303 = arith.constant 4 : i32
        %add3A_1304 = arith.addi %add3A_1176, %add3A_1303 : i32
        %get3A_1305 = arith.index_cast %add3A_1304 : i32 to index
        %get3A_1306 = arith.constant 32 : index
        %get3A_1307 = tpu.vector_load %arg6[%get3A_1305, %get3A_1306] {strides = array<i32>} : memref<400x64xf32, #tpu.memory_space<vmem>>, vector<1x16xf32>,
        %get3A_1308 = vector.shape_cast %get3A_1307 : vector<1x16xf32> to vector<16xf32>
        %add3A_1309 = arith.addf %add3A_1281, %get3A_1308 : vector<16xf32>
        %add3A_1310 = arith.constant 4 : i32
        %add3A_1311 = arith.addi %add3A_1176, %add3A_1310 : i32
        %get3A_1312 = arith.index_cast %add3A_1311 : i32 to index
        %get3A_1313 = arith.constant 48 : index
        %get3A_1314 = tpu.vector_load %arg6[%get3A_1312, %get3A_1313] {strides = array<i32>} : memref<400x64xf32, #tpu.memory_space<vmem>>, vector<1x16xf32>,
        %get3A_1315 = vector.shape_cast %get3A_1314 : vector<1x16xf32> to vector<16xf32>
        %add3A_1316 = arith.addf %add3A_1288, %get3A_1315 : vector<16xf32>
        %add3A_1317 = arith.constant 5 : i32
        %add3A_1318 = arith.addi %add3A_1176, %add3A_1317 : i32
        %get3A_1319 = arith.index_cast %add3A_1318 : i32 to index
        %get3A_1320 = arith.constant 0 : index
        %get3A_1321 = tpu.vector_load %arg6[%get3A_1319, %get3A_1320] {strides = array<i32>} : memref<400x64xf32, #tpu.memory_space<vmem>>, vector<1x16xf32>,
        %get3A_1322 = vector.shape_cast %get3A_1321 : vector<1x16xf32> to vector<16xf32>
        %add3A_1323 = arith.addf %add3A_1295, %get3A_1322 : vector<16xf32>
        %add3A_1324 = arith.constant 5 : i32
        %add3A_1325 = arith.addi %add3A_1176, %add3A_1324 : i32
        %get3A_1326 = arith.index_cast %add3A_1325 : i32 to index
        %get3A_1327 = arith.constant 16 : index
        %get3A_1328 = tpu.vector_load %arg6[%get3A_1326, %get3A_1327] {strides = array<i32>} : memref<400x64xf32, #tpu.memory_space<vmem>>, vector<1x16xf32>,
        %get3A_1329 = vector.shape_cast %get3A_1328 : vector<1x16xf32> to vector<16xf32>
        %add3A_1330 = arith.addf %add3A_1302, %get3A_1329 : vector<16xf32>
        %add3A_1331 = arith.constant 5 : i32
        %add3A_1332 = arith.addi %add3A_1176, %add3A_1331 : i32
        %get3A_1333 = arith.index_cast %add3A_1332 : i32 to index
        %get3A_1334 = arith.constant 32 : index
        %get3A_1335 = tpu.vector_load %arg6[%get3A_1333, %get3A_1334] {strides = array<i32>} : memref<400x64xf32, #tpu.memory_space<vmem>>, vector<1x16xf32>,
        %get3A_1336 = vector.shape_cast %get3A_1335 : vector<1x16xf32> to vector<16xf32>
        %add3A_1337 = arith.addf %add3A_1309, %get3A_1336 : vector<16xf32>
        %add3A_1338 = arith.constant 5 : i32
        %add3A_1339 = arith.addi %add3A_1176, %add3A_1338 : i32
        %get3A_1340 = arith.index_cast %add3A_1339 : i32 to index
        %get3A_1341 = arith.constant 48 : index
        %get3A_1342 = tpu.vector_load %arg6[%get3A_1340, %get3A_1341] {strides = array<i32>} : memref<400x64xf32, #tpu.memory_space<vmem>>, vector<1x16xf32>,
        %get3A_1343 = vector.shape_cast %get3A_1342 : vector<1x16xf32> to vector<16xf32>
        %add3A_1344 = arith.addf %add3A_1316, %get3A_1343 : vector<16xf32>
        %add3A_1345 = arith.constant 6 : i32
        %add3A_1346 = arith.addi %add3A_1176, %add3A_1345 : i32
        %get3A_1347 = arith.index_cast %add3A_1346 : i32 to index
        %get3A_1348 = arith.constant 0 : index
        %get3A_1349 = tpu.vector_load %arg6[%get3A_1347, %get3A_1348] {strides = array<i32>} : memref<400x64xf32, #tpu.memory_space<vmem>>, vector<1x16xf32>,
        %get3A_1350 = vector.shape_cast %get3A_1349 : vector<1x16xf32> to vector<16xf32>
        %add3A_1351 = arith.addf %add3A_1323, %get3A_1350 : vector<16xf32>
        %add3A_1352 = arith.constant 6 : i32
        %add3A_1353 = arith.addi %add3A_1176, %add3A_1352 : i32
        %get3A_1354 = arith.index_cast %add3A_1353 : i32 to index
        %get3A_1355 = arith.constant 16 : index
        %get3A_1356 = tpu.vector_load %arg6[%get3A_1354, %get3A_1355] {strides = array<i32>} : memref<400x64xf32, #tpu.memory_space<vmem>>, vector<1x16xf32>,
        %get3A_1357 = vector.shape_cast %get3A_1356 : vector<1x16xf32> to vector<16xf32>
        %add3A_1358 = arith.addf %add3A_1330, %get3A_1357 : vector<16xf32>
        %add3A_1359 = arith.constant 6 : i32
        %add3A_1360 = arith.addi %add3A_1176, %add3A_1359 : i32
        %get3A_1361 = arith.index_cast %add3A_1360 : i32 to index
        %get3A_1362 = arith.constant 32 : index
        %get3A_1363 = tpu.vector_load %arg6[%get3A_1361, %get3A_1362] {strides = array<i32>} : memref<400x64xf32, #tpu.memory_space<vmem>>, vector<1x16xf32>,
        %get3A_1364 = vector.shape_cast %get3A_1363 : vector<1x16xf32> to vector<16xf32>
        %add3A_1365 = arith.addf %add3A_1337, %get3A_1364 : vector<16xf32>
        %add3A_1366 = arith.constant 6 : i32
        %add3A_1367 = arith.addi %add3A_1176, %add3A_1366 : i32
        %get3A_1368 = arith.index_cast %add3A_1367 : i32 to index
        %get3A_1369 = arith.constant 48 : index
        %get3A_1370 = tpu.vector_load %arg6[%get3A_1368, %get3A_1369] {strides = array<i32>} : memref<400x64xf32, #tpu.memory_space<vmem>>, vector<1x16xf32>,
        %get3A_1371 = vector.shape_cast %get3A_1370 : vector<1x16xf32> to vector<16xf32>
        %add3A_1372 = arith.addf %add3A_1344, %get3A_1371 : vector<16xf32>
        scf.yield %add3A_1351, %add3A_1358, %add3A_1365, %add3A_1372 : vector<16xf32>, vector<16xf32>, vector<16xf32>, vector<16xf32>
      }
      %scan3A_546 = arith.constant 7 : i32
      %swap3A_547 = arith.constant 5 : i32
      %swap3A_548 = arith.index_cast %swap3A_547 : i32 to index
      %swap3A_549 = arith.constant 0 : index
      %swap3A_550 = tpu.vector_load %arg8[%swap3A_548, %swap3A_549] {strides = array<i32>} : memref<8x128xf32, #tpu.memory_space<vmem>>, vector<1x16xf32>,
      %swap3A_551 = vector.shape_cast %swap3A_550 : vector<1x16xf32> to vector<16xf32>
      %swap3A_552 = vector.shape_cast %scan3A_545#0 : vector<16xf32> to vector<1x16xf32>
      tpu.vector_store %arg8[%swap3A_548, %swap3A_549], %swap3A_552 {strides = array<i32>} : memref<8x128xf32, #tpu.memory_space<vmem>>, vector<1x16xf32>,
      %swap3A_553 = arith.constant 5 : i32
      %swap3A_554 = arith.index_cast %swap3A_553 : i32 to index
      %swap3A_555 = arith.constant 16 : index
      %swap3A_556 = tpu.vector_load %arg8[%swap3A_554, %swap3A_555] {strides = array<i32>} : memref<8x128xf32, #tpu.memory_space<vmem>>, vector<1x16xf32>,
      %swap3A_557 = vector.shape_cast %swap3A_556 : vector<1x16xf32> to vector<16xf32>
      %swap3A_558 = vector.shape_cast %scan3A_545#1 : vector<16xf32> to vector<1x16xf32>
      tpu.vector_store %arg8[%swap3A_554, %swap3A_555], %swap3A_558 {strides = array<i32>} : memref<8x128xf32, #tpu.memory_space<vmem>>, vector<1x16xf32>,
      %swap3A_559 = arith.constant 5 : i32
      %swap3A_560 = arith.index_cast %swap3A_559 : i32 to index
      %swap3A_561 = arith.constant 32 : index
      %swap3A_562 = tpu.vector_load %arg8[%swap3A_560, %swap3A_561] {strides = array<i32>} : memref<8x128xf32, #tpu.memory_space<vmem>>, vector<1x16xf32>,
      %swap3A_563 = vector.shape_cast %swap3A_562 : vector<1x16xf32> to vector<16xf32>
      %swap3A_564 = vector.shape_cast %scan3A_545#2 : vector<16xf32> to vector<1x16xf32>
      tpu.vector_store %arg8[%swap3A_560, %swap3A_561], %swap3A_564 {strides = array<i32>} : memref<8x128xf32, #tpu.memory_space<vmem>>, vector<1x16xf32>,
      %swap3A_565 = arith.constant 5 : i32
      %swap3A_566 = arith.index_cast %swap3A_565 : i32 to index
      %swap3A_567 = arith.constant 48 : index
      %swap3A_568 = tpu.vector_load %arg8[%swap3A_566, %swap3A_567] {strides = array<i32>} : memref<8x128xf32, #tpu.memory_space<vmem>>, vector<1x16xf32>,
      %swap3A_569 = vector.shape_cast %swap3A_568 : vector<1x16xf32> to vector<16xf32>
      %swap3A_570 = vector.shape_cast %scan3A_545#3 : vector<16xf32> to vector<1x16xf32>
      tpu.vector_store %arg8[%swap3A_566, %swap3A_567], %swap3A_570 {strides = array<i32>} : memref<8x128xf32, #tpu.memory_space<vmem>>, vector<1x16xf32>,
      %get3A_571 = arith.constant 300 : i32
      %get3A_572 = arith.index_cast %get3A_571 : i32 to index
      %get3A_573 = arith.constant 0 : index
      %get3A_574 = tpu.vector_load %arg6[%get3A_572, %get3A_573] {strides = array<i32>} : memref<400x64xf32, #tpu.memory_space<vmem>>, vector<1x16xf32>,
      %get3A_575 = vector.shape_cast %get3A_574 : vector<1x16xf32> to vector<16xf32>
      %get3A_576 = arith.constant 300 : i32
      %get3A_577 = arith.index_cast %get3A_576 : i32 to index
      %get3A_578 = arith.constant 16 : index
      %get3A_579 = tpu.vector_load %arg6[%get3A_577, %get3A_578] {strides = array<i32>} : memref<400x64xf32, #tpu.memory_space<vmem>>, vector<1x16xf32>,
      %get3A_580 = vector.shape_cast %get3A_579 : vector<1x16xf32> to vector<16xf32>
      %get3A_581 = arith.constant 300 : i32
      %get3A_582 = arith.index_cast %get3A_581 : i32 to index
      %get3A_583 = arith.constant 32 : index
      %get3A_584 = tpu.vector_load %arg6[%get3A_582, %get3A_583] {strides = array<i32>} : memref<400x64xf32, #tpu.memory_space<vmem>>, vector<1x16xf32>,
      %get3A_585 = vector.shape_cast %get3A_584 : vector<1x16xf32> to vector<16xf32>
      %get3A_586 = arith.constant 300 : i32
      %get3A_587 = arith.index_cast %get3A_586 : i32 to index
      %get3A_588 = arith.constant 48 : index
      %get3A_589 = tpu.vector_load %arg6[%get3A_587, %get3A_588] {strides = array<i32>} : memref<400x64xf32, #tpu.memory_space<vmem>>, vector<1x16xf32>,
      %get3A_590 = vector.shape_cast %get3A_589 : vector<1x16xf32> to vector<16xf32>
      %scan3A_591 = arith.constant 0 : i32
      %scan3A_592 = arith.constant 7 : i32
      %scan3A_593 = arith.addi %scan3A_591, %scan3A_592 : i32
      %scan3A_594 = arith.constant 1 : i32
      %scan3A_595:4 = scf.for %scan3A_1168 = %scan3A_591 to %scan3A_593 step %scan3A_594 iter_args(%scan3A_1169 = %get3A_575, %scan3A_1170 = %get3A_580, %scan3A_1171 = %get3A_585, %scan3A_1172 = %get3A_590) -> (vector<16xf32>, vector<16xf32>, vector<16xf32>, vector<16xf32>)  : i32 {
        %mul3A_1173 = arith.constant 7 : i32
        %mul3A_1174 = arith.muli %scan3A_1168, %mul3A_1173 : i32
        %add3A_1175 = arith.constant 301 : i32
        %add3A_1176 = arith.addi %add3A_1175, %mul3A_1174 : i32
        %add3A_1177 = arith.constant 0 : i32
        %add3A_1178 = arith.addi %add3A_1176, %add3A_1177 : i32
        %get3A_1179 = arith.index_cast %add3A_1178 : i32 to index
        %get3A_1180 = arith.constant 0 : index
        %get3A_1181 = tpu.vector_load %arg6[%get3A_1179, %get3A_1180] {strides = array<i32>} : memref<400x64xf32, #tpu.memory_space<vmem>>, vector<1x16xf32>,
        %get3A_1182 = vector.shape_cast %get3A_1181 : vector<1x16xf32> to vector<16xf32>
        %add3A_1183 = arith.addf %scan3A_1169, %get3A_1182 : vector<16xf32>
        %add3A_1184 = arith.constant 0 : i32
        %add3A_1185 = arith.addi %add3A_1176, %add3A_1184 : i32
        %get3A_1186 = arith.index_cast %add3A_1185 : i32 to index
        %get3A_1187 = arith.constant 16 : index
        %get3A_1188 = tpu.vector_load %arg6[%get3A_1186, %get3A_1187] {strides = array<i32>} : memref<400x64xf32, #tpu.memory_space<vmem>>, vector<1x16xf32>,
        %get3A_1189 = vector.shape_cast %get3A_1188 : vector<1x16xf32> to vector<16xf32>
        %add3A_1190 = arith.addf %scan3A_1170, %get3A_1189 : vector<16xf32>
        %add3A_1191 = arith.constant 0 : i32
        %add3A_1192 = arith.addi %add3A_1176, %add3A_1191 : i32
        %get3A_1193 = arith.index_cast %add3A_1192 : i32 to index
        %get3A_1194 = arith.constant 32 : index
        %get3A_1195 = tpu.vector_load %arg6[%get3A_1193, %get3A_1194] {strides = array<i32>} : memref<400x64xf32, #tpu.memory_space<vmem>>, vector<1x16xf32>,
        %get3A_1196 = vector.shape_cast %get3A_1195 : vector<1x16xf32> to vector<16xf32>
        %add3A_1197 = arith.addf %scan3A_1171, %get3A_1196 : vector<16xf32>
        %add3A_1198 = arith.constant 0 : i32
        %add3A_1199 = arith.addi %add3A_1176, %add3A_1198 : i32
        %get3A_1200 = arith.index_cast %add3A_1199 : i32 to index
        %get3A_1201 = arith.constant 48 : index
        %get3A_1202 = tpu.vector_load %arg6[%get3A_1200, %get3A_1201] {strides = array<i32>} : memref<400x64xf32, #tpu.memory_space<vmem>>, vector<1x16xf32>,
        %get3A_1203 = vector.shape_cast %get3A_1202 : vector<1x16xf32> to vector<16xf32>
        %add3A_1204 = arith.addf %scan3A_1172, %get3A_1203 : vector<16xf32>
        %add3A_1205 = arith.constant 1 : i32
        %add3A_1206 = arith.addi %add3A_1176, %add3A_1205 : i32
        %get3A_1207 = arith.index_cast %add3A_1206 : i32 to index
        %get3A_1208 = arith.constant 0 : index
        %get3A_1209 = tpu.vector_load %arg6[%get3A_1207, %get3A_1208] {strides = array<i32>} : memref<400x64xf32, #tpu.memory_space<vmem>>, vector<1x16xf32>,
        %get3A_1210 = vector.shape_cast %get3A_1209 : vector<1x16xf32> to vector<16xf32>
        %add3A_1211 = arith.addf %add3A_1183, %get3A_1210 : vector<16xf32>
        %add3A_1212 = arith.constant 1 : i32
        %add3A_1213 = arith.addi %add3A_1176, %add3A_1212 : i32
        %get3A_1214 = arith.index_cast %add3A_1213 : i32 to index
        %get3A_1215 = arith.constant 16 : index
        %get3A_1216 = tpu.vector_load %arg6[%get3A_1214, %get3A_1215] {strides = array<i32>} : memref<400x64xf32, #tpu.memory_space<vmem>>, vector<1x16xf32>,
        %get3A_1217 = vector.shape_cast %get3A_1216 : vector<1x16xf32> to vector<16xf32>
        %add3A_1218 = arith.addf %add3A_1190, %get3A_1217 : vector<16xf32>
        %add3A_1219 = arith.constant 1 : i32
        %add3A_1220 = arith.addi %add3A_1176, %add3A_1219 : i32
        %get3A_1221 = arith.index_cast %add3A_1220 : i32 to index
        %get3A_1222 = arith.constant 32 : index
        %get3A_1223 = tpu.vector_load %arg6[%get3A_1221, %get3A_1222] {strides = array<i32>} : memref<400x64xf32, #tpu.memory_space<vmem>>, vector<1x16xf32>,
        %get3A_1224 = vector.shape_cast %get3A_1223 : vector<1x16xf32> to vector<16xf32>
        %add3A_1225 = arith.addf %add3A_1197, %get3A_1224 : vector<16xf32>
        %add3A_1226 = arith.constant 1 : i32
        %add3A_1227 = arith.addi %add3A_1176, %add3A_1226 : i32
        %get3A_1228 = arith.index_cast %add3A_1227 : i32 to index
        %get3A_1229 = arith.constant 48 : index
        %get3A_1230 = tpu.vector_load %arg6[%get3A_1228, %get3A_1229] {strides = array<i32>} : memref<400x64xf32, #tpu.memory_space<vmem>>, vector<1x16xf32>,
        %get3A_1231 = vector.shape_cast %get3A_1230 : vector<1x16xf32> to vector<16xf32>
        %add3A_1232 = arith.addf %add3A_1204, %get3A_1231 : vector<16xf32>
        %add3A_1233 = arith.constant 2 : i32
        %add3A_1234 = arith.addi %add3A_1176, %add3A_1233 : i32
        %get3A_1235 = arith.index_cast %add3A_1234 : i32 to index
        %get3A_1236 = arith.constant 0 : index
        %get3A_1237 = tpu.vector_load %arg6[%get3A_1235, %get3A_1236] {strides = array<i32>} : memref<400x64xf32, #tpu.memory_space<vmem>>, vector<1x16xf32>,
        %get3A_1238 = vector.shape_cast %get3A_1237 : vector<1x16xf32> to vector<16xf32>
        %add3A_1239 = arith.addf %add3A_1211, %get3A_1238 : vector<16xf32>
        %add3A_1240 = arith.constant 2 : i32
        %add3A_1241 = arith.addi %add3A_1176, %add3A_1240 : i32
        %get3A_1242 = arith.index_cast %add3A_1241 : i32 to index
        %get3A_1243 = arith.constant 16 : index
        %get3A_1244 = tpu.vector_load %arg6[%get3A_1242, %get3A_1243] {strides = array<i32>} : memref<400x64xf32, #tpu.memory_space<vmem>>, vector<1x16xf32>,
        %get3A_1245 = vector.shape_cast %get3A_1244 : vector<1x16xf32> to vector<16xf32>
        %add3A_1246 = arith.addf %add3A_1218, %get3A_1245 : vector<16xf32>
        %add3A_1247 = arith.constant 2 : i32
        %add3A_1248 = arith.addi %add3A_1176, %add3A_1247 : i32
        %get3A_1249 = arith.index_cast %add3A_1248 : i32 to index
        %get3A_1250 = arith.constant 32 : index
        %get3A_1251 = tpu.vector_load %arg6[%get3A_1249, %get3A_1250] {strides = array<i32>} : memref<400x64xf32, #tpu.memory_space<vmem>>, vector<1x16xf32>,
        %get3A_1252 = vector.shape_cast %get3A_1251 : vector<1x16xf32> to vector<16xf32>
        %add3A_1253 = arith.addf %add3A_1225, %get3A_1252 : vector<16xf32>
        %add3A_1254 = arith.constant 2 : i32
        %add3A_1255 = arith.addi %add3A_1176, %add3A_1254 : i32
        %get3A_1256 = arith.index_cast %add3A_1255 : i32 to index
        %get3A_1257 = arith.constant 48 : index
        %get3A_1258 = tpu.vector_load %arg6[%get3A_1256, %get3A_1257] {strides = array<i32>} : memref<400x64xf32, #tpu.memory_space<vmem>>, vector<1x16xf32>,
        %get3A_1259 = vector.shape_cast %get3A_1258 : vector<1x16xf32> to vector<16xf32>
        %add3A_1260 = arith.addf %add3A_1232, %get3A_1259 : vector<16xf32>
        %add3A_1261 = arith.constant 3 : i32
        %add3A_1262 = arith.addi %add3A_1176, %add3A_1261 : i32
        %get3A_1263 = arith.index_cast %add3A_1262 : i32 to index
        %get3A_1264 = arith.constant 0 : index
        %get3A_1265 = tpu.vector_load %arg6[%get3A_1263, %get3A_1264] {strides = array<i32>} : memref<400x64xf32, #tpu.memory_space<vmem>>, vector<1x16xf32>,
        %get3A_1266 = vector.shape_cast %get3A_1265 : vector<1x16xf32> to vector<16xf32>
        %add3A_1267 = arith.addf %add3A_1239, %get3A_1266 : vector<16xf32>
        %add3A_1268 = arith.constant 3 : i32
        %add3A_1269 = arith.addi %add3A_1176, %add3A_1268 : i32
        %get3A_1270 = arith.index_cast %add3A_1269 : i32 to index
        %get3A_1271 = arith.constant 16 : index
        %get3A_1272 = tpu.vector_load %arg6[%get3A_1270, %get3A_1271] {strides = array<i32>} : memref<400x64xf32, #tpu.memory_space<vmem>>, vector<1x16xf32>,
        %get3A_1273 = vector.shape_cast %get3A_1272 : vector<1x16xf32> to vector<16xf32>
        %add3A_1274 = arith.addf %add3A_1246, %get3A_1273 : vector<16xf32>
        %add3A_1275 = arith.constant 3 : i32
        %add3A_1276 = arith.addi %add3A_1176, %add3A_1275 : i32
        %get3A_1277 = arith.index_cast %add3A_1276 : i32 to index
        %get3A_1278 = arith.constant 32 : index
        %get3A_1279 = tpu.vector_load %arg6[%get3A_1277, %get3A_1278] {strides = array<i32>} : memref<400x64xf32, #tpu.memory_space<vmem>>, vector<1x16xf32>,
        %get3A_1280 = vector.shape_cast %get3A_1279 : vector<1x16xf32> to vector<16xf32>
        %add3A_1281 = arith.addf %add3A_1253, %get3A_1280 : vector<16xf32>
        %add3A_1282 = arith.constant 3 : i32
        %add3A_1283 = arith.addi %add3A_1176, %add3A_1282 : i32
        %get3A_1284 = arith.index_cast %add3A_1283 : i32 to index
        %get3A_1285 = arith.constant 48 : index
        %get3A_1286 = tpu.vector_load %arg6[%get3A_1284, %get3A_1285] {strides = array<i32>} : memref<400x64xf32, #tpu.memory_space<vmem>>, vector<1x16xf32>,
        %get3A_1287 = vector.shape_cast %get3A_1286 : vector<1x16xf32> to vector<16xf32>
        %add3A_1288 = arith.addf %add3A_1260, %get3A_1287 : vector<16xf32>
        %add3A_1289 = arith.constant 4 : i32
        %add3A_1290 = arith.addi %add3A_1176, %add3A_1289 : i32
        %get3A_1291 = arith.index_cast %add3A_1290 : i32 to index
        %get3A_1292 = arith.constant 0 : index
        %get3A_1293 = tpu.vector_load %arg6[%get3A_1291, %get3A_1292] {strides = array<i32>} : memref<400x64xf32, #tpu.memory_space<vmem>>, vector<1x16xf32>,
        %get3A_1294 = vector.shape_cast %get3A_1293 : vector<1x16xf32> to vector<16xf32>
        %add3A_1295 = arith.addf %add3A_1267, %get3A_1294 : vector<16xf32>
        %add3A_1296 = arith.constant 4 : i32
        %add3A_1297 = arith.addi %add3A_1176, %add3A_1296 : i32
        %get3A_1298 = arith.index_cast %add3A_1297 : i32 to index
        %get3A_1299 = arith.constant 16 : index
        %get3A_1300 = tpu.vector_load %arg6[%get3A_1298, %get3A_1299] {strides = array<i32>} : memref<400x64xf32, #tpu.memory_space<vmem>>, vector<1x16xf32>,
        %get3A_1301 = vector.shape_cast %get3A_1300 : vector<1x16xf32> to vector<16xf32>
        %add3A_1302 = arith.addf %add3A_1274, %get3A_1301 : vector<16xf32>
        %add3A_1303 = arith.constant 4 : i32
        %add3A_1304 = arith.addi %add3A_1176, %add3A_1303 : i32
        %get3A_1305 = arith.index_cast %add3A_1304 : i32 to index
        %get3A_1306 = arith.constant 32 : index
        %get3A_1307 = tpu.vector_load %arg6[%get3A_1305, %get3A_1306] {strides = array<i32>} : memref<400x64xf32, #tpu.memory_space<vmem>>, vector<1x16xf32>,
        %get3A_1308 = vector.shape_cast %get3A_1307 : vector<1x16xf32> to vector<16xf32>
        %add3A_1309 = arith.addf %add3A_1281, %get3A_1308 : vector<16xf32>
        %add3A_1310 = arith.constant 4 : i32
        %add3A_1311 = arith.addi %add3A_1176, %add3A_1310 : i32
        %get3A_1312 = arith.index_cast %add3A_1311 : i32 to index
        %get3A_1313 = arith.constant 48 : index
        %get3A_1314 = tpu.vector_load %arg6[%get3A_1312, %get3A_1313] {strides = array<i32>} : memref<400x64xf32, #tpu.memory_space<vmem>>, vector<1x16xf32>,
        %get3A_1315 = vector.shape_cast %get3A_1314 : vector<1x16xf32> to vector<16xf32>
        %add3A_1316 = arith.addf %add3A_1288, %get3A_1315 : vector<16xf32>
        %add3A_1317 = arith.constant 5 : i32
        %add3A_1318 = arith.addi %add3A_1176, %add3A_1317 : i32
        %get3A_1319 = arith.index_cast %add3A_1318 : i32 to index
        %get3A_1320 = arith.constant 0 : index
        %get3A_1321 = tpu.vector_load %arg6[%get3A_1319, %get3A_1320] {strides = array<i32>} : memref<400x64xf32, #tpu.memory_space<vmem>>, vector<1x16xf32>,
        %get3A_1322 = vector.shape_cast %get3A_1321 : vector<1x16xf32> to vector<16xf32>
        %add3A_1323 = arith.addf %add3A_1295, %get3A_1322 : vector<16xf32>
        %add3A_1324 = arith.constant 5 : i32
        %add3A_1325 = arith.addi %add3A_1176, %add3A_1324 : i32
        %get3A_1326 = arith.index_cast %add3A_1325 : i32 to index
        %get3A_1327 = arith.constant 16 : index
        %get3A_1328 = tpu.vector_load %arg6[%get3A_1326, %get3A_1327] {strides = array<i32>} : memref<400x64xf32, #tpu.memory_space<vmem>>, vector<1x16xf32>,
        %get3A_1329 = vector.shape_cast %get3A_1328 : vector<1x16xf32> to vector<16xf32>
        %add3A_1330 = arith.addf %add3A_1302, %get3A_1329 : vector<16xf32>
        %add3A_1331 = arith.constant 5 : i32
        %add3A_1332 = arith.addi %add3A_1176, %add3A_1331 : i32
        %get3A_1333 = arith.index_cast %add3A_1332 : i32 to index
        %get3A_1334 = arith.constant 32 : index
        %get3A_1335 = tpu.vector_load %arg6[%get3A_1333, %get3A_1334] {strides = array<i32>} : memref<400x64xf32, #tpu.memory_space<vmem>>, vector<1x16xf32>,
        %get3A_1336 = vector.shape_cast %get3A_1335 : vector<1x16xf32> to vector<16xf32>
        %add3A_1337 = arith.addf %add3A_1309, %get3A_1336 : vector<16xf32>
        %add3A_1338 = arith.constant 5 : i32
        %add3A_1339 = arith.addi %add3A_1176, %add3A_1338 : i32
        %get3A_1340 = arith.index_cast %add3A_1339 : i32 to index
        %get3A_1341 = arith.constant 48 : index
        %get3A_1342 = tpu.vector_load %arg6[%get3A_1340, %get3A_1341] {strides = array<i32>} : memref<400x64xf32, #tpu.memory_space<vmem>>, vector<1x16xf32>,
        %get3A_1343 = vector.shape_cast %get3A_1342 : vector<1x16xf32> to vector<16xf32>
        %add3A_1344 = arith.addf %add3A_1316, %get3A_1343 : vector<16xf32>
        %add3A_1345 = arith.constant 6 : i32
        %add3A_1346 = arith.addi %add3A_1176, %add3A_1345 : i32
        %get3A_1347 = arith.index_cast %add3A_1346 : i32 to index
        %get3A_1348 = arith.constant 0 : index
        %get3A_1349 = tpu.vector_load %arg6[%get3A_1347, %get3A_1348] {strides = array<i32>} : memref<400x64xf32, #tpu.memory_space<vmem>>, vector<1x16xf32>,
        %get3A_1350 = vector.shape_cast %get3A_1349 : vector<1x16xf32> to vector<16xf32>
        %add3A_1351 = arith.addf %add3A_1323, %get3A_1350 : vector<16xf32>
        %add3A_1352 = arith.constant 6 : i32
        %add3A_1353 = arith.addi %add3A_1176, %add3A_1352 : i32
        %get3A_1354 = arith.index_cast %add3A_1353 : i32 to index
        %get3A_1355 = arith.constant 16 : index
        %get3A_1356 = tpu.vector_load %arg6[%get3A_1354, %get3A_1355] {strides = array<i32>} : memref<400x64xf32, #tpu.memory_space<vmem>>, vector<1x16xf32>,
        %get3A_1357 = vector.shape_cast %get3A_1356 : vector<1x16xf32> to vector<16xf32>
        %add3A_1358 = arith.addf %add3A_1330, %get3A_1357 : vector<16xf32>
        %add3A_1359 = arith.constant 6 : i32
        %add3A_1360 = arith.addi %add3A_1176, %add3A_1359 : i32
        %get3A_1361 = arith.index_cast %add3A_1360 : i32 to index
        %get3A_1362 = arith.constant 32 : index
        %get3A_1363 = tpu.vector_load %arg6[%get3A_1361, %get3A_1362] {strides = array<i32>} : memref<400x64xf32, #tpu.memory_space<vmem>>, vector<1x16xf32>,
        %get3A_1364 = vector.shape_cast %get3A_1363 : vector<1x16xf32> to vector<16xf32>
        %add3A_1365 = arith.addf %add3A_1337, %get3A_1364 : vector<16xf32>
        %add3A_1366 = arith.constant 6 : i32
        %add3A_1367 = arith.addi %add3A_1176, %add3A_1366 : i32
        %get3A_1368 = arith.index_cast %add3A_1367 : i32 to index
        %get3A_1369 = arith.constant 48 : index
        %get3A_1370 = tpu.vector_load %arg6[%get3A_1368, %get3A_1369] {strides = array<i32>} : memref<400x64xf32, #tpu.memory_space<vmem>>, vector<1x16xf32>,
        %get3A_1371 = vector.shape_cast %get3A_1370 : vector<1x16xf32> to vector<16xf32>
        %add3A_1372 = arith.addf %add3A_1344, %get3A_1371 : vector<16xf32>
        scf.yield %add3A_1351, %add3A_1358, %add3A_1365, %add3A_1372 : vector<16xf32>, vector<16xf32>, vector<16xf32>, vector<16xf32>
      }
      %scan3A_596 = arith.constant 7 : i32
      %swap3A_597 = arith.constant 6 : i32
      %swap3A_598 = arith.index_cast %swap3A_597 : i32 to index
      %swap3A_599 = arith.constant 0 : index
      %swap3A_600 = tpu.vector_load %arg8[%swap3A_598, %swap3A_599] {strides = array<i32>} : memref<8x128xf32, #tpu.memory_space<vmem>>, vector<1x16xf32>,
      %swap3A_601 = vector.shape_cast %swap3A_600 : vector<1x16xf32> to vector<16xf32>
      %swap3A_602 = vector.shape_cast %scan3A_595#0 : vector<16xf32> to vector<1x16xf32>
      tpu.vector_store %arg8[%swap3A_598, %swap3A_599], %swap3A_602 {strides = array<i32>} : memref<8x128xf32, #tpu.memory_space<vmem>>, vector<1x16xf32>,
      %swap3A_603 = arith.constant 6 : i32
      %swap3A_604 = arith.index_cast %swap3A_603 : i32 to index
      %swap3A_605 = arith.constant 16 : index
      %swap3A_606 = tpu.vector_load %arg8[%swap3A_604, %swap3A_605] {strides = array<i32>} : memref<8x128xf32, #tpu.memory_space<vmem>>, vector<1x16xf32>,
      %swap3A_607 = vector.shape_cast %swap3A_606 : vector<1x16xf32> to vector<16xf32>
      %swap3A_608 = vector.shape_cast %scan3A_595#1 : vector<16xf32> to vector<1x16xf32>
      tpu.vector_store %arg8[%swap3A_604, %swap3A_605], %swap3A_608 {strides = array<i32>} : memref<8x128xf32, #tpu.memory_space<vmem>>, vector<1x16xf32>,
      %swap3A_609 = arith.constant 6 : i32
      %swap3A_610 = arith.index_cast %swap3A_609 : i32 to index
      %swap3A_611 = arith.constant 32 : index
      %swap3A_612 = tpu.vector_load %arg8[%swap3A_610, %swap3A_611] {strides = array<i32>} : memref<8x128xf32, #tpu.memory_space<vmem>>, vector<1x16xf32>,
      %swap3A_613 = vector.shape_cast %swap3A_612 : vector<1x16xf32> to vector<16xf32>
      %swap3A_614 = vector.shape_cast %scan3A_595#2 : vector<16xf32> to vector<1x16xf32>
      tpu.vector_store %arg8[%swap3A_610, %swap3A_611], %swap3A_614 {strides = array<i32>} : memref<8x128xf32, #tpu.memory_space<vmem>>, vector<1x16xf32>,
      %swap3A_615 = arith.constant 6 : i32
      %swap3A_616 = arith.index_cast %swap3A_615 : i32 to index
      %swap3A_617 = arith.constant 48 : index
      %swap3A_618 = tpu.vector_load %arg8[%swap3A_616, %swap3A_617] {strides = array<i32>} : memref<8x128xf32, #tpu.memory_space<vmem>>, vector<1x16xf32>,
      %swap3A_619 = vector.shape_cast %swap3A_618 : vector<1x16xf32> to vector<16xf32>
      %swap3A_620 = vector.shape_cast %scan3A_595#3 : vector<16xf32> to vector<1x16xf32>
      tpu.vector_store %arg8[%swap3A_616, %swap3A_617], %swap3A_620 {strides = array<i32>} : memref<8x128xf32, #tpu.memory_space<vmem>>, vector<1x16xf32>,
      %get3A_621 = arith.constant 350 : i32
      %get3A_622 = arith.index_cast %get3A_621 : i32 to index
      %get3A_623 = arith.constant 0 : index
      %get3A_624 = tpu.vector_load %arg6[%get3A_622, %get3A_623] {strides = array<i32>} : memref<400x64xf32, #tpu.memory_space<vmem>>, vector<1x16xf32>,
      %get3A_625 = vector.shape_cast %get3A_624 : vector<1x16xf32> to vector<16xf32>
      %get3A_626 = arith.constant 350 : i32
      %get3A_627 = arith.index_cast %get3A_626 : i32 to index
      %get3A_628 = arith.constant 16 : index
      %get3A_629 = tpu.vector_load %arg6[%get3A_627, %get3A_628] {strides = array<i32>} : memref<400x64xf32, #tpu.memory_space<vmem>>, vector<1x16xf32>,
      %get3A_630 = vector.shape_cast %get3A_629 : vector<1x16xf32> to vector<16xf32>
      %get3A_631 = arith.constant 350 : i32
      %get3A_632 = arith.index_cast %get3A_631 : i32 to index
      %get3A_633 = arith.constant 32 : index
      %get3A_634 = tpu.vector_load %arg6[%get3A_632, %get3A_633] {strides = array<i32>} : memref<400x64xf32, #tpu.memory_space<vmem>>, vector<1x16xf32>,
      %get3A_635 = vector.shape_cast %get3A_634 : vector<1x16xf32> to vector<16xf32>
      %get3A_636 = arith.constant 350 : i32
      %get3A_637 = arith.index_cast %get3A_636 : i32 to index
      %get3A_638 = arith.constant 48 : index
      %get3A_639 = tpu.vector_load %arg6[%get3A_637, %get3A_638] {strides = array<i32>} : memref<400x64xf32, #tpu.memory_space<vmem>>, vector<1x16xf32>,
      %get3A_640 = vector.shape_cast %get3A_639 : vector<1x16xf32> to vector<16xf32>
      %scan3A_641 = arith.constant 0 : i32
      %scan3A_642 = arith.constant 7 : i32
      %scan3A_643 = arith.addi %scan3A_641, %scan3A_642 : i32
      %scan3A_644 = arith.constant 1 : i32
      %scan3A_645:4 = scf.for %scan3A_1168 = %scan3A_641 to %scan3A_643 step %scan3A_644 iter_args(%scan3A_1169 = %get3A_625, %scan3A_1170 = %get3A_630, %scan3A_1171 = %get3A_635, %scan3A_1172 = %get3A_640) -> (vector<16xf32>, vector<16xf32>, vector<16xf32>, vector<16xf32>)  : i32 {
        %mul3A_1173 = arith.constant 7 : i32
        %mul3A_1174 = arith.muli %scan3A_1168, %mul3A_1173 : i32
        %add3A_1175 = arith.constant 351 : i32
        %add3A_1176 = arith.addi %add3A_1175, %mul3A_1174 : i32
        %add3A_1177 = arith.constant 0 : i32
        %add3A_1178 = arith.addi %add3A_1176, %add3A_1177 : i32
        %get3A_1179 = arith.index_cast %add3A_1178 : i32 to index
        %get3A_1180 = arith.constant 0 : index
        %get3A_1181 = tpu.vector_load %arg6[%get3A_1179, %get3A_1180] {strides = array<i32>} : memref<400x64xf32, #tpu.memory_space<vmem>>, vector<1x16xf32>,
        %get3A_1182 = vector.shape_cast %get3A_1181 : vector<1x16xf32> to vector<16xf32>
        %add3A_1183 = arith.addf %scan3A_1169, %get3A_1182 : vector<16xf32>
        %add3A_1184 = arith.constant 0 : i32
        %add3A_1185 = arith.addi %add3A_1176, %add3A_1184 : i32
        %get3A_1186 = arith.index_cast %add3A_1185 : i32 to index
        %get3A_1187 = arith.constant 16 : index
        %get3A_1188 = tpu.vector_load %arg6[%get3A_1186, %get3A_1187] {strides = array<i32>} : memref<400x64xf32, #tpu.memory_space<vmem>>, vector<1x16xf32>,
        %get3A_1189 = vector.shape_cast %get3A_1188 : vector<1x16xf32> to vector<16xf32>
        %add3A_1190 = arith.addf %scan3A_1170, %get3A_1189 : vector<16xf32>
        %add3A_1191 = arith.constant 0 : i32
        %add3A_1192 = arith.addi %add3A_1176, %add3A_1191 : i32
        %get3A_1193 = arith.index_cast %add3A_1192 : i32 to index
        %get3A_1194 = arith.constant 32 : index
        %get3A_1195 = tpu.vector_load %arg6[%get3A_1193, %get3A_1194] {strides = array<i32>} : memref<400x64xf32, #tpu.memory_space<vmem>>, vector<1x16xf32>,
        %get3A_1196 = vector.shape_cast %get3A_1195 : vector<1x16xf32> to vector<16xf32>
        %add3A_1197 = arith.addf %scan3A_1171, %get3A_1196 : vector<16xf32>
        %add3A_1198 = arith.constant 0 : i32
        %add3A_1199 = arith.addi %add3A_1176, %add3A_1198 : i32
        %get3A_1200 = arith.index_cast %add3A_1199 : i32 to index
        %get3A_1201 = arith.constant 48 : index
        %get3A_1202 = tpu.vector_load %arg6[%get3A_1200, %get3A_1201] {strides = array<i32>} : memref<400x64xf32, #tpu.memory_space<vmem>>, vector<1x16xf32>,
        %get3A_1203 = vector.shape_cast %get3A_1202 : vector<1x16xf32> to vector<16xf32>
        %add3A_1204 = arith.addf %scan3A_1172, %get3A_1203 : vector<16xf32>
        %add3A_1205 = arith.constant 1 : i32
        %add3A_1206 = arith.addi %add3A_1176, %add3A_1205 : i32
        %get3A_1207 = arith.index_cast %add3A_1206 : i32 to index
        %get3A_1208 = arith.constant 0 : index
        %get3A_1209 = tpu.vector_load %arg6[%get3A_1207, %get3A_1208] {strides = array<i32>} : memref<400x64xf32, #tpu.memory_space<vmem>>, vector<1x16xf32>,
        %get3A_1210 = vector.shape_cast %get3A_1209 : vector<1x16xf32> to vector<16xf32>
        %add3A_1211 = arith.addf %add3A_1183, %get3A_1210 : vector<16xf32>
        %add3A_1212 = arith.constant 1 : i32
        %add3A_1213 = arith.addi %add3A_1176, %add3A_1212 : i32
        %get3A_1214 = arith.index_cast %add3A_1213 : i32 to index
        %get3A_1215 = arith.constant 16 : index
        %get3A_1216 = tpu.vector_load %arg6[%get3A_1214, %get3A_1215] {strides = array<i32>} : memref<400x64xf32, #tpu.memory_space<vmem>>, vector<1x16xf32>,
        %get3A_1217 = vector.shape_cast %get3A_1216 : vector<1x16xf32> to vector<16xf32>
        %add3A_1218 = arith.addf %add3A_1190, %get3A_1217 : vector<16xf32>
        %add3A_1219 = arith.constant 1 : i32
        %add3A_1220 = arith.addi %add3A_1176, %add3A_1219 : i32
        %get3A_1221 = arith.index_cast %add3A_1220 : i32 to index
        %get3A_1222 = arith.constant 32 : index
        %get3A_1223 = tpu.vector_load %arg6[%get3A_1221, %get3A_1222] {strides = array<i32>} : memref<400x64xf32, #tpu.memory_space<vmem>>, vector<1x16xf32>,
        %get3A_1224 = vector.shape_cast %get3A_1223 : vector<1x16xf32> to vector<16xf32>
        %add3A_1225 = arith.addf %add3A_1197, %get3A_1224 : vector<16xf32>
        %add3A_1226 = arith.constant 1 : i32
        %add3A_1227 = arith.addi %add3A_1176, %add3A_1226 : i32
        %get3A_1228 = arith.index_cast %add3A_1227 : i32 to index
        %get3A_1229 = arith.constant 48 : index
        %get3A_1230 = tpu.vector_load %arg6[%get3A_1228, %get3A_1229] {strides = array<i32>} : memref<400x64xf32, #tpu.memory_space<vmem>>, vector<1x16xf32>,
        %get3A_1231 = vector.shape_cast %get3A_1230 : vector<1x16xf32> to vector<16xf32>
        %add3A_1232 = arith.addf %add3A_1204, %get3A_1231 : vector<16xf32>
        %add3A_1233 = arith.constant 2 : i32
        %add3A_1234 = arith.addi %add3A_1176, %add3A_1233 : i32
        %get3A_1235 = arith.index_cast %add3A_1234 : i32 to index
        %get3A_1236 = arith.constant 0 : index
        %get3A_1237 = tpu.vector_load %arg6[%get3A_1235, %get3A_1236] {strides = array<i32>} : memref<400x64xf32, #tpu.memory_space<vmem>>, vector<1x16xf32>,
        %get3A_1238 = vector.shape_cast %get3A_1237 : vector<1x16xf32> to vector<16xf32>
        %add3A_1239 = arith.addf %add3A_1211, %get3A_1238 : vector<16xf32>
        %add3A_1240 = arith.constant 2 : i32
        %add3A_1241 = arith.addi %add3A_1176, %add3A_1240 : i32
        %get3A_1242 = arith.index_cast %add3A_1241 : i32 to index
        %get3A_1243 = arith.constant 16 : index
        %get3A_1244 = tpu.vector_load %arg6[%get3A_1242, %get3A_1243] {strides = array<i32>} : memref<400x64xf32, #tpu.memory_space<vmem>>, vector<1x16xf32>,
        %get3A_1245 = vector.shape_cast %get3A_1244 : vector<1x16xf32> to vector<16xf32>
        %add3A_1246 = arith.addf %add3A_1218, %get3A_1245 : vector<16xf32>
        %add3A_1247 = arith.constant 2 : i32
        %add3A_1248 = arith.addi %add3A_1176, %add3A_1247 : i32
        %get3A_1249 = arith.index_cast %add3A_1248 : i32 to index
        %get3A_1250 = arith.constant 32 : index
        %get3A_1251 = tpu.vector_load %arg6[%get3A_1249, %get3A_1250] {strides = array<i32>} : memref<400x64xf32, #tpu.memory_space<vmem>>, vector<1x16xf32>,
        %get3A_1252 = vector.shape_cast %get3A_1251 : vector<1x16xf32> to vector<16xf32>
        %add3A_1253 = arith.addf %add3A_1225, %get3A_1252 : vector<16xf32>
        %add3A_1254 = arith.constant 2 : i32
        %add3A_1255 = arith.addi %add3A_1176, %add3A_1254 : i32
        %get3A_1256 = arith.index_cast %add3A_1255 : i32 to index
        %get3A_1257 = arith.constant 48 : index
        %get3A_1258 = tpu.vector_load %arg6[%get3A_1256, %get3A_1257] {strides = array<i32>} : memref<400x64xf32, #tpu.memory_space<vmem>>, vector<1x16xf32>,
        %get3A_1259 = vector.shape_cast %get3A_1258 : vector<1x16xf32> to vector<16xf32>
        %add3A_1260 = arith.addf %add3A_1232, %get3A_1259 : vector<16xf32>
        %add3A_1261 = arith.constant 3 : i32
        %add3A_1262 = arith.addi %add3A_1176, %add3A_1261 : i32
        %get3A_1263 = arith.index_cast %add3A_1262 : i32 to index
        %get3A_1264 = arith.constant 0 : index
        %get3A_1265 = tpu.vector_load %arg6[%get3A_1263, %get3A_1264] {strides = array<i32>} : memref<400x64xf32, #tpu.memory_space<vmem>>, vector<1x16xf32>,
        %get3A_1266 = vector.shape_cast %get3A_1265 : vector<1x16xf32> to vector<16xf32>
        %add3A_1267 = arith.addf %add3A_1239, %get3A_1266 : vector<16xf32>
        %add3A_1268 = arith.constant 3 : i32
        %add3A_1269 = arith.addi %add3A_1176, %add3A_1268 : i32
        %get3A_1270 = arith.index_cast %add3A_1269 : i32 to index
        %get3A_1271 = arith.constant 16 : index
        %get3A_1272 = tpu.vector_load %arg6[%get3A_1270, %get3A_1271] {strides = array<i32>} : memref<400x64xf32, #tpu.memory_space<vmem>>, vector<1x16xf32>,
        %get3A_1273 = vector.shape_cast %get3A_1272 : vector<1x16xf32> to vector<16xf32>
        %add3A_1274 = arith.addf %add3A_1246, %get3A_1273 : vector<16xf32>
        %add3A_1275 = arith.constant 3 : i32
        %add3A_1276 = arith.addi %add3A_1176, %add3A_1275 : i32
        %get3A_1277 = arith.index_cast %add3A_1276 : i32 to index
        %get3A_1278 = arith.constant 32 : index
        %get3A_1279 = tpu.vector_load %arg6[%get3A_1277, %get3A_1278] {strides = array<i32>} : memref<400x64xf32, #tpu.memory_space<vmem>>, vector<1x16xf32>,
        %get3A_1280 = vector.shape_cast %get3A_1279 : vector<1x16xf32> to vector<16xf32>
        %add3A_1281 = arith.addf %add3A_1253, %get3A_1280 : vector<16xf32>
        %add3A_1282 = arith.constant 3 : i32
        %add3A_1283 = arith.addi %add3A_1176, %add3A_1282 : i32
        %get3A_1284 = arith.index_cast %add3A_1283 : i32 to index
        %get3A_1285 = arith.constant 48 : index
        %get3A_1286 = tpu.vector_load %arg6[%get3A_1284, %get3A_1285] {strides = array<i32>} : memref<400x64xf32, #tpu.memory_space<vmem>>, vector<1x16xf32>,
        %get3A_1287 = vector.shape_cast %get3A_1286 : vector<1x16xf32> to vector<16xf32>
        %add3A_1288 = arith.addf %add3A_1260, %get3A_1287 : vector<16xf32>
        %add3A_1289 = arith.constant 4 : i32
        %add3A_1290 = arith.addi %add3A_1176, %add3A_1289 : i32
        %get3A_1291 = arith.index_cast %add3A_1290 : i32 to index
        %get3A_1292 = arith.constant 0 : index
        %get3A_1293 = tpu.vector_load %arg6[%get3A_1291, %get3A_1292] {strides = array<i32>} : memref<400x64xf32, #tpu.memory_space<vmem>>, vector<1x16xf32>,
        %get3A_1294 = vector.shape_cast %get3A_1293 : vector<1x16xf32> to vector<16xf32>
        %add3A_1295 = arith.addf %add3A_1267, %get3A_1294 : vector<16xf32>
        %add3A_1296 = arith.constant 4 : i32
        %add3A_1297 = arith.addi %add3A_1176, %add3A_1296 : i32
        %get3A_1298 = arith.index_cast %add3A_1297 : i32 to index
        %get3A_1299 = arith.constant 16 : index
        %get3A_1300 = tpu.vector_load %arg6[%get3A_1298, %get3A_1299] {strides = array<i32>} : memref<400x64xf32, #tpu.memory_space<vmem>>, vector<1x16xf32>,
        %get3A_1301 = vector.shape_cast %get3A_1300 : vector<1x16xf32> to vector<16xf32>
        %add3A_1302 = arith.addf %add3A_1274, %get3A_1301 : vector<16xf32>
        %add3A_1303 = arith.constant 4 : i32
        %add3A_1304 = arith.addi %add3A_1176, %add3A_1303 : i32
        %get3A_1305 = arith.index_cast %add3A_1304 : i32 to index
        %get3A_1306 = arith.constant 32 : index
        %get3A_1307 = tpu.vector_load %arg6[%get3A_1305, %get3A_1306] {strides = array<i32>} : memref<400x64xf32, #tpu.memory_space<vmem>>, vector<1x16xf32>,
        %get3A_1308 = vector.shape_cast %get3A_1307 : vector<1x16xf32> to vector<16xf32>
        %add3A_1309 = arith.addf %add3A_1281, %get3A_1308 : vector<16xf32>
        %add3A_1310 = arith.constant 4 : i32
        %add3A_1311 = arith.addi %add3A_1176, %add3A_1310 : i32
        %get3A_1312 = arith.index_cast %add3A_1311 : i32 to index
        %get3A_1313 = arith.constant 48 : index
        %get3A_1314 = tpu.vector_load %arg6[%get3A_1312, %get3A_1313] {strides = array<i32>} : memref<400x64xf32, #tpu.memory_space<vmem>>, vector<1x16xf32>,
        %get3A_1315 = vector.shape_cast %get3A_1314 : vector<1x16xf32> to vector<16xf32>
        %add3A_1316 = arith.addf %add3A_1288, %get3A_1315 : vector<16xf32>
        %add3A_1317 = arith.constant 5 : i32
        %add3A_1318 = arith.addi %add3A_1176, %add3A_1317 : i32
        %get3A_1319 = arith.index_cast %add3A_1318 : i32 to index
        %get3A_1320 = arith.constant 0 : index
        %get3A_1321 = tpu.vector_load %arg6[%get3A_1319, %get3A_1320] {strides = array<i32>} : memref<400x64xf32, #tpu.memory_space<vmem>>, vector<1x16xf32>,
        %get3A_1322 = vector.shape_cast %get3A_1321 : vector<1x16xf32> to vector<16xf32>
        %add3A_1323 = arith.addf %add3A_1295, %get3A_1322 : vector<16xf32>
        %add3A_1324 = arith.constant 5 : i32
        %add3A_1325 = arith.addi %add3A_1176, %add3A_1324 : i32
        %get3A_1326 = arith.index_cast %add3A_1325 : i32 to index
        %get3A_1327 = arith.constant 16 : index
        %get3A_1328 = tpu.vector_load %arg6[%get3A_1326, %get3A_1327] {strides = array<i32>} : memref<400x64xf32, #tpu.memory_space<vmem>>, vector<1x16xf32>,
        %get3A_1329 = vector.shape_cast %get3A_1328 : vector<1x16xf32> to vector<16xf32>
        %add3A_1330 = arith.addf %add3A_1302, %get3A_1329 : vector<16xf32>
        %add3A_1331 = arith.constant 5 : i32
        %add3A_1332 = arith.addi %add3A_1176, %add3A_1331 : i32
        %get3A_1333 = arith.index_cast %add3A_1332 : i32 to index
        %get3A_1334 = arith.constant 32 : index
        %get3A_1335 = tpu.vector_load %arg6[%get3A_1333, %get3A_1334] {strides = array<i32>} : memref<400x64xf32, #tpu.memory_space<vmem>>, vector<1x16xf32>,
        %get3A_1336 = vector.shape_cast %get3A_1335 : vector<1x16xf32> to vector<16xf32>
        %add3A_1337 = arith.addf %add3A_1309, %get3A_1336 : vector<16xf32>
        %add3A_1338 = arith.constant 5 : i32
        %add3A_1339 = arith.addi %add3A_1176, %add3A_1338 : i32
        %get3A_1340 = arith.index_cast %add3A_1339 : i32 to index
        %get3A_1341 = arith.constant 48 : index
        %get3A_1342 = tpu.vector_load %arg6[%get3A_1340, %get3A_1341] {strides = array<i32>} : memref<400x64xf32, #tpu.memory_space<vmem>>, vector<1x16xf32>,
        %get3A_1343 = vector.shape_cast %get3A_1342 : vector<1x16xf32> to vector<16xf32>
        %add3A_1344 = arith.addf %add3A_1316, %get3A_1343 : vector<16xf32>
        %add3A_1345 = arith.constant 6 : i32
        %add3A_1346 = arith.addi %add3A_1176, %add3A_1345 : i32
        %get3A_1347 = arith.index_cast %add3A_1346 : i32 to index
        %get3A_1348 = arith.constant 0 : index
        %get3A_1349 = tpu.vector_load %arg6[%get3A_1347, %get3A_1348] {strides = array<i32>} : memref<400x64xf32, #tpu.memory_space<vmem>>, vector<1x16xf32>,
        %get3A_1350 = vector.shape_cast %get3A_1349 : vector<1x16xf32> to vector<16xf32>
        %add3A_1351 = arith.addf %add3A_1323, %get3A_1350 : vector<16xf32>
        %add3A_1352 = arith.constant 6 : i32
        %add3A_1353 = arith.addi %add3A_1176, %add3A_1352 : i32
        %get3A_1354 = arith.index_cast %add3A_1353 : i32 to index
        %get3A_1355 = arith.constant 16 : index
        %get3A_1356 = tpu.vector_load %arg6[%get3A_1354, %get3A_1355] {strides = array<i32>} : memref<400x64xf32, #tpu.memory_space<vmem>>, vector<1x16xf32>,
        %get3A_1357 = vector.shape_cast %get3A_1356 : vector<1x16xf32> to vector<16xf32>
        %add3A_1358 = arith.addf %add3A_1330, %get3A_1357 : vector<16xf32>
        %add3A_1359 = arith.constant 6 : i32
        %add3A_1360 = arith.addi %add3A_1176, %add3A_1359 : i32
        %get3A_1361 = arith.index_cast %add3A_1360 : i32 to index
        %get3A_1362 = arith.constant 32 : index
        %get3A_1363 = tpu.vector_load %arg6[%get3A_1361, %get3A_1362] {strides = array<i32>} : memref<400x64xf32, #tpu.memory_space<vmem>>, vector<1x16xf32>,
        %get3A_1364 = vector.shape_cast %get3A_1363 : vector<1x16xf32> to vector<16xf32>
        %add3A_1365 = arith.addf %add3A_1337, %get3A_1364 : vector<16xf32>
        %add3A_1366 = arith.constant 6 : i32
        %add3A_1367 = arith.addi %add3A_1176, %add3A_1366 : i32
        %get3A_1368 = arith.index_cast %add3A_1367 : i32 to index
        %get3A_1369 = arith.constant 48 : index
        %get3A_1370 = tpu.vector_load %arg6[%get3A_1368, %get3A_1369] {strides = array<i32>} : memref<400x64xf32, #tpu.memory_space<vmem>>, vector<1x16xf32>,
        %get3A_1371 = vector.shape_cast %get3A_1370 : vector<1x16xf32> to vector<16xf32>
        %add3A_1372 = arith.addf %add3A_1344, %get3A_1371 : vector<16xf32>
        scf.yield %add3A_1351, %add3A_1358, %add3A_1365, %add3A_1372 : vector<16xf32>, vector<16xf32>, vector<16xf32>, vector<16xf32>
      }
      %scan3A_646 = arith.constant 7 : i32
      %swap3A_647 = arith.constant 7 : i32
      %swap3A_648 = arith.index_cast %swap3A_647 : i32 to index
      %swap3A_649 = arith.constant 0 : index
      %swap3A_650 = tpu.vector_load %arg8[%swap3A_648, %swap3A_649] {strides = array<i32>} : memref<8x128xf32, #tpu.memory_space<vmem>>, vector<1x16xf32>,
      %swap3A_651 = vector.shape_cast %swap3A_650 : vector<1x16xf32> to vector<16xf32>
      %swap3A_652 = vector.shape_cast %scan3A_645#0 : vector<16xf32> to vector<1x16xf32>
      tpu.vector_store %arg8[%swap3A_648, %swap3A_649], %swap3A_652 {strides = array<i32>} : memref<8x128xf32, #tpu.memory_space<vmem>>, vector<1x16xf32>,
      %swap3A_653 = arith.constant 7 : i32
      %swap3A_654 = arith.index_cast %swap3A_653 : i32 to index
      %swap3A_655 = arith.constant 16 : index
      %swap3A_656 = tpu.vector_load %arg8[%swap3A_654, %swap3A_655] {strides = array<i32>} : memref<8x128xf32, #tpu.memory_space<vmem>>, vector<1x16xf32>,
      %swap3A_657 = vector.shape_cast %swap3A_656 : vector<1x16xf32> to vector<16xf32>
      %swap3A_658 = vector.shape_cast %scan3A_645#1 : vector<16xf32> to vector<1x16xf32>
      tpu.vector_store %arg8[%swap3A_654, %swap3A_655], %swap3A_658 {strides = array<i32>} : memref<8x128xf32, #tpu.memory_space<vmem>>, vector<1x16xf32>,
      %swap3A_659 = arith.constant 7 : i32
      %swap3A_660 = arith.index_cast %swap3A_659 : i32 to index
      %swap3A_661 = arith.constant 32 : index
      %swap3A_662 = tpu.vector_load %arg8[%swap3A_660, %swap3A_661] {strides = array<i32>} : memref<8x128xf32, #tpu.memory_space<vmem>>, vector<1x16xf32>,
      %swap3A_663 = vector.shape_cast %swap3A_662 : vector<1x16xf32> to vector<16xf32>
      %swap3A_664 = vector.shape_cast %scan3A_645#2 : vector<16xf32> to vector<1x16xf32>
      tpu.vector_store %arg8[%swap3A_660, %swap3A_661], %swap3A_664 {strides = array<i32>} : memref<8x128xf32, #tpu.memory_space<vmem>>, vector<1x16xf32>,
      %swap3A_665 = arith.constant 7 : i32
      %swap3A_666 = arith.index_cast %swap3A_665 : i32 to index
      %swap3A_667 = arith.constant 48 : index
      %swap3A_668 = tpu.vector_load %arg8[%swap3A_666, %swap3A_667] {strides = array<i32>} : memref<8x128xf32, #tpu.memory_space<vmem>>, vector<1x16xf32>,
      %swap3A_669 = vector.shape_cast %swap3A_668 : vector<1x16xf32> to vector<16xf32>
      %swap3A_670 = vector.shape_cast %scan3A_645#3 : vector<16xf32> to vector<1x16xf32>
      tpu.vector_store %arg8[%swap3A_666, %swap3A_667], %swap3A_670 {strides = array<i32>} : memref<8x128xf32, #tpu.memory_space<vmem>>, vector<1x16xf32>,
      %mul3A_671 = arith.constant 2 : i32
      %mul3A_672 = arith.muli %mul3A_671, %scan3A_90 : i32
      %mul3A_673 = arith.constant 512 : i32
      %mul3A_674 = arith.muli %add3A, %mul3A_673 : i32
      %mul3A_675 = arith.constant 8 : i32
      %mul3A_676 = arith.muli %mul3A_672, %mul3A_675 : i32
      %add3A_677 = arith.addi %mul3A_674, %mul3A_676 : i32
      %dma_start3A_678 = arith.constant 0 : i32
      %dma_start3A_679 = tpu.memref_slice %arg4[%add3A_677, %dma_start3A_678] : memref<16384x128xf32, #tpu.memory_space<hbm>> -> memref<8x128xf32, #tpu.memory_space<hbm>>
      %dma_start3A_680 = arith.constant 0 : i32
      %dma_start3A_681 = tpu.memref_slice %arg4[%add3A_677, %dma_start3A_680] : memref<16384x128xf32, #tpu.memory_space<hbm>> -> memref<8x128xf32, #tpu.memory_space<hbm>>
      tpu.enqueue_dma source(%arg8 : memref<8x128xf32, #tpu.memory_space<vmem>>) target(%dma_start3A_681 : memref<8x128xf32, #tpu.memory_space<hbm>>) target_semaphore(%arg12 : memref<!tpu.dma_semaphore, #tpu.memory_space<semaphore_mem>>)
      %lt3A = arith.constant 31 : i32
      %lt3A_682 = arith.cmpi slt, %scan3A_90, %lt3A : i32
      %convert_element_type3A_683 = arith.extui %lt3A_682 : i1 to i32
      %cond3A_684 = arith.constant 0 : i32
      %cond3A_685 = arith.cmpi ne, %convert_element_type3A_683, %cond3A_684 : i32
      scf.if %cond3A_685 {
        %mul3A_1168 = arith.constant 2 : i32
        %mul3A_1169 = arith.muli %mul3A_1168, %scan3A_90 : i32
        %add3A_1170 = arith.constant 2 : i32
        %add3A_1171 = arith.addi %mul3A_1169, %add3A_1170 : i32
        %mul3A_1172 = arith.constant 8 : i32
        %mul3A_1173 = arith.muli %add3A_1171, %mul3A_1172 : i32
        %add3A_1174 = arith.constant 0 : i32
        %add3A_1175 = arith.addi %mul3A_1173, %add3A_1174 : i32
        %mul3A_1176 = arith.constant 128 : i32
        %mul3A_1177 = arith.muli %add3A_1175, %mul3A_1176 : i32
        %multiple_of3A_1178 = tpu.assume_multiple %mul3A_1177, 8 : i32
        %dma_start3A_1179 = arith.constant 0 : i32
        %dma_start3A_1180 = arith.constant 0 : i32
        %dma_start3A_1181 = tpu.memref_slice %arg6[%dma_start3A_1179, %dma_start3A_1180] : memref<400x64xf32, #tpu.memory_space<vmem>> -> memref<50x64xf32, #tpu.memory_space<vmem>>
        %dma_start3A_1182 = tpu.memref_slice %arg5[%multiple_of3A_1178] : memref<65536xi32, #tpu.memory_space<vmem>> -> memref<50xi32, #tpu.memory_space<vmem>>
        %dma_start3A_1183 = arith.constant 0 : i32
        %dma_start3A_1184 = arith.constant 0 : i32
        %dma_start3A_1185 = tpu.memref_slice %arg3[%dma_start3A_1183, %dma_start3A_1184] : memref<1000000x64xf32, #tpu.memory_space<hbm>> -> memref<1000000x64xf32, #tpu.memory_space<hbm>>
        tpu.enqueue_indirect_dma source(%dma_start3A_1185 : memref<1000000x64xf32, #tpu.memory_space<hbm>>) target(%dma_start3A_1181 : memref<50x64xf32, #tpu.memory_space<vmem>>) offsets(%dma_start3A_1182 : memref<50xi32, #tpu.memory_space<vmem>>) semaphore(%arg10 : memref<!tpu.dma_semaphore, #tpu.memory_space<semaphore_mem>>)
        %mul3A_1186 = arith.constant 8 : i32
        %mul3A_1187 = arith.muli %add3A_1171, %mul3A_1186 : i32
        %add3A_1188 = arith.constant 1 : i32
        %add3A_1189 = arith.addi %mul3A_1187, %add3A_1188 : i32
        %mul3A_1190 = arith.constant 128 : i32
        %mul3A_1191 = arith.muli %add3A_1189, %mul3A_1190 : i32
        %multiple_of3A_1192 = tpu.assume_multiple %mul3A_1191, 8 : i32
        %dma_start3A_1193 = arith.constant 50 : i32
        %dma_start3A_1194 = arith.constant 0 : i32
        %dma_start3A_1195 = tpu.memref_slice %arg6[%dma_start3A_1193, %dma_start3A_1194] : memref<400x64xf32, #tpu.memory_space<vmem>> -> memref<50x64xf32, #tpu.memory_space<vmem>>
        %dma_start3A_1196 = tpu.memref_slice %arg5[%multiple_of3A_1192] : memref<65536xi32, #tpu.memory_space<vmem>> -> memref<50xi32, #tpu.memory_space<vmem>>
        %dma_start3A_1197 = arith.constant 0 : i32
        %dma_start3A_1198 = arith.constant 0 : i32
        %dma_start3A_1199 = tpu.memref_slice %arg3[%dma_start3A_1197, %dma_start3A_1198] : memref<1000000x64xf32, #tpu.memory_space<hbm>> -> memref<1000000x64xf32, #tpu.memory_space<hbm>>
        tpu.enqueue_indirect_dma source(%dma_start3A_1199 : memref<1000000x64xf32, #tpu.memory_space<hbm>>) target(%dma_start3A_1195 : memref<50x64xf32, #tpu.memory_space<vmem>>) offsets(%dma_start3A_1196 : memref<50xi32, #tpu.memory_space<vmem>>) semaphore(%arg10 : memref<!tpu.dma_semaphore, #tpu.memory_space<semaphore_mem>>)
        %mul3A_1200 = arith.constant 8 : i32
        %mul3A_1201 = arith.muli %add3A_1171, %mul3A_1200 : i32
        %add3A_1202 = arith.constant 2 : i32
        %add3A_1203 = arith.addi %mul3A_1201, %add3A_1202 : i32
        %mul3A_1204 = arith.constant 128 : i32
        %mul3A_1205 = arith.muli %add3A_1203, %mul3A_1204 : i32
        %multiple_of3A_1206 = tpu.assume_multiple %mul3A_1205, 8 : i32
        %dma_start3A_1207 = arith.constant 100 : i32
        %dma_start3A_1208 = arith.constant 0 : i32
        %dma_start3A_1209 = tpu.memref_slice %arg6[%dma_start3A_1207, %dma_start3A_1208] : memref<400x64xf32, #tpu.memory_space<vmem>> -> memref<50x64xf32, #tpu.memory_space<vmem>>
        %dma_start3A_1210 = tpu.memref_slice %arg5[%multiple_of3A_1206] : memref<65536xi32, #tpu.memory_space<vmem>> -> memref<50xi32, #tpu.memory_space<vmem>>
        %dma_start3A_1211 = arith.constant 0 : i32
        %dma_start3A_1212 = arith.constant 0 : i32
        %dma_start3A_1213 = tpu.memref_slice %arg3[%dma_start3A_1211, %dma_start3A_1212] : memref<1000000x64xf32, #tpu.memory_space<hbm>> -> memref<1000000x64xf32, #tpu.memory_space<hbm>>
        tpu.enqueue_indirect_dma source(%dma_start3A_1213 : memref<1000000x64xf32, #tpu.memory_space<hbm>>) target(%dma_start3A_1209 : memref<50x64xf32, #tpu.memory_space<vmem>>) offsets(%dma_start3A_1210 : memref<50xi32, #tpu.memory_space<vmem>>) semaphore(%arg10 : memref<!tpu.dma_semaphore, #tpu.memory_space<semaphore_mem>>)
        %mul3A_1214 = arith.constant 8 : i32
        %mul3A_1215 = arith.muli %add3A_1171, %mul3A_1214 : i32
        %add3A_1216 = arith.constant 3 : i32
        %add3A_1217 = arith.addi %mul3A_1215, %add3A_1216 : i32
        %mul3A_1218 = arith.constant 128 : i32
        %mul3A_1219 = arith.muli %add3A_1217, %mul3A_1218 : i32
        %multiple_of3A_1220 = tpu.assume_multiple %mul3A_1219, 8 : i32
        %dma_start3A_1221 = arith.constant 150 : i32
        %dma_start3A_1222 = arith.constant 0 : i32
        %dma_start3A_1223 = tpu.memref_slice %arg6[%dma_start3A_1221, %dma_start3A_1222] : memref<400x64xf32, #tpu.memory_space<vmem>> -> memref<50x64xf32, #tpu.memory_space<vmem>>
        %dma_start3A_1224 = tpu.memref_slice %arg5[%multiple_of3A_1220] : memref<65536xi32, #tpu.memory_space<vmem>> -> memref<50xi32, #tpu.memory_space<vmem>>
        %dma_start3A_1225 = arith.constant 0 : i32
        %dma_start3A_1226 = arith.constant 0 : i32
        %dma_start3A_1227 = tpu.memref_slice %arg3[%dma_start3A_1225, %dma_start3A_1226] : memref<1000000x64xf32, #tpu.memory_space<hbm>> -> memref<1000000x64xf32, #tpu.memory_space<hbm>>
        tpu.enqueue_indirect_dma source(%dma_start3A_1227 : memref<1000000x64xf32, #tpu.memory_space<hbm>>) target(%dma_start3A_1223 : memref<50x64xf32, #tpu.memory_space<vmem>>) offsets(%dma_start3A_1224 : memref<50xi32, #tpu.memory_space<vmem>>) semaphore(%arg10 : memref<!tpu.dma_semaphore, #tpu.memory_space<semaphore_mem>>)
        %mul3A_1228 = arith.constant 8 : i32
        %mul3A_1229 = arith.muli %add3A_1171, %mul3A_1228 : i32
        %add3A_1230 = arith.constant 4 : i32
        %add3A_1231 = arith.addi %mul3A_1229, %add3A_1230 : i32
        %mul3A_1232 = arith.constant 128 : i32
        %mul3A_1233 = arith.muli %add3A_1231, %mul3A_1232 : i32
        %multiple_of3A_1234 = tpu.assume_multiple %mul3A_1233, 8 : i32
        %dma_start3A_1235 = arith.constant 200 : i32
        %dma_start3A_1236 = arith.constant 0 : i32
        %dma_start3A_1237 = tpu.memref_slice %arg6[%dma_start3A_1235, %dma_start3A_1236] : memref<400x64xf32, #tpu.memory_space<vmem>> -> memref<50x64xf32, #tpu.memory_space<vmem>>
        %dma_start3A_1238 = tpu.memref_slice %arg5[%multiple_of3A_1234] : memref<65536xi32, #tpu.memory_space<vmem>> -> memref<50xi32, #tpu.memory_space<vmem>>
        %dma_start3A_1239 = arith.constant 0 : i32
        %dma_start3A_1240 = arith.constant 0 : i32
        %dma_start3A_1241 = tpu.memref_slice %arg3[%dma_start3A_1239, %dma_start3A_1240] : memref<1000000x64xf32, #tpu.memory_space<hbm>> -> memref<1000000x64xf32, #tpu.memory_space<hbm>>
        tpu.enqueue_indirect_dma source(%dma_start3A_1241 : memref<1000000x64xf32, #tpu.memory_space<hbm>>) target(%dma_start3A_1237 : memref<50x64xf32, #tpu.memory_space<vmem>>) offsets(%dma_start3A_1238 : memref<50xi32, #tpu.memory_space<vmem>>) semaphore(%arg10 : memref<!tpu.dma_semaphore, #tpu.memory_space<semaphore_mem>>)
        %mul3A_1242 = arith.constant 8 : i32
        %mul3A_1243 = arith.muli %add3A_1171, %mul3A_1242 : i32
        %add3A_1244 = arith.constant 5 : i32
        %add3A_1245 = arith.addi %mul3A_1243, %add3A_1244 : i32
        %mul3A_1246 = arith.constant 128 : i32
        %mul3A_1247 = arith.muli %add3A_1245, %mul3A_1246 : i32
        %multiple_of3A_1248 = tpu.assume_multiple %mul3A_1247, 8 : i32
        %dma_start3A_1249 = arith.constant 250 : i32
        %dma_start3A_1250 = arith.constant 0 : i32
        %dma_start3A_1251 = tpu.memref_slice %arg6[%dma_start3A_1249, %dma_start3A_1250] : memref<400x64xf32, #tpu.memory_space<vmem>> -> memref<50x64xf32, #tpu.memory_space<vmem>>
        %dma_start3A_1252 = tpu.memref_slice %arg5[%multiple_of3A_1248] : memref<65536xi32, #tpu.memory_space<vmem>> -> memref<50xi32, #tpu.memory_space<vmem>>
        %dma_start3A_1253 = arith.constant 0 : i32
        %dma_start3A_1254 = arith.constant 0 : i32
        %dma_start3A_1255 = tpu.memref_slice %arg3[%dma_start3A_1253, %dma_start3A_1254] : memref<1000000x64xf32, #tpu.memory_space<hbm>> -> memref<1000000x64xf32, #tpu.memory_space<hbm>>
        tpu.enqueue_indirect_dma source(%dma_start3A_1255 : memref<1000000x64xf32, #tpu.memory_space<hbm>>) target(%dma_start3A_1251 : memref<50x64xf32, #tpu.memory_space<vmem>>) offsets(%dma_start3A_1252 : memref<50xi32, #tpu.memory_space<vmem>>) semaphore(%arg10 : memref<!tpu.dma_semaphore, #tpu.memory_space<semaphore_mem>>)
        %mul3A_1256 = arith.constant 8 : i32
        %mul3A_1257 = arith.muli %add3A_1171, %mul3A_1256 : i32
        %add3A_1258 = arith.constant 6 : i32
        %add3A_1259 = arith.addi %mul3A_1257, %add3A_1258 : i32
        %mul3A_1260 = arith.constant 128 : i32
        %mul3A_1261 = arith.muli %add3A_1259, %mul3A_1260 : i32
        %multiple_of3A_1262 = tpu.assume_multiple %mul3A_1261, 8 : i32
        %dma_start3A_1263 = arith.constant 300 : i32
        %dma_start3A_1264 = arith.constant 0 : i32
        %dma_start3A_1265 = tpu.memref_slice %arg6[%dma_start3A_1263, %dma_start3A_1264] : memref<400x64xf32, #tpu.memory_space<vmem>> -> memref<50x64xf32, #tpu.memory_space<vmem>>
        %dma_start3A_1266 = tpu.memref_slice %arg5[%multiple_of3A_1262] : memref<65536xi32, #tpu.memory_space<vmem>> -> memref<50xi32, #tpu.memory_space<vmem>>
        %dma_start3A_1267 = arith.constant 0 : i32
        %dma_start3A_1268 = arith.constant 0 : i32
        %dma_start3A_1269 = tpu.memref_slice %arg3[%dma_start3A_1267, %dma_start3A_1268] : memref<1000000x64xf32, #tpu.memory_space<hbm>> -> memref<1000000x64xf32, #tpu.memory_space<hbm>>
        tpu.enqueue_indirect_dma source(%dma_start3A_1269 : memref<1000000x64xf32, #tpu.memory_space<hbm>>) target(%dma_start3A_1265 : memref<50x64xf32, #tpu.memory_space<vmem>>) offsets(%dma_start3A_1266 : memref<50xi32, #tpu.memory_space<vmem>>) semaphore(%arg10 : memref<!tpu.dma_semaphore, #tpu.memory_space<semaphore_mem>>)
        %mul3A_1270 = arith.constant 8 : i32
        %mul3A_1271 = arith.muli %add3A_1171, %mul3A_1270 : i32
        %add3A_1272 = arith.constant 7 : i32
        %add3A_1273 = arith.addi %mul3A_1271, %add3A_1272 : i32
        %mul3A_1274 = arith.constant 128 : i32
        %mul3A_1275 = arith.muli %add3A_1273, %mul3A_1274 : i32
        %multiple_of3A_1276 = tpu.assume_multiple %mul3A_1275, 8 : i32
        %dma_start3A_1277 = arith.constant 350 : i32
        %dma_start3A_1278 = arith.constant 0 : i32
        %dma_start3A_1279 = tpu.memref_slice %arg6[%dma_start3A_1277, %dma_start3A_1278] : memref<400x64xf32, #tpu.memory_space<vmem>> -> memref<50x64xf32, #tpu.memory_space<vmem>>
        %dma_start3A_1280 = tpu.memref_slice %arg5[%multiple_of3A_1276] : memref<65536xi32, #tpu.memory_space<vmem>> -> memref<50xi32, #tpu.memory_space<vmem>>
        %dma_start3A_1281 = arith.constant 0 : i32
        %dma_start3A_1282 = arith.constant 0 : i32
        %dma_start3A_1283 = tpu.memref_slice %arg3[%dma_start3A_1281, %dma_start3A_1282] : memref<1000000x64xf32, #tpu.memory_space<hbm>> -> memref<1000000x64xf32, #tpu.memory_space<hbm>>
        tpu.enqueue_indirect_dma source(%dma_start3A_1283 : memref<1000000x64xf32, #tpu.memory_space<hbm>>) target(%dma_start3A_1279 : memref<50x64xf32, #tpu.memory_space<vmem>>) offsets(%dma_start3A_1280 : memref<50xi32, #tpu.memory_space<vmem>>) semaphore(%arg10 : memref<!tpu.dma_semaphore, #tpu.memory_space<semaphore_mem>>)
      } else {
      }
      %dma_wait3A_686 = arith.constant 0 : i32
      %dma_wait3A_687 = arith.constant 0 : i32
      %dma_wait3A_688 = tpu.memref_slice %arg7[%dma_wait3A_686, %dma_wait3A_687] : memref<400x64xf32, #tpu.memory_space<vmem>> -> memref<50x64xf32, #tpu.memory_space<vmem>>
      %dma_wait3A_689 = arith.constant 0 : i32
      %dma_wait3A_690 = tpu.memref_slice %arg5[%dma_wait3A_689] : memref<65536xi32, #tpu.memory_space<vmem>> -> memref<50xi32, #tpu.memory_space<vmem>>
      %dma_wait3A_691 = arith.constant 0 : i32
      %dma_wait3A_692 = arith.constant 0 : i32
      %dma_wait3A_693 = tpu.memref_slice %arg3[%dma_wait3A_691, %dma_wait3A_692] : memref<1000000x64xf32, #tpu.memory_space<hbm>> -> memref<1000000x64xf32, #tpu.memory_space<hbm>>
      tpu.wait_indirect_dma semaphore(%arg11 : memref<!tpu.dma_semaphore, #tpu.memory_space<semaphore_mem>>) src(%dma_wait3A_693 : memref<1000000x64xf32, #tpu.memory_space<hbm>>) dst(%dma_wait3A_688 : memref<50x64xf32, #tpu.memory_space<vmem>>)
      %dma_wait3A_694 = arith.constant 50 : i32
      %dma_wait3A_695 = arith.constant 0 : i32
      %dma_wait3A_696 = tpu.memref_slice %arg7[%dma_wait3A_694, %dma_wait3A_695] : memref<400x64xf32, #tpu.memory_space<vmem>> -> memref<50x64xf32, #tpu.memory_space<vmem>>
      %dma_wait3A_697 = arith.constant 0 : i32
      %dma_wait3A_698 = tpu.memref_slice %arg5[%dma_wait3A_697] : memref<65536xi32, #tpu.memory_space<vmem>> -> memref<50xi32, #tpu.memory_space<vmem>>
      %dma_wait3A_699 = arith.constant 0 : i32
      %dma_wait3A_700 = arith.constant 0 : i32
      %dma_wait3A_701 = tpu.memref_slice %arg3[%dma_wait3A_699, %dma_wait3A_700] : memref<1000000x64xf32, #tpu.memory_space<hbm>> -> memref<1000000x64xf32, #tpu.memory_space<hbm>>
      tpu.wait_indirect_dma semaphore(%arg11 : memref<!tpu.dma_semaphore, #tpu.memory_space<semaphore_mem>>) src(%dma_wait3A_701 : memref<1000000x64xf32, #tpu.memory_space<hbm>>) dst(%dma_wait3A_696 : memref<50x64xf32, #tpu.memory_space<vmem>>)
      %dma_wait3A_702 = arith.constant 100 : i32
      %dma_wait3A_703 = arith.constant 0 : i32
      %dma_wait3A_704 = tpu.memref_slice %arg7[%dma_wait3A_702, %dma_wait3A_703] : memref<400x64xf32, #tpu.memory_space<vmem>> -> memref<50x64xf32, #tpu.memory_space<vmem>>
      %dma_wait3A_705 = arith.constant 0 : i32
      %dma_wait3A_706 = tpu.memref_slice %arg5[%dma_wait3A_705] : memref<65536xi32, #tpu.memory_space<vmem>> -> memref<50xi32, #tpu.memory_space<vmem>>
      %dma_wait3A_707 = arith.constant 0 : i32
      %dma_wait3A_708 = arith.constant 0 : i32
      %dma_wait3A_709 = tpu.memref_slice %arg3[%dma_wait3A_707, %dma_wait3A_708] : memref<1000000x64xf32, #tpu.memory_space<hbm>> -> memref<1000000x64xf32, #tpu.memory_space<hbm>>
      tpu.wait_indirect_dma semaphore(%arg11 : memref<!tpu.dma_semaphore, #tpu.memory_space<semaphore_mem>>) src(%dma_wait3A_709 : memref<1000000x64xf32, #tpu.memory_space<hbm>>) dst(%dma_wait3A_704 : memref<50x64xf32, #tpu.memory_space<vmem>>)
      %dma_wait3A_710 = arith.constant 150 : i32
      %dma_wait3A_711 = arith.constant 0 : i32
      %dma_wait3A_712 = tpu.memref_slice %arg7[%dma_wait3A_710, %dma_wait3A_711] : memref<400x64xf32, #tpu.memory_space<vmem>> -> memref<50x64xf32, #tpu.memory_space<vmem>>
      %dma_wait3A_713 = arith.constant 0 : i32
      %dma_wait3A_714 = tpu.memref_slice %arg5[%dma_wait3A_713] : memref<65536xi32, #tpu.memory_space<vmem>> -> memref<50xi32, #tpu.memory_space<vmem>>
      %dma_wait3A_715 = arith.constant 0 : i32
      %dma_wait3A_716 = arith.constant 0 : i32
      %dma_wait3A_717 = tpu.memref_slice %arg3[%dma_wait3A_715, %dma_wait3A_716] : memref<1000000x64xf32, #tpu.memory_space<hbm>> -> memref<1000000x64xf32, #tpu.memory_space<hbm>>
      tpu.wait_indirect_dma semaphore(%arg11 : memref<!tpu.dma_semaphore, #tpu.memory_space<semaphore_mem>>) src(%dma_wait3A_717 : memref<1000000x64xf32, #tpu.memory_space<hbm>>) dst(%dma_wait3A_712 : memref<50x64xf32, #tpu.memory_space<vmem>>)
      %dma_wait3A_718 = arith.constant 200 : i32
      %dma_wait3A_719 = arith.constant 0 : i32
      %dma_wait3A_720 = tpu.memref_slice %arg7[%dma_wait3A_718, %dma_wait3A_719] : memref<400x64xf32, #tpu.memory_space<vmem>> -> memref<50x64xf32, #tpu.memory_space<vmem>>
      %dma_wait3A_721 = arith.constant 0 : i32
      %dma_wait3A_722 = tpu.memref_slice %arg5[%dma_wait3A_721] : memref<65536xi32, #tpu.memory_space<vmem>> -> memref<50xi32, #tpu.memory_space<vmem>>
      %dma_wait3A_723 = arith.constant 0 : i32
      %dma_wait3A_724 = arith.constant 0 : i32
      %dma_wait3A_725 = tpu.memref_slice %arg3[%dma_wait3A_723, %dma_wait3A_724] : memref<1000000x64xf32, #tpu.memory_space<hbm>> -> memref<1000000x64xf32, #tpu.memory_space<hbm>>
      tpu.wait_indirect_dma semaphore(%arg11 : memref<!tpu.dma_semaphore, #tpu.memory_space<semaphore_mem>>) src(%dma_wait3A_725 : memref<1000000x64xf32, #tpu.memory_space<hbm>>) dst(%dma_wait3A_720 : memref<50x64xf32, #tpu.memory_space<vmem>>)
      %dma_wait3A_726 = arith.constant 250 : i32
      %dma_wait3A_727 = arith.constant 0 : i32
      %dma_wait3A_728 = tpu.memref_slice %arg7[%dma_wait3A_726, %dma_wait3A_727] : memref<400x64xf32, #tpu.memory_space<vmem>> -> memref<50x64xf32, #tpu.memory_space<vmem>>
      %dma_wait3A_729 = arith.constant 0 : i32
      %dma_wait3A_730 = tpu.memref_slice %arg5[%dma_wait3A_729] : memref<65536xi32, #tpu.memory_space<vmem>> -> memref<50xi32, #tpu.memory_space<vmem>>
      %dma_wait3A_731 = arith.constant 0 : i32
      %dma_wait3A_732 = arith.constant 0 : i32
      %dma_wait3A_733 = tpu.memref_slice %arg3[%dma_wait3A_731, %dma_wait3A_732] : memref<1000000x64xf32, #tpu.memory_space<hbm>> -> memref<1000000x64xf32, #tpu.memory_space<hbm>>
      tpu.wait_indirect_dma semaphore(%arg11 : memref<!tpu.dma_semaphore, #tpu.memory_space<semaphore_mem>>) src(%dma_wait3A_733 : memref<1000000x64xf32, #tpu.memory_space<hbm>>) dst(%dma_wait3A_728 : memref<50x64xf32, #tpu.memory_space<vmem>>)
      %dma_wait3A_734 = arith.constant 300 : i32
      %dma_wait3A_735 = arith.constant 0 : i32
      %dma_wait3A_736 = tpu.memref_slice %arg7[%dma_wait3A_734, %dma_wait3A_735] : memref<400x64xf32, #tpu.memory_space<vmem>> -> memref<50x64xf32, #tpu.memory_space<vmem>>
      %dma_wait3A_737 = arith.constant 0 : i32
      %dma_wait3A_738 = tpu.memref_slice %arg5[%dma_wait3A_737] : memref<65536xi32, #tpu.memory_space<vmem>> -> memref<50xi32, #tpu.memory_space<vmem>>
      %dma_wait3A_739 = arith.constant 0 : i32
      %dma_wait3A_740 = arith.constant 0 : i32
      %dma_wait3A_741 = tpu.memref_slice %arg3[%dma_wait3A_739, %dma_wait3A_740] : memref<1000000x64xf32, #tpu.memory_space<hbm>> -> memref<1000000x64xf32, #tpu.memory_space<hbm>>
      tpu.wait_indirect_dma semaphore(%arg11 : memref<!tpu.dma_semaphore, #tpu.memory_space<semaphore_mem>>) src(%dma_wait3A_741 : memref<1000000x64xf32, #tpu.memory_space<hbm>>) dst(%dma_wait3A_736 : memref<50x64xf32, #tpu.memory_space<vmem>>)
      %dma_wait3A_742 = arith.constant 350 : i32
      %dma_wait3A_743 = arith.constant 0 : i32
      %dma_wait3A_744 = tpu.memref_slice %arg7[%dma_wait3A_742, %dma_wait3A_743] : memref<400x64xf32, #tpu.memory_space<vmem>> -> memref<50x64xf32, #tpu.memory_space<vmem>>
      %dma_wait3A_745 = arith.constant 0 : i32
      %dma_wait3A_746 = tpu.memref_slice %arg5[%dma_wait3A_745] : memref<65536xi32, #tpu.memory_space<vmem>> -> memref<50xi32, #tpu.memory_space<vmem>>
      %dma_wait3A_747 = arith.constant 0 : i32
      %dma_wait3A_748 = arith.constant 0 : i32
      %dma_wait3A_749 = tpu.memref_slice %arg3[%dma_wait3A_747, %dma_wait3A_748] : memref<1000000x64xf32, #tpu.memory_space<hbm>> -> memref<1000000x64xf32, #tpu.memory_space<hbm>>
      tpu.wait_indirect_dma semaphore(%arg11 : memref<!tpu.dma_semaphore, #tpu.memory_space<semaphore_mem>>) src(%dma_wait3A_749 : memref<1000000x64xf32, #tpu.memory_space<hbm>>) dst(%dma_wait3A_744 : memref<50x64xf32, #tpu.memory_space<vmem>>)
      %gt3A_750 = arith.constant 0 : i32
      %gt3A_751 = arith.cmpi sgt, %scan3A_90, %gt3A_750 : i32
      %convert_element_type3A_752 = arith.extui %gt3A_751 : i1 to i32
      %cond3A_753 = arith.constant 0 : i32
      %cond3A_754 = arith.cmpi ne, %convert_element_type3A_752, %cond3A_753 : i32
      scf.if %cond3A_754 {
        %mul3A_1168 = arith.constant 512 : i32
        %mul3A_1169 = arith.muli %add3A, %mul3A_1168 : i32
        %dma_wait3A_1170 = arith.constant 0 : i32
        %dma_wait3A_1171 = tpu.memref_slice %arg4[%mul3A_1169, %dma_wait3A_1170] : memref<16384x128xf32, #tpu.memory_space<hbm>> -> memref<8x128xf32, #tpu.memory_space<hbm>>
        %dma_wait3A_1172 = arith.constant 0 : i32
        %dma_wait3A_1173 = tpu.memref_slice %arg4[%mul3A_1169, %dma_wait3A_1172] : memref<16384x128xf32, #tpu.memory_space<hbm>> -> memref<8x128xf32, #tpu.memory_space<hbm>>
        tpu.wait_dma2 semaphore(%arg13 : memref<!tpu.dma_semaphore, #tpu.memory_space<semaphore_mem>>) src(%arg9 : memref<8x128xf32, #tpu.memory_space<vmem>>) dst(%dma_wait3A_1173 : memref<8x128xf32, #tpu.memory_space<hbm>>)
      } else {
      }
      %get3A_755 = arith.constant 0 : i32
      %get3A_756 = arith.index_cast %get3A_755 : i32 to index
      %get3A_757 = arith.constant 0 : index
      %get3A_758 = tpu.vector_load %arg7[%get3A_756, %get3A_757] {strides = array<i32>} : memref<400x64xf32, #tpu.memory_space<vmem>>, vector<1x16xf32>,
      %get3A_759 = vector.shape_cast %get3A_758 : vector<1x16xf32> to vector<16xf32>
      %get3A_760 = arith.constant 0 : i32
      %get3A_761 = arith.index_cast %get3A_760 : i32 to index
      %get3A_762 = arith.constant 16 : index
      %get3A_763 = tpu.vector_load %arg7[%get3A_761, %get3A_762] {strides = array<i32>} : memref<400x64xf32, #tpu.memory_space<vmem>>, vector<1x16xf32>,
      %get3A_764 = vector.shape_cast %get3A_763 : vector<1x16xf32> to vector<16xf32>
      %get3A_765 = arith.constant 0 : i32
      %get3A_766 = arith.index_cast %get3A_765 : i32 to index
      %get3A_767 = arith.constant 32 : index
      %get3A_768 = tpu.vector_load %arg7[%get3A_766, %get3A_767] {strides = array<i32>} : memref<400x64xf32, #tpu.memory_space<vmem>>, vector<1x16xf32>,
      %get3A_769 = vector.shape_cast %get3A_768 : vector<1x16xf32> to vector<16xf32>
      %get3A_770 = arith.constant 0 : i32
      %get3A_771 = arith.index_cast %get3A_770 : i32 to index
      %get3A_772 = arith.constant 48 : index
      %get3A_773 = tpu.vector_load %arg7[%get3A_771, %get3A_772] {strides = array<i32>} : memref<400x64xf32, #tpu.memory_space<vmem>>, vector<1x16xf32>,
      %get3A_774 = vector.shape_cast %get3A_773 : vector<1x16xf32> to vector<16xf32>
      %scan3A_775 = arith.constant 0 : i32
      %scan3A_776 = arith.constant 7 : i32
      %scan3A_777 = arith.addi %scan3A_775, %scan3A_776 : i32
      %scan3A_778 = arith.constant 1 : i32
      %scan3A_779:4 = scf.for %scan3A_1168 = %scan3A_775 to %scan3A_777 step %scan3A_778 iter_args(%scan3A_1169 = %get3A_759, %scan3A_1170 = %get3A_764, %scan3A_1171 = %get3A_769, %scan3A_1172 = %get3A_774) -> (vector<16xf32>, vector<16xf32>, vector<16xf32>, vector<16xf32>)  : i32 {
        %mul3A_1173 = arith.constant 7 : i32
        %mul3A_1174 = arith.muli %scan3A_1168, %mul3A_1173 : i32
        %add3A_1175 = arith.constant 1 : i32
        %add3A_1176 = arith.addi %add3A_1175, %mul3A_1174 : i32
        %add3A_1177 = arith.constant 0 : i32
        %add3A_1178 = arith.addi %add3A_1176, %add3A_1177 : i32
        %get3A_1179 = arith.index_cast %add3A_1178 : i32 to index
        %get3A_1180 = arith.constant 0 : index
        %get3A_1181 = tpu.vector_load %arg7[%get3A_1179, %get3A_1180] {strides = array<i32>} : memref<400x64xf32, #tpu.memory_space<vmem>>, vector<1x16xf32>,
        %get3A_1182 = vector.shape_cast %get3A_1181 : vector<1x16xf32> to vector<16xf32>
        %add3A_1183 = arith.addf %scan3A_1169, %get3A_1182 : vector<16xf32>
        %add3A_1184 = arith.constant 0 : i32
        %add3A_1185 = arith.addi %add3A_1176, %add3A_1184 : i32
        %get3A_1186 = arith.index_cast %add3A_1185 : i32 to index
        %get3A_1187 = arith.constant 16 : index
        %get3A_1188 = tpu.vector_load %arg7[%get3A_1186, %get3A_1187] {strides = array<i32>} : memref<400x64xf32, #tpu.memory_space<vmem>>, vector<1x16xf32>,
        %get3A_1189 = vector.shape_cast %get3A_1188 : vector<1x16xf32> to vector<16xf32>
        %add3A_1190 = arith.addf %scan3A_1170, %get3A_1189 : vector<16xf32>
        %add3A_1191 = arith.constant 0 : i32
        %add3A_1192 = arith.addi %add3A_1176, %add3A_1191 : i32
        %get3A_1193 = arith.index_cast %add3A_1192 : i32 to index
        %get3A_1194 = arith.constant 32 : index
        %get3A_1195 = tpu.vector_load %arg7[%get3A_1193, %get3A_1194] {strides = array<i32>} : memref<400x64xf32, #tpu.memory_space<vmem>>, vector<1x16xf32>,
        %get3A_1196 = vector.shape_cast %get3A_1195 : vector<1x16xf32> to vector<16xf32>
        %add3A_1197 = arith.addf %scan3A_1171, %get3A_1196 : vector<16xf32>
        %add3A_1198 = arith.constant 0 : i32
        %add3A_1199 = arith.addi %add3A_1176, %add3A_1198 : i32
        %get3A_1200 = arith.index_cast %add3A_1199 : i32 to index
        %get3A_1201 = arith.constant 48 : index
        %get3A_1202 = tpu.vector_load %arg7[%get3A_1200, %get3A_1201] {strides = array<i32>} : memref<400x64xf32, #tpu.memory_space<vmem>>, vector<1x16xf32>,
        %get3A_1203 = vector.shape_cast %get3A_1202 : vector<1x16xf32> to vector<16xf32>
        %add3A_1204 = arith.addf %scan3A_1172, %get3A_1203 : vector<16xf32>
        %add3A_1205 = arith.constant 1 : i32
        %add3A_1206 = arith.addi %add3A_1176, %add3A_1205 : i32
        %get3A_1207 = arith.index_cast %add3A_1206 : i32 to index
        %get3A_1208 = arith.constant 0 : index
        %get3A_1209 = tpu.vector_load %arg7[%get3A_1207, %get3A_1208] {strides = array<i32>} : memref<400x64xf32, #tpu.memory_space<vmem>>, vector<1x16xf32>,
        %get3A_1210 = vector.shape_cast %get3A_1209 : vector<1x16xf32> to vector<16xf32>
        %add3A_1211 = arith.addf %add3A_1183, %get3A_1210 : vector<16xf32>
        %add3A_1212 = arith.constant 1 : i32
        %add3A_1213 = arith.addi %add3A_1176, %add3A_1212 : i32
        %get3A_1214 = arith.index_cast %add3A_1213 : i32 to index
        %get3A_1215 = arith.constant 16 : index
        %get3A_1216 = tpu.vector_load %arg7[%get3A_1214, %get3A_1215] {strides = array<i32>} : memref<400x64xf32, #tpu.memory_space<vmem>>, vector<1x16xf32>,
        %get3A_1217 = vector.shape_cast %get3A_1216 : vector<1x16xf32> to vector<16xf32>
        %add3A_1218 = arith.addf %add3A_1190, %get3A_1217 : vector<16xf32>
        %add3A_1219 = arith.constant 1 : i32
        %add3A_1220 = arith.addi %add3A_1176, %add3A_1219 : i32
        %get3A_1221 = arith.index_cast %add3A_1220 : i32 to index
        %get3A_1222 = arith.constant 32 : index
        %get3A_1223 = tpu.vector_load %arg7[%get3A_1221, %get3A_1222] {strides = array<i32>} : memref<400x64xf32, #tpu.memory_space<vmem>>, vector<1x16xf32>,
        %get3A_1224 = vector.shape_cast %get3A_1223 : vector<1x16xf32> to vector<16xf32>
        %add3A_1225 = arith.addf %add3A_1197, %get3A_1224 : vector<16xf32>
        %add3A_1226 = arith.constant 1 : i32
        %add3A_1227 = arith.addi %add3A_1176, %add3A_1226 : i32
        %get3A_1228 = arith.index_cast %add3A_1227 : i32 to index
        %get3A_1229 = arith.constant 48 : index
        %get3A_1230 = tpu.vector_load %arg7[%get3A_1228, %get3A_1229] {strides = array<i32>} : memref<400x64xf32, #tpu.memory_space<vmem>>, vector<1x16xf32>,
        %get3A_1231 = vector.shape_cast %get3A_1230 : vector<1x16xf32> to vector<16xf32>
        %add3A_1232 = arith.addf %add3A_1204, %get3A_1231 : vector<16xf32>
        %add3A_1233 = arith.constant 2 : i32
        %add3A_1234 = arith.addi %add3A_1176, %add3A_1233 : i32
        %get3A_1235 = arith.index_cast %add3A_1234 : i32 to index
        %get3A_1236 = arith.constant 0 : index
        %get3A_1237 = tpu.vector_load %arg7[%get3A_1235, %get3A_1236] {strides = array<i32>} : memref<400x64xf32, #tpu.memory_space<vmem>>, vector<1x16xf32>,
        %get3A_1238 = vector.shape_cast %get3A_1237 : vector<1x16xf32> to vector<16xf32>
        %add3A_1239 = arith.addf %add3A_1211, %get3A_1238 : vector<16xf32>
        %add3A_1240 = arith.constant 2 : i32
        %add3A_1241 = arith.addi %add3A_1176, %add3A_1240 : i32
        %get3A_1242 = arith.index_cast %add3A_1241 : i32 to index
        %get3A_1243 = arith.constant 16 : index
        %get3A_1244 = tpu.vector_load %arg7[%get3A_1242, %get3A_1243] {strides = array<i32>} : memref<400x64xf32, #tpu.memory_space<vmem>>, vector<1x16xf32>,
        %get3A_1245 = vector.shape_cast %get3A_1244 : vector<1x16xf32> to vector<16xf32>
        %add3A_1246 = arith.addf %add3A_1218, %get3A_1245 : vector<16xf32>
        %add3A_1247 = arith.constant 2 : i32
        %add3A_1248 = arith.addi %add3A_1176, %add3A_1247 : i32
        %get3A_1249 = arith.index_cast %add3A_1248 : i32 to index
        %get3A_1250 = arith.constant 32 : index
        %get3A_1251 = tpu.vector_load %arg7[%get3A_1249, %get3A_1250] {strides = array<i32>} : memref<400x64xf32, #tpu.memory_space<vmem>>, vector<1x16xf32>,
        %get3A_1252 = vector.shape_cast %get3A_1251 : vector<1x16xf32> to vector<16xf32>
        %add3A_1253 = arith.addf %add3A_1225, %get3A_1252 : vector<16xf32>
        %add3A_1254 = arith.constant 2 : i32
        %add3A_1255 = arith.addi %add3A_1176, %add3A_1254 : i32
        %get3A_1256 = arith.index_cast %add3A_1255 : i32 to index
        %get3A_1257 = arith.constant 48 : index
        %get3A_1258 = tpu.vector_load %arg7[%get3A_1256, %get3A_1257] {strides = array<i32>} : memref<400x64xf32, #tpu.memory_space<vmem>>, vector<1x16xf32>,
        %get3A_1259 = vector.shape_cast %get3A_1258 : vector<1x16xf32> to vector<16xf32>
        %add3A_1260 = arith.addf %add3A_1232, %get3A_1259 : vector<16xf32>
        %add3A_1261 = arith.constant 3 : i32
        %add3A_1262 = arith.addi %add3A_1176, %add3A_1261 : i32
        %get3A_1263 = arith.index_cast %add3A_1262 : i32 to index
        %get3A_1264 = arith.constant 0 : index
        %get3A_1265 = tpu.vector_load %arg7[%get3A_1263, %get3A_1264] {strides = array<i32>} : memref<400x64xf32, #tpu.memory_space<vmem>>, vector<1x16xf32>,
        %get3A_1266 = vector.shape_cast %get3A_1265 : vector<1x16xf32> to vector<16xf32>
        %add3A_1267 = arith.addf %add3A_1239, %get3A_1266 : vector<16xf32>
        %add3A_1268 = arith.constant 3 : i32
        %add3A_1269 = arith.addi %add3A_1176, %add3A_1268 : i32
        %get3A_1270 = arith.index_cast %add3A_1269 : i32 to index
        %get3A_1271 = arith.constant 16 : index
        %get3A_1272 = tpu.vector_load %arg7[%get3A_1270, %get3A_1271] {strides = array<i32>} : memref<400x64xf32, #tpu.memory_space<vmem>>, vector<1x16xf32>,
        %get3A_1273 = vector.shape_cast %get3A_1272 : vector<1x16xf32> to vector<16xf32>
        %add3A_1274 = arith.addf %add3A_1246, %get3A_1273 : vector<16xf32>
        %add3A_1275 = arith.constant 3 : i32
        %add3A_1276 = arith.addi %add3A_1176, %add3A_1275 : i32
        %get3A_1277 = arith.index_cast %add3A_1276 : i32 to index
        %get3A_1278 = arith.constant 32 : index
        %get3A_1279 = tpu.vector_load %arg7[%get3A_1277, %get3A_1278] {strides = array<i32>} : memref<400x64xf32, #tpu.memory_space<vmem>>, vector<1x16xf32>,
        %get3A_1280 = vector.shape_cast %get3A_1279 : vector<1x16xf32> to vector<16xf32>
        %add3A_1281 = arith.addf %add3A_1253, %get3A_1280 : vector<16xf32>
        %add3A_1282 = arith.constant 3 : i32
        %add3A_1283 = arith.addi %add3A_1176, %add3A_1282 : i32
        %get3A_1284 = arith.index_cast %add3A_1283 : i32 to index
        %get3A_1285 = arith.constant 48 : index
        %get3A_1286 = tpu.vector_load %arg7[%get3A_1284, %get3A_1285] {strides = array<i32>} : memref<400x64xf32, #tpu.memory_space<vmem>>, vector<1x16xf32>,
        %get3A_1287 = vector.shape_cast %get3A_1286 : vector<1x16xf32> to vector<16xf32>
        %add3A_1288 = arith.addf %add3A_1260, %get3A_1287 : vector<16xf32>
        %add3A_1289 = arith.constant 4 : i32
        %add3A_1290 = arith.addi %add3A_1176, %add3A_1289 : i32
        %get3A_1291 = arith.index_cast %add3A_1290 : i32 to index
        %get3A_1292 = arith.constant 0 : index
        %get3A_1293 = tpu.vector_load %arg7[%get3A_1291, %get3A_1292] {strides = array<i32>} : memref<400x64xf32, #tpu.memory_space<vmem>>, vector<1x16xf32>,
        %get3A_1294 = vector.shape_cast %get3A_1293 : vector<1x16xf32> to vector<16xf32>
        %add3A_1295 = arith.addf %add3A_1267, %get3A_1294 : vector<16xf32>
        %add3A_1296 = arith.constant 4 : i32
        %add3A_1297 = arith.addi %add3A_1176, %add3A_1296 : i32
        %get3A_1298 = arith.index_cast %add3A_1297 : i32 to index
        %get3A_1299 = arith.constant 16 : index
        %get3A_1300 = tpu.vector_load %arg7[%get3A_1298, %get3A_1299] {strides = array<i32>} : memref<400x64xf32, #tpu.memory_space<vmem>>, vector<1x16xf32>,
        %get3A_1301 = vector.shape_cast %get3A_1300 : vector<1x16xf32> to vector<16xf32>
        %add3A_1302 = arith.addf %add3A_1274, %get3A_1301 : vector<16xf32>
        %add3A_1303 = arith.constant 4 : i32
        %add3A_1304 = arith.addi %add3A_1176, %add3A_1303 : i32
        %get3A_1305 = arith.index_cast %add3A_1304 : i32 to index
        %get3A_1306 = arith.constant 32 : index
        %get3A_1307 = tpu.vector_load %arg7[%get3A_1305, %get3A_1306] {strides = array<i32>} : memref<400x64xf32, #tpu.memory_space<vmem>>, vector<1x16xf32>,
        %get3A_1308 = vector.shape_cast %get3A_1307 : vector<1x16xf32> to vector<16xf32>
        %add3A_1309 = arith.addf %add3A_1281, %get3A_1308 : vector<16xf32>
        %add3A_1310 = arith.constant 4 : i32
        %add3A_1311 = arith.addi %add3A_1176, %add3A_1310 : i32
        %get3A_1312 = arith.index_cast %add3A_1311 : i32 to index
        %get3A_1313 = arith.constant 48 : index
        %get3A_1314 = tpu.vector_load %arg7[%get3A_1312, %get3A_1313] {strides = array<i32>} : memref<400x64xf32, #tpu.memory_space<vmem>>, vector<1x16xf32>,
        %get3A_1315 = vector.shape_cast %get3A_1314 : vector<1x16xf32> to vector<16xf32>
        %add3A_1316 = arith.addf %add3A_1288, %get3A_1315 : vector<16xf32>
        %add3A_1317 = arith.constant 5 : i32
        %add3A_1318 = arith.addi %add3A_1176, %add3A_1317 : i32
        %get3A_1319 = arith.index_cast %add3A_1318 : i32 to index
        %get3A_1320 = arith.constant 0 : index
        %get3A_1321 = tpu.vector_load %arg7[%get3A_1319, %get3A_1320] {strides = array<i32>} : memref<400x64xf32, #tpu.memory_space<vmem>>, vector<1x16xf32>,
        %get3A_1322 = vector.shape_cast %get3A_1321 : vector<1x16xf32> to vector<16xf32>
        %add3A_1323 = arith.addf %add3A_1295, %get3A_1322 : vector<16xf32>
        %add3A_1324 = arith.constant 5 : i32
        %add3A_1325 = arith.addi %add3A_1176, %add3A_1324 : i32
        %get3A_1326 = arith.index_cast %add3A_1325 : i32 to index
        %get3A_1327 = arith.constant 16 : index
        %get3A_1328 = tpu.vector_load %arg7[%get3A_1326, %get3A_1327] {strides = array<i32>} : memref<400x64xf32, #tpu.memory_space<vmem>>, vector<1x16xf32>,
        %get3A_1329 = vector.shape_cast %get3A_1328 : vector<1x16xf32> to vector<16xf32>
        %add3A_1330 = arith.addf %add3A_1302, %get3A_1329 : vector<16xf32>
        %add3A_1331 = arith.constant 5 : i32
        %add3A_1332 = arith.addi %add3A_1176, %add3A_1331 : i32
        %get3A_1333 = arith.index_cast %add3A_1332 : i32 to index
        %get3A_1334 = arith.constant 32 : index
        %get3A_1335 = tpu.vector_load %arg7[%get3A_1333, %get3A_1334] {strides = array<i32>} : memref<400x64xf32, #tpu.memory_space<vmem>>, vector<1x16xf32>,
        %get3A_1336 = vector.shape_cast %get3A_1335 : vector<1x16xf32> to vector<16xf32>
        %add3A_1337 = arith.addf %add3A_1309, %get3A_1336 : vector<16xf32>
        %add3A_1338 = arith.constant 5 : i32
        %add3A_1339 = arith.addi %add3A_1176, %add3A_1338 : i32
        %get3A_1340 = arith.index_cast %add3A_1339 : i32 to index
        %get3A_1341 = arith.constant 48 : index
        %get3A_1342 = tpu.vector_load %arg7[%get3A_1340, %get3A_1341] {strides = array<i32>} : memref<400x64xf32, #tpu.memory_space<vmem>>, vector<1x16xf32>,
        %get3A_1343 = vector.shape_cast %get3A_1342 : vector<1x16xf32> to vector<16xf32>
        %add3A_1344 = arith.addf %add3A_1316, %get3A_1343 : vector<16xf32>
        %add3A_1345 = arith.constant 6 : i32
        %add3A_1346 = arith.addi %add3A_1176, %add3A_1345 : i32
        %get3A_1347 = arith.index_cast %add3A_1346 : i32 to index
        %get3A_1348 = arith.constant 0 : index
        %get3A_1349 = tpu.vector_load %arg7[%get3A_1347, %get3A_1348] {strides = array<i32>} : memref<400x64xf32, #tpu.memory_space<vmem>>, vector<1x16xf32>,
        %get3A_1350 = vector.shape_cast %get3A_1349 : vector<1x16xf32> to vector<16xf32>
        %add3A_1351 = arith.addf %add3A_1323, %get3A_1350 : vector<16xf32>
        %add3A_1352 = arith.constant 6 : i32
        %add3A_1353 = arith.addi %add3A_1176, %add3A_1352 : i32
        %get3A_1354 = arith.index_cast %add3A_1353 : i32 to index
        %get3A_1355 = arith.constant 16 : index
        %get3A_1356 = tpu.vector_load %arg7[%get3A_1354, %get3A_1355] {strides = array<i32>} : memref<400x64xf32, #tpu.memory_space<vmem>>, vector<1x16xf32>,
        %get3A_1357 = vector.shape_cast %get3A_1356 : vector<1x16xf32> to vector<16xf32>
        %add3A_1358 = arith.addf %add3A_1330, %get3A_1357 : vector<16xf32>
        %add3A_1359 = arith.constant 6 : i32
        %add3A_1360 = arith.addi %add3A_1176, %add3A_1359 : i32
        %get3A_1361 = arith.index_cast %add3A_1360 : i32 to index
        %get3A_1362 = arith.constant 32 : index
        %get3A_1363 = tpu.vector_load %arg7[%get3A_1361, %get3A_1362] {strides = array<i32>} : memref<400x64xf32, #tpu.memory_space<vmem>>, vector<1x16xf32>,
        %get3A_1364 = vector.shape_cast %get3A_1363 : vector<1x16xf32> to vector<16xf32>
        %add3A_1365 = arith.addf %add3A_1337, %get3A_1364 : vector<16xf32>
        %add3A_1366 = arith.constant 6 : i32
        %add3A_1367 = arith.addi %add3A_1176, %add3A_1366 : i32
        %get3A_1368 = arith.index_cast %add3A_1367 : i32 to index
        %get3A_1369 = arith.constant 48 : index
        %get3A_1370 = tpu.vector_load %arg7[%get3A_1368, %get3A_1369] {strides = array<i32>} : memref<400x64xf32, #tpu.memory_space<vmem>>, vector<1x16xf32>,
        %get3A_1371 = vector.shape_cast %get3A_1370 : vector<1x16xf32> to vector<16xf32>
        %add3A_1372 = arith.addf %add3A_1344, %get3A_1371 : vector<16xf32>
        scf.yield %add3A_1351, %add3A_1358, %add3A_1365, %add3A_1372 : vector<16xf32>, vector<16xf32>, vector<16xf32>, vector<16xf32>
      }
      %scan3A_780 = arith.constant 7 : i32
      %swap3A_781 = arith.constant 0 : i32
      %swap3A_782 = arith.index_cast %swap3A_781 : i32 to index
      %swap3A_783 = arith.constant 0 : index
      %swap3A_784 = tpu.vector_load %arg9[%swap3A_782, %swap3A_783] {strides = array<i32>} : memref<8x128xf32, #tpu.memory_space<vmem>>, vector<1x16xf32>,
      %swap3A_785 = vector.shape_cast %swap3A_784 : vector<1x16xf32> to vector<16xf32>
      %swap3A_786 = vector.shape_cast %scan3A_779#0 : vector<16xf32> to vector<1x16xf32>
      tpu.vector_store %arg9[%swap3A_782, %swap3A_783], %swap3A_786 {strides = array<i32>} : memref<8x128xf32, #tpu.memory_space<vmem>>, vector<1x16xf32>,
      %swap3A_787 = arith.constant 0 : i32
      %swap3A_788 = arith.index_cast %swap3A_787 : i32 to index
      %swap3A_789 = arith.constant 16 : index
      %swap3A_790 = tpu.vector_load %arg9[%swap3A_788, %swap3A_789] {strides = array<i32>} : memref<8x128xf32, #tpu.memory_space<vmem>>, vector<1x16xf32>,
      %swap3A_791 = vector.shape_cast %swap3A_790 : vector<1x16xf32> to vector<16xf32>
      %swap3A_792 = vector.shape_cast %scan3A_779#1 : vector<16xf32> to vector<1x16xf32>
      tpu.vector_store %arg9[%swap3A_788, %swap3A_789], %swap3A_792 {strides = array<i32>} : memref<8x128xf32, #tpu.memory_space<vmem>>, vector<1x16xf32>,
      %swap3A_793 = arith.constant 0 : i32
      %swap3A_794 = arith.index_cast %swap3A_793 : i32 to index
      %swap3A_795 = arith.constant 32 : index
      %swap3A_796 = tpu.vector_load %arg9[%swap3A_794, %swap3A_795] {strides = array<i32>} : memref<8x128xf32, #tpu.memory_space<vmem>>, vector<1x16xf32>,
      %swap3A_797 = vector.shape_cast %swap3A_796 : vector<1x16xf32> to vector<16xf32>
      %swap3A_798 = vector.shape_cast %scan3A_779#2 : vector<16xf32> to vector<1x16xf32>
      tpu.vector_store %arg9[%swap3A_794, %swap3A_795], %swap3A_798 {strides = array<i32>} : memref<8x128xf32, #tpu.memory_space<vmem>>, vector<1x16xf32>,
      %swap3A_799 = arith.constant 0 : i32
      %swap3A_800 = arith.index_cast %swap3A_799 : i32 to index
      %swap3A_801 = arith.constant 48 : index
      %swap3A_802 = tpu.vector_load %arg9[%swap3A_800, %swap3A_801] {strides = array<i32>} : memref<8x128xf32, #tpu.memory_space<vmem>>, vector<1x16xf32>,
      %swap3A_803 = vector.shape_cast %swap3A_802 : vector<1x16xf32> to vector<16xf32>
      %swap3A_804 = vector.shape_cast %scan3A_779#3 : vector<16xf32> to vector<1x16xf32>
      tpu.vector_store %arg9[%swap3A_800, %swap3A_801], %swap3A_804 {strides = array<i32>} : memref<8x128xf32, #tpu.memory_space<vmem>>, vector<1x16xf32>,
      %get3A_805 = arith.constant 50 : i32
      %get3A_806 = arith.index_cast %get3A_805 : i32 to index
      %get3A_807 = arith.constant 0 : index
      %get3A_808 = tpu.vector_load %arg7[%get3A_806, %get3A_807] {strides = array<i32>} : memref<400x64xf32, #tpu.memory_space<vmem>>, vector<1x16xf32>,
      %get3A_809 = vector.shape_cast %get3A_808 : vector<1x16xf32> to vector<16xf32>
      %get3A_810 = arith.constant 50 : i32
      %get3A_811 = arith.index_cast %get3A_810 : i32 to index
      %get3A_812 = arith.constant 16 : index
      %get3A_813 = tpu.vector_load %arg7[%get3A_811, %get3A_812] {strides = array<i32>} : memref<400x64xf32, #tpu.memory_space<vmem>>, vector<1x16xf32>,
      %get3A_814 = vector.shape_cast %get3A_813 : vector<1x16xf32> to vector<16xf32>
      %get3A_815 = arith.constant 50 : i32
      %get3A_816 = arith.index_cast %get3A_815 : i32 to index
      %get3A_817 = arith.constant 32 : index
      %get3A_818 = tpu.vector_load %arg7[%get3A_816, %get3A_817] {strides = array<i32>} : memref<400x64xf32, #tpu.memory_space<vmem>>, vector<1x16xf32>,
      %get3A_819 = vector.shape_cast %get3A_818 : vector<1x16xf32> to vector<16xf32>
      %get3A_820 = arith.constant 50 : i32
      %get3A_821 = arith.index_cast %get3A_820 : i32 to index
      %get3A_822 = arith.constant 48 : index
      %get3A_823 = tpu.vector_load %arg7[%get3A_821, %get3A_822] {strides = array<i32>} : memref<400x64xf32, #tpu.memory_space<vmem>>, vector<1x16xf32>,
      %get3A_824 = vector.shape_cast %get3A_823 : vector<1x16xf32> to vector<16xf32>
      %scan3A_825 = arith.constant 0 : i32
      %scan3A_826 = arith.constant 7 : i32
      %scan3A_827 = arith.addi %scan3A_825, %scan3A_826 : i32
      %scan3A_828 = arith.constant 1 : i32
      %scan3A_829:4 = scf.for %scan3A_1168 = %scan3A_825 to %scan3A_827 step %scan3A_828 iter_args(%scan3A_1169 = %get3A_809, %scan3A_1170 = %get3A_814, %scan3A_1171 = %get3A_819, %scan3A_1172 = %get3A_824) -> (vector<16xf32>, vector<16xf32>, vector<16xf32>, vector<16xf32>)  : i32 {
        %mul3A_1173 = arith.constant 7 : i32
        %mul3A_1174 = arith.muli %scan3A_1168, %mul3A_1173 : i32
        %add3A_1175 = arith.constant 51 : i32
        %add3A_1176 = arith.addi %add3A_1175, %mul3A_1174 : i32
        %add3A_1177 = arith.constant 0 : i32
        %add3A_1178 = arith.addi %add3A_1176, %add3A_1177 : i32
        %get3A_1179 = arith.index_cast %add3A_1178 : i32 to index
        %get3A_1180 = arith.constant 0 : index
        %get3A_1181 = tpu.vector_load %arg7[%get3A_1179, %get3A_1180] {strides = array<i32>} : memref<400x64xf32, #tpu.memory_space<vmem>>, vector<1x16xf32>,
        %get3A_1182 = vector.shape_cast %get3A_1181 : vector<1x16xf32> to vector<16xf32>
        %add3A_1183 = arith.addf %scan3A_1169, %get3A_1182 : vector<16xf32>
        %add3A_1184 = arith.constant 0 : i32
        %add3A_1185 = arith.addi %add3A_1176, %add3A_1184 : i32
        %get3A_1186 = arith.index_cast %add3A_1185 : i32 to index
        %get3A_1187 = arith.constant 16 : index
        %get3A_1188 = tpu.vector_load %arg7[%get3A_1186, %get3A_1187] {strides = array<i32>} : memref<400x64xf32, #tpu.memory_space<vmem>>, vector<1x16xf32>,
        %get3A_1189 = vector.shape_cast %get3A_1188 : vector<1x16xf32> to vector<16xf32>
        %add3A_1190 = arith.addf %scan3A_1170, %get3A_1189 : vector<16xf32>
        %add3A_1191 = arith.constant 0 : i32
        %add3A_1192 = arith.addi %add3A_1176, %add3A_1191 : i32
        %get3A_1193 = arith.index_cast %add3A_1192 : i32 to index
        %get3A_1194 = arith.constant 32 : index
        %get3A_1195 = tpu.vector_load %arg7[%get3A_1193, %get3A_1194] {strides = array<i32>} : memref<400x64xf32, #tpu.memory_space<vmem>>, vector<1x16xf32>,
        %get3A_1196 = vector.shape_cast %get3A_1195 : vector<1x16xf32> to vector<16xf32>
        %add3A_1197 = arith.addf %scan3A_1171, %get3A_1196 : vector<16xf32>
        %add3A_1198 = arith.constant 0 : i32
        %add3A_1199 = arith.addi %add3A_1176, %add3A_1198 : i32
        %get3A_1200 = arith.index_cast %add3A_1199 : i32 to index
        %get3A_1201 = arith.constant 48 : index
        %get3A_1202 = tpu.vector_load %arg7[%get3A_1200, %get3A_1201] {strides = array<i32>} : memref<400x64xf32, #tpu.memory_space<vmem>>, vector<1x16xf32>,
        %get3A_1203 = vector.shape_cast %get3A_1202 : vector<1x16xf32> to vector<16xf32>
        %add3A_1204 = arith.addf %scan3A_1172, %get3A_1203 : vector<16xf32>
        %add3A_1205 = arith.constant 1 : i32
        %add3A_1206 = arith.addi %add3A_1176, %add3A_1205 : i32
        %get3A_1207 = arith.index_cast %add3A_1206 : i32 to index
        %get3A_1208 = arith.constant 0 : index
        %get3A_1209 = tpu.vector_load %arg7[%get3A_1207, %get3A_1208] {strides = array<i32>} : memref<400x64xf32, #tpu.memory_space<vmem>>, vector<1x16xf32>,
        %get3A_1210 = vector.shape_cast %get3A_1209 : vector<1x16xf32> to vector<16xf32>
        %add3A_1211 = arith.addf %add3A_1183, %get3A_1210 : vector<16xf32>
        %add3A_1212 = arith.constant 1 : i32
        %add3A_1213 = arith.addi %add3A_1176, %add3A_1212 : i32
        %get3A_1214 = arith.index_cast %add3A_1213 : i32 to index
        %get3A_1215 = arith.constant 16 : index
        %get3A_1216 = tpu.vector_load %arg7[%get3A_1214, %get3A_1215] {strides = array<i32>} : memref<400x64xf32, #tpu.memory_space<vmem>>, vector<1x16xf32>,
        %get3A_1217 = vector.shape_cast %get3A_1216 : vector<1x16xf32> to vector<16xf32>
        %add3A_1218 = arith.addf %add3A_1190, %get3A_1217 : vector<16xf32>
        %add3A_1219 = arith.constant 1 : i32
        %add3A_1220 = arith.addi %add3A_1176, %add3A_1219 : i32
        %get3A_1221 = arith.index_cast %add3A_1220 : i32 to index
        %get3A_1222 = arith.constant 32 : index
        %get3A_1223 = tpu.vector_load %arg7[%get3A_1221, %get3A_1222] {strides = array<i32>} : memref<400x64xf32, #tpu.memory_space<vmem>>, vector<1x16xf32>,
        %get3A_1224 = vector.shape_cast %get3A_1223 : vector<1x16xf32> to vector<16xf32>
        %add3A_1225 = arith.addf %add3A_1197, %get3A_1224 : vector<16xf32>
        %add3A_1226 = arith.constant 1 : i32
        %add3A_1227 = arith.addi %add3A_1176, %add3A_1226 : i32
        %get3A_1228 = arith.index_cast %add3A_1227 : i32 to index
        %get3A_1229 = arith.constant 48 : index
        %get3A_1230 = tpu.vector_load %arg7[%get3A_1228, %get3A_1229] {strides = array<i32>} : memref<400x64xf32, #tpu.memory_space<vmem>>, vector<1x16xf32>,
        %get3A_1231 = vector.shape_cast %get3A_1230 : vector<1x16xf32> to vector<16xf32>
        %add3A_1232 = arith.addf %add3A_1204, %get3A_1231 : vector<16xf32>
        %add3A_1233 = arith.constant 2 : i32
        %add3A_1234 = arith.addi %add3A_1176, %add3A_1233 : i32
        %get3A_1235 = arith.index_cast %add3A_1234 : i32 to index
        %get3A_1236 = arith.constant 0 : index
        %get3A_1237 = tpu.vector_load %arg7[%get3A_1235, %get3A_1236] {strides = array<i32>} : memref<400x64xf32, #tpu.memory_space<vmem>>, vector<1x16xf32>,
        %get3A_1238 = vector.shape_cast %get3A_1237 : vector<1x16xf32> to vector<16xf32>
        %add3A_1239 = arith.addf %add3A_1211, %get3A_1238 : vector<16xf32>
        %add3A_1240 = arith.constant 2 : i32
        %add3A_1241 = arith.addi %add3A_1176, %add3A_1240 : i32
        %get3A_1242 = arith.index_cast %add3A_1241 : i32 to index
        %get3A_1243 = arith.constant 16 : index
        %get3A_1244 = tpu.vector_load %arg7[%get3A_1242, %get3A_1243] {strides = array<i32>} : memref<400x64xf32, #tpu.memory_space<vmem>>, vector<1x16xf32>,
        %get3A_1245 = vector.shape_cast %get3A_1244 : vector<1x16xf32> to vector<16xf32>
        %add3A_1246 = arith.addf %add3A_1218, %get3A_1245 : vector<16xf32>
        %add3A_1247 = arith.constant 2 : i32
        %add3A_1248 = arith.addi %add3A_1176, %add3A_1247 : i32
        %get3A_1249 = arith.index_cast %add3A_1248 : i32 to index
        %get3A_1250 = arith.constant 32 : index
        %get3A_1251 = tpu.vector_load %arg7[%get3A_1249, %get3A_1250] {strides = array<i32>} : memref<400x64xf32, #tpu.memory_space<vmem>>, vector<1x16xf32>,
        %get3A_1252 = vector.shape_cast %get3A_1251 : vector<1x16xf32> to vector<16xf32>
        %add3A_1253 = arith.addf %add3A_1225, %get3A_1252 : vector<16xf32>
        %add3A_1254 = arith.constant 2 : i32
        %add3A_1255 = arith.addi %add3A_1176, %add3A_1254 : i32
        %get3A_1256 = arith.index_cast %add3A_1255 : i32 to index
        %get3A_1257 = arith.constant 48 : index
        %get3A_1258 = tpu.vector_load %arg7[%get3A_1256, %get3A_1257] {strides = array<i32>} : memref<400x64xf32, #tpu.memory_space<vmem>>, vector<1x16xf32>,
        %get3A_1259 = vector.shape_cast %get3A_1258 : vector<1x16xf32> to vector<16xf32>
        %add3A_1260 = arith.addf %add3A_1232, %get3A_1259 : vector<16xf32>
        %add3A_1261 = arith.constant 3 : i32
        %add3A_1262 = arith.addi %add3A_1176, %add3A_1261 : i32
        %get3A_1263 = arith.index_cast %add3A_1262 : i32 to index
        %get3A_1264 = arith.constant 0 : index
        %get3A_1265 = tpu.vector_load %arg7[%get3A_1263, %get3A_1264] {strides = array<i32>} : memref<400x64xf32, #tpu.memory_space<vmem>>, vector<1x16xf32>,
        %get3A_1266 = vector.shape_cast %get3A_1265 : vector<1x16xf32> to vector<16xf32>
        %add3A_1267 = arith.addf %add3A_1239, %get3A_1266 : vector<16xf32>
        %add3A_1268 = arith.constant 3 : i32
        %add3A_1269 = arith.addi %add3A_1176, %add3A_1268 : i32
        %get3A_1270 = arith.index_cast %add3A_1269 : i32 to index
        %get3A_1271 = arith.constant 16 : index
        %get3A_1272 = tpu.vector_load %arg7[%get3A_1270, %get3A_1271] {strides = array<i32>} : memref<400x64xf32, #tpu.memory_space<vmem>>, vector<1x16xf32>,
        %get3A_1273 = vector.shape_cast %get3A_1272 : vector<1x16xf32> to vector<16xf32>
        %add3A_1274 = arith.addf %add3A_1246, %get3A_1273 : vector<16xf32>
        %add3A_1275 = arith.constant 3 : i32
        %add3A_1276 = arith.addi %add3A_1176, %add3A_1275 : i32
        %get3A_1277 = arith.index_cast %add3A_1276 : i32 to index
        %get3A_1278 = arith.constant 32 : index
        %get3A_1279 = tpu.vector_load %arg7[%get3A_1277, %get3A_1278] {strides = array<i32>} : memref<400x64xf32, #tpu.memory_space<vmem>>, vector<1x16xf32>,
        %get3A_1280 = vector.shape_cast %get3A_1279 : vector<1x16xf32> to vector<16xf32>
        %add3A_1281 = arith.addf %add3A_1253, %get3A_1280 : vector<16xf32>
        %add3A_1282 = arith.constant 3 : i32
        %add3A_1283 = arith.addi %add3A_1176, %add3A_1282 : i32
        %get3A_1284 = arith.index_cast %add3A_1283 : i32 to index
        %get3A_1285 = arith.constant 48 : index
        %get3A_1286 = tpu.vector_load %arg7[%get3A_1284, %get3A_1285] {strides = array<i32>} : memref<400x64xf32, #tpu.memory_space<vmem>>, vector<1x16xf32>,
        %get3A_1287 = vector.shape_cast %get3A_1286 : vector<1x16xf32> to vector<16xf32>
        %add3A_1288 = arith.addf %add3A_1260, %get3A_1287 : vector<16xf32>
        %add3A_1289 = arith.constant 4 : i32
        %add3A_1290 = arith.addi %add3A_1176, %add3A_1289 : i32
        %get3A_1291 = arith.index_cast %add3A_1290 : i32 to index
        %get3A_1292 = arith.constant 0 : index
        %get3A_1293 = tpu.vector_load %arg7[%get3A_1291, %get3A_1292] {strides = array<i32>} : memref<400x64xf32, #tpu.memory_space<vmem>>, vector<1x16xf32>,
        %get3A_1294 = vector.shape_cast %get3A_1293 : vector<1x16xf32> to vector<16xf32>
        %add3A_1295 = arith.addf %add3A_1267, %get3A_1294 : vector<16xf32>
        %add3A_1296 = arith.constant 4 : i32
        %add3A_1297 = arith.addi %add3A_1176, %add3A_1296 : i32
        %get3A_1298 = arith.index_cast %add3A_1297 : i32 to index
        %get3A_1299 = arith.constant 16 : index
        %get3A_1300 = tpu.vector_load %arg7[%get3A_1298, %get3A_1299] {strides = array<i32>} : memref<400x64xf32, #tpu.memory_space<vmem>>, vector<1x16xf32>,
        %get3A_1301 = vector.shape_cast %get3A_1300 : vector<1x16xf32> to vector<16xf32>
        %add3A_1302 = arith.addf %add3A_1274, %get3A_1301 : vector<16xf32>
        %add3A_1303 = arith.constant 4 : i32
        %add3A_1304 = arith.addi %add3A_1176, %add3A_1303 : i32
        %get3A_1305 = arith.index_cast %add3A_1304 : i32 to index
        %get3A_1306 = arith.constant 32 : index
        %get3A_1307 = tpu.vector_load %arg7[%get3A_1305, %get3A_1306] {strides = array<i32>} : memref<400x64xf32, #tpu.memory_space<vmem>>, vector<1x16xf32>,
        %get3A_1308 = vector.shape_cast %get3A_1307 : vector<1x16xf32> to vector<16xf32>
        %add3A_1309 = arith.addf %add3A_1281, %get3A_1308 : vector<16xf32>
        %add3A_1310 = arith.constant 4 : i32
        %add3A_1311 = arith.addi %add3A_1176, %add3A_1310 : i32
        %get3A_1312 = arith.index_cast %add3A_1311 : i32 to index
        %get3A_1313 = arith.constant 48 : index
        %get3A_1314 = tpu.vector_load %arg7[%get3A_1312, %get3A_1313] {strides = array<i32>} : memref<400x64xf32, #tpu.memory_space<vmem>>, vector<1x16xf32>,
        %get3A_1315 = vector.shape_cast %get3A_1314 : vector<1x16xf32> to vector<16xf32>
        %add3A_1316 = arith.addf %add3A_1288, %get3A_1315 : vector<16xf32>
        %add3A_1317 = arith.constant 5 : i32
        %add3A_1318 = arith.addi %add3A_1176, %add3A_1317 : i32
        %get3A_1319 = arith.index_cast %add3A_1318 : i32 to index
        %get3A_1320 = arith.constant 0 : index
        %get3A_1321 = tpu.vector_load %arg7[%get3A_1319, %get3A_1320] {strides = array<i32>} : memref<400x64xf32, #tpu.memory_space<vmem>>, vector<1x16xf32>,
        %get3A_1322 = vector.shape_cast %get3A_1321 : vector<1x16xf32> to vector<16xf32>
        %add3A_1323 = arith.addf %add3A_1295, %get3A_1322 : vector<16xf32>
        %add3A_1324 = arith.constant 5 : i32
        %add3A_1325 = arith.addi %add3A_1176, %add3A_1324 : i32
        %get3A_1326 = arith.index_cast %add3A_1325 : i32 to index
        %get3A_1327 = arith.constant 16 : index
        %get3A_1328 = tpu.vector_load %arg7[%get3A_1326, %get3A_1327] {strides = array<i32>} : memref<400x64xf32, #tpu.memory_space<vmem>>, vector<1x16xf32>,
        %get3A_1329 = vector.shape_cast %get3A_1328 : vector<1x16xf32> to vector<16xf32>
        %add3A_1330 = arith.addf %add3A_1302, %get3A_1329 : vector<16xf32>
        %add3A_1331 = arith.constant 5 : i32
        %add3A_1332 = arith.addi %add3A_1176, %add3A_1331 : i32
        %get3A_1333 = arith.index_cast %add3A_1332 : i32 to index
        %get3A_1334 = arith.constant 32 : index
        %get3A_1335 = tpu.vector_load %arg7[%get3A_1333, %get3A_1334] {strides = array<i32>} : memref<400x64xf32, #tpu.memory_space<vmem>>, vector<1x16xf32>,
        %get3A_1336 = vector.shape_cast %get3A_1335 : vector<1x16xf32> to vector<16xf32>
        %add3A_1337 = arith.addf %add3A_1309, %get3A_1336 : vector<16xf32>
        %add3A_1338 = arith.constant 5 : i32
        %add3A_1339 = arith.addi %add3A_1176, %add3A_1338 : i32
        %get3A_1340 = arith.index_cast %add3A_1339 : i32 to index
        %get3A_1341 = arith.constant 48 : index
        %get3A_1342 = tpu.vector_load %arg7[%get3A_1340, %get3A_1341] {strides = array<i32>} : memref<400x64xf32, #tpu.memory_space<vmem>>, vector<1x16xf32>,
        %get3A_1343 = vector.shape_cast %get3A_1342 : vector<1x16xf32> to vector<16xf32>
        %add3A_1344 = arith.addf %add3A_1316, %get3A_1343 : vector<16xf32>
        %add3A_1345 = arith.constant 6 : i32
        %add3A_1346 = arith.addi %add3A_1176, %add3A_1345 : i32
        %get3A_1347 = arith.index_cast %add3A_1346 : i32 to index
        %get3A_1348 = arith.constant 0 : index
        %get3A_1349 = tpu.vector_load %arg7[%get3A_1347, %get3A_1348] {strides = array<i32>} : memref<400x64xf32, #tpu.memory_space<vmem>>, vector<1x16xf32>,
        %get3A_1350 = vector.shape_cast %get3A_1349 : vector<1x16xf32> to vector<16xf32>
        %add3A_1351 = arith.addf %add3A_1323, %get3A_1350 : vector<16xf32>
        %add3A_1352 = arith.constant 6 : i32
        %add3A_1353 = arith.addi %add3A_1176, %add3A_1352 : i32
        %get3A_1354 = arith.index_cast %add3A_1353 : i32 to index
        %get3A_1355 = arith.constant 16 : index
        %get3A_1356 = tpu.vector_load %arg7[%get3A_1354, %get3A_1355] {strides = array<i32>} : memref<400x64xf32, #tpu.memory_space<vmem>>, vector<1x16xf32>,
        %get3A_1357 = vector.shape_cast %get3A_1356 : vector<1x16xf32> to vector<16xf32>
        %add3A_1358 = arith.addf %add3A_1330, %get3A_1357 : vector<16xf32>
        %add3A_1359 = arith.constant 6 : i32
        %add3A_1360 = arith.addi %add3A_1176, %add3A_1359 : i32
        %get3A_1361 = arith.index_cast %add3A_1360 : i32 to index
        %get3A_1362 = arith.constant 32 : index
        %get3A_1363 = tpu.vector_load %arg7[%get3A_1361, %get3A_1362] {strides = array<i32>} : memref<400x64xf32, #tpu.memory_space<vmem>>, vector<1x16xf32>,
        %get3A_1364 = vector.shape_cast %get3A_1363 : vector<1x16xf32> to vector<16xf32>
        %add3A_1365 = arith.addf %add3A_1337, %get3A_1364 : vector<16xf32>
        %add3A_1366 = arith.constant 6 : i32
        %add3A_1367 = arith.addi %add3A_1176, %add3A_1366 : i32
        %get3A_1368 = arith.index_cast %add3A_1367 : i32 to index
        %get3A_1369 = arith.constant 48 : index
        %get3A_1370 = tpu.vector_load %arg7[%get3A_1368, %get3A_1369] {strides = array<i32>} : memref<400x64xf32, #tpu.memory_space<vmem>>, vector<1x16xf32>,
        %get3A_1371 = vector.shape_cast %get3A_1370 : vector<1x16xf32> to vector<16xf32>
        %add3A_1372 = arith.addf %add3A_1344, %get3A_1371 : vector<16xf32>
        scf.yield %add3A_1351, %add3A_1358, %add3A_1365, %add3A_1372 : vector<16xf32>, vector<16xf32>, vector<16xf32>, vector<16xf32>
      }
      %scan3A_830 = arith.constant 7 : i32
      %swap3A_831 = arith.constant 1 : i32
      %swap3A_832 = arith.index_cast %swap3A_831 : i32 to index
      %swap3A_833 = arith.constant 0 : index
      %swap3A_834 = tpu.vector_load %arg9[%swap3A_832, %swap3A_833] {strides = array<i32>} : memref<8x128xf32, #tpu.memory_space<vmem>>, vector<1x16xf32>,
      %swap3A_835 = vector.shape_cast %swap3A_834 : vector<1x16xf32> to vector<16xf32>
      %swap3A_836 = vector.shape_cast %scan3A_829#0 : vector<16xf32> to vector<1x16xf32>
      tpu.vector_store %arg9[%swap3A_832, %swap3A_833], %swap3A_836 {strides = array<i32>} : memref<8x128xf32, #tpu.memory_space<vmem>>, vector<1x16xf32>,
      %swap3A_837 = arith.constant 1 : i32
      %swap3A_838 = arith.index_cast %swap3A_837 : i32 to index
      %swap3A_839 = arith.constant 16 : index
      %swap3A_840 = tpu.vector_load %arg9[%swap3A_838, %swap3A_839] {strides = array<i32>} : memref<8x128xf32, #tpu.memory_space<vmem>>, vector<1x16xf32>,
      %swap3A_841 = vector.shape_cast %swap3A_840 : vector<1x16xf32> to vector<16xf32>
      %swap3A_842 = vector.shape_cast %scan3A_829#1 : vector<16xf32> to vector<1x16xf32>
      tpu.vector_store %arg9[%swap3A_838, %swap3A_839], %swap3A_842 {strides = array<i32>} : memref<8x128xf32, #tpu.memory_space<vmem>>, vector<1x16xf32>,
      %swap3A_843 = arith.constant 1 : i32
      %swap3A_844 = arith.index_cast %swap3A_843 : i32 to index
      %swap3A_845 = arith.constant 32 : index
      %swap3A_846 = tpu.vector_load %arg9[%swap3A_844, %swap3A_845] {strides = array<i32>} : memref<8x128xf32, #tpu.memory_space<vmem>>, vector<1x16xf32>,
      %swap3A_847 = vector.shape_cast %swap3A_846 : vector<1x16xf32> to vector<16xf32>
      %swap3A_848 = vector.shape_cast %scan3A_829#2 : vector<16xf32> to vector<1x16xf32>
      tpu.vector_store %arg9[%swap3A_844, %swap3A_845], %swap3A_848 {strides = array<i32>} : memref<8x128xf32, #tpu.memory_space<vmem>>, vector<1x16xf32>,
      %swap3A_849 = arith.constant 1 : i32
      %swap3A_850 = arith.index_cast %swap3A_849 : i32 to index
      %swap3A_851 = arith.constant 48 : index
      %swap3A_852 = tpu.vector_load %arg9[%swap3A_850, %swap3A_851] {strides = array<i32>} : memref<8x128xf32, #tpu.memory_space<vmem>>, vector<1x16xf32>,
      %swap3A_853 = vector.shape_cast %swap3A_852 : vector<1x16xf32> to vector<16xf32>
      %swap3A_854 = vector.shape_cast %scan3A_829#3 : vector<16xf32> to vector<1x16xf32>
      tpu.vector_store %arg9[%swap3A_850, %swap3A_851], %swap3A_854 {strides = array<i32>} : memref<8x128xf32, #tpu.memory_space<vmem>>, vector<1x16xf32>,
      %get3A_855 = arith.constant 100 : i32
      %get3A_856 = arith.index_cast %get3A_855 : i32 to index
      %get3A_857 = arith.constant 0 : index
      %get3A_858 = tpu.vector_load %arg7[%get3A_856, %get3A_857] {strides = array<i32>} : memref<400x64xf32, #tpu.memory_space<vmem>>, vector<1x16xf32>,
      %get3A_859 = vector.shape_cast %get3A_858 : vector<1x16xf32> to vector<16xf32>
      %get3A_860 = arith.constant 100 : i32
      %get3A_861 = arith.index_cast %get3A_860 : i32 to index
      %get3A_862 = arith.constant 16 : index
      %get3A_863 = tpu.vector_load %arg7[%get3A_861, %get3A_862] {strides = array<i32>} : memref<400x64xf32, #tpu.memory_space<vmem>>, vector<1x16xf32>,
      %get3A_864 = vector.shape_cast %get3A_863 : vector<1x16xf32> to vector<16xf32>
      %get3A_865 = arith.constant 100 : i32
      %get3A_866 = arith.index_cast %get3A_865 : i32 to index
      %get3A_867 = arith.constant 32 : index
      %get3A_868 = tpu.vector_load %arg7[%get3A_866, %get3A_867] {strides = array<i32>} : memref<400x64xf32, #tpu.memory_space<vmem>>, vector<1x16xf32>,
      %get3A_869 = vector.shape_cast %get3A_868 : vector<1x16xf32> to vector<16xf32>
      %get3A_870 = arith.constant 100 : i32
      %get3A_871 = arith.index_cast %get3A_870 : i32 to index
      %get3A_872 = arith.constant 48 : index
      %get3A_873 = tpu.vector_load %arg7[%get3A_871, %get3A_872] {strides = array<i32>} : memref<400x64xf32, #tpu.memory_space<vmem>>, vector<1x16xf32>,
      %get3A_874 = vector.shape_cast %get3A_873 : vector<1x16xf32> to vector<16xf32>
      %scan3A_875 = arith.constant 0 : i32
      %scan3A_876 = arith.constant 7 : i32
      %scan3A_877 = arith.addi %scan3A_875, %scan3A_876 : i32
      %scan3A_878 = arith.constant 1 : i32
      %scan3A_879:4 = scf.for %scan3A_1168 = %scan3A_875 to %scan3A_877 step %scan3A_878 iter_args(%scan3A_1169 = %get3A_859, %scan3A_1170 = %get3A_864, %scan3A_1171 = %get3A_869, %scan3A_1172 = %get3A_874) -> (vector<16xf32>, vector<16xf32>, vector<16xf32>, vector<16xf32>)  : i32 {
        %mul3A_1173 = arith.constant 7 : i32
        %mul3A_1174 = arith.muli %scan3A_1168, %mul3A_1173 : i32
        %add3A_1175 = arith.constant 101 : i32
        %add3A_1176 = arith.addi %add3A_1175, %mul3A_1174 : i32
        %add3A_1177 = arith.constant 0 : i32
        %add3A_1178 = arith.addi %add3A_1176, %add3A_1177 : i32
        %get3A_1179 = arith.index_cast %add3A_1178 : i32 to index
        %get3A_1180 = arith.constant 0 : index
        %get3A_1181 = tpu.vector_load %arg7[%get3A_1179, %get3A_1180] {strides = array<i32>} : memref<400x64xf32, #tpu.memory_space<vmem>>, vector<1x16xf32>,
        %get3A_1182 = vector.shape_cast %get3A_1181 : vector<1x16xf32> to vector<16xf32>
        %add3A_1183 = arith.addf %scan3A_1169, %get3A_1182 : vector<16xf32>
        %add3A_1184 = arith.constant 0 : i32
        %add3A_1185 = arith.addi %add3A_1176, %add3A_1184 : i32
        %get3A_1186 = arith.index_cast %add3A_1185 : i32 to index
        %get3A_1187 = arith.constant 16 : index
        %get3A_1188 = tpu.vector_load %arg7[%get3A_1186, %get3A_1187] {strides = array<i32>} : memref<400x64xf32, #tpu.memory_space<vmem>>, vector<1x16xf32>,
        %get3A_1189 = vector.shape_cast %get3A_1188 : vector<1x16xf32> to vector<16xf32>
        %add3A_1190 = arith.addf %scan3A_1170, %get3A_1189 : vector<16xf32>
        %add3A_1191 = arith.constant 0 : i32
        %add3A_1192 = arith.addi %add3A_1176, %add3A_1191 : i32
        %get3A_1193 = arith.index_cast %add3A_1192 : i32 to index
        %get3A_1194 = arith.constant 32 : index
        %get3A_1195 = tpu.vector_load %arg7[%get3A_1193, %get3A_1194] {strides = array<i32>} : memref<400x64xf32, #tpu.memory_space<vmem>>, vector<1x16xf32>,
        %get3A_1196 = vector.shape_cast %get3A_1195 : vector<1x16xf32> to vector<16xf32>
        %add3A_1197 = arith.addf %scan3A_1171, %get3A_1196 : vector<16xf32>
        %add3A_1198 = arith.constant 0 : i32
        %add3A_1199 = arith.addi %add3A_1176, %add3A_1198 : i32
        %get3A_1200 = arith.index_cast %add3A_1199 : i32 to index
        %get3A_1201 = arith.constant 48 : index
        %get3A_1202 = tpu.vector_load %arg7[%get3A_1200, %get3A_1201] {strides = array<i32>} : memref<400x64xf32, #tpu.memory_space<vmem>>, vector<1x16xf32>,
        %get3A_1203 = vector.shape_cast %get3A_1202 : vector<1x16xf32> to vector<16xf32>
        %add3A_1204 = arith.addf %scan3A_1172, %get3A_1203 : vector<16xf32>
        %add3A_1205 = arith.constant 1 : i32
        %add3A_1206 = arith.addi %add3A_1176, %add3A_1205 : i32
        %get3A_1207 = arith.index_cast %add3A_1206 : i32 to index
        %get3A_1208 = arith.constant 0 : index
        %get3A_1209 = tpu.vector_load %arg7[%get3A_1207, %get3A_1208] {strides = array<i32>} : memref<400x64xf32, #tpu.memory_space<vmem>>, vector<1x16xf32>,
        %get3A_1210 = vector.shape_cast %get3A_1209 : vector<1x16xf32> to vector<16xf32>
        %add3A_1211 = arith.addf %add3A_1183, %get3A_1210 : vector<16xf32>
        %add3A_1212 = arith.constant 1 : i32
        %add3A_1213 = arith.addi %add3A_1176, %add3A_1212 : i32
        %get3A_1214 = arith.index_cast %add3A_1213 : i32 to index
        %get3A_1215 = arith.constant 16 : index
        %get3A_1216 = tpu.vector_load %arg7[%get3A_1214, %get3A_1215] {strides = array<i32>} : memref<400x64xf32, #tpu.memory_space<vmem>>, vector<1x16xf32>,
        %get3A_1217 = vector.shape_cast %get3A_1216 : vector<1x16xf32> to vector<16xf32>
        %add3A_1218 = arith.addf %add3A_1190, %get3A_1217 : vector<16xf32>
        %add3A_1219 = arith.constant 1 : i32
        %add3A_1220 = arith.addi %add3A_1176, %add3A_1219 : i32
        %get3A_1221 = arith.index_cast %add3A_1220 : i32 to index
        %get3A_1222 = arith.constant 32 : index
        %get3A_1223 = tpu.vector_load %arg7[%get3A_1221, %get3A_1222] {strides = array<i32>} : memref<400x64xf32, #tpu.memory_space<vmem>>, vector<1x16xf32>,
        %get3A_1224 = vector.shape_cast %get3A_1223 : vector<1x16xf32> to vector<16xf32>
        %add3A_1225 = arith.addf %add3A_1197, %get3A_1224 : vector<16xf32>
        %add3A_1226 = arith.constant 1 : i32
        %add3A_1227 = arith.addi %add3A_1176, %add3A_1226 : i32
        %get3A_1228 = arith.index_cast %add3A_1227 : i32 to index
        %get3A_1229 = arith.constant 48 : index
        %get3A_1230 = tpu.vector_load %arg7[%get3A_1228, %get3A_1229] {strides = array<i32>} : memref<400x64xf32, #tpu.memory_space<vmem>>, vector<1x16xf32>,
        %get3A_1231 = vector.shape_cast %get3A_1230 : vector<1x16xf32> to vector<16xf32>
        %add3A_1232 = arith.addf %add3A_1204, %get3A_1231 : vector<16xf32>
        %add3A_1233 = arith.constant 2 : i32
        %add3A_1234 = arith.addi %add3A_1176, %add3A_1233 : i32
        %get3A_1235 = arith.index_cast %add3A_1234 : i32 to index
        %get3A_1236 = arith.constant 0 : index
        %get3A_1237 = tpu.vector_load %arg7[%get3A_1235, %get3A_1236] {strides = array<i32>} : memref<400x64xf32, #tpu.memory_space<vmem>>, vector<1x16xf32>,
        %get3A_1238 = vector.shape_cast %get3A_1237 : vector<1x16xf32> to vector<16xf32>
        %add3A_1239 = arith.addf %add3A_1211, %get3A_1238 : vector<16xf32>
        %add3A_1240 = arith.constant 2 : i32
        %add3A_1241 = arith.addi %add3A_1176, %add3A_1240 : i32
        %get3A_1242 = arith.index_cast %add3A_1241 : i32 to index
        %get3A_1243 = arith.constant 16 : index
        %get3A_1244 = tpu.vector_load %arg7[%get3A_1242, %get3A_1243] {strides = array<i32>} : memref<400x64xf32, #tpu.memory_space<vmem>>, vector<1x16xf32>,
        %get3A_1245 = vector.shape_cast %get3A_1244 : vector<1x16xf32> to vector<16xf32>
        %add3A_1246 = arith.addf %add3A_1218, %get3A_1245 : vector<16xf32>
        %add3A_1247 = arith.constant 2 : i32
        %add3A_1248 = arith.addi %add3A_1176, %add3A_1247 : i32
        %get3A_1249 = arith.index_cast %add3A_1248 : i32 to index
        %get3A_1250 = arith.constant 32 : index
        %get3A_1251 = tpu.vector_load %arg7[%get3A_1249, %get3A_1250] {strides = array<i32>} : memref<400x64xf32, #tpu.memory_space<vmem>>, vector<1x16xf32>,
        %get3A_1252 = vector.shape_cast %get3A_1251 : vector<1x16xf32> to vector<16xf32>
        %add3A_1253 = arith.addf %add3A_1225, %get3A_1252 : vector<16xf32>
        %add3A_1254 = arith.constant 2 : i32
        %add3A_1255 = arith.addi %add3A_1176, %add3A_1254 : i32
        %get3A_1256 = arith.index_cast %add3A_1255 : i32 to index
        %get3A_1257 = arith.constant 48 : index
        %get3A_1258 = tpu.vector_load %arg7[%get3A_1256, %get3A_1257] {strides = array<i32>} : memref<400x64xf32, #tpu.memory_space<vmem>>, vector<1x16xf32>,
        %get3A_1259 = vector.shape_cast %get3A_1258 : vector<1x16xf32> to vector<16xf32>
        %add3A_1260 = arith.addf %add3A_1232, %get3A_1259 : vector<16xf32>
        %add3A_1261 = arith.constant 3 : i32
        %add3A_1262 = arith.addi %add3A_1176, %add3A_1261 : i32
        %get3A_1263 = arith.index_cast %add3A_1262 : i32 to index
        %get3A_1264 = arith.constant 0 : index
        %get3A_1265 = tpu.vector_load %arg7[%get3A_1263, %get3A_1264] {strides = array<i32>} : memref<400x64xf32, #tpu.memory_space<vmem>>, vector<1x16xf32>,
        %get3A_1266 = vector.shape_cast %get3A_1265 : vector<1x16xf32> to vector<16xf32>
        %add3A_1267 = arith.addf %add3A_1239, %get3A_1266 : vector<16xf32>
        %add3A_1268 = arith.constant 3 : i32
        %add3A_1269 = arith.addi %add3A_1176, %add3A_1268 : i32
        %get3A_1270 = arith.index_cast %add3A_1269 : i32 to index
        %get3A_1271 = arith.constant 16 : index
        %get3A_1272 = tpu.vector_load %arg7[%get3A_1270, %get3A_1271] {strides = array<i32>} : memref<400x64xf32, #tpu.memory_space<vmem>>, vector<1x16xf32>,
        %get3A_1273 = vector.shape_cast %get3A_1272 : vector<1x16xf32> to vector<16xf32>
        %add3A_1274 = arith.addf %add3A_1246, %get3A_1273 : vector<16xf32>
        %add3A_1275 = arith.constant 3 : i32
        %add3A_1276 = arith.addi %add3A_1176, %add3A_1275 : i32
        %get3A_1277 = arith.index_cast %add3A_1276 : i32 to index
        %get3A_1278 = arith.constant 32 : index
        %get3A_1279 = tpu.vector_load %arg7[%get3A_1277, %get3A_1278] {strides = array<i32>} : memref<400x64xf32, #tpu.memory_space<vmem>>, vector<1x16xf32>,
        %get3A_1280 = vector.shape_cast %get3A_1279 : vector<1x16xf32> to vector<16xf32>
        %add3A_1281 = arith.addf %add3A_1253, %get3A_1280 : vector<16xf32>
        %add3A_1282 = arith.constant 3 : i32
        %add3A_1283 = arith.addi %add3A_1176, %add3A_1282 : i32
        %get3A_1284 = arith.index_cast %add3A_1283 : i32 to index
        %get3A_1285 = arith.constant 48 : index
        %get3A_1286 = tpu.vector_load %arg7[%get3A_1284, %get3A_1285] {strides = array<i32>} : memref<400x64xf32, #tpu.memory_space<vmem>>, vector<1x16xf32>,
        %get3A_1287 = vector.shape_cast %get3A_1286 : vector<1x16xf32> to vector<16xf32>
        %add3A_1288 = arith.addf %add3A_1260, %get3A_1287 : vector<16xf32>
        %add3A_1289 = arith.constant 4 : i32
        %add3A_1290 = arith.addi %add3A_1176, %add3A_1289 : i32
        %get3A_1291 = arith.index_cast %add3A_1290 : i32 to index
        %get3A_1292 = arith.constant 0 : index
        %get3A_1293 = tpu.vector_load %arg7[%get3A_1291, %get3A_1292] {strides = array<i32>} : memref<400x64xf32, #tpu.memory_space<vmem>>, vector<1x16xf32>,
        %get3A_1294 = vector.shape_cast %get3A_1293 : vector<1x16xf32> to vector<16xf32>
        %add3A_1295 = arith.addf %add3A_1267, %get3A_1294 : vector<16xf32>
        %add3A_1296 = arith.constant 4 : i32
        %add3A_1297 = arith.addi %add3A_1176, %add3A_1296 : i32
        %get3A_1298 = arith.index_cast %add3A_1297 : i32 to index
        %get3A_1299 = arith.constant 16 : index
        %get3A_1300 = tpu.vector_load %arg7[%get3A_1298, %get3A_1299] {strides = array<i32>} : memref<400x64xf32, #tpu.memory_space<vmem>>, vector<1x16xf32>,
        %get3A_1301 = vector.shape_cast %get3A_1300 : vector<1x16xf32> to vector<16xf32>
        %add3A_1302 = arith.addf %add3A_1274, %get3A_1301 : vector<16xf32>
        %add3A_1303 = arith.constant 4 : i32
        %add3A_1304 = arith.addi %add3A_1176, %add3A_1303 : i32
        %get3A_1305 = arith.index_cast %add3A_1304 : i32 to index
        %get3A_1306 = arith.constant 32 : index
        %get3A_1307 = tpu.vector_load %arg7[%get3A_1305, %get3A_1306] {strides = array<i32>} : memref<400x64xf32, #tpu.memory_space<vmem>>, vector<1x16xf32>,
        %get3A_1308 = vector.shape_cast %get3A_1307 : vector<1x16xf32> to vector<16xf32>
        %add3A_1309 = arith.addf %add3A_1281, %get3A_1308 : vector<16xf32>
        %add3A_1310 = arith.constant 4 : i32
        %add3A_1311 = arith.addi %add3A_1176, %add3A_1310 : i32
        %get3A_1312 = arith.index_cast %add3A_1311 : i32 to index
        %get3A_1313 = arith.constant 48 : index
        %get3A_1314 = tpu.vector_load %arg7[%get3A_1312, %get3A_1313] {strides = array<i32>} : memref<400x64xf32, #tpu.memory_space<vmem>>, vector<1x16xf32>,
        %get3A_1315 = vector.shape_cast %get3A_1314 : vector<1x16xf32> to vector<16xf32>
        %add3A_1316 = arith.addf %add3A_1288, %get3A_1315 : vector<16xf32>
        %add3A_1317 = arith.constant 5 : i32
        %add3A_1318 = arith.addi %add3A_1176, %add3A_1317 : i32
        %get3A_1319 = arith.index_cast %add3A_1318 : i32 to index
        %get3A_1320 = arith.constant 0 : index
        %get3A_1321 = tpu.vector_load %arg7[%get3A_1319, %get3A_1320] {strides = array<i32>} : memref<400x64xf32, #tpu.memory_space<vmem>>, vector<1x16xf32>,
        %get3A_1322 = vector.shape_cast %get3A_1321 : vector<1x16xf32> to vector<16xf32>
        %add3A_1323 = arith.addf %add3A_1295, %get3A_1322 : vector<16xf32>
        %add3A_1324 = arith.constant 5 : i32
        %add3A_1325 = arith.addi %add3A_1176, %add3A_1324 : i32
        %get3A_1326 = arith.index_cast %add3A_1325 : i32 to index
        %get3A_1327 = arith.constant 16 : index
        %get3A_1328 = tpu.vector_load %arg7[%get3A_1326, %get3A_1327] {strides = array<i32>} : memref<400x64xf32, #tpu.memory_space<vmem>>, vector<1x16xf32>,
        %get3A_1329 = vector.shape_cast %get3A_1328 : vector<1x16xf32> to vector<16xf32>
        %add3A_1330 = arith.addf %add3A_1302, %get3A_1329 : vector<16xf32>
        %add3A_1331 = arith.constant 5 : i32
        %add3A_1332 = arith.addi %add3A_1176, %add3A_1331 : i32
        %get3A_1333 = arith.index_cast %add3A_1332 : i32 to index
        %get3A_1334 = arith.constant 32 : index
        %get3A_1335 = tpu.vector_load %arg7[%get3A_1333, %get3A_1334] {strides = array<i32>} : memref<400x64xf32, #tpu.memory_space<vmem>>, vector<1x16xf32>,
        %get3A_1336 = vector.shape_cast %get3A_1335 : vector<1x16xf32> to vector<16xf32>
        %add3A_1337 = arith.addf %add3A_1309, %get3A_1336 : vector<16xf32>
        %add3A_1338 = arith.constant 5 : i32
        %add3A_1339 = arith.addi %add3A_1176, %add3A_1338 : i32
        %get3A_1340 = arith.index_cast %add3A_1339 : i32 to index
        %get3A_1341 = arith.constant 48 : index
        %get3A_1342 = tpu.vector_load %arg7[%get3A_1340, %get3A_1341] {strides = array<i32>} : memref<400x64xf32, #tpu.memory_space<vmem>>, vector<1x16xf32>,
        %get3A_1343 = vector.shape_cast %get3A_1342 : vector<1x16xf32> to vector<16xf32>
        %add3A_1344 = arith.addf %add3A_1316, %get3A_1343 : vector<16xf32>
        %add3A_1345 = arith.constant 6 : i32
        %add3A_1346 = arith.addi %add3A_1176, %add3A_1345 : i32
        %get3A_1347 = arith.index_cast %add3A_1346 : i32 to index
        %get3A_1348 = arith.constant 0 : index
        %get3A_1349 = tpu.vector_load %arg7[%get3A_1347, %get3A_1348] {strides = array<i32>} : memref<400x64xf32, #tpu.memory_space<vmem>>, vector<1x16xf32>,
        %get3A_1350 = vector.shape_cast %get3A_1349 : vector<1x16xf32> to vector<16xf32>
        %add3A_1351 = arith.addf %add3A_1323, %get3A_1350 : vector<16xf32>
        %add3A_1352 = arith.constant 6 : i32
        %add3A_1353 = arith.addi %add3A_1176, %add3A_1352 : i32
        %get3A_1354 = arith.index_cast %add3A_1353 : i32 to index
        %get3A_1355 = arith.constant 16 : index
        %get3A_1356 = tpu.vector_load %arg7[%get3A_1354, %get3A_1355] {strides = array<i32>} : memref<400x64xf32, #tpu.memory_space<vmem>>, vector<1x16xf32>,
        %get3A_1357 = vector.shape_cast %get3A_1356 : vector<1x16xf32> to vector<16xf32>
        %add3A_1358 = arith.addf %add3A_1330, %get3A_1357 : vector<16xf32>
        %add3A_1359 = arith.constant 6 : i32
        %add3A_1360 = arith.addi %add3A_1176, %add3A_1359 : i32
        %get3A_1361 = arith.index_cast %add3A_1360 : i32 to index
        %get3A_1362 = arith.constant 32 : index
        %get3A_1363 = tpu.vector_load %arg7[%get3A_1361, %get3A_1362] {strides = array<i32>} : memref<400x64xf32, #tpu.memory_space<vmem>>, vector<1x16xf32>,
        %get3A_1364 = vector.shape_cast %get3A_1363 : vector<1x16xf32> to vector<16xf32>
        %add3A_1365 = arith.addf %add3A_1337, %get3A_1364 : vector<16xf32>
        %add3A_1366 = arith.constant 6 : i32
        %add3A_1367 = arith.addi %add3A_1176, %add3A_1366 : i32
        %get3A_1368 = arith.index_cast %add3A_1367 : i32 to index
        %get3A_1369 = arith.constant 48 : index
        %get3A_1370 = tpu.vector_load %arg7[%get3A_1368, %get3A_1369] {strides = array<i32>} : memref<400x64xf32, #tpu.memory_space<vmem>>, vector<1x16xf32>,
        %get3A_1371 = vector.shape_cast %get3A_1370 : vector<1x16xf32> to vector<16xf32>
        %add3A_1372 = arith.addf %add3A_1344, %get3A_1371 : vector<16xf32>
        scf.yield %add3A_1351, %add3A_1358, %add3A_1365, %add3A_1372 : vector<16xf32>, vector<16xf32>, vector<16xf32>, vector<16xf32>
      }
      %scan3A_880 = arith.constant 7 : i32
      %swap3A_881 = arith.constant 2 : i32
      %swap3A_882 = arith.index_cast %swap3A_881 : i32 to index
      %swap3A_883 = arith.constant 0 : index
      %swap3A_884 = tpu.vector_load %arg9[%swap3A_882, %swap3A_883] {strides = array<i32>} : memref<8x128xf32, #tpu.memory_space<vmem>>, vector<1x16xf32>,
      %swap3A_885 = vector.shape_cast %swap3A_884 : vector<1x16xf32> to vector<16xf32>
      %swap3A_886 = vector.shape_cast %scan3A_879#0 : vector<16xf32> to vector<1x16xf32>
      tpu.vector_store %arg9[%swap3A_882, %swap3A_883], %swap3A_886 {strides = array<i32>} : memref<8x128xf32, #tpu.memory_space<vmem>>, vector<1x16xf32>,
      %swap3A_887 = arith.constant 2 : i32
      %swap3A_888 = arith.index_cast %swap3A_887 : i32 to index
      %swap3A_889 = arith.constant 16 : index
      %swap3A_890 = tpu.vector_load %arg9[%swap3A_888, %swap3A_889] {strides = array<i32>} : memref<8x128xf32, #tpu.memory_space<vmem>>, vector<1x16xf32>,
      %swap3A_891 = vector.shape_cast %swap3A_890 : vector<1x16xf32> to vector<16xf32>
      %swap3A_892 = vector.shape_cast %scan3A_879#1 : vector<16xf32> to vector<1x16xf32>
      tpu.vector_store %arg9[%swap3A_888, %swap3A_889], %swap3A_892 {strides = array<i32>} : memref<8x128xf32, #tpu.memory_space<vmem>>, vector<1x16xf32>,
      %swap3A_893 = arith.constant 2 : i32
      %swap3A_894 = arith.index_cast %swap3A_893 : i32 to index
      %swap3A_895 = arith.constant 32 : index
      %swap3A_896 = tpu.vector_load %arg9[%swap3A_894, %swap3A_895] {strides = array<i32>} : memref<8x128xf32, #tpu.memory_space<vmem>>, vector<1x16xf32>,
      %swap3A_897 = vector.shape_cast %swap3A_896 : vector<1x16xf32> to vector<16xf32>
      %swap3A_898 = vector.shape_cast %scan3A_879#2 : vector<16xf32> to vector<1x16xf32>
      tpu.vector_store %arg9[%swap3A_894, %swap3A_895], %swap3A_898 {strides = array<i32>} : memref<8x128xf32, #tpu.memory_space<vmem>>, vector<1x16xf32>,
      %swap3A_899 = arith.constant 2 : i32
      %swap3A_900 = arith.index_cast %swap3A_899 : i32 to index
      %swap3A_901 = arith.constant 48 : index
      %swap3A_902 = tpu.vector_load %arg9[%swap3A_900, %swap3A_901] {strides = array<i32>} : memref<8x128xf32, #tpu.memory_space<vmem>>, vector<1x16xf32>,
      %swap3A_903 = vector.shape_cast %swap3A_902 : vector<1x16xf32> to vector<16xf32>
      %swap3A_904 = vector.shape_cast %scan3A_879#3 : vector<16xf32> to vector<1x16xf32>
      tpu.vector_store %arg9[%swap3A_900, %swap3A_901], %swap3A_904 {strides = array<i32>} : memref<8x128xf32, #tpu.memory_space<vmem>>, vector<1x16xf32>,
      %get3A_905 = arith.constant 150 : i32
      %get3A_906 = arith.index_cast %get3A_905 : i32 to index
      %get3A_907 = arith.constant 0 : index
      %get3A_908 = tpu.vector_load %arg7[%get3A_906, %get3A_907] {strides = array<i32>} : memref<400x64xf32, #tpu.memory_space<vmem>>, vector<1x16xf32>,
      %get3A_909 = vector.shape_cast %get3A_908 : vector<1x16xf32> to vector<16xf32>
      %get3A_910 = arith.constant 150 : i32
      %get3A_911 = arith.index_cast %get3A_910 : i32 to index
      %get3A_912 = arith.constant 16 : index
      %get3A_913 = tpu.vector_load %arg7[%get3A_911, %get3A_912] {strides = array<i32>} : memref<400x64xf32, #tpu.memory_space<vmem>>, vector<1x16xf32>,
      %get3A_914 = vector.shape_cast %get3A_913 : vector<1x16xf32> to vector<16xf32>
      %get3A_915 = arith.constant 150 : i32
      %get3A_916 = arith.index_cast %get3A_915 : i32 to index
      %get3A_917 = arith.constant 32 : index
      %get3A_918 = tpu.vector_load %arg7[%get3A_916, %get3A_917] {strides = array<i32>} : memref<400x64xf32, #tpu.memory_space<vmem>>, vector<1x16xf32>,
      %get3A_919 = vector.shape_cast %get3A_918 : vector<1x16xf32> to vector<16xf32>
      %get3A_920 = arith.constant 150 : i32
      %get3A_921 = arith.index_cast %get3A_920 : i32 to index
      %get3A_922 = arith.constant 48 : index
      %get3A_923 = tpu.vector_load %arg7[%get3A_921, %get3A_922] {strides = array<i32>} : memref<400x64xf32, #tpu.memory_space<vmem>>, vector<1x16xf32>,
      %get3A_924 = vector.shape_cast %get3A_923 : vector<1x16xf32> to vector<16xf32>
      %scan3A_925 = arith.constant 0 : i32
      %scan3A_926 = arith.constant 7 : i32
      %scan3A_927 = arith.addi %scan3A_925, %scan3A_926 : i32
      %scan3A_928 = arith.constant 1 : i32
      %scan3A_929:4 = scf.for %scan3A_1168 = %scan3A_925 to %scan3A_927 step %scan3A_928 iter_args(%scan3A_1169 = %get3A_909, %scan3A_1170 = %get3A_914, %scan3A_1171 = %get3A_919, %scan3A_1172 = %get3A_924) -> (vector<16xf32>, vector<16xf32>, vector<16xf32>, vector<16xf32>)  : i32 {
        %mul3A_1173 = arith.constant 7 : i32
        %mul3A_1174 = arith.muli %scan3A_1168, %mul3A_1173 : i32
        %add3A_1175 = arith.constant 151 : i32
        %add3A_1176 = arith.addi %add3A_1175, %mul3A_1174 : i32
        %add3A_1177 = arith.constant 0 : i32
        %add3A_1178 = arith.addi %add3A_1176, %add3A_1177 : i32
        %get3A_1179 = arith.index_cast %add3A_1178 : i32 to index
        %get3A_1180 = arith.constant 0 : index
        %get3A_1181 = tpu.vector_load %arg7[%get3A_1179, %get3A_1180] {strides = array<i32>} : memref<400x64xf32, #tpu.memory_space<vmem>>, vector<1x16xf32>,
        %get3A_1182 = vector.shape_cast %get3A_1181 : vector<1x16xf32> to vector<16xf32>
        %add3A_1183 = arith.addf %scan3A_1169, %get3A_1182 : vector<16xf32>
        %add3A_1184 = arith.constant 0 : i32
        %add3A_1185 = arith.addi %add3A_1176, %add3A_1184 : i32
        %get3A_1186 = arith.index_cast %add3A_1185 : i32 to index
        %get3A_1187 = arith.constant 16 : index
        %get3A_1188 = tpu.vector_load %arg7[%get3A_1186, %get3A_1187] {strides = array<i32>} : memref<400x64xf32, #tpu.memory_space<vmem>>, vector<1x16xf32>,
        %get3A_1189 = vector.shape_cast %get3A_1188 : vector<1x16xf32> to vector<16xf32>
        %add3A_1190 = arith.addf %scan3A_1170, %get3A_1189 : vector<16xf32>
        %add3A_1191 = arith.constant 0 : i32
        %add3A_1192 = arith.addi %add3A_1176, %add3A_1191 : i32
        %get3A_1193 = arith.index_cast %add3A_1192 : i32 to index
        %get3A_1194 = arith.constant 32 : index
        %get3A_1195 = tpu.vector_load %arg7[%get3A_1193, %get3A_1194] {strides = array<i32>} : memref<400x64xf32, #tpu.memory_space<vmem>>, vector<1x16xf32>,
        %get3A_1196 = vector.shape_cast %get3A_1195 : vector<1x16xf32> to vector<16xf32>
        %add3A_1197 = arith.addf %scan3A_1171, %get3A_1196 : vector<16xf32>
        %add3A_1198 = arith.constant 0 : i32
        %add3A_1199 = arith.addi %add3A_1176, %add3A_1198 : i32
        %get3A_1200 = arith.index_cast %add3A_1199 : i32 to index
        %get3A_1201 = arith.constant 48 : index
        %get3A_1202 = tpu.vector_load %arg7[%get3A_1200, %get3A_1201] {strides = array<i32>} : memref<400x64xf32, #tpu.memory_space<vmem>>, vector<1x16xf32>,
        %get3A_1203 = vector.shape_cast %get3A_1202 : vector<1x16xf32> to vector<16xf32>
        %add3A_1204 = arith.addf %scan3A_1172, %get3A_1203 : vector<16xf32>
        %add3A_1205 = arith.constant 1 : i32
        %add3A_1206 = arith.addi %add3A_1176, %add3A_1205 : i32
        %get3A_1207 = arith.index_cast %add3A_1206 : i32 to index
        %get3A_1208 = arith.constant 0 : index
        %get3A_1209 = tpu.vector_load %arg7[%get3A_1207, %get3A_1208] {strides = array<i32>} : memref<400x64xf32, #tpu.memory_space<vmem>>, vector<1x16xf32>,
        %get3A_1210 = vector.shape_cast %get3A_1209 : vector<1x16xf32> to vector<16xf32>
        %add3A_1211 = arith.addf %add3A_1183, %get3A_1210 : vector<16xf32>
        %add3A_1212 = arith.constant 1 : i32
        %add3A_1213 = arith.addi %add3A_1176, %add3A_1212 : i32
        %get3A_1214 = arith.index_cast %add3A_1213 : i32 to index
        %get3A_1215 = arith.constant 16 : index
        %get3A_1216 = tpu.vector_load %arg7[%get3A_1214, %get3A_1215] {strides = array<i32>} : memref<400x64xf32, #tpu.memory_space<vmem>>, vector<1x16xf32>,
        %get3A_1217 = vector.shape_cast %get3A_1216 : vector<1x16xf32> to vector<16xf32>
        %add3A_1218 = arith.addf %add3A_1190, %get3A_1217 : vector<16xf32>
        %add3A_1219 = arith.constant 1 : i32
        %add3A_1220 = arith.addi %add3A_1176, %add3A_1219 : i32
        %get3A_1221 = arith.index_cast %add3A_1220 : i32 to index
        %get3A_1222 = arith.constant 32 : index
        %get3A_1223 = tpu.vector_load %arg7[%get3A_1221, %get3A_1222] {strides = array<i32>} : memref<400x64xf32, #tpu.memory_space<vmem>>, vector<1x16xf32>,
        %get3A_1224 = vector.shape_cast %get3A_1223 : vector<1x16xf32> to vector<16xf32>
        %add3A_1225 = arith.addf %add3A_1197, %get3A_1224 : vector<16xf32>
        %add3A_1226 = arith.constant 1 : i32
        %add3A_1227 = arith.addi %add3A_1176, %add3A_1226 : i32
        %get3A_1228 = arith.index_cast %add3A_1227 : i32 to index
        %get3A_1229 = arith.constant 48 : index
        %get3A_1230 = tpu.vector_load %arg7[%get3A_1228, %get3A_1229] {strides = array<i32>} : memref<400x64xf32, #tpu.memory_space<vmem>>, vector<1x16xf32>,
        %get3A_1231 = vector.shape_cast %get3A_1230 : vector<1x16xf32> to vector<16xf32>
        %add3A_1232 = arith.addf %add3A_1204, %get3A_1231 : vector<16xf32>
        %add3A_1233 = arith.constant 2 : i32
        %add3A_1234 = arith.addi %add3A_1176, %add3A_1233 : i32
        %get3A_1235 = arith.index_cast %add3A_1234 : i32 to index
        %get3A_1236 = arith.constant 0 : index
        %get3A_1237 = tpu.vector_load %arg7[%get3A_1235, %get3A_1236] {strides = array<i32>} : memref<400x64xf32, #tpu.memory_space<vmem>>, vector<1x16xf32>,
        %get3A_1238 = vector.shape_cast %get3A_1237 : vector<1x16xf32> to vector<16xf32>
        %add3A_1239 = arith.addf %add3A_1211, %get3A_1238 : vector<16xf32>
        %add3A_1240 = arith.constant 2 : i32
        %add3A_1241 = arith.addi %add3A_1176, %add3A_1240 : i32
        %get3A_1242 = arith.index_cast %add3A_1241 : i32 to index
        %get3A_1243 = arith.constant 16 : index
        %get3A_1244 = tpu.vector_load %arg7[%get3A_1242, %get3A_1243] {strides = array<i32>} : memref<400x64xf32, #tpu.memory_space<vmem>>, vector<1x16xf32>,
        %get3A_1245 = vector.shape_cast %get3A_1244 : vector<1x16xf32> to vector<16xf32>
        %add3A_1246 = arith.addf %add3A_1218, %get3A_1245 : vector<16xf32>
        %add3A_1247 = arith.constant 2 : i32
        %add3A_1248 = arith.addi %add3A_1176, %add3A_1247 : i32
        %get3A_1249 = arith.index_cast %add3A_1248 : i32 to index
        %get3A_1250 = arith.constant 32 : index
        %get3A_1251 = tpu.vector_load %arg7[%get3A_1249, %get3A_1250] {strides = array<i32>} : memref<400x64xf32, #tpu.memory_space<vmem>>, vector<1x16xf32>,
        %get3A_1252 = vector.shape_cast %get3A_1251 : vector<1x16xf32> to vector<16xf32>
        %add3A_1253 = arith.addf %add3A_1225, %get3A_1252 : vector<16xf32>
        %add3A_1254 = arith.constant 2 : i32
        %add3A_1255 = arith.addi %add3A_1176, %add3A_1254 : i32
        %get3A_1256 = arith.index_cast %add3A_1255 : i32 to index
        %get3A_1257 = arith.constant 48 : index
        %get3A_1258 = tpu.vector_load %arg7[%get3A_1256, %get3A_1257] {strides = array<i32>} : memref<400x64xf32, #tpu.memory_space<vmem>>, vector<1x16xf32>,
        %get3A_1259 = vector.shape_cast %get3A_1258 : vector<1x16xf32> to vector<16xf32>
        %add3A_1260 = arith.addf %add3A_1232, %get3A_1259 : vector<16xf32>
        %add3A_1261 = arith.constant 3 : i32
        %add3A_1262 = arith.addi %add3A_1176, %add3A_1261 : i32
        %get3A_1263 = arith.index_cast %add3A_1262 : i32 to index
        %get3A_1264 = arith.constant 0 : index
        %get3A_1265 = tpu.vector_load %arg7[%get3A_1263, %get3A_1264] {strides = array<i32>} : memref<400x64xf32, #tpu.memory_space<vmem>>, vector<1x16xf32>,
        %get3A_1266 = vector.shape_cast %get3A_1265 : vector<1x16xf32> to vector<16xf32>
        %add3A_1267 = arith.addf %add3A_1239, %get3A_1266 : vector<16xf32>
        %add3A_1268 = arith.constant 3 : i32
        %add3A_1269 = arith.addi %add3A_1176, %add3A_1268 : i32
        %get3A_1270 = arith.index_cast %add3A_1269 : i32 to index
        %get3A_1271 = arith.constant 16 : index
        %get3A_1272 = tpu.vector_load %arg7[%get3A_1270, %get3A_1271] {strides = array<i32>} : memref<400x64xf32, #tpu.memory_space<vmem>>, vector<1x16xf32>,
        %get3A_1273 = vector.shape_cast %get3A_1272 : vector<1x16xf32> to vector<16xf32>
        %add3A_1274 = arith.addf %add3A_1246, %get3A_1273 : vector<16xf32>
        %add3A_1275 = arith.constant 3 : i32
        %add3A_1276 = arith.addi %add3A_1176, %add3A_1275 : i32
        %get3A_1277 = arith.index_cast %add3A_1276 : i32 to index
        %get3A_1278 = arith.constant 32 : index
        %get3A_1279 = tpu.vector_load %arg7[%get3A_1277, %get3A_1278] {strides = array<i32>} : memref<400x64xf32, #tpu.memory_space<vmem>>, vector<1x16xf32>,
        %get3A_1280 = vector.shape_cast %get3A_1279 : vector<1x16xf32> to vector<16xf32>
        %add3A_1281 = arith.addf %add3A_1253, %get3A_1280 : vector<16xf32>
        %add3A_1282 = arith.constant 3 : i32
        %add3A_1283 = arith.addi %add3A_1176, %add3A_1282 : i32
        %get3A_1284 = arith.index_cast %add3A_1283 : i32 to index
        %get3A_1285 = arith.constant 48 : index
        %get3A_1286 = tpu.vector_load %arg7[%get3A_1284, %get3A_1285] {strides = array<i32>} : memref<400x64xf32, #tpu.memory_space<vmem>>, vector<1x16xf32>,
        %get3A_1287 = vector.shape_cast %get3A_1286 : vector<1x16xf32> to vector<16xf32>
        %add3A_1288 = arith.addf %add3A_1260, %get3A_1287 : vector<16xf32>
        %add3A_1289 = arith.constant 4 : i32
        %add3A_1290 = arith.addi %add3A_1176, %add3A_1289 : i32
        %get3A_1291 = arith.index_cast %add3A_1290 : i32 to index
        %get3A_1292 = arith.constant 0 : index
        %get3A_1293 = tpu.vector_load %arg7[%get3A_1291, %get3A_1292] {strides = array<i32>} : memref<400x64xf32, #tpu.memory_space<vmem>>, vector<1x16xf32>,
        %get3A_1294 = vector.shape_cast %get3A_1293 : vector<1x16xf32> to vector<16xf32>
        %add3A_1295 = arith.addf %add3A_1267, %get3A_1294 : vector<16xf32>
        %add3A_1296 = arith.constant 4 : i32
        %add3A_1297 = arith.addi %add3A_1176, %add3A_1296 : i32
        %get3A_1298 = arith.index_cast %add3A_1297 : i32 to index
        %get3A_1299 = arith.constant 16 : index
        %get3A_1300 = tpu.vector_load %arg7[%get3A_1298, %get3A_1299] {strides = array<i32>} : memref<400x64xf32, #tpu.memory_space<vmem>>, vector<1x16xf32>,
        %get3A_1301 = vector.shape_cast %get3A_1300 : vector<1x16xf32> to vector<16xf32>
        %add3A_1302 = arith.addf %add3A_1274, %get3A_1301 : vector<16xf32>
        %add3A_1303 = arith.constant 4 : i32
        %add3A_1304 = arith.addi %add3A_1176, %add3A_1303 : i32
        %get3A_1305 = arith.index_cast %add3A_1304 : i32 to index
        %get3A_1306 = arith.constant 32 : index
        %get3A_1307 = tpu.vector_load %arg7[%get3A_1305, %get3A_1306] {strides = array<i32>} : memref<400x64xf32, #tpu.memory_space<vmem>>, vector<1x16xf32>,
        %get3A_1308 = vector.shape_cast %get3A_1307 : vector<1x16xf32> to vector<16xf32>
        %add3A_1309 = arith.addf %add3A_1281, %get3A_1308 : vector<16xf32>
        %add3A_1310 = arith.constant 4 : i32
        %add3A_1311 = arith.addi %add3A_1176, %add3A_1310 : i32
        %get3A_1312 = arith.index_cast %add3A_1311 : i32 to index
        %get3A_1313 = arith.constant 48 : index
        %get3A_1314 = tpu.vector_load %arg7[%get3A_1312, %get3A_1313] {strides = array<i32>} : memref<400x64xf32, #tpu.memory_space<vmem>>, vector<1x16xf32>,
        %get3A_1315 = vector.shape_cast %get3A_1314 : vector<1x16xf32> to vector<16xf32>
        %add3A_1316 = arith.addf %add3A_1288, %get3A_1315 : vector<16xf32>
        %add3A_1317 = arith.constant 5 : i32
        %add3A_1318 = arith.addi %add3A_1176, %add3A_1317 : i32
        %get3A_1319 = arith.index_cast %add3A_1318 : i32 to index
        %get3A_1320 = arith.constant 0 : index
        %get3A_1321 = tpu.vector_load %arg7[%get3A_1319, %get3A_1320] {strides = array<i32>} : memref<400x64xf32, #tpu.memory_space<vmem>>, vector<1x16xf32>,
        %get3A_1322 = vector.shape_cast %get3A_1321 : vector<1x16xf32> to vector<16xf32>
        %add3A_1323 = arith.addf %add3A_1295, %get3A_1322 : vector<16xf32>
        %add3A_1324 = arith.constant 5 : i32
        %add3A_1325 = arith.addi %add3A_1176, %add3A_1324 : i32
        %get3A_1326 = arith.index_cast %add3A_1325 : i32 to index
        %get3A_1327 = arith.constant 16 : index
        %get3A_1328 = tpu.vector_load %arg7[%get3A_1326, %get3A_1327] {strides = array<i32>} : memref<400x64xf32, #tpu.memory_space<vmem>>, vector<1x16xf32>,
        %get3A_1329 = vector.shape_cast %get3A_1328 : vector<1x16xf32> to vector<16xf32>
        %add3A_1330 = arith.addf %add3A_1302, %get3A_1329 : vector<16xf32>
        %add3A_1331 = arith.constant 5 : i32
        %add3A_1332 = arith.addi %add3A_1176, %add3A_1331 : i32
        %get3A_1333 = arith.index_cast %add3A_1332 : i32 to index
        %get3A_1334 = arith.constant 32 : index
        %get3A_1335 = tpu.vector_load %arg7[%get3A_1333, %get3A_1334] {strides = array<i32>} : memref<400x64xf32, #tpu.memory_space<vmem>>, vector<1x16xf32>,
        %get3A_1336 = vector.shape_cast %get3A_1335 : vector<1x16xf32> to vector<16xf32>
        %add3A_1337 = arith.addf %add3A_1309, %get3A_1336 : vector<16xf32>
        %add3A_1338 = arith.constant 5 : i32
        %add3A_1339 = arith.addi %add3A_1176, %add3A_1338 : i32
        %get3A_1340 = arith.index_cast %add3A_1339 : i32 to index
        %get3A_1341 = arith.constant 48 : index
        %get3A_1342 = tpu.vector_load %arg7[%get3A_1340, %get3A_1341] {strides = array<i32>} : memref<400x64xf32, #tpu.memory_space<vmem>>, vector<1x16xf32>,
        %get3A_1343 = vector.shape_cast %get3A_1342 : vector<1x16xf32> to vector<16xf32>
        %add3A_1344 = arith.addf %add3A_1316, %get3A_1343 : vector<16xf32>
        %add3A_1345 = arith.constant 6 : i32
        %add3A_1346 = arith.addi %add3A_1176, %add3A_1345 : i32
        %get3A_1347 = arith.index_cast %add3A_1346 : i32 to index
        %get3A_1348 = arith.constant 0 : index
        %get3A_1349 = tpu.vector_load %arg7[%get3A_1347, %get3A_1348] {strides = array<i32>} : memref<400x64xf32, #tpu.memory_space<vmem>>, vector<1x16xf32>,
        %get3A_1350 = vector.shape_cast %get3A_1349 : vector<1x16xf32> to vector<16xf32>
        %add3A_1351 = arith.addf %add3A_1323, %get3A_1350 : vector<16xf32>
        %add3A_1352 = arith.constant 6 : i32
        %add3A_1353 = arith.addi %add3A_1176, %add3A_1352 : i32
        %get3A_1354 = arith.index_cast %add3A_1353 : i32 to index
        %get3A_1355 = arith.constant 16 : index
        %get3A_1356 = tpu.vector_load %arg7[%get3A_1354, %get3A_1355] {strides = array<i32>} : memref<400x64xf32, #tpu.memory_space<vmem>>, vector<1x16xf32>,
        %get3A_1357 = vector.shape_cast %get3A_1356 : vector<1x16xf32> to vector<16xf32>
        %add3A_1358 = arith.addf %add3A_1330, %get3A_1357 : vector<16xf32>
        %add3A_1359 = arith.constant 6 : i32
        %add3A_1360 = arith.addi %add3A_1176, %add3A_1359 : i32
        %get3A_1361 = arith.index_cast %add3A_1360 : i32 to index
        %get3A_1362 = arith.constant 32 : index
        %get3A_1363 = tpu.vector_load %arg7[%get3A_1361, %get3A_1362] {strides = array<i32>} : memref<400x64xf32, #tpu.memory_space<vmem>>, vector<1x16xf32>,
        %get3A_1364 = vector.shape_cast %get3A_1363 : vector<1x16xf32> to vector<16xf32>
        %add3A_1365 = arith.addf %add3A_1337, %get3A_1364 : vector<16xf32>
        %add3A_1366 = arith.constant 6 : i32
        %add3A_1367 = arith.addi %add3A_1176, %add3A_1366 : i32
        %get3A_1368 = arith.index_cast %add3A_1367 : i32 to index
        %get3A_1369 = arith.constant 48 : index
        %get3A_1370 = tpu.vector_load %arg7[%get3A_1368, %get3A_1369] {strides = array<i32>} : memref<400x64xf32, #tpu.memory_space<vmem>>, vector<1x16xf32>,
        %get3A_1371 = vector.shape_cast %get3A_1370 : vector<1x16xf32> to vector<16xf32>
        %add3A_1372 = arith.addf %add3A_1344, %get3A_1371 : vector<16xf32>
        scf.yield %add3A_1351, %add3A_1358, %add3A_1365, %add3A_1372 : vector<16xf32>, vector<16xf32>, vector<16xf32>, vector<16xf32>
      }
      %scan3A_930 = arith.constant 7 : i32
      %swap3A_931 = arith.constant 3 : i32
      %swap3A_932 = arith.index_cast %swap3A_931 : i32 to index
      %swap3A_933 = arith.constant 0 : index
      %swap3A_934 = tpu.vector_load %arg9[%swap3A_932, %swap3A_933] {strides = array<i32>} : memref<8x128xf32, #tpu.memory_space<vmem>>, vector<1x16xf32>,
      %swap3A_935 = vector.shape_cast %swap3A_934 : vector<1x16xf32> to vector<16xf32>
      %swap3A_936 = vector.shape_cast %scan3A_929#0 : vector<16xf32> to vector<1x16xf32>
      tpu.vector_store %arg9[%swap3A_932, %swap3A_933], %swap3A_936 {strides = array<i32>} : memref<8x128xf32, #tpu.memory_space<vmem>>, vector<1x16xf32>,
      %swap3A_937 = arith.constant 3 : i32
      %swap3A_938 = arith.index_cast %swap3A_937 : i32 to index
      %swap3A_939 = arith.constant 16 : index
      %swap3A_940 = tpu.vector_load %arg9[%swap3A_938, %swap3A_939] {strides = array<i32>} : memref<8x128xf32, #tpu.memory_space<vmem>>, vector<1x16xf32>,
      %swap3A_941 = vector.shape_cast %swap3A_940 : vector<1x16xf32> to vector<16xf32>
      %swap3A_942 = vector.shape_cast %scan3A_929#1 : vector<16xf32> to vector<1x16xf32>
      tpu.vector_store %arg9[%swap3A_938, %swap3A_939], %swap3A_942 {strides = array<i32>} : memref<8x128xf32, #tpu.memory_space<vmem>>, vector<1x16xf32>,
      %swap3A_943 = arith.constant 3 : i32
      %swap3A_944 = arith.index_cast %swap3A_943 : i32 to index
      %swap3A_945 = arith.constant 32 : index
      %swap3A_946 = tpu.vector_load %arg9[%swap3A_944, %swap3A_945] {strides = array<i32>} : memref<8x128xf32, #tpu.memory_space<vmem>>, vector<1x16xf32>,
      %swap3A_947 = vector.shape_cast %swap3A_946 : vector<1x16xf32> to vector<16xf32>
      %swap3A_948 = vector.shape_cast %scan3A_929#2 : vector<16xf32> to vector<1x16xf32>
      tpu.vector_store %arg9[%swap3A_944, %swap3A_945], %swap3A_948 {strides = array<i32>} : memref<8x128xf32, #tpu.memory_space<vmem>>, vector<1x16xf32>,
      %swap3A_949 = arith.constant 3 : i32
      %swap3A_950 = arith.index_cast %swap3A_949 : i32 to index
      %swap3A_951 = arith.constant 48 : index
      %swap3A_952 = tpu.vector_load %arg9[%swap3A_950, %swap3A_951] {strides = array<i32>} : memref<8x128xf32, #tpu.memory_space<vmem>>, vector<1x16xf32>,
      %swap3A_953 = vector.shape_cast %swap3A_952 : vector<1x16xf32> to vector<16xf32>
      %swap3A_954 = vector.shape_cast %scan3A_929#3 : vector<16xf32> to vector<1x16xf32>
      tpu.vector_store %arg9[%swap3A_950, %swap3A_951], %swap3A_954 {strides = array<i32>} : memref<8x128xf32, #tpu.memory_space<vmem>>, vector<1x16xf32>,
      %get3A_955 = arith.constant 200 : i32
      %get3A_956 = arith.index_cast %get3A_955 : i32 to index
      %get3A_957 = arith.constant 0 : index
      %get3A_958 = tpu.vector_load %arg7[%get3A_956, %get3A_957] {strides = array<i32>} : memref<400x64xf32, #tpu.memory_space<vmem>>, vector<1x16xf32>,
      %get3A_959 = vector.shape_cast %get3A_958 : vector<1x16xf32> to vector<16xf32>
      %get3A_960 = arith.constant 200 : i32
      %get3A_961 = arith.index_cast %get3A_960 : i32 to index
      %get3A_962 = arith.constant 16 : index
      %get3A_963 = tpu.vector_load %arg7[%get3A_961, %get3A_962] {strides = array<i32>} : memref<400x64xf32, #tpu.memory_space<vmem>>, vector<1x16xf32>,
      %get3A_964 = vector.shape_cast %get3A_963 : vector<1x16xf32> to vector<16xf32>
      %get3A_965 = arith.constant 200 : i32
      %get3A_966 = arith.index_cast %get3A_965 : i32 to index
      %get3A_967 = arith.constant 32 : index
      %get3A_968 = tpu.vector_load %arg7[%get3A_966, %get3A_967] {strides = array<i32>} : memref<400x64xf32, #tpu.memory_space<vmem>>, vector<1x16xf32>,
      %get3A_969 = vector.shape_cast %get3A_968 : vector<1x16xf32> to vector<16xf32>
      %get3A_970 = arith.constant 200 : i32
      %get3A_971 = arith.index_cast %get3A_970 : i32 to index
      %get3A_972 = arith.constant 48 : index
      %get3A_973 = tpu.vector_load %arg7[%get3A_971, %get3A_972] {strides = array<i32>} : memref<400x64xf32, #tpu.memory_space<vmem>>, vector<1x16xf32>,
      %get3A_974 = vector.shape_cast %get3A_973 : vector<1x16xf32> to vector<16xf32>
      %scan3A_975 = arith.constant 0 : i32
      %scan3A_976 = arith.constant 7 : i32
      %scan3A_977 = arith.addi %scan3A_975, %scan3A_976 : i32
      %scan3A_978 = arith.constant 1 : i32
      %scan3A_979:4 = scf.for %scan3A_1168 = %scan3A_975 to %scan3A_977 step %scan3A_978 iter_args(%scan3A_1169 = %get3A_959, %scan3A_1170 = %get3A_964, %scan3A_1171 = %get3A_969, %scan3A_1172 = %get3A_974) -> (vector<16xf32>, vector<16xf32>, vector<16xf32>, vector<16xf32>)  : i32 {
        %mul3A_1173 = arith.constant 7 : i32
        %mul3A_1174 = arith.muli %scan3A_1168, %mul3A_1173 : i32
        %add3A_1175 = arith.constant 201 : i32
        %add3A_1176 = arith.addi %add3A_1175, %mul3A_1174 : i32
        %add3A_1177 = arith.constant 0 : i32
        %add3A_1178 = arith.addi %add3A_1176, %add3A_1177 : i32
        %get3A_1179 = arith.index_cast %add3A_1178 : i32 to index
        %get3A_1180 = arith.constant 0 : index
        %get3A_1181 = tpu.vector_load %arg7[%get3A_1179, %get3A_1180] {strides = array<i32>} : memref<400x64xf32, #tpu.memory_space<vmem>>, vector<1x16xf32>,
        %get3A_1182 = vector.shape_cast %get3A_1181 : vector<1x16xf32> to vector<16xf32>
        %add3A_1183 = arith.addf %scan3A_1169, %get3A_1182 : vector<16xf32>
        %add3A_1184 = arith.constant 0 : i32
        %add3A_1185 = arith.addi %add3A_1176, %add3A_1184 : i32
        %get3A_1186 = arith.index_cast %add3A_1185 : i32 to index
        %get3A_1187 = arith.constant 16 : index
        %get3A_1188 = tpu.vector_load %arg7[%get3A_1186, %get3A_1187] {strides = array<i32>} : memref<400x64xf32, #tpu.memory_space<vmem>>, vector<1x16xf32>,
        %get3A_1189 = vector.shape_cast %get3A_1188 : vector<1x16xf32> to vector<16xf32>
        %add3A_1190 = arith.addf %scan3A_1170, %get3A_1189 : vector<16xf32>
        %add3A_1191 = arith.constant 0 : i32
        %add3A_1192 = arith.addi %add3A_1176, %add3A_1191 : i32
        %get3A_1193 = arith.index_cast %add3A_1192 : i32 to index
        %get3A_1194 = arith.constant 32 : index
        %get3A_1195 = tpu.vector_load %arg7[%get3A_1193, %get3A_1194] {strides = array<i32>} : memref<400x64xf32, #tpu.memory_space<vmem>>, vector<1x16xf32>,
        %get3A_1196 = vector.shape_cast %get3A_1195 : vector<1x16xf32> to vector<16xf32>
        %add3A_1197 = arith.addf %scan3A_1171, %get3A_1196 : vector<16xf32>
        %add3A_1198 = arith.constant 0 : i32
        %add3A_1199 = arith.addi %add3A_1176, %add3A_1198 : i32
        %get3A_1200 = arith.index_cast %add3A_1199 : i32 to index
        %get3A_1201 = arith.constant 48 : index
        %get3A_1202 = tpu.vector_load %arg7[%get3A_1200, %get3A_1201] {strides = array<i32>} : memref<400x64xf32, #tpu.memory_space<vmem>>, vector<1x16xf32>,
        %get3A_1203 = vector.shape_cast %get3A_1202 : vector<1x16xf32> to vector<16xf32>
        %add3A_1204 = arith.addf %scan3A_1172, %get3A_1203 : vector<16xf32>
        %add3A_1205 = arith.constant 1 : i32
        %add3A_1206 = arith.addi %add3A_1176, %add3A_1205 : i32
        %get3A_1207 = arith.index_cast %add3A_1206 : i32 to index
        %get3A_1208 = arith.constant 0 : index
        %get3A_1209 = tpu.vector_load %arg7[%get3A_1207, %get3A_1208] {strides = array<i32>} : memref<400x64xf32, #tpu.memory_space<vmem>>, vector<1x16xf32>,
        %get3A_1210 = vector.shape_cast %get3A_1209 : vector<1x16xf32> to vector<16xf32>
        %add3A_1211 = arith.addf %add3A_1183, %get3A_1210 : vector<16xf32>
        %add3A_1212 = arith.constant 1 : i32
        %add3A_1213 = arith.addi %add3A_1176, %add3A_1212 : i32
        %get3A_1214 = arith.index_cast %add3A_1213 : i32 to index
        %get3A_1215 = arith.constant 16 : index
        %get3A_1216 = tpu.vector_load %arg7[%get3A_1214, %get3A_1215] {strides = array<i32>} : memref<400x64xf32, #tpu.memory_space<vmem>>, vector<1x16xf32>,
        %get3A_1217 = vector.shape_cast %get3A_1216 : vector<1x16xf32> to vector<16xf32>
        %add3A_1218 = arith.addf %add3A_1190, %get3A_1217 : vector<16xf32>
        %add3A_1219 = arith.constant 1 : i32
        %add3A_1220 = arith.addi %add3A_1176, %add3A_1219 : i32
        %get3A_1221 = arith.index_cast %add3A_1220 : i32 to index
        %get3A_1222 = arith.constant 32 : index
        %get3A_1223 = tpu.vector_load %arg7[%get3A_1221, %get3A_1222] {strides = array<i32>} : memref<400x64xf32, #tpu.memory_space<vmem>>, vector<1x16xf32>,
        %get3A_1224 = vector.shape_cast %get3A_1223 : vector<1x16xf32> to vector<16xf32>
        %add3A_1225 = arith.addf %add3A_1197, %get3A_1224 : vector<16xf32>
        %add3A_1226 = arith.constant 1 : i32
        %add3A_1227 = arith.addi %add3A_1176, %add3A_1226 : i32
        %get3A_1228 = arith.index_cast %add3A_1227 : i32 to index
        %get3A_1229 = arith.constant 48 : index
        %get3A_1230 = tpu.vector_load %arg7[%get3A_1228, %get3A_1229] {strides = array<i32>} : memref<400x64xf32, #tpu.memory_space<vmem>>, vector<1x16xf32>,
        %get3A_1231 = vector.shape_cast %get3A_1230 : vector<1x16xf32> to vector<16xf32>
        %add3A_1232 = arith.addf %add3A_1204, %get3A_1231 : vector<16xf32>
        %add3A_1233 = arith.constant 2 : i32
        %add3A_1234 = arith.addi %add3A_1176, %add3A_1233 : i32
        %get3A_1235 = arith.index_cast %add3A_1234 : i32 to index
        %get3A_1236 = arith.constant 0 : index
        %get3A_1237 = tpu.vector_load %arg7[%get3A_1235, %get3A_1236] {strides = array<i32>} : memref<400x64xf32, #tpu.memory_space<vmem>>, vector<1x16xf32>,
        %get3A_1238 = vector.shape_cast %get3A_1237 : vector<1x16xf32> to vector<16xf32>
        %add3A_1239 = arith.addf %add3A_1211, %get3A_1238 : vector<16xf32>
        %add3A_1240 = arith.constant 2 : i32
        %add3A_1241 = arith.addi %add3A_1176, %add3A_1240 : i32
        %get3A_1242 = arith.index_cast %add3A_1241 : i32 to index
        %get3A_1243 = arith.constant 16 : index
        %get3A_1244 = tpu.vector_load %arg7[%get3A_1242, %get3A_1243] {strides = array<i32>} : memref<400x64xf32, #tpu.memory_space<vmem>>, vector<1x16xf32>,
        %get3A_1245 = vector.shape_cast %get3A_1244 : vector<1x16xf32> to vector<16xf32>
        %add3A_1246 = arith.addf %add3A_1218, %get3A_1245 : vector<16xf32>
        %add3A_1247 = arith.constant 2 : i32
        %add3A_1248 = arith.addi %add3A_1176, %add3A_1247 : i32
        %get3A_1249 = arith.index_cast %add3A_1248 : i32 to index
        %get3A_1250 = arith.constant 32 : index
        %get3A_1251 = tpu.vector_load %arg7[%get3A_1249, %get3A_1250] {strides = array<i32>} : memref<400x64xf32, #tpu.memory_space<vmem>>, vector<1x16xf32>,
        %get3A_1252 = vector.shape_cast %get3A_1251 : vector<1x16xf32> to vector<16xf32>
        %add3A_1253 = arith.addf %add3A_1225, %get3A_1252 : vector<16xf32>
        %add3A_1254 = arith.constant 2 : i32
        %add3A_1255 = arith.addi %add3A_1176, %add3A_1254 : i32
        %get3A_1256 = arith.index_cast %add3A_1255 : i32 to index
        %get3A_1257 = arith.constant 48 : index
        %get3A_1258 = tpu.vector_load %arg7[%get3A_1256, %get3A_1257] {strides = array<i32>} : memref<400x64xf32, #tpu.memory_space<vmem>>, vector<1x16xf32>,
        %get3A_1259 = vector.shape_cast %get3A_1258 : vector<1x16xf32> to vector<16xf32>
        %add3A_1260 = arith.addf %add3A_1232, %get3A_1259 : vector<16xf32>
        %add3A_1261 = arith.constant 3 : i32
        %add3A_1262 = arith.addi %add3A_1176, %add3A_1261 : i32
        %get3A_1263 = arith.index_cast %add3A_1262 : i32 to index
        %get3A_1264 = arith.constant 0 : index
        %get3A_1265 = tpu.vector_load %arg7[%get3A_1263, %get3A_1264] {strides = array<i32>} : memref<400x64xf32, #tpu.memory_space<vmem>>, vector<1x16xf32>,
        %get3A_1266 = vector.shape_cast %get3A_1265 : vector<1x16xf32> to vector<16xf32>
        %add3A_1267 = arith.addf %add3A_1239, %get3A_1266 : vector<16xf32>
        %add3A_1268 = arith.constant 3 : i32
        %add3A_1269 = arith.addi %add3A_1176, %add3A_1268 : i32
        %get3A_1270 = arith.index_cast %add3A_1269 : i32 to index
        %get3A_1271 = arith.constant 16 : index
        %get3A_1272 = tpu.vector_load %arg7[%get3A_1270, %get3A_1271] {strides = array<i32>} : memref<400x64xf32, #tpu.memory_space<vmem>>, vector<1x16xf32>,
        %get3A_1273 = vector.shape_cast %get3A_1272 : vector<1x16xf32> to vector<16xf32>
        %add3A_1274 = arith.addf %add3A_1246, %get3A_1273 : vector<16xf32>
        %add3A_1275 = arith.constant 3 : i32
        %add3A_1276 = arith.addi %add3A_1176, %add3A_1275 : i32
        %get3A_1277 = arith.index_cast %add3A_1276 : i32 to index
        %get3A_1278 = arith.constant 32 : index
        %get3A_1279 = tpu.vector_load %arg7[%get3A_1277, %get3A_1278] {strides = array<i32>} : memref<400x64xf32, #tpu.memory_space<vmem>>, vector<1x16xf32>,
        %get3A_1280 = vector.shape_cast %get3A_1279 : vector<1x16xf32> to vector<16xf32>
        %add3A_1281 = arith.addf %add3A_1253, %get3A_1280 : vector<16xf32>
        %add3A_1282 = arith.constant 3 : i32
        %add3A_1283 = arith.addi %add3A_1176, %add3A_1282 : i32
        %get3A_1284 = arith.index_cast %add3A_1283 : i32 to index
        %get3A_1285 = arith.constant 48 : index
        %get3A_1286 = tpu.vector_load %arg7[%get3A_1284, %get3A_1285] {strides = array<i32>} : memref<400x64xf32, #tpu.memory_space<vmem>>, vector<1x16xf32>,
        %get3A_1287 = vector.shape_cast %get3A_1286 : vector<1x16xf32> to vector<16xf32>
        %add3A_1288 = arith.addf %add3A_1260, %get3A_1287 : vector<16xf32>
        %add3A_1289 = arith.constant 4 : i32
        %add3A_1290 = arith.addi %add3A_1176, %add3A_1289 : i32
        %get3A_1291 = arith.index_cast %add3A_1290 : i32 to index
        %get3A_1292 = arith.constant 0 : index
        %get3A_1293 = tpu.vector_load %arg7[%get3A_1291, %get3A_1292] {strides = array<i32>} : memref<400x64xf32, #tpu.memory_space<vmem>>, vector<1x16xf32>,
        %get3A_1294 = vector.shape_cast %get3A_1293 : vector<1x16xf32> to vector<16xf32>
        %add3A_1295 = arith.addf %add3A_1267, %get3A_1294 : vector<16xf32>
        %add3A_1296 = arith.constant 4 : i32
        %add3A_1297 = arith.addi %add3A_1176, %add3A_1296 : i32
        %get3A_1298 = arith.index_cast %add3A_1297 : i32 to index
        %get3A_1299 = arith.constant 16 : index
        %get3A_1300 = tpu.vector_load %arg7[%get3A_1298, %get3A_1299] {strides = array<i32>} : memref<400x64xf32, #tpu.memory_space<vmem>>, vector<1x16xf32>,
        %get3A_1301 = vector.shape_cast %get3A_1300 : vector<1x16xf32> to vector<16xf32>
        %add3A_1302 = arith.addf %add3A_1274, %get3A_1301 : vector<16xf32>
        %add3A_1303 = arith.constant 4 : i32
        %add3A_1304 = arith.addi %add3A_1176, %add3A_1303 : i32
        %get3A_1305 = arith.index_cast %add3A_1304 : i32 to index
        %get3A_1306 = arith.constant 32 : index
        %get3A_1307 = tpu.vector_load %arg7[%get3A_1305, %get3A_1306] {strides = array<i32>} : memref<400x64xf32, #tpu.memory_space<vmem>>, vector<1x16xf32>,
        %get3A_1308 = vector.shape_cast %get3A_1307 : vector<1x16xf32> to vector<16xf32>
        %add3A_1309 = arith.addf %add3A_1281, %get3A_1308 : vector<16xf32>
        %add3A_1310 = arith.constant 4 : i32
        %add3A_1311 = arith.addi %add3A_1176, %add3A_1310 : i32
        %get3A_1312 = arith.index_cast %add3A_1311 : i32 to index
        %get3A_1313 = arith.constant 48 : index
        %get3A_1314 = tpu.vector_load %arg7[%get3A_1312, %get3A_1313] {strides = array<i32>} : memref<400x64xf32, #tpu.memory_space<vmem>>, vector<1x16xf32>,
        %get3A_1315 = vector.shape_cast %get3A_1314 : vector<1x16xf32> to vector<16xf32>
        %add3A_1316 = arith.addf %add3A_1288, %get3A_1315 : vector<16xf32>
        %add3A_1317 = arith.constant 5 : i32
        %add3A_1318 = arith.addi %add3A_1176, %add3A_1317 : i32
        %get3A_1319 = arith.index_cast %add3A_1318 : i32 to index
        %get3A_1320 = arith.constant 0 : index
        %get3A_1321 = tpu.vector_load %arg7[%get3A_1319, %get3A_1320] {strides = array<i32>} : memref<400x64xf32, #tpu.memory_space<vmem>>, vector<1x16xf32>,
        %get3A_1322 = vector.shape_cast %get3A_1321 : vector<1x16xf32> to vector<16xf32>
        %add3A_1323 = arith.addf %add3A_1295, %get3A_1322 : vector<16xf32>
        %add3A_1324 = arith.constant 5 : i32
        %add3A_1325 = arith.addi %add3A_1176, %add3A_1324 : i32
        %get3A_1326 = arith.index_cast %add3A_1325 : i32 to index
        %get3A_1327 = arith.constant 16 : index
        %get3A_1328 = tpu.vector_load %arg7[%get3A_1326, %get3A_1327] {strides = array<i32>} : memref<400x64xf32, #tpu.memory_space<vmem>>, vector<1x16xf32>,
        %get3A_1329 = vector.shape_cast %get3A_1328 : vector<1x16xf32> to vector<16xf32>
        %add3A_1330 = arith.addf %add3A_1302, %get3A_1329 : vector<16xf32>
        %add3A_1331 = arith.constant 5 : i32
        %add3A_1332 = arith.addi %add3A_1176, %add3A_1331 : i32
        %get3A_1333 = arith.index_cast %add3A_1332 : i32 to index
        %get3A_1334 = arith.constant 32 : index
        %get3A_1335 = tpu.vector_load %arg7[%get3A_1333, %get3A_1334] {strides = array<i32>} : memref<400x64xf32, #tpu.memory_space<vmem>>, vector<1x16xf32>,
        %get3A_1336 = vector.shape_cast %get3A_1335 : vector<1x16xf32> to vector<16xf32>
        %add3A_1337 = arith.addf %add3A_1309, %get3A_1336 : vector<16xf32>
        %add3A_1338 = arith.constant 5 : i32
        %add3A_1339 = arith.addi %add3A_1176, %add3A_1338 : i32
        %get3A_1340 = arith.index_cast %add3A_1339 : i32 to index
        %get3A_1341 = arith.constant 48 : index
        %get3A_1342 = tpu.vector_load %arg7[%get3A_1340, %get3A_1341] {strides = array<i32>} : memref<400x64xf32, #tpu.memory_space<vmem>>, vector<1x16xf32>,
        %get3A_1343 = vector.shape_cast %get3A_1342 : vector<1x16xf32> to vector<16xf32>
        %add3A_1344 = arith.addf %add3A_1316, %get3A_1343 : vector<16xf32>
        %add3A_1345 = arith.constant 6 : i32
        %add3A_1346 = arith.addi %add3A_1176, %add3A_1345 : i32
        %get3A_1347 = arith.index_cast %add3A_1346 : i32 to index
        %get3A_1348 = arith.constant 0 : index
        %get3A_1349 = tpu.vector_load %arg7[%get3A_1347, %get3A_1348] {strides = array<i32>} : memref<400x64xf32, #tpu.memory_space<vmem>>, vector<1x16xf32>,
        %get3A_1350 = vector.shape_cast %get3A_1349 : vector<1x16xf32> to vector<16xf32>
        %add3A_1351 = arith.addf %add3A_1323, %get3A_1350 : vector<16xf32>
        %add3A_1352 = arith.constant 6 : i32
        %add3A_1353 = arith.addi %add3A_1176, %add3A_1352 : i32
        %get3A_1354 = arith.index_cast %add3A_1353 : i32 to index
        %get3A_1355 = arith.constant 16 : index
        %get3A_1356 = tpu.vector_load %arg7[%get3A_1354, %get3A_1355] {strides = array<i32>} : memref<400x64xf32, #tpu.memory_space<vmem>>, vector<1x16xf32>,
        %get3A_1357 = vector.shape_cast %get3A_1356 : vector<1x16xf32> to vector<16xf32>
        %add3A_1358 = arith.addf %add3A_1330, %get3A_1357 : vector<16xf32>
        %add3A_1359 = arith.constant 6 : i32
        %add3A_1360 = arith.addi %add3A_1176, %add3A_1359 : i32
        %get3A_1361 = arith.index_cast %add3A_1360 : i32 to index
        %get3A_1362 = arith.constant 32 : index
        %get3A_1363 = tpu.vector_load %arg7[%get3A_1361, %get3A_1362] {strides = array<i32>} : memref<400x64xf32, #tpu.memory_space<vmem>>, vector<1x16xf32>,
        %get3A_1364 = vector.shape_cast %get3A_1363 : vector<1x16xf32> to vector<16xf32>
        %add3A_1365 = arith.addf %add3A_1337, %get3A_1364 : vector<16xf32>
        %add3A_1366 = arith.constant 6 : i32
        %add3A_1367 = arith.addi %add3A_1176, %add3A_1366 : i32
        %get3A_1368 = arith.index_cast %add3A_1367 : i32 to index
        %get3A_1369 = arith.constant 48 : index
        %get3A_1370 = tpu.vector_load %arg7[%get3A_1368, %get3A_1369] {strides = array<i32>} : memref<400x64xf32, #tpu.memory_space<vmem>>, vector<1x16xf32>,
        %get3A_1371 = vector.shape_cast %get3A_1370 : vector<1x16xf32> to vector<16xf32>
        %add3A_1372 = arith.addf %add3A_1344, %get3A_1371 : vector<16xf32>
        scf.yield %add3A_1351, %add3A_1358, %add3A_1365, %add3A_1372 : vector<16xf32>, vector<16xf32>, vector<16xf32>, vector<16xf32>
      }
      %scan3A_980 = arith.constant 7 : i32
      %swap3A_981 = arith.constant 4 : i32
      %swap3A_982 = arith.index_cast %swap3A_981 : i32 to index
      %swap3A_983 = arith.constant 0 : index
      %swap3A_984 = tpu.vector_load %arg9[%swap3A_982, %swap3A_983] {strides = array<i32>} : memref<8x128xf32, #tpu.memory_space<vmem>>, vector<1x16xf32>,
      %swap3A_985 = vector.shape_cast %swap3A_984 : vector<1x16xf32> to vector<16xf32>
      %swap3A_986 = vector.shape_cast %scan3A_979#0 : vector<16xf32> to vector<1x16xf32>
      tpu.vector_store %arg9[%swap3A_982, %swap3A_983], %swap3A_986 {strides = array<i32>} : memref<8x128xf32, #tpu.memory_space<vmem>>, vector<1x16xf32>,
      %swap3A_987 = arith.constant 4 : i32
      %swap3A_988 = arith.index_cast %swap3A_987 : i32 to index
      %swap3A_989 = arith.constant 16 : index
      %swap3A_990 = tpu.vector_load %arg9[%swap3A_988, %swap3A_989] {strides = array<i32>} : memref<8x128xf32, #tpu.memory_space<vmem>>, vector<1x16xf32>,
      %swap3A_991 = vector.shape_cast %swap3A_990 : vector<1x16xf32> to vector<16xf32>
      %swap3A_992 = vector.shape_cast %scan3A_979#1 : vector<16xf32> to vector<1x16xf32>
      tpu.vector_store %arg9[%swap3A_988, %swap3A_989], %swap3A_992 {strides = array<i32>} : memref<8x128xf32, #tpu.memory_space<vmem>>, vector<1x16xf32>,
      %swap3A_993 = arith.constant 4 : i32
      %swap3A_994 = arith.index_cast %swap3A_993 : i32 to index
      %swap3A_995 = arith.constant 32 : index
      %swap3A_996 = tpu.vector_load %arg9[%swap3A_994, %swap3A_995] {strides = array<i32>} : memref<8x128xf32, #tpu.memory_space<vmem>>, vector<1x16xf32>,
      %swap3A_997 = vector.shape_cast %swap3A_996 : vector<1x16xf32> to vector<16xf32>
      %swap3A_998 = vector.shape_cast %scan3A_979#2 : vector<16xf32> to vector<1x16xf32>
      tpu.vector_store %arg9[%swap3A_994, %swap3A_995], %swap3A_998 {strides = array<i32>} : memref<8x128xf32, #tpu.memory_space<vmem>>, vector<1x16xf32>,
      %swap3A_999 = arith.constant 4 : i32
      %swap3A_1000 = arith.index_cast %swap3A_999 : i32 to index
      %swap3A_1001 = arith.constant 48 : index
      %swap3A_1002 = tpu.vector_load %arg9[%swap3A_1000, %swap3A_1001] {strides = array<i32>} : memref<8x128xf32, #tpu.memory_space<vmem>>, vector<1x16xf32>,
      %swap3A_1003 = vector.shape_cast %swap3A_1002 : vector<1x16xf32> to vector<16xf32>
      %swap3A_1004 = vector.shape_cast %scan3A_979#3 : vector<16xf32> to vector<1x16xf32>
      tpu.vector_store %arg9[%swap3A_1000, %swap3A_1001], %swap3A_1004 {strides = array<i32>} : memref<8x128xf32, #tpu.memory_space<vmem>>, vector<1x16xf32>,
      %get3A_1005 = arith.constant 250 : i32
      %get3A_1006 = arith.index_cast %get3A_1005 : i32 to index
      %get3A_1007 = arith.constant 0 : index
      %get3A_1008 = tpu.vector_load %arg7[%get3A_1006, %get3A_1007] {strides = array<i32>} : memref<400x64xf32, #tpu.memory_space<vmem>>, vector<1x16xf32>,
      %get3A_1009 = vector.shape_cast %get3A_1008 : vector<1x16xf32> to vector<16xf32>
      %get3A_1010 = arith.constant 250 : i32
      %get3A_1011 = arith.index_cast %get3A_1010 : i32 to index
      %get3A_1012 = arith.constant 16 : index
      %get3A_1013 = tpu.vector_load %arg7[%get3A_1011, %get3A_1012] {strides = array<i32>} : memref<400x64xf32, #tpu.memory_space<vmem>>, vector<1x16xf32>,
      %get3A_1014 = vector.shape_cast %get3A_1013 : vector<1x16xf32> to vector<16xf32>
      %get3A_1015 = arith.constant 250 : i32
      %get3A_1016 = arith.index_cast %get3A_1015 : i32 to index
      %get3A_1017 = arith.constant 32 : index
      %get3A_1018 = tpu.vector_load %arg7[%get3A_1016, %get3A_1017] {strides = array<i32>} : memref<400x64xf32, #tpu.memory_space<vmem>>, vector<1x16xf32>,
      %get3A_1019 = vector.shape_cast %get3A_1018 : vector<1x16xf32> to vector<16xf32>
      %get3A_1020 = arith.constant 250 : i32
      %get3A_1021 = arith.index_cast %get3A_1020 : i32 to index
      %get3A_1022 = arith.constant 48 : index
      %get3A_1023 = tpu.vector_load %arg7[%get3A_1021, %get3A_1022] {strides = array<i32>} : memref<400x64xf32, #tpu.memory_space<vmem>>, vector<1x16xf32>,
      %get3A_1024 = vector.shape_cast %get3A_1023 : vector<1x16xf32> to vector<16xf32>
      %scan3A_1025 = arith.constant 0 : i32
      %scan3A_1026 = arith.constant 7 : i32
      %scan3A_1027 = arith.addi %scan3A_1025, %scan3A_1026 : i32
      %scan3A_1028 = arith.constant 1 : i32
      %scan3A_1029:4 = scf.for %scan3A_1168 = %scan3A_1025 to %scan3A_1027 step %scan3A_1028 iter_args(%scan3A_1169 = %get3A_1009, %scan3A_1170 = %get3A_1014, %scan3A_1171 = %get3A_1019, %scan3A_1172 = %get3A_1024) -> (vector<16xf32>, vector<16xf32>, vector<16xf32>, vector<16xf32>)  : i32 {
        %mul3A_1173 = arith.constant 7 : i32
        %mul3A_1174 = arith.muli %scan3A_1168, %mul3A_1173 : i32
        %add3A_1175 = arith.constant 251 : i32
        %add3A_1176 = arith.addi %add3A_1175, %mul3A_1174 : i32
        %add3A_1177 = arith.constant 0 : i32
        %add3A_1178 = arith.addi %add3A_1176, %add3A_1177 : i32
        %get3A_1179 = arith.index_cast %add3A_1178 : i32 to index
        %get3A_1180 = arith.constant 0 : index
        %get3A_1181 = tpu.vector_load %arg7[%get3A_1179, %get3A_1180] {strides = array<i32>} : memref<400x64xf32, #tpu.memory_space<vmem>>, vector<1x16xf32>,
        %get3A_1182 = vector.shape_cast %get3A_1181 : vector<1x16xf32> to vector<16xf32>
        %add3A_1183 = arith.addf %scan3A_1169, %get3A_1182 : vector<16xf32>
        %add3A_1184 = arith.constant 0 : i32
        %add3A_1185 = arith.addi %add3A_1176, %add3A_1184 : i32
        %get3A_1186 = arith.index_cast %add3A_1185 : i32 to index
        %get3A_1187 = arith.constant 16 : index
        %get3A_1188 = tpu.vector_load %arg7[%get3A_1186, %get3A_1187] {strides = array<i32>} : memref<400x64xf32, #tpu.memory_space<vmem>>, vector<1x16xf32>,
        %get3A_1189 = vector.shape_cast %get3A_1188 : vector<1x16xf32> to vector<16xf32>
        %add3A_1190 = arith.addf %scan3A_1170, %get3A_1189 : vector<16xf32>
        %add3A_1191 = arith.constant 0 : i32
        %add3A_1192 = arith.addi %add3A_1176, %add3A_1191 : i32
        %get3A_1193 = arith.index_cast %add3A_1192 : i32 to index
        %get3A_1194 = arith.constant 32 : index
        %get3A_1195 = tpu.vector_load %arg7[%get3A_1193, %get3A_1194] {strides = array<i32>} : memref<400x64xf32, #tpu.memory_space<vmem>>, vector<1x16xf32>,
        %get3A_1196 = vector.shape_cast %get3A_1195 : vector<1x16xf32> to vector<16xf32>
        %add3A_1197 = arith.addf %scan3A_1171, %get3A_1196 : vector<16xf32>
        %add3A_1198 = arith.constant 0 : i32
        %add3A_1199 = arith.addi %add3A_1176, %add3A_1198 : i32
        %get3A_1200 = arith.index_cast %add3A_1199 : i32 to index
        %get3A_1201 = arith.constant 48 : index
        %get3A_1202 = tpu.vector_load %arg7[%get3A_1200, %get3A_1201] {strides = array<i32>} : memref<400x64xf32, #tpu.memory_space<vmem>>, vector<1x16xf32>,
        %get3A_1203 = vector.shape_cast %get3A_1202 : vector<1x16xf32> to vector<16xf32>
        %add3A_1204 = arith.addf %scan3A_1172, %get3A_1203 : vector<16xf32>
        %add3A_1205 = arith.constant 1 : i32
        %add3A_1206 = arith.addi %add3A_1176, %add3A_1205 : i32
        %get3A_1207 = arith.index_cast %add3A_1206 : i32 to index
        %get3A_1208 = arith.constant 0 : index
        %get3A_1209 = tpu.vector_load %arg7[%get3A_1207, %get3A_1208] {strides = array<i32>} : memref<400x64xf32, #tpu.memory_space<vmem>>, vector<1x16xf32>,
        %get3A_1210 = vector.shape_cast %get3A_1209 : vector<1x16xf32> to vector<16xf32>
        %add3A_1211 = arith.addf %add3A_1183, %get3A_1210 : vector<16xf32>
        %add3A_1212 = arith.constant 1 : i32
        %add3A_1213 = arith.addi %add3A_1176, %add3A_1212 : i32
        %get3A_1214 = arith.index_cast %add3A_1213 : i32 to index
        %get3A_1215 = arith.constant 16 : index
        %get3A_1216 = tpu.vector_load %arg7[%get3A_1214, %get3A_1215] {strides = array<i32>} : memref<400x64xf32, #tpu.memory_space<vmem>>, vector<1x16xf32>,
        %get3A_1217 = vector.shape_cast %get3A_1216 : vector<1x16xf32> to vector<16xf32>
        %add3A_1218 = arith.addf %add3A_1190, %get3A_1217 : vector<16xf32>
        %add3A_1219 = arith.constant 1 : i32
        %add3A_1220 = arith.addi %add3A_1176, %add3A_1219 : i32
        %get3A_1221 = arith.index_cast %add3A_1220 : i32 to index
        %get3A_1222 = arith.constant 32 : index
        %get3A_1223 = tpu.vector_load %arg7[%get3A_1221, %get3A_1222] {strides = array<i32>} : memref<400x64xf32, #tpu.memory_space<vmem>>, vector<1x16xf32>,
        %get3A_1224 = vector.shape_cast %get3A_1223 : vector<1x16xf32> to vector<16xf32>
        %add3A_1225 = arith.addf %add3A_1197, %get3A_1224 : vector<16xf32>
        %add3A_1226 = arith.constant 1 : i32
        %add3A_1227 = arith.addi %add3A_1176, %add3A_1226 : i32
        %get3A_1228 = arith.index_cast %add3A_1227 : i32 to index
        %get3A_1229 = arith.constant 48 : index
        %get3A_1230 = tpu.vector_load %arg7[%get3A_1228, %get3A_1229] {strides = array<i32>} : memref<400x64xf32, #tpu.memory_space<vmem>>, vector<1x16xf32>,
        %get3A_1231 = vector.shape_cast %get3A_1230 : vector<1x16xf32> to vector<16xf32>
        %add3A_1232 = arith.addf %add3A_1204, %get3A_1231 : vector<16xf32>
        %add3A_1233 = arith.constant 2 : i32
        %add3A_1234 = arith.addi %add3A_1176, %add3A_1233 : i32
        %get3A_1235 = arith.index_cast %add3A_1234 : i32 to index
        %get3A_1236 = arith.constant 0 : index
        %get3A_1237 = tpu.vector_load %arg7[%get3A_1235, %get3A_1236] {strides = array<i32>} : memref<400x64xf32, #tpu.memory_space<vmem>>, vector<1x16xf32>,
        %get3A_1238 = vector.shape_cast %get3A_1237 : vector<1x16xf32> to vector<16xf32>
        %add3A_1239 = arith.addf %add3A_1211, %get3A_1238 : vector<16xf32>
        %add3A_1240 = arith.constant 2 : i32
        %add3A_1241 = arith.addi %add3A_1176, %add3A_1240 : i32
        %get3A_1242 = arith.index_cast %add3A_1241 : i32 to index
        %get3A_1243 = arith.constant 16 : index
        %get3A_1244 = tpu.vector_load %arg7[%get3A_1242, %get3A_1243] {strides = array<i32>} : memref<400x64xf32, #tpu.memory_space<vmem>>, vector<1x16xf32>,
        %get3A_1245 = vector.shape_cast %get3A_1244 : vector<1x16xf32> to vector<16xf32>
        %add3A_1246 = arith.addf %add3A_1218, %get3A_1245 : vector<16xf32>
        %add3A_1247 = arith.constant 2 : i32
        %add3A_1248 = arith.addi %add3A_1176, %add3A_1247 : i32
        %get3A_1249 = arith.index_cast %add3A_1248 : i32 to index
        %get3A_1250 = arith.constant 32 : index
        %get3A_1251 = tpu.vector_load %arg7[%get3A_1249, %get3A_1250] {strides = array<i32>} : memref<400x64xf32, #tpu.memory_space<vmem>>, vector<1x16xf32>,
        %get3A_1252 = vector.shape_cast %get3A_1251 : vector<1x16xf32> to vector<16xf32>
        %add3A_1253 = arith.addf %add3A_1225, %get3A_1252 : vector<16xf32>
        %add3A_1254 = arith.constant 2 : i32
        %add3A_1255 = arith.addi %add3A_1176, %add3A_1254 : i32
        %get3A_1256 = arith.index_cast %add3A_1255 : i32 to index
        %get3A_1257 = arith.constant 48 : index
        %get3A_1258 = tpu.vector_load %arg7[%get3A_1256, %get3A_1257] {strides = array<i32>} : memref<400x64xf32, #tpu.memory_space<vmem>>, vector<1x16xf32>,
        %get3A_1259 = vector.shape_cast %get3A_1258 : vector<1x16xf32> to vector<16xf32>
        %add3A_1260 = arith.addf %add3A_1232, %get3A_1259 : vector<16xf32>
        %add3A_1261 = arith.constant 3 : i32
        %add3A_1262 = arith.addi %add3A_1176, %add3A_1261 : i32
        %get3A_1263 = arith.index_cast %add3A_1262 : i32 to index
        %get3A_1264 = arith.constant 0 : index
        %get3A_1265 = tpu.vector_load %arg7[%get3A_1263, %get3A_1264] {strides = array<i32>} : memref<400x64xf32, #tpu.memory_space<vmem>>, vector<1x16xf32>,
        %get3A_1266 = vector.shape_cast %get3A_1265 : vector<1x16xf32> to vector<16xf32>
        %add3A_1267 = arith.addf %add3A_1239, %get3A_1266 : vector<16xf32>
        %add3A_1268 = arith.constant 3 : i32
        %add3A_1269 = arith.addi %add3A_1176, %add3A_1268 : i32
        %get3A_1270 = arith.index_cast %add3A_1269 : i32 to index
        %get3A_1271 = arith.constant 16 : index
        %get3A_1272 = tpu.vector_load %arg7[%get3A_1270, %get3A_1271] {strides = array<i32>} : memref<400x64xf32, #tpu.memory_space<vmem>>, vector<1x16xf32>,
        %get3A_1273 = vector.shape_cast %get3A_1272 : vector<1x16xf32> to vector<16xf32>
        %add3A_1274 = arith.addf %add3A_1246, %get3A_1273 : vector<16xf32>
        %add3A_1275 = arith.constant 3 : i32
        %add3A_1276 = arith.addi %add3A_1176, %add3A_1275 : i32
        %get3A_1277 = arith.index_cast %add3A_1276 : i32 to index
        %get3A_1278 = arith.constant 32 : index
        %get3A_1279 = tpu.vector_load %arg7[%get3A_1277, %get3A_1278] {strides = array<i32>} : memref<400x64xf32, #tpu.memory_space<vmem>>, vector<1x16xf32>,
        %get3A_1280 = vector.shape_cast %get3A_1279 : vector<1x16xf32> to vector<16xf32>
        %add3A_1281 = arith.addf %add3A_1253, %get3A_1280 : vector<16xf32>
        %add3A_1282 = arith.constant 3 : i32
        %add3A_1283 = arith.addi %add3A_1176, %add3A_1282 : i32
        %get3A_1284 = arith.index_cast %add3A_1283 : i32 to index
        %get3A_1285 = arith.constant 48 : index
        %get3A_1286 = tpu.vector_load %arg7[%get3A_1284, %get3A_1285] {strides = array<i32>} : memref<400x64xf32, #tpu.memory_space<vmem>>, vector<1x16xf32>,
        %get3A_1287 = vector.shape_cast %get3A_1286 : vector<1x16xf32> to vector<16xf32>
        %add3A_1288 = arith.addf %add3A_1260, %get3A_1287 : vector<16xf32>
        %add3A_1289 = arith.constant 4 : i32
        %add3A_1290 = arith.addi %add3A_1176, %add3A_1289 : i32
        %get3A_1291 = arith.index_cast %add3A_1290 : i32 to index
        %get3A_1292 = arith.constant 0 : index
        %get3A_1293 = tpu.vector_load %arg7[%get3A_1291, %get3A_1292] {strides = array<i32>} : memref<400x64xf32, #tpu.memory_space<vmem>>, vector<1x16xf32>,
        %get3A_1294 = vector.shape_cast %get3A_1293 : vector<1x16xf32> to vector<16xf32>
        %add3A_1295 = arith.addf %add3A_1267, %get3A_1294 : vector<16xf32>
        %add3A_1296 = arith.constant 4 : i32
        %add3A_1297 = arith.addi %add3A_1176, %add3A_1296 : i32
        %get3A_1298 = arith.index_cast %add3A_1297 : i32 to index
        %get3A_1299 = arith.constant 16 : index
        %get3A_1300 = tpu.vector_load %arg7[%get3A_1298, %get3A_1299] {strides = array<i32>} : memref<400x64xf32, #tpu.memory_space<vmem>>, vector<1x16xf32>,
        %get3A_1301 = vector.shape_cast %get3A_1300 : vector<1x16xf32> to vector<16xf32>
        %add3A_1302 = arith.addf %add3A_1274, %get3A_1301 : vector<16xf32>
        %add3A_1303 = arith.constant 4 : i32
        %add3A_1304 = arith.addi %add3A_1176, %add3A_1303 : i32
        %get3A_1305 = arith.index_cast %add3A_1304 : i32 to index
        %get3A_1306 = arith.constant 32 : index
        %get3A_1307 = tpu.vector_load %arg7[%get3A_1305, %get3A_1306] {strides = array<i32>} : memref<400x64xf32, #tpu.memory_space<vmem>>, vector<1x16xf32>,
        %get3A_1308 = vector.shape_cast %get3A_1307 : vector<1x16xf32> to vector<16xf32>
        %add3A_1309 = arith.addf %add3A_1281, %get3A_1308 : vector<16xf32>
        %add3A_1310 = arith.constant 4 : i32
        %add3A_1311 = arith.addi %add3A_1176, %add3A_1310 : i32
        %get3A_1312 = arith.index_cast %add3A_1311 : i32 to index
        %get3A_1313 = arith.constant 48 : index
        %get3A_1314 = tpu.vector_load %arg7[%get3A_1312, %get3A_1313] {strides = array<i32>} : memref<400x64xf32, #tpu.memory_space<vmem>>, vector<1x16xf32>,
        %get3A_1315 = vector.shape_cast %get3A_1314 : vector<1x16xf32> to vector<16xf32>
        %add3A_1316 = arith.addf %add3A_1288, %get3A_1315 : vector<16xf32>
        %add3A_1317 = arith.constant 5 : i32
        %add3A_1318 = arith.addi %add3A_1176, %add3A_1317 : i32
        %get3A_1319 = arith.index_cast %add3A_1318 : i32 to index
        %get3A_1320 = arith.constant 0 : index
        %get3A_1321 = tpu.vector_load %arg7[%get3A_1319, %get3A_1320] {strides = array<i32>} : memref<400x64xf32, #tpu.memory_space<vmem>>, vector<1x16xf32>,
        %get3A_1322 = vector.shape_cast %get3A_1321 : vector<1x16xf32> to vector<16xf32>
        %add3A_1323 = arith.addf %add3A_1295, %get3A_1322 : vector<16xf32>
        %add3A_1324 = arith.constant 5 : i32
        %add3A_1325 = arith.addi %add3A_1176, %add3A_1324 : i32
        %get3A_1326 = arith.index_cast %add3A_1325 : i32 to index
        %get3A_1327 = arith.constant 16 : index
        %get3A_1328 = tpu.vector_load %arg7[%get3A_1326, %get3A_1327] {strides = array<i32>} : memref<400x64xf32, #tpu.memory_space<vmem>>, vector<1x16xf32>,
        %get3A_1329 = vector.shape_cast %get3A_1328 : vector<1x16xf32> to vector<16xf32>
        %add3A_1330 = arith.addf %add3A_1302, %get3A_1329 : vector<16xf32>
        %add3A_1331 = arith.constant 5 : i32
        %add3A_1332 = arith.addi %add3A_1176, %add3A_1331 : i32
        %get3A_1333 = arith.index_cast %add3A_1332 : i32 to index
        %get3A_1334 = arith.constant 32 : index
        %get3A_1335 = tpu.vector_load %arg7[%get3A_1333, %get3A_1334] {strides = array<i32>} : memref<400x64xf32, #tpu.memory_space<vmem>>, vector<1x16xf32>,
        %get3A_1336 = vector.shape_cast %get3A_1335 : vector<1x16xf32> to vector<16xf32>
        %add3A_1337 = arith.addf %add3A_1309, %get3A_1336 : vector<16xf32>
        %add3A_1338 = arith.constant 5 : i32
        %add3A_1339 = arith.addi %add3A_1176, %add3A_1338 : i32
        %get3A_1340 = arith.index_cast %add3A_1339 : i32 to index
        %get3A_1341 = arith.constant 48 : index
        %get3A_1342 = tpu.vector_load %arg7[%get3A_1340, %get3A_1341] {strides = array<i32>} : memref<400x64xf32, #tpu.memory_space<vmem>>, vector<1x16xf32>,
        %get3A_1343 = vector.shape_cast %get3A_1342 : vector<1x16xf32> to vector<16xf32>
        %add3A_1344 = arith.addf %add3A_1316, %get3A_1343 : vector<16xf32>
        %add3A_1345 = arith.constant 6 : i32
        %add3A_1346 = arith.addi %add3A_1176, %add3A_1345 : i32
        %get3A_1347 = arith.index_cast %add3A_1346 : i32 to index
        %get3A_1348 = arith.constant 0 : index
        %get3A_1349 = tpu.vector_load %arg7[%get3A_1347, %get3A_1348] {strides = array<i32>} : memref<400x64xf32, #tpu.memory_space<vmem>>, vector<1x16xf32>,
        %get3A_1350 = vector.shape_cast %get3A_1349 : vector<1x16xf32> to vector<16xf32>
        %add3A_1351 = arith.addf %add3A_1323, %get3A_1350 : vector<16xf32>
        %add3A_1352 = arith.constant 6 : i32
        %add3A_1353 = arith.addi %add3A_1176, %add3A_1352 : i32
        %get3A_1354 = arith.index_cast %add3A_1353 : i32 to index
        %get3A_1355 = arith.constant 16 : index
        %get3A_1356 = tpu.vector_load %arg7[%get3A_1354, %get3A_1355] {strides = array<i32>} : memref<400x64xf32, #tpu.memory_space<vmem>>, vector<1x16xf32>,
        %get3A_1357 = vector.shape_cast %get3A_1356 : vector<1x16xf32> to vector<16xf32>
        %add3A_1358 = arith.addf %add3A_1330, %get3A_1357 : vector<16xf32>
        %add3A_1359 = arith.constant 6 : i32
        %add3A_1360 = arith.addi %add3A_1176, %add3A_1359 : i32
        %get3A_1361 = arith.index_cast %add3A_1360 : i32 to index
        %get3A_1362 = arith.constant 32 : index
        %get3A_1363 = tpu.vector_load %arg7[%get3A_1361, %get3A_1362] {strides = array<i32>} : memref<400x64xf32, #tpu.memory_space<vmem>>, vector<1x16xf32>,
        %get3A_1364 = vector.shape_cast %get3A_1363 : vector<1x16xf32> to vector<16xf32>
        %add3A_1365 = arith.addf %add3A_1337, %get3A_1364 : vector<16xf32>
        %add3A_1366 = arith.constant 6 : i32
        %add3A_1367 = arith.addi %add3A_1176, %add3A_1366 : i32
        %get3A_1368 = arith.index_cast %add3A_1367 : i32 to index
        %get3A_1369 = arith.constant 48 : index
        %get3A_1370 = tpu.vector_load %arg7[%get3A_1368, %get3A_1369] {strides = array<i32>} : memref<400x64xf32, #tpu.memory_space<vmem>>, vector<1x16xf32>,
        %get3A_1371 = vector.shape_cast %get3A_1370 : vector<1x16xf32> to vector<16xf32>
        %add3A_1372 = arith.addf %add3A_1344, %get3A_1371 : vector<16xf32>
        scf.yield %add3A_1351, %add3A_1358, %add3A_1365, %add3A_1372 : vector<16xf32>, vector<16xf32>, vector<16xf32>, vector<16xf32>
      }
      %scan3A_1030 = arith.constant 7 : i32
      %swap3A_1031 = arith.constant 5 : i32
      %swap3A_1032 = arith.index_cast %swap3A_1031 : i32 to index
      %swap3A_1033 = arith.constant 0 : index
      %swap3A_1034 = tpu.vector_load %arg9[%swap3A_1032, %swap3A_1033] {strides = array<i32>} : memref<8x128xf32, #tpu.memory_space<vmem>>, vector<1x16xf32>,
      %swap3A_1035 = vector.shape_cast %swap3A_1034 : vector<1x16xf32> to vector<16xf32>
      %swap3A_1036 = vector.shape_cast %scan3A_1029#0 : vector<16xf32> to vector<1x16xf32>
      tpu.vector_store %arg9[%swap3A_1032, %swap3A_1033], %swap3A_1036 {strides = array<i32>} : memref<8x128xf32, #tpu.memory_space<vmem>>, vector<1x16xf32>,
      %swap3A_1037 = arith.constant 5 : i32
      %swap3A_1038 = arith.index_cast %swap3A_1037 : i32 to index
      %swap3A_1039 = arith.constant 16 : index
      %swap3A_1040 = tpu.vector_load %arg9[%swap3A_1038, %swap3A_1039] {strides = array<i32>} : memref<8x128xf32, #tpu.memory_space<vmem>>, vector<1x16xf32>,
      %swap3A_1041 = vector.shape_cast %swap3A_1040 : vector<1x16xf32> to vector<16xf32>
      %swap3A_1042 = vector.shape_cast %scan3A_1029#1 : vector<16xf32> to vector<1x16xf32>
      tpu.vector_store %arg9[%swap3A_1038, %swap3A_1039], %swap3A_1042 {strides = array<i32>} : memref<8x128xf32, #tpu.memory_space<vmem>>, vector<1x16xf32>,
      %swap3A_1043 = arith.constant 5 : i32
      %swap3A_1044 = arith.index_cast %swap3A_1043 : i32 to index
      %swap3A_1045 = arith.constant 32 : index
      %swap3A_1046 = tpu.vector_load %arg9[%swap3A_1044, %swap3A_1045] {strides = array<i32>} : memref<8x128xf32, #tpu.memory_space<vmem>>, vector<1x16xf32>,
      %swap3A_1047 = vector.shape_cast %swap3A_1046 : vector<1x16xf32> to vector<16xf32>
      %swap3A_1048 = vector.shape_cast %scan3A_1029#2 : vector<16xf32> to vector<1x16xf32>
      tpu.vector_store %arg9[%swap3A_1044, %swap3A_1045], %swap3A_1048 {strides = array<i32>} : memref<8x128xf32, #tpu.memory_space<vmem>>, vector<1x16xf32>,
      %swap3A_1049 = arith.constant 5 : i32
      %swap3A_1050 = arith.index_cast %swap3A_1049 : i32 to index
      %swap3A_1051 = arith.constant 48 : index
      %swap3A_1052 = tpu.vector_load %arg9[%swap3A_1050, %swap3A_1051] {strides = array<i32>} : memref<8x128xf32, #tpu.memory_space<vmem>>, vector<1x16xf32>,
      %swap3A_1053 = vector.shape_cast %swap3A_1052 : vector<1x16xf32> to vector<16xf32>
      %swap3A_1054 = vector.shape_cast %scan3A_1029#3 : vector<16xf32> to vector<1x16xf32>
      tpu.vector_store %arg9[%swap3A_1050, %swap3A_1051], %swap3A_1054 {strides = array<i32>} : memref<8x128xf32, #tpu.memory_space<vmem>>, vector<1x16xf32>,
      %get3A_1055 = arith.constant 300 : i32
      %get3A_1056 = arith.index_cast %get3A_1055 : i32 to index
      %get3A_1057 = arith.constant 0 : index
      %get3A_1058 = tpu.vector_load %arg7[%get3A_1056, %get3A_1057] {strides = array<i32>} : memref<400x64xf32, #tpu.memory_space<vmem>>, vector<1x16xf32>,
      %get3A_1059 = vector.shape_cast %get3A_1058 : vector<1x16xf32> to vector<16xf32>
      %get3A_1060 = arith.constant 300 : i32
      %get3A_1061 = arith.index_cast %get3A_1060 : i32 to index
      %get3A_1062 = arith.constant 16 : index
      %get3A_1063 = tpu.vector_load %arg7[%get3A_1061, %get3A_1062] {strides = array<i32>} : memref<400x64xf32, #tpu.memory_space<vmem>>, vector<1x16xf32>,
      %get3A_1064 = vector.shape_cast %get3A_1063 : vector<1x16xf32> to vector<16xf32>
      %get3A_1065 = arith.constant 300 : i32
      %get3A_1066 = arith.index_cast %get3A_1065 : i32 to index
      %get3A_1067 = arith.constant 32 : index
      %get3A_1068 = tpu.vector_load %arg7[%get3A_1066, %get3A_1067] {strides = array<i32>} : memref<400x64xf32, #tpu.memory_space<vmem>>, vector<1x16xf32>,
      %get3A_1069 = vector.shape_cast %get3A_1068 : vector<1x16xf32> to vector<16xf32>
      %get3A_1070 = arith.constant 300 : i32
      %get3A_1071 = arith.index_cast %get3A_1070 : i32 to index
      %get3A_1072 = arith.constant 48 : index
      %get3A_1073 = tpu.vector_load %arg7[%get3A_1071, %get3A_1072] {strides = array<i32>} : memref<400x64xf32, #tpu.memory_space<vmem>>, vector<1x16xf32>,
      %get3A_1074 = vector.shape_cast %get3A_1073 : vector<1x16xf32> to vector<16xf32>
      %scan3A_1075 = arith.constant 0 : i32
      %scan3A_1076 = arith.constant 7 : i32
      %scan3A_1077 = arith.addi %scan3A_1075, %scan3A_1076 : i32
      %scan3A_1078 = arith.constant 1 : i32
      %scan3A_1079:4 = scf.for %scan3A_1168 = %scan3A_1075 to %scan3A_1077 step %scan3A_1078 iter_args(%scan3A_1169 = %get3A_1059, %scan3A_1170 = %get3A_1064, %scan3A_1171 = %get3A_1069, %scan3A_1172 = %get3A_1074) -> (vector<16xf32>, vector<16xf32>, vector<16xf32>, vector<16xf32>)  : i32 {
        %mul3A_1173 = arith.constant 7 : i32
        %mul3A_1174 = arith.muli %scan3A_1168, %mul3A_1173 : i32
        %add3A_1175 = arith.constant 301 : i32
        %add3A_1176 = arith.addi %add3A_1175, %mul3A_1174 : i32
        %add3A_1177 = arith.constant 0 : i32
        %add3A_1178 = arith.addi %add3A_1176, %add3A_1177 : i32
        %get3A_1179 = arith.index_cast %add3A_1178 : i32 to index
        %get3A_1180 = arith.constant 0 : index
        %get3A_1181 = tpu.vector_load %arg7[%get3A_1179, %get3A_1180] {strides = array<i32>} : memref<400x64xf32, #tpu.memory_space<vmem>>, vector<1x16xf32>,
        %get3A_1182 = vector.shape_cast %get3A_1181 : vector<1x16xf32> to vector<16xf32>
        %add3A_1183 = arith.addf %scan3A_1169, %get3A_1182 : vector<16xf32>
        %add3A_1184 = arith.constant 0 : i32
        %add3A_1185 = arith.addi %add3A_1176, %add3A_1184 : i32
        %get3A_1186 = arith.index_cast %add3A_1185 : i32 to index
        %get3A_1187 = arith.constant 16 : index
        %get3A_1188 = tpu.vector_load %arg7[%get3A_1186, %get3A_1187] {strides = array<i32>} : memref<400x64xf32, #tpu.memory_space<vmem>>, vector<1x16xf32>,
        %get3A_1189 = vector.shape_cast %get3A_1188 : vector<1x16xf32> to vector<16xf32>
        %add3A_1190 = arith.addf %scan3A_1170, %get3A_1189 : vector<16xf32>
        %add3A_1191 = arith.constant 0 : i32
        %add3A_1192 = arith.addi %add3A_1176, %add3A_1191 : i32
        %get3A_1193 = arith.index_cast %add3A_1192 : i32 to index
        %get3A_1194 = arith.constant 32 : index
        %get3A_1195 = tpu.vector_load %arg7[%get3A_1193, %get3A_1194] {strides = array<i32>} : memref<400x64xf32, #tpu.memory_space<vmem>>, vector<1x16xf32>,
        %get3A_1196 = vector.shape_cast %get3A_1195 : vector<1x16xf32> to vector<16xf32>
        %add3A_1197 = arith.addf %scan3A_1171, %get3A_1196 : vector<16xf32>
        %add3A_1198 = arith.constant 0 : i32
        %add3A_1199 = arith.addi %add3A_1176, %add3A_1198 : i32
        %get3A_1200 = arith.index_cast %add3A_1199 : i32 to index
        %get3A_1201 = arith.constant 48 : index
        %get3A_1202 = tpu.vector_load %arg7[%get3A_1200, %get3A_1201] {strides = array<i32>} : memref<400x64xf32, #tpu.memory_space<vmem>>, vector<1x16xf32>,
        %get3A_1203 = vector.shape_cast %get3A_1202 : vector<1x16xf32> to vector<16xf32>
        %add3A_1204 = arith.addf %scan3A_1172, %get3A_1203 : vector<16xf32>
        %add3A_1205 = arith.constant 1 : i32
        %add3A_1206 = arith.addi %add3A_1176, %add3A_1205 : i32
        %get3A_1207 = arith.index_cast %add3A_1206 : i32 to index
        %get3A_1208 = arith.constant 0 : index
        %get3A_1209 = tpu.vector_load %arg7[%get3A_1207, %get3A_1208] {strides = array<i32>} : memref<400x64xf32, #tpu.memory_space<vmem>>, vector<1x16xf32>,
        %get3A_1210 = vector.shape_cast %get3A_1209 : vector<1x16xf32> to vector<16xf32>
        %add3A_1211 = arith.addf %add3A_1183, %get3A_1210 : vector<16xf32>
        %add3A_1212 = arith.constant 1 : i32
        %add3A_1213 = arith.addi %add3A_1176, %add3A_1212 : i32
        %get3A_1214 = arith.index_cast %add3A_1213 : i32 to index
        %get3A_1215 = arith.constant 16 : index
        %get3A_1216 = tpu.vector_load %arg7[%get3A_1214, %get3A_1215] {strides = array<i32>} : memref<400x64xf32, #tpu.memory_space<vmem>>, vector<1x16xf32>,
        %get3A_1217 = vector.shape_cast %get3A_1216 : vector<1x16xf32> to vector<16xf32>
        %add3A_1218 = arith.addf %add3A_1190, %get3A_1217 : vector<16xf32>
        %add3A_1219 = arith.constant 1 : i32
        %add3A_1220 = arith.addi %add3A_1176, %add3A_1219 : i32
        %get3A_1221 = arith.index_cast %add3A_1220 : i32 to index
        %get3A_1222 = arith.constant 32 : index
        %get3A_1223 = tpu.vector_load %arg7[%get3A_1221, %get3A_1222] {strides = array<i32>} : memref<400x64xf32, #tpu.memory_space<vmem>>, vector<1x16xf32>,
        %get3A_1224 = vector.shape_cast %get3A_1223 : vector<1x16xf32> to vector<16xf32>
        %add3A_1225 = arith.addf %add3A_1197, %get3A_1224 : vector<16xf32>
        %add3A_1226 = arith.constant 1 : i32
        %add3A_1227 = arith.addi %add3A_1176, %add3A_1226 : i32
        %get3A_1228 = arith.index_cast %add3A_1227 : i32 to index
        %get3A_1229 = arith.constant 48 : index
        %get3A_1230 = tpu.vector_load %arg7[%get3A_1228, %get3A_1229] {strides = array<i32>} : memref<400x64xf32, #tpu.memory_space<vmem>>, vector<1x16xf32>,
        %get3A_1231 = vector.shape_cast %get3A_1230 : vector<1x16xf32> to vector<16xf32>
        %add3A_1232 = arith.addf %add3A_1204, %get3A_1231 : vector<16xf32>
        %add3A_1233 = arith.constant 2 : i32
        %add3A_1234 = arith.addi %add3A_1176, %add3A_1233 : i32
        %get3A_1235 = arith.index_cast %add3A_1234 : i32 to index
        %get3A_1236 = arith.constant 0 : index
        %get3A_1237 = tpu.vector_load %arg7[%get3A_1235, %get3A_1236] {strides = array<i32>} : memref<400x64xf32, #tpu.memory_space<vmem>>, vector<1x16xf32>,
        %get3A_1238 = vector.shape_cast %get3A_1237 : vector<1x16xf32> to vector<16xf32>
        %add3A_1239 = arith.addf %add3A_1211, %get3A_1238 : vector<16xf32>
        %add3A_1240 = arith.constant 2 : i32
        %add3A_1241 = arith.addi %add3A_1176, %add3A_1240 : i32
        %get3A_1242 = arith.index_cast %add3A_1241 : i32 to index
        %get3A_1243 = arith.constant 16 : index
        %get3A_1244 = tpu.vector_load %arg7[%get3A_1242, %get3A_1243] {strides = array<i32>} : memref<400x64xf32, #tpu.memory_space<vmem>>, vector<1x16xf32>,
        %get3A_1245 = vector.shape_cast %get3A_1244 : vector<1x16xf32> to vector<16xf32>
        %add3A_1246 = arith.addf %add3A_1218, %get3A_1245 : vector<16xf32>
        %add3A_1247 = arith.constant 2 : i32
        %add3A_1248 = arith.addi %add3A_1176, %add3A_1247 : i32
        %get3A_1249 = arith.index_cast %add3A_1248 : i32 to index
        %get3A_1250 = arith.constant 32 : index
        %get3A_1251 = tpu.vector_load %arg7[%get3A_1249, %get3A_1250] {strides = array<i32>} : memref<400x64xf32, #tpu.memory_space<vmem>>, vector<1x16xf32>,
        %get3A_1252 = vector.shape_cast %get3A_1251 : vector<1x16xf32> to vector<16xf32>
        %add3A_1253 = arith.addf %add3A_1225, %get3A_1252 : vector<16xf32>
        %add3A_1254 = arith.constant 2 : i32
        %add3A_1255 = arith.addi %add3A_1176, %add3A_1254 : i32
        %get3A_1256 = arith.index_cast %add3A_1255 : i32 to index
        %get3A_1257 = arith.constant 48 : index
        %get3A_1258 = tpu.vector_load %arg7[%get3A_1256, %get3A_1257] {strides = array<i32>} : memref<400x64xf32, #tpu.memory_space<vmem>>, vector<1x16xf32>,
        %get3A_1259 = vector.shape_cast %get3A_1258 : vector<1x16xf32> to vector<16xf32>
        %add3A_1260 = arith.addf %add3A_1232, %get3A_1259 : vector<16xf32>
        %add3A_1261 = arith.constant 3 : i32
        %add3A_1262 = arith.addi %add3A_1176, %add3A_1261 : i32
        %get3A_1263 = arith.index_cast %add3A_1262 : i32 to index
        %get3A_1264 = arith.constant 0 : index
        %get3A_1265 = tpu.vector_load %arg7[%get3A_1263, %get3A_1264] {strides = array<i32>} : memref<400x64xf32, #tpu.memory_space<vmem>>, vector<1x16xf32>,
        %get3A_1266 = vector.shape_cast %get3A_1265 : vector<1x16xf32> to vector<16xf32>
        %add3A_1267 = arith.addf %add3A_1239, %get3A_1266 : vector<16xf32>
        %add3A_1268 = arith.constant 3 : i32
        %add3A_1269 = arith.addi %add3A_1176, %add3A_1268 : i32
        %get3A_1270 = arith.index_cast %add3A_1269 : i32 to index
        %get3A_1271 = arith.constant 16 : index
        %get3A_1272 = tpu.vector_load %arg7[%get3A_1270, %get3A_1271] {strides = array<i32>} : memref<400x64xf32, #tpu.memory_space<vmem>>, vector<1x16xf32>,
        %get3A_1273 = vector.shape_cast %get3A_1272 : vector<1x16xf32> to vector<16xf32>
        %add3A_1274 = arith.addf %add3A_1246, %get3A_1273 : vector<16xf32>
        %add3A_1275 = arith.constant 3 : i32
        %add3A_1276 = arith.addi %add3A_1176, %add3A_1275 : i32
        %get3A_1277 = arith.index_cast %add3A_1276 : i32 to index
        %get3A_1278 = arith.constant 32 : index
        %get3A_1279 = tpu.vector_load %arg7[%get3A_1277, %get3A_1278] {strides = array<i32>} : memref<400x64xf32, #tpu.memory_space<vmem>>, vector<1x16xf32>,
        %get3A_1280 = vector.shape_cast %get3A_1279 : vector<1x16xf32> to vector<16xf32>
        %add3A_1281 = arith.addf %add3A_1253, %get3A_1280 : vector<16xf32>
        %add3A_1282 = arith.constant 3 : i32
        %add3A_1283 = arith.addi %add3A_1176, %add3A_1282 : i32
        %get3A_1284 = arith.index_cast %add3A_1283 : i32 to index
        %get3A_1285 = arith.constant 48 : index
        %get3A_1286 = tpu.vector_load %arg7[%get3A_1284, %get3A_1285] {strides = array<i32>} : memref<400x64xf32, #tpu.memory_space<vmem>>, vector<1x16xf32>,
        %get3A_1287 = vector.shape_cast %get3A_1286 : vector<1x16xf32> to vector<16xf32>
        %add3A_1288 = arith.addf %add3A_1260, %get3A_1287 : vector<16xf32>
        %add3A_1289 = arith.constant 4 : i32
        %add3A_1290 = arith.addi %add3A_1176, %add3A_1289 : i32
        %get3A_1291 = arith.index_cast %add3A_1290 : i32 to index
        %get3A_1292 = arith.constant 0 : index
        %get3A_1293 = tpu.vector_load %arg7[%get3A_1291, %get3A_1292] {strides = array<i32>} : memref<400x64xf32, #tpu.memory_space<vmem>>, vector<1x16xf32>,
        %get3A_1294 = vector.shape_cast %get3A_1293 : vector<1x16xf32> to vector<16xf32>
        %add3A_1295 = arith.addf %add3A_1267, %get3A_1294 : vector<16xf32>
        %add3A_1296 = arith.constant 4 : i32
        %add3A_1297 = arith.addi %add3A_1176, %add3A_1296 : i32
        %get3A_1298 = arith.index_cast %add3A_1297 : i32 to index
        %get3A_1299 = arith.constant 16 : index
        %get3A_1300 = tpu.vector_load %arg7[%get3A_1298, %get3A_1299] {strides = array<i32>} : memref<400x64xf32, #tpu.memory_space<vmem>>, vector<1x16xf32>,
        %get3A_1301 = vector.shape_cast %get3A_1300 : vector<1x16xf32> to vector<16xf32>
        %add3A_1302 = arith.addf %add3A_1274, %get3A_1301 : vector<16xf32>
        %add3A_1303 = arith.constant 4 : i32
        %add3A_1304 = arith.addi %add3A_1176, %add3A_1303 : i32
        %get3A_1305 = arith.index_cast %add3A_1304 : i32 to index
        %get3A_1306 = arith.constant 32 : index
        %get3A_1307 = tpu.vector_load %arg7[%get3A_1305, %get3A_1306] {strides = array<i32>} : memref<400x64xf32, #tpu.memory_space<vmem>>, vector<1x16xf32>,
        %get3A_1308 = vector.shape_cast %get3A_1307 : vector<1x16xf32> to vector<16xf32>
        %add3A_1309 = arith.addf %add3A_1281, %get3A_1308 : vector<16xf32>
        %add3A_1310 = arith.constant 4 : i32
        %add3A_1311 = arith.addi %add3A_1176, %add3A_1310 : i32
        %get3A_1312 = arith.index_cast %add3A_1311 : i32 to index
        %get3A_1313 = arith.constant 48 : index
        %get3A_1314 = tpu.vector_load %arg7[%get3A_1312, %get3A_1313] {strides = array<i32>} : memref<400x64xf32, #tpu.memory_space<vmem>>, vector<1x16xf32>,
        %get3A_1315 = vector.shape_cast %get3A_1314 : vector<1x16xf32> to vector<16xf32>
        %add3A_1316 = arith.addf %add3A_1288, %get3A_1315 : vector<16xf32>
        %add3A_1317 = arith.constant 5 : i32
        %add3A_1318 = arith.addi %add3A_1176, %add3A_1317 : i32
        %get3A_1319 = arith.index_cast %add3A_1318 : i32 to index
        %get3A_1320 = arith.constant 0 : index
        %get3A_1321 = tpu.vector_load %arg7[%get3A_1319, %get3A_1320] {strides = array<i32>} : memref<400x64xf32, #tpu.memory_space<vmem>>, vector<1x16xf32>,
        %get3A_1322 = vector.shape_cast %get3A_1321 : vector<1x16xf32> to vector<16xf32>
        %add3A_1323 = arith.addf %add3A_1295, %get3A_1322 : vector<16xf32>
        %add3A_1324 = arith.constant 5 : i32
        %add3A_1325 = arith.addi %add3A_1176, %add3A_1324 : i32
        %get3A_1326 = arith.index_cast %add3A_1325 : i32 to index
        %get3A_1327 = arith.constant 16 : index
        %get3A_1328 = tpu.vector_load %arg7[%get3A_1326, %get3A_1327] {strides = array<i32>} : memref<400x64xf32, #tpu.memory_space<vmem>>, vector<1x16xf32>,
        %get3A_1329 = vector.shape_cast %get3A_1328 : vector<1x16xf32> to vector<16xf32>
        %add3A_1330 = arith.addf %add3A_1302, %get3A_1329 : vector<16xf32>
        %add3A_1331 = arith.constant 5 : i32
        %add3A_1332 = arith.addi %add3A_1176, %add3A_1331 : i32
        %get3A_1333 = arith.index_cast %add3A_1332 : i32 to index
        %get3A_1334 = arith.constant 32 : index
        %get3A_1335 = tpu.vector_load %arg7[%get3A_1333, %get3A_1334] {strides = array<i32>} : memref<400x64xf32, #tpu.memory_space<vmem>>, vector<1x16xf32>,
        %get3A_1336 = vector.shape_cast %get3A_1335 : vector<1x16xf32> to vector<16xf32>
        %add3A_1337 = arith.addf %add3A_1309, %get3A_1336 : vector<16xf32>
        %add3A_1338 = arith.constant 5 : i32
        %add3A_1339 = arith.addi %add3A_1176, %add3A_1338 : i32
        %get3A_1340 = arith.index_cast %add3A_1339 : i32 to index
        %get3A_1341 = arith.constant 48 : index
        %get3A_1342 = tpu.vector_load %arg7[%get3A_1340, %get3A_1341] {strides = array<i32>} : memref<400x64xf32, #tpu.memory_space<vmem>>, vector<1x16xf32>,
        %get3A_1343 = vector.shape_cast %get3A_1342 : vector<1x16xf32> to vector<16xf32>
        %add3A_1344 = arith.addf %add3A_1316, %get3A_1343 : vector<16xf32>
        %add3A_1345 = arith.constant 6 : i32
        %add3A_1346 = arith.addi %add3A_1176, %add3A_1345 : i32
        %get3A_1347 = arith.index_cast %add3A_1346 : i32 to index
        %get3A_1348 = arith.constant 0 : index
        %get3A_1349 = tpu.vector_load %arg7[%get3A_1347, %get3A_1348] {strides = array<i32>} : memref<400x64xf32, #tpu.memory_space<vmem>>, vector<1x16xf32>,
        %get3A_1350 = vector.shape_cast %get3A_1349 : vector<1x16xf32> to vector<16xf32>
        %add3A_1351 = arith.addf %add3A_1323, %get3A_1350 : vector<16xf32>
        %add3A_1352 = arith.constant 6 : i32
        %add3A_1353 = arith.addi %add3A_1176, %add3A_1352 : i32
        %get3A_1354 = arith.index_cast %add3A_1353 : i32 to index
        %get3A_1355 = arith.constant 16 : index
        %get3A_1356 = tpu.vector_load %arg7[%get3A_1354, %get3A_1355] {strides = array<i32>} : memref<400x64xf32, #tpu.memory_space<vmem>>, vector<1x16xf32>,
        %get3A_1357 = vector.shape_cast %get3A_1356 : vector<1x16xf32> to vector<16xf32>
        %add3A_1358 = arith.addf %add3A_1330, %get3A_1357 : vector<16xf32>
        %add3A_1359 = arith.constant 6 : i32
        %add3A_1360 = arith.addi %add3A_1176, %add3A_1359 : i32
        %get3A_1361 = arith.index_cast %add3A_1360 : i32 to index
        %get3A_1362 = arith.constant 32 : index
        %get3A_1363 = tpu.vector_load %arg7[%get3A_1361, %get3A_1362] {strides = array<i32>} : memref<400x64xf32, #tpu.memory_space<vmem>>, vector<1x16xf32>,
        %get3A_1364 = vector.shape_cast %get3A_1363 : vector<1x16xf32> to vector<16xf32>
        %add3A_1365 = arith.addf %add3A_1337, %get3A_1364 : vector<16xf32>
        %add3A_1366 = arith.constant 6 : i32
        %add3A_1367 = arith.addi %add3A_1176, %add3A_1366 : i32
        %get3A_1368 = arith.index_cast %add3A_1367 : i32 to index
        %get3A_1369 = arith.constant 48 : index
        %get3A_1370 = tpu.vector_load %arg7[%get3A_1368, %get3A_1369] {strides = array<i32>} : memref<400x64xf32, #tpu.memory_space<vmem>>, vector<1x16xf32>,
        %get3A_1371 = vector.shape_cast %get3A_1370 : vector<1x16xf32> to vector<16xf32>
        %add3A_1372 = arith.addf %add3A_1344, %get3A_1371 : vector<16xf32>
        scf.yield %add3A_1351, %add3A_1358, %add3A_1365, %add3A_1372 : vector<16xf32>, vector<16xf32>, vector<16xf32>, vector<16xf32>
      }
      %scan3A_1080 = arith.constant 7 : i32
      %swap3A_1081 = arith.constant 6 : i32
      %swap3A_1082 = arith.index_cast %swap3A_1081 : i32 to index
      %swap3A_1083 = arith.constant 0 : index
      %swap3A_1084 = tpu.vector_load %arg9[%swap3A_1082, %swap3A_1083] {strides = array<i32>} : memref<8x128xf32, #tpu.memory_space<vmem>>, vector<1x16xf32>,
      %swap3A_1085 = vector.shape_cast %swap3A_1084 : vector<1x16xf32> to vector<16xf32>
      %swap3A_1086 = vector.shape_cast %scan3A_1079#0 : vector<16xf32> to vector<1x16xf32>
      tpu.vector_store %arg9[%swap3A_1082, %swap3A_1083], %swap3A_1086 {strides = array<i32>} : memref<8x128xf32, #tpu.memory_space<vmem>>, vector<1x16xf32>,
      %swap3A_1087 = arith.constant 6 : i32
      %swap3A_1088 = arith.index_cast %swap3A_1087 : i32 to index
      %swap3A_1089 = arith.constant 16 : index
      %swap3A_1090 = tpu.vector_load %arg9[%swap3A_1088, %swap3A_1089] {strides = array<i32>} : memref<8x128xf32, #tpu.memory_space<vmem>>, vector<1x16xf32>,
      %swap3A_1091 = vector.shape_cast %swap3A_1090 : vector<1x16xf32> to vector<16xf32>
      %swap3A_1092 = vector.shape_cast %scan3A_1079#1 : vector<16xf32> to vector<1x16xf32>
      tpu.vector_store %arg9[%swap3A_1088, %swap3A_1089], %swap3A_1092 {strides = array<i32>} : memref<8x128xf32, #tpu.memory_space<vmem>>, vector<1x16xf32>,
      %swap3A_1093 = arith.constant 6 : i32
      %swap3A_1094 = arith.index_cast %swap3A_1093 : i32 to index
      %swap3A_1095 = arith.constant 32 : index
      %swap3A_1096 = tpu.vector_load %arg9[%swap3A_1094, %swap3A_1095] {strides = array<i32>} : memref<8x128xf32, #tpu.memory_space<vmem>>, vector<1x16xf32>,
      %swap3A_1097 = vector.shape_cast %swap3A_1096 : vector<1x16xf32> to vector<16xf32>
      %swap3A_1098 = vector.shape_cast %scan3A_1079#2 : vector<16xf32> to vector<1x16xf32>
      tpu.vector_store %arg9[%swap3A_1094, %swap3A_1095], %swap3A_1098 {strides = array<i32>} : memref<8x128xf32, #tpu.memory_space<vmem>>, vector<1x16xf32>,
      %swap3A_1099 = arith.constant 6 : i32
      %swap3A_1100 = arith.index_cast %swap3A_1099 : i32 to index
      %swap3A_1101 = arith.constant 48 : index
      %swap3A_1102 = tpu.vector_load %arg9[%swap3A_1100, %swap3A_1101] {strides = array<i32>} : memref<8x128xf32, #tpu.memory_space<vmem>>, vector<1x16xf32>,
      %swap3A_1103 = vector.shape_cast %swap3A_1102 : vector<1x16xf32> to vector<16xf32>
      %swap3A_1104 = vector.shape_cast %scan3A_1079#3 : vector<16xf32> to vector<1x16xf32>
      tpu.vector_store %arg9[%swap3A_1100, %swap3A_1101], %swap3A_1104 {strides = array<i32>} : memref<8x128xf32, #tpu.memory_space<vmem>>, vector<1x16xf32>,
      %get3A_1105 = arith.constant 350 : i32
      %get3A_1106 = arith.index_cast %get3A_1105 : i32 to index
      %get3A_1107 = arith.constant 0 : index
      %get3A_1108 = tpu.vector_load %arg7[%get3A_1106, %get3A_1107] {strides = array<i32>} : memref<400x64xf32, #tpu.memory_space<vmem>>, vector<1x16xf32>,
      %get3A_1109 = vector.shape_cast %get3A_1108 : vector<1x16xf32> to vector<16xf32>
      %get3A_1110 = arith.constant 350 : i32
      %get3A_1111 = arith.index_cast %get3A_1110 : i32 to index
      %get3A_1112 = arith.constant 16 : index
      %get3A_1113 = tpu.vector_load %arg7[%get3A_1111, %get3A_1112] {strides = array<i32>} : memref<400x64xf32, #tpu.memory_space<vmem>>, vector<1x16xf32>,
      %get3A_1114 = vector.shape_cast %get3A_1113 : vector<1x16xf32> to vector<16xf32>
      %get3A_1115 = arith.constant 350 : i32
      %get3A_1116 = arith.index_cast %get3A_1115 : i32 to index
      %get3A_1117 = arith.constant 32 : index
      %get3A_1118 = tpu.vector_load %arg7[%get3A_1116, %get3A_1117] {strides = array<i32>} : memref<400x64xf32, #tpu.memory_space<vmem>>, vector<1x16xf32>,
      %get3A_1119 = vector.shape_cast %get3A_1118 : vector<1x16xf32> to vector<16xf32>
      %get3A_1120 = arith.constant 350 : i32
      %get3A_1121 = arith.index_cast %get3A_1120 : i32 to index
      %get3A_1122 = arith.constant 48 : index
      %get3A_1123 = tpu.vector_load %arg7[%get3A_1121, %get3A_1122] {strides = array<i32>} : memref<400x64xf32, #tpu.memory_space<vmem>>, vector<1x16xf32>,
      %get3A_1124 = vector.shape_cast %get3A_1123 : vector<1x16xf32> to vector<16xf32>
      %scan3A_1125 = arith.constant 0 : i32
      %scan3A_1126 = arith.constant 7 : i32
      %scan3A_1127 = arith.addi %scan3A_1125, %scan3A_1126 : i32
      %scan3A_1128 = arith.constant 1 : i32
      %scan3A_1129:4 = scf.for %scan3A_1168 = %scan3A_1125 to %scan3A_1127 step %scan3A_1128 iter_args(%scan3A_1169 = %get3A_1109, %scan3A_1170 = %get3A_1114, %scan3A_1171 = %get3A_1119, %scan3A_1172 = %get3A_1124) -> (vector<16xf32>, vector<16xf32>, vector<16xf32>, vector<16xf32>)  : i32 {
        %mul3A_1173 = arith.constant 7 : i32
        %mul3A_1174 = arith.muli %scan3A_1168, %mul3A_1173 : i32
        %add3A_1175 = arith.constant 351 : i32
        %add3A_1176 = arith.addi %add3A_1175, %mul3A_1174 : i32
        %add3A_1177 = arith.constant 0 : i32
        %add3A_1178 = arith.addi %add3A_1176, %add3A_1177 : i32
        %get3A_1179 = arith.index_cast %add3A_1178 : i32 to index
        %get3A_1180 = arith.constant 0 : index
        %get3A_1181 = tpu.vector_load %arg7[%get3A_1179, %get3A_1180] {strides = array<i32>} : memref<400x64xf32, #tpu.memory_space<vmem>>, vector<1x16xf32>,
        %get3A_1182 = vector.shape_cast %get3A_1181 : vector<1x16xf32> to vector<16xf32>
        %add3A_1183 = arith.addf %scan3A_1169, %get3A_1182 : vector<16xf32>
        %add3A_1184 = arith.constant 0 : i32
        %add3A_1185 = arith.addi %add3A_1176, %add3A_1184 : i32
        %get3A_1186 = arith.index_cast %add3A_1185 : i32 to index
        %get3A_1187 = arith.constant 16 : index
        %get3A_1188 = tpu.vector_load %arg7[%get3A_1186, %get3A_1187] {strides = array<i32>} : memref<400x64xf32, #tpu.memory_space<vmem>>, vector<1x16xf32>,
        %get3A_1189 = vector.shape_cast %get3A_1188 : vector<1x16xf32> to vector<16xf32>
        %add3A_1190 = arith.addf %scan3A_1170, %get3A_1189 : vector<16xf32>
        %add3A_1191 = arith.constant 0 : i32
        %add3A_1192 = arith.addi %add3A_1176, %add3A_1191 : i32
        %get3A_1193 = arith.index_cast %add3A_1192 : i32 to index
        %get3A_1194 = arith.constant 32 : index
        %get3A_1195 = tpu.vector_load %arg7[%get3A_1193, %get3A_1194] {strides = array<i32>} : memref<400x64xf32, #tpu.memory_space<vmem>>, vector<1x16xf32>,
        %get3A_1196 = vector.shape_cast %get3A_1195 : vector<1x16xf32> to vector<16xf32>
        %add3A_1197 = arith.addf %scan3A_1171, %get3A_1196 : vector<16xf32>
        %add3A_1198 = arith.constant 0 : i32
        %add3A_1199 = arith.addi %add3A_1176, %add3A_1198 : i32
        %get3A_1200 = arith.index_cast %add3A_1199 : i32 to index
        %get3A_1201 = arith.constant 48 : index
        %get3A_1202 = tpu.vector_load %arg7[%get3A_1200, %get3A_1201] {strides = array<i32>} : memref<400x64xf32, #tpu.memory_space<vmem>>, vector<1x16xf32>,
        %get3A_1203 = vector.shape_cast %get3A_1202 : vector<1x16xf32> to vector<16xf32>
        %add3A_1204 = arith.addf %scan3A_1172, %get3A_1203 : vector<16xf32>
        %add3A_1205 = arith.constant 1 : i32
        %add3A_1206 = arith.addi %add3A_1176, %add3A_1205 : i32
        %get3A_1207 = arith.index_cast %add3A_1206 : i32 to index
        %get3A_1208 = arith.constant 0 : index
        %get3A_1209 = tpu.vector_load %arg7[%get3A_1207, %get3A_1208] {strides = array<i32>} : memref<400x64xf32, #tpu.memory_space<vmem>>, vector<1x16xf32>,
        %get3A_1210 = vector.shape_cast %get3A_1209 : vector<1x16xf32> to vector<16xf32>
        %add3A_1211 = arith.addf %add3A_1183, %get3A_1210 : vector<16xf32>
        %add3A_1212 = arith.constant 1 : i32
        %add3A_1213 = arith.addi %add3A_1176, %add3A_1212 : i32
        %get3A_1214 = arith.index_cast %add3A_1213 : i32 to index
        %get3A_1215 = arith.constant 16 : index
        %get3A_1216 = tpu.vector_load %arg7[%get3A_1214, %get3A_1215] {strides = array<i32>} : memref<400x64xf32, #tpu.memory_space<vmem>>, vector<1x16xf32>,
        %get3A_1217 = vector.shape_cast %get3A_1216 : vector<1x16xf32> to vector<16xf32>
        %add3A_1218 = arith.addf %add3A_1190, %get3A_1217 : vector<16xf32>
        %add3A_1219 = arith.constant 1 : i32
        %add3A_1220 = arith.addi %add3A_1176, %add3A_1219 : i32
        %get3A_1221 = arith.index_cast %add3A_1220 : i32 to index
        %get3A_1222 = arith.constant 32 : index
        %get3A_1223 = tpu.vector_load %arg7[%get3A_1221, %get3A_1222] {strides = array<i32>} : memref<400x64xf32, #tpu.memory_space<vmem>>, vector<1x16xf32>,
        %get3A_1224 = vector.shape_cast %get3A_1223 : vector<1x16xf32> to vector<16xf32>
        %add3A_1225 = arith.addf %add3A_1197, %get3A_1224 : vector<16xf32>
        %add3A_1226 = arith.constant 1 : i32
        %add3A_1227 = arith.addi %add3A_1176, %add3A_1226 : i32
        %get3A_1228 = arith.index_cast %add3A_1227 : i32 to index
        %get3A_1229 = arith.constant 48 : index
        %get3A_1230 = tpu.vector_load %arg7[%get3A_1228, %get3A_1229] {strides = array<i32>} : memref<400x64xf32, #tpu.memory_space<vmem>>, vector<1x16xf32>,
        %get3A_1231 = vector.shape_cast %get3A_1230 : vector<1x16xf32> to vector<16xf32>
        %add3A_1232 = arith.addf %add3A_1204, %get3A_1231 : vector<16xf32>
        %add3A_1233 = arith.constant 2 : i32
        %add3A_1234 = arith.addi %add3A_1176, %add3A_1233 : i32
        %get3A_1235 = arith.index_cast %add3A_1234 : i32 to index
        %get3A_1236 = arith.constant 0 : index
        %get3A_1237 = tpu.vector_load %arg7[%get3A_1235, %get3A_1236] {strides = array<i32>} : memref<400x64xf32, #tpu.memory_space<vmem>>, vector<1x16xf32>,
        %get3A_1238 = vector.shape_cast %get3A_1237 : vector<1x16xf32> to vector<16xf32>
        %add3A_1239 = arith.addf %add3A_1211, %get3A_1238 : vector<16xf32>
        %add3A_1240 = arith.constant 2 : i32
        %add3A_1241 = arith.addi %add3A_1176, %add3A_1240 : i32
        %get3A_1242 = arith.index_cast %add3A_1241 : i32 to index
        %get3A_1243 = arith.constant 16 : index
        %get3A_1244 = tpu.vector_load %arg7[%get3A_1242, %get3A_1243] {strides = array<i32>} : memref<400x64xf32, #tpu.memory_space<vmem>>, vector<1x16xf32>,
        %get3A_1245 = vector.shape_cast %get3A_1244 : vector<1x16xf32> to vector<16xf32>
        %add3A_1246 = arith.addf %add3A_1218, %get3A_1245 : vector<16xf32>
        %add3A_1247 = arith.constant 2 : i32
        %add3A_1248 = arith.addi %add3A_1176, %add3A_1247 : i32
        %get3A_1249 = arith.index_cast %add3A_1248 : i32 to index
        %get3A_1250 = arith.constant 32 : index
        %get3A_1251 = tpu.vector_load %arg7[%get3A_1249, %get3A_1250] {strides = array<i32>} : memref<400x64xf32, #tpu.memory_space<vmem>>, vector<1x16xf32>,
        %get3A_1252 = vector.shape_cast %get3A_1251 : vector<1x16xf32> to vector<16xf32>
        %add3A_1253 = arith.addf %add3A_1225, %get3A_1252 : vector<16xf32>
        %add3A_1254 = arith.constant 2 : i32
        %add3A_1255 = arith.addi %add3A_1176, %add3A_1254 : i32
        %get3A_1256 = arith.index_cast %add3A_1255 : i32 to index
        %get3A_1257 = arith.constant 48 : index
        %get3A_1258 = tpu.vector_load %arg7[%get3A_1256, %get3A_1257] {strides = array<i32>} : memref<400x64xf32, #tpu.memory_space<vmem>>, vector<1x16xf32>,
        %get3A_1259 = vector.shape_cast %get3A_1258 : vector<1x16xf32> to vector<16xf32>
        %add3A_1260 = arith.addf %add3A_1232, %get3A_1259 : vector<16xf32>
        %add3A_1261 = arith.constant 3 : i32
        %add3A_1262 = arith.addi %add3A_1176, %add3A_1261 : i32
        %get3A_1263 = arith.index_cast %add3A_1262 : i32 to index
        %get3A_1264 = arith.constant 0 : index
        %get3A_1265 = tpu.vector_load %arg7[%get3A_1263, %get3A_1264] {strides = array<i32>} : memref<400x64xf32, #tpu.memory_space<vmem>>, vector<1x16xf32>,
        %get3A_1266 = vector.shape_cast %get3A_1265 : vector<1x16xf32> to vector<16xf32>
        %add3A_1267 = arith.addf %add3A_1239, %get3A_1266 : vector<16xf32>
        %add3A_1268 = arith.constant 3 : i32
        %add3A_1269 = arith.addi %add3A_1176, %add3A_1268 : i32
        %get3A_1270 = arith.index_cast %add3A_1269 : i32 to index
        %get3A_1271 = arith.constant 16 : index
        %get3A_1272 = tpu.vector_load %arg7[%get3A_1270, %get3A_1271] {strides = array<i32>} : memref<400x64xf32, #tpu.memory_space<vmem>>, vector<1x16xf32>,
        %get3A_1273 = vector.shape_cast %get3A_1272 : vector<1x16xf32> to vector<16xf32>
        %add3A_1274 = arith.addf %add3A_1246, %get3A_1273 : vector<16xf32>
        %add3A_1275 = arith.constant 3 : i32
        %add3A_1276 = arith.addi %add3A_1176, %add3A_1275 : i32
        %get3A_1277 = arith.index_cast %add3A_1276 : i32 to index
        %get3A_1278 = arith.constant 32 : index
        %get3A_1279 = tpu.vector_load %arg7[%get3A_1277, %get3A_1278] {strides = array<i32>} : memref<400x64xf32, #tpu.memory_space<vmem>>, vector<1x16xf32>,
        %get3A_1280 = vector.shape_cast %get3A_1279 : vector<1x16xf32> to vector<16xf32>
        %add3A_1281 = arith.addf %add3A_1253, %get3A_1280 : vector<16xf32>
        %add3A_1282 = arith.constant 3 : i32
        %add3A_1283 = arith.addi %add3A_1176, %add3A_1282 : i32
        %get3A_1284 = arith.index_cast %add3A_1283 : i32 to index
        %get3A_1285 = arith.constant 48 : index
        %get3A_1286 = tpu.vector_load %arg7[%get3A_1284, %get3A_1285] {strides = array<i32>} : memref<400x64xf32, #tpu.memory_space<vmem>>, vector<1x16xf32>,
        %get3A_1287 = vector.shape_cast %get3A_1286 : vector<1x16xf32> to vector<16xf32>
        %add3A_1288 = arith.addf %add3A_1260, %get3A_1287 : vector<16xf32>
        %add3A_1289 = arith.constant 4 : i32
        %add3A_1290 = arith.addi %add3A_1176, %add3A_1289 : i32
        %get3A_1291 = arith.index_cast %add3A_1290 : i32 to index
        %get3A_1292 = arith.constant 0 : index
        %get3A_1293 = tpu.vector_load %arg7[%get3A_1291, %get3A_1292] {strides = array<i32>} : memref<400x64xf32, #tpu.memory_space<vmem>>, vector<1x16xf32>,
        %get3A_1294 = vector.shape_cast %get3A_1293 : vector<1x16xf32> to vector<16xf32>
        %add3A_1295 = arith.addf %add3A_1267, %get3A_1294 : vector<16xf32>
        %add3A_1296 = arith.constant 4 : i32
        %add3A_1297 = arith.addi %add3A_1176, %add3A_1296 : i32
        %get3A_1298 = arith.index_cast %add3A_1297 : i32 to index
        %get3A_1299 = arith.constant 16 : index
        %get3A_1300 = tpu.vector_load %arg7[%get3A_1298, %get3A_1299] {strides = array<i32>} : memref<400x64xf32, #tpu.memory_space<vmem>>, vector<1x16xf32>,
        %get3A_1301 = vector.shape_cast %get3A_1300 : vector<1x16xf32> to vector<16xf32>
        %add3A_1302 = arith.addf %add3A_1274, %get3A_1301 : vector<16xf32>
        %add3A_1303 = arith.constant 4 : i32
        %add3A_1304 = arith.addi %add3A_1176, %add3A_1303 : i32
        %get3A_1305 = arith.index_cast %add3A_1304 : i32 to index
        %get3A_1306 = arith.constant 32 : index
        %get3A_1307 = tpu.vector_load %arg7[%get3A_1305, %get3A_1306] {strides = array<i32>} : memref<400x64xf32, #tpu.memory_space<vmem>>, vector<1x16xf32>,
        %get3A_1308 = vector.shape_cast %get3A_1307 : vector<1x16xf32> to vector<16xf32>
        %add3A_1309 = arith.addf %add3A_1281, %get3A_1308 : vector<16xf32>
        %add3A_1310 = arith.constant 4 : i32
        %add3A_1311 = arith.addi %add3A_1176, %add3A_1310 : i32
        %get3A_1312 = arith.index_cast %add3A_1311 : i32 to index
        %get3A_1313 = arith.constant 48 : index
        %get3A_1314 = tpu.vector_load %arg7[%get3A_1312, %get3A_1313] {strides = array<i32>} : memref<400x64xf32, #tpu.memory_space<vmem>>, vector<1x16xf32>,
        %get3A_1315 = vector.shape_cast %get3A_1314 : vector<1x16xf32> to vector<16xf32>
        %add3A_1316 = arith.addf %add3A_1288, %get3A_1315 : vector<16xf32>
        %add3A_1317 = arith.constant 5 : i32
        %add3A_1318 = arith.addi %add3A_1176, %add3A_1317 : i32
        %get3A_1319 = arith.index_cast %add3A_1318 : i32 to index
        %get3A_1320 = arith.constant 0 : index
        %get3A_1321 = tpu.vector_load %arg7[%get3A_1319, %get3A_1320] {strides = array<i32>} : memref<400x64xf32, #tpu.memory_space<vmem>>, vector<1x16xf32>,
        %get3A_1322 = vector.shape_cast %get3A_1321 : vector<1x16xf32> to vector<16xf32>
        %add3A_1323 = arith.addf %add3A_1295, %get3A_1322 : vector<16xf32>
        %add3A_1324 = arith.constant 5 : i32
        %add3A_1325 = arith.addi %add3A_1176, %add3A_1324 : i32
        %get3A_1326 = arith.index_cast %add3A_1325 : i32 to index
        %get3A_1327 = arith.constant 16 : index
        %get3A_1328 = tpu.vector_load %arg7[%get3A_1326, %get3A_1327] {strides = array<i32>} : memref<400x64xf32, #tpu.memory_space<vmem>>, vector<1x16xf32>,
        %get3A_1329 = vector.shape_cast %get3A_1328 : vector<1x16xf32> to vector<16xf32>
        %add3A_1330 = arith.addf %add3A_1302, %get3A_1329 : vector<16xf32>
        %add3A_1331 = arith.constant 5 : i32
        %add3A_1332 = arith.addi %add3A_1176, %add3A_1331 : i32
        %get3A_1333 = arith.index_cast %add3A_1332 : i32 to index
        %get3A_1334 = arith.constant 32 : index
        %get3A_1335 = tpu.vector_load %arg7[%get3A_1333, %get3A_1334] {strides = array<i32>} : memref<400x64xf32, #tpu.memory_space<vmem>>, vector<1x16xf32>,
        %get3A_1336 = vector.shape_cast %get3A_1335 : vector<1x16xf32> to vector<16xf32>
        %add3A_1337 = arith.addf %add3A_1309, %get3A_1336 : vector<16xf32>
        %add3A_1338 = arith.constant 5 : i32
        %add3A_1339 = arith.addi %add3A_1176, %add3A_1338 : i32
        %get3A_1340 = arith.index_cast %add3A_1339 : i32 to index
        %get3A_1341 = arith.constant 48 : index
        %get3A_1342 = tpu.vector_load %arg7[%get3A_1340, %get3A_1341] {strides = array<i32>} : memref<400x64xf32, #tpu.memory_space<vmem>>, vector<1x16xf32>,
        %get3A_1343 = vector.shape_cast %get3A_1342 : vector<1x16xf32> to vector<16xf32>
        %add3A_1344 = arith.addf %add3A_1316, %get3A_1343 : vector<16xf32>
        %add3A_1345 = arith.constant 6 : i32
        %add3A_1346 = arith.addi %add3A_1176, %add3A_1345 : i32
        %get3A_1347 = arith.index_cast %add3A_1346 : i32 to index
        %get3A_1348 = arith.constant 0 : index
        %get3A_1349 = tpu.vector_load %arg7[%get3A_1347, %get3A_1348] {strides = array<i32>} : memref<400x64xf32, #tpu.memory_space<vmem>>, vector<1x16xf32>,
        %get3A_1350 = vector.shape_cast %get3A_1349 : vector<1x16xf32> to vector<16xf32>
        %add3A_1351 = arith.addf %add3A_1323, %get3A_1350 : vector<16xf32>
        %add3A_1352 = arith.constant 6 : i32
        %add3A_1353 = arith.addi %add3A_1176, %add3A_1352 : i32
        %get3A_1354 = arith.index_cast %add3A_1353 : i32 to index
        %get3A_1355 = arith.constant 16 : index
        %get3A_1356 = tpu.vector_load %arg7[%get3A_1354, %get3A_1355] {strides = array<i32>} : memref<400x64xf32, #tpu.memory_space<vmem>>, vector<1x16xf32>,
        %get3A_1357 = vector.shape_cast %get3A_1356 : vector<1x16xf32> to vector<16xf32>
        %add3A_1358 = arith.addf %add3A_1330, %get3A_1357 : vector<16xf32>
        %add3A_1359 = arith.constant 6 : i32
        %add3A_1360 = arith.addi %add3A_1176, %add3A_1359 : i32
        %get3A_1361 = arith.index_cast %add3A_1360 : i32 to index
        %get3A_1362 = arith.constant 32 : index
        %get3A_1363 = tpu.vector_load %arg7[%get3A_1361, %get3A_1362] {strides = array<i32>} : memref<400x64xf32, #tpu.memory_space<vmem>>, vector<1x16xf32>,
        %get3A_1364 = vector.shape_cast %get3A_1363 : vector<1x16xf32> to vector<16xf32>
        %add3A_1365 = arith.addf %add3A_1337, %get3A_1364 : vector<16xf32>
        %add3A_1366 = arith.constant 6 : i32
        %add3A_1367 = arith.addi %add3A_1176, %add3A_1366 : i32
        %get3A_1368 = arith.index_cast %add3A_1367 : i32 to index
        %get3A_1369 = arith.constant 48 : index
        %get3A_1370 = tpu.vector_load %arg7[%get3A_1368, %get3A_1369] {strides = array<i32>} : memref<400x64xf32, #tpu.memory_space<vmem>>, vector<1x16xf32>,
        %get3A_1371 = vector.shape_cast %get3A_1370 : vector<1x16xf32> to vector<16xf32>
        %add3A_1372 = arith.addf %add3A_1344, %get3A_1371 : vector<16xf32>
        scf.yield %add3A_1351, %add3A_1358, %add3A_1365, %add3A_1372 : vector<16xf32>, vector<16xf32>, vector<16xf32>, vector<16xf32>
      }
      %scan3A_1130 = arith.constant 7 : i32
      %swap3A_1131 = arith.constant 7 : i32
      %swap3A_1132 = arith.index_cast %swap3A_1131 : i32 to index
      %swap3A_1133 = arith.constant 0 : index
      %swap3A_1134 = tpu.vector_load %arg9[%swap3A_1132, %swap3A_1133] {strides = array<i32>} : memref<8x128xf32, #tpu.memory_space<vmem>>, vector<1x16xf32>,
      %swap3A_1135 = vector.shape_cast %swap3A_1134 : vector<1x16xf32> to vector<16xf32>
      %swap3A_1136 = vector.shape_cast %scan3A_1129#0 : vector<16xf32> to vector<1x16xf32>
      tpu.vector_store %arg9[%swap3A_1132, %swap3A_1133], %swap3A_1136 {strides = array<i32>} : memref<8x128xf32, #tpu.memory_space<vmem>>, vector<1x16xf32>,
      %swap3A_1137 = arith.constant 7 : i32
      %swap3A_1138 = arith.index_cast %swap3A_1137 : i32 to index
      %swap3A_1139 = arith.constant 16 : index
      %swap3A_1140 = tpu.vector_load %arg9[%swap3A_1138, %swap3A_1139] {strides = array<i32>} : memref<8x128xf32, #tpu.memory_space<vmem>>, vector<1x16xf32>,
      %swap3A_1141 = vector.shape_cast %swap3A_1140 : vector<1x16xf32> to vector<16xf32>
      %swap3A_1142 = vector.shape_cast %scan3A_1129#1 : vector<16xf32> to vector<1x16xf32>
      tpu.vector_store %arg9[%swap3A_1138, %swap3A_1139], %swap3A_1142 {strides = array<i32>} : memref<8x128xf32, #tpu.memory_space<vmem>>, vector<1x16xf32>,
      %swap3A_1143 = arith.constant 7 : i32
      %swap3A_1144 = arith.index_cast %swap3A_1143 : i32 to index
      %swap3A_1145 = arith.constant 32 : index
      %swap3A_1146 = tpu.vector_load %arg9[%swap3A_1144, %swap3A_1145] {strides = array<i32>} : memref<8x128xf32, #tpu.memory_space<vmem>>, vector<1x16xf32>,
      %swap3A_1147 = vector.shape_cast %swap3A_1146 : vector<1x16xf32> to vector<16xf32>
      %swap3A_1148 = vector.shape_cast %scan3A_1129#2 : vector<16xf32> to vector<1x16xf32>
      tpu.vector_store %arg9[%swap3A_1144, %swap3A_1145], %swap3A_1148 {strides = array<i32>} : memref<8x128xf32, #tpu.memory_space<vmem>>, vector<1x16xf32>,
      %swap3A_1149 = arith.constant 7 : i32
      %swap3A_1150 = arith.index_cast %swap3A_1149 : i32 to index
      %swap3A_1151 = arith.constant 48 : index
      %swap3A_1152 = tpu.vector_load %arg9[%swap3A_1150, %swap3A_1151] {strides = array<i32>} : memref<8x128xf32, #tpu.memory_space<vmem>>, vector<1x16xf32>,
      %swap3A_1153 = vector.shape_cast %swap3A_1152 : vector<1x16xf32> to vector<16xf32>
      %swap3A_1154 = vector.shape_cast %scan3A_1129#3 : vector<16xf32> to vector<1x16xf32>
      tpu.vector_store %arg9[%swap3A_1150, %swap3A_1151], %swap3A_1154 {strides = array<i32>} : memref<8x128xf32, #tpu.memory_space<vmem>>, vector<1x16xf32>,
      %mul3A_1155 = arith.constant 2 : i32
      %mul3A_1156 = arith.muli %mul3A_1155, %scan3A_90 : i32
      %add3A_1157 = arith.constant 1 : i32
      %add3A_1158 = arith.addi %mul3A_1156, %add3A_1157 : i32
      %mul3A_1159 = arith.constant 512 : i32
      %mul3A_1160 = arith.muli %add3A, %mul3A_1159 : i32
      %mul3A_1161 = arith.constant 8 : i32
      %mul3A_1162 = arith.muli %add3A_1158, %mul3A_1161 : i32
      %add3A_1163 = arith.addi %mul3A_1160, %mul3A_1162 : i32
      %dma_start3A_1164 = arith.constant 0 : i32
      %dma_start3A_1165 = tpu.memref_slice %arg4[%add3A_1163, %dma_start3A_1164] : memref<16384x128xf32, #tpu.memory_space<hbm>> -> memref<8x128xf32, #tpu.memory_space<hbm>>
      %dma_start3A_1166 = arith.constant 0 : i32
      %dma_start3A_1167 = tpu.memref_slice %arg4[%add3A_1163, %dma_start3A_1166] : memref<16384x128xf32, #tpu.memory_space<hbm>> -> memref<8x128xf32, #tpu.memory_space<hbm>>
      tpu.enqueue_dma source(%arg9 : memref<8x128xf32, #tpu.memory_space<vmem>>) target(%dma_start3A_1167 : memref<8x128xf32, #tpu.memory_space<hbm>>) target_semaphore(%arg13 : memref<!tpu.dma_semaphore, #tpu.memory_space<semaphore_mem>>)
    }
    %scan3A_78 = arith.constant 32 : i32
    %mul3A_79 = arith.constant 512 : i32
    %mul3A_80 = arith.muli %add3A, %mul3A_79 : i32
    %dma_wait3A = arith.constant 0 : i32
    %dma_wait3A_81 = tpu.memref_slice %arg4[%mul3A_80, %dma_wait3A] : memref<16384x128xf32, #tpu.memory_space<hbm>> -> memref<8x128xf32, #tpu.memory_space<hbm>>
    %dma_wait3A_82 = arith.constant 0 : i32
    %dma_wait3A_83 = tpu.memref_slice %arg4[%mul3A_80, %dma_wait3A_82] : memref<16384x128xf32, #tpu.memory_space<hbm>> -> memref<8x128xf32, #tpu.memory_space<hbm>>
    tpu.wait_dma2 semaphore(%arg12 : memref<!tpu.dma_semaphore, #tpu.memory_space<semaphore_mem>>) src(%arg8 : memref<8x128xf32, #tpu.memory_space<vmem>>) dst(%dma_wait3A_83 : memref<8x128xf32, #tpu.memory_space<hbm>>)
    %mul3A_84 = arith.constant 512 : i32
    %mul3A_85 = arith.muli %add3A, %mul3A_84 : i32
    %dma_wait3A_86 = arith.constant 0 : i32
    %dma_wait3A_87 = tpu.memref_slice %arg4[%mul3A_85, %dma_wait3A_86] : memref<16384x128xf32, #tpu.memory_space<hbm>> -> memref<8x128xf32, #tpu.memory_space<hbm>>
    %dma_wait3A_88 = arith.constant 0 : i32
    %dma_wait3A_89 = tpu.memref_slice %arg4[%mul3A_85, %dma_wait3A_88] : memref<16384x128xf32, #tpu.memory_space<hbm>> -> memref<8x128xf32, #tpu.memory_space<hbm>>
    tpu.wait_dma2 semaphore(%arg13 : memref<!tpu.dma_semaphore, #tpu.memory_space<semaphore_mem>>) src(%arg9 : memref<8x128xf32, #tpu.memory_space<vmem>>) dst(%dma_wait3A_89 : memref<8x128xf32, #tpu.memory_space<hbm>>)
    return
  }
}

module attributes {stable_mosaic.version = 14 : i64} {
  func.func @_pad_body(%arg0: i32, %arg1: memref<2048x50xi32, #tpu.memory_space<vmem>>, %arg2: memref<2048x128xi32, #tpu.memory_space<vmem>>) attributes {dimension_semantics = [#tpu.dimension_semantics<arbitrary>], iteration_bounds = array<i64: 8>, scalar_prefetch = 0 : i64, scratch_operands = 0 : i64, tpu.core_type = #tpu.core_type<tc>, window_params = [{transform_indices = @transform_0, window_bounds = array<i64: 2048, 50>}, {transform_indices = @transform_1, window_bounds = array<i64: 2048, 128>}]} {
    %get3A = arith.constant 0 : index
    %get3A_0 = arith.constant 0 : index
    %get3A_1 = vector.load %arg1[%get3A, %get3A_0] : memref<2048x50xi32, #tpu.memory_space<vmem>>, vector<2048x50xi32>
    %jit3A = arith.constant 0 : i32
    %pad3A = vector.broadcast %jit3A : i32 to vector<2048x78xi32>
    %pad3A_2 = tpu.concatenate %get3A_1, %pad3A in 1 : vector<2048x50xi32>, vector<2048x78xi32> -> vector<2048x128xi32>
    %swap3A = arith.constant 0 : index
    %swap3A_3 = arith.constant 0 : index
    %swap3A_4 = vector.load %arg2[%swap3A, %swap3A_3] : memref<2048x128xi32, #tpu.memory_space<vmem>>, vector<2048x128xi32>
    tpu.vector_store %arg2[%swap3A, %swap3A_3], %pad3A_2 {strides = array<i32>} : memref<2048x128xi32, #tpu.memory_space<vmem>>, vector<2048x128xi32>,
    return
  }
  func.func @transform_0(%arg0: i32) -> (i32, i32) {
    %c0_i32 = arith.constant 0 : i32
    %c0_i32_0 = arith.constant 0 : i32
    return %arg0, %c0_i32 : i32, i32
  }
  func.func @transform_1(%arg0: i32) -> (i32, i32) {
    %c0_i32 = arith.constant 0 : i32
    %c0_i32_0 = arith.constant 0 : i32
    return %arg0, %c0_i32 : i32, i32
  }
}

module attributes {stable_mosaic.version = 14 : i64} {
  func.func @_tc_body(%arg0: i32, %arg1: memref<1024x128xf32, #tpu.memory_space<vmem>>, %arg2: memref<64x64xf32, #tpu.memory_space<vmem>>, %arg3: memref<1x64xf32, #tpu.memory_space<vmem>>, %arg4: memref<1x64xf32, #tpu.memory_space<vmem>>, %arg5: memref<1x64xf32, #tpu.memory_space<vmem>>, %arg6: memref<1024x64xf32, #tpu.memory_space<vmem>>) attributes {dimension_semantics = [#tpu.dimension_semantics<arbitrary>], iteration_bounds = array<i64: 16>, scalar_prefetch = 0 : i64, scratch_operands = 0 : i64, tpu.core_type = #tpu.core_type<tc>, window_params = [{transform_indices = @transform_0, window_bounds = array<i64: 1024, 128>}, {pipeline_mode = #tpu.pipeline_mode<synchronous>, transform_indices = @transform_1, window_bounds = array<i64: 64, 64>}, {pipeline_mode = #tpu.pipeline_mode<synchronous>, transform_indices = @transform_2, window_bounds = array<i64: 1, 64>}, {pipeline_mode = #tpu.pipeline_mode<synchronous>, transform_indices = @transform_3, window_bounds = array<i64: 1, 64>}, {pipeline_mode = #tpu.pipeline_mode<synchronous>, transform_indices = @transform_4, window_bounds = array<i64: 1, 64>}, {transform_indices = @transform_5, window_bounds = array<i64: 1024, 64>}]} {
    %get3A = arith.constant 0 : index
    %get3A_0 = arith.constant 0 : index
    %get3A_1 = vector.load %arg1[%get3A, %get3A_0] : memref<1024x128xf32, #tpu.memory_space<vmem>>, vector<1024x64xf32>
    %get3A_2 = arith.constant 0 : index
    %get3A_3 = arith.constant 0 : index
    %get3A_4 = vector.load %arg2[%get3A_2, %get3A_3] : memref<64x64xf32, #tpu.memory_space<vmem>>, vector<64x64xf32>
    %dot_general3A = arith.constant dense<0.000000e+00> : vector<1024x64xf32>
    %dot_general3A_5 = tpu.matmul %get3A_1, %get3A_4, %dot_general3A {dimension_numbers = #tpu.dot_dimension_numbers<[1], [0], [0], [1], [0, 0, 1, 1], [], []>, transpose_lhs_hint = false} : vector<1024x64xf32>, vector<64x64xf32>, vector<1024x64xf32> -> vector<1024x64xf32>
    %get3A_6 = arith.constant 0 : index
    %get3A_7 = arith.constant 0 : index
    %get3A_8 = vector.load %arg3[%get3A_6, %get3A_7] : memref<1x64xf32, #tpu.memory_space<vmem>>, vector<1x64xf32>
    %add3A = vector.broadcast %get3A_8 : vector<1x64xf32> to vector<1024x64xf32>
    %add3A_9 = arith.addf %dot_general3A_5, %add3A : vector<1024x64xf32>
    %reduce_sum3A = arith.constant dense<0.000000e+00> : vector<1024xf32>
    %reduce_sum3A_10 = vector.multi_reduction <add>, %add3A_9, %reduce_sum3A [1] : vector<1024x64xf32> to vector<1024xf32>
    %broadcast_in_dim3A = vector.shape_cast %reduce_sum3A_10 : vector<1024xf32> to vector<1024x1xf32>
    %div3A = arith.constant 6.400000e+01 : f32
    %div3A_11 = vector.broadcast %div3A : f32 to vector<1024x1xf32>
    %div3A_12 = arith.divf %broadcast_in_dim3A, %div3A_11 : vector<1024x1xf32>
    %sub3A = vector.broadcast %div3A_12 : vector<1024x1xf32> to vector<1024x64xf32>
    %sub3A_13 = arith.subf %add3A_9, %sub3A : vector<1024x64xf32>
    %mul3A = arith.mulf %sub3A_13, %sub3A_13 : vector<1024x64xf32>
    %reduce_sum3A_14 = arith.constant dense<0.000000e+00> : vector<1024xf32>
    %reduce_sum3A_15 = vector.multi_reduction <add>, %mul3A, %reduce_sum3A_14 [1] : vector<1024x64xf32> to vector<1024xf32>
    %broadcast_in_dim3A_16 = vector.shape_cast %reduce_sum3A_15 : vector<1024xf32> to vector<1024x1xf32>
    %div3A_17 = arith.constant 6.400000e+01 : f32
    %div3A_18 = vector.broadcast %div3A_17 : f32 to vector<1024x1xf32>
    %div3A_19 = arith.divf %broadcast_in_dim3A_16, %div3A_18 : vector<1024x1xf32>
    %add3A_20 = arith.constant 1.000000e-03 : f32
    %add3A_21 = vector.broadcast %add3A_20 : f32 to vector<1024x1xf32>
    %add3A_22 = arith.addf %div3A_19, %add3A_21 : vector<1024x1xf32>
    %rsqrt3A = math.rsqrt %add3A_22 : vector<1024x1xf32>
    %mul3A_23 = vector.broadcast %rsqrt3A : vector<1024x1xf32> to vector<1024x64xf32>
    %mul3A_24 = arith.mulf %sub3A_13, %mul3A_23 : vector<1024x64xf32>
    %get3A_25 = arith.constant 0 : index
    %get3A_26 = arith.constant 0 : index
    %get3A_27 = vector.load %arg4[%get3A_25, %get3A_26] : memref<1x64xf32, #tpu.memory_space<vmem>>, vector<1x64xf32>
    %mul3A_28 = vector.broadcast %get3A_27 : vector<1x64xf32> to vector<1024x64xf32>
    %mul3A_29 = arith.mulf %mul3A_24, %mul3A_28 : vector<1024x64xf32>
    %get3A_30 = arith.constant 0 : index
    %get3A_31 = arith.constant 0 : index
    %get3A_32 = vector.load %arg5[%get3A_30, %get3A_31] : memref<1x64xf32, #tpu.memory_space<vmem>>, vector<1x64xf32>
    %add3A_33 = vector.broadcast %get3A_32 : vector<1x64xf32> to vector<1024x64xf32>
    %add3A_34 = arith.addf %mul3A_29, %add3A_33 : vector<1024x64xf32>
    %swap3A = arith.constant 0 : index
    %swap3A_35 = arith.constant 0 : index
    %swap3A_36 = vector.load %arg6[%swap3A, %swap3A_35] : memref<1024x64xf32, #tpu.memory_space<vmem>>, vector<1024x64xf32>
    tpu.vector_store %arg6[%swap3A, %swap3A_35], %add3A_34 {strides = array<i32>} : memref<1024x64xf32, #tpu.memory_space<vmem>>, vector<1024x64xf32>,
    return
  }
  func.func @transform_0(%arg0: i32) -> (i32, i32) {
    %c0_i32 = arith.constant 0 : i32
    %c0_i32_0 = arith.constant 0 : i32
    return %arg0, %c0_i32 : i32, i32
  }
  func.func @transform_1(%arg0: i32) -> (i32, i32) {
    %c0_i32 = arith.constant 0 : i32
    %c0_i32_0 = arith.constant 0 : i32
    %c0_i32_1 = arith.constant 0 : i32
    return %c0_i32, %c0_i32_0 : i32, i32
  }
  func.func @transform_2(%arg0: i32) -> (i32, i32) {
    %c0_i32 = arith.constant 0 : i32
    %c0_i32_0 = arith.constant 0 : i32
    %c0_i32_1 = arith.constant 0 : i32
    return %c0_i32, %c0_i32_0 : i32, i32
  }
  func.func @transform_3(%arg0: i32) -> (i32, i32) {
    %c0_i32 = arith.constant 0 : i32
    %c0_i32_0 = arith.constant 0 : i32
    %c0_i32_1 = arith.constant 0 : i32
    return %c0_i32, %c0_i32_0 : i32, i32
  }
  func.func @transform_4(%arg0: i32) -> (i32, i32) {
    %c0_i32 = arith.constant 0 : i32
    %c0_i32_0 = arith.constant 0 : i32
    %c0_i32_1 = arith.constant 0 : i32
    return %c0_i32, %c0_i32_0 : i32, i32
  }
  func.func @transform_5(%arg0: i32) -> (i32, i32) {
    %c0_i32 = arith.constant 0 : i32
    %c0_i32_0 = arith.constant 0 : i32
    return %arg0, %c0_i32 : i32, i32
  }
}

</mosaic_0001>

<sc_bundles>
// kernel: kernel.5.cloned.1.call-start
scs
__scs_entry_jumppad:
0x0: {  	(pc) =	sbr.rel $0x88, $3  }
0x1: {  	(tag) =	ssettag $0x0;
	lr =	simm.s32 $0x1  }
0x2: {  	[smem:$0x3F97] =	sst lr;
	_ =	strace $0xD0000000  }
0x3: {  	_ = 	snop  }
0x4: {  	_ = 	snop  }
0x5: {  	_ = 	snop  }
0x6: {  	_ = 	snop  }
0x7: {  	_ = 	snop  }
__scs_overlays_trampoline_lowered:
0x8: {  	[smem:$0x3FA6] =	sst s0  }
0x9: {  	[smem:$0x3FA7] =	sst s1  }
0xa: {  	[smem:$0x3FA8] =	sst s2  }
0xb: {  	[smem:$0x3FA9] =	sst s3  }
0xc: {  	[smem:$0x3FAA] =	sst s4  }
0xd: {  	[smem:$0x3FAB] =	sst s5  }
0xe: {  	[smem:$0x3FAC] =	sst s6  }
0xf: {  	[smem:$0x3FAD] =	sst s7  }
0x10: {  	[smem:$0x3FAE] =	sst s8  }
0x11: {  	[smem:$0x3FAF] =	sst s9;
	s0 =	simm.s32 @!p0 $0x0  }
0x12: {  	s1 =	sld [smem:$0x3F95];
	s0 =	simm.s32 @p0 $0x1  }
0x13: {  	[smem:$0x3FB0] =	sst s0;
	s0 =	simm.s32 @!p1 $0x0  }
0x14: {  	s2 =	sld [smem:$0x3F94];
	s0 =	simm.s32 @p1 $0x1  }
0x15: {  	[smem:$0x3FB1] =	sst s0;
	s0 =	simm.s32 @!p2 $0x0  }
0x16: {  	s3 =	sld [smem:$0x3FDB];
	s0 =	simm.s32 @p2 $0x1  }
0x17: {  	s4 =	simm.s32 $0x1BF5;
	[smem:$0x3FB3] =	sst s0  }
0x18: {  	s0 =	sld [smem:$0x3F96];
	_ =	swait.ge [sflag:s4], $0x0  }
0x19: {  	s7 =	sld [smem:$0x3F97]  }
0x1a: {  	s8 =	sadd.s32 $0xFFFFE003, lr  }
0x1b: {  	s9 =	sadd.s32 $0xFFFFFEF7, lr;
	s5 =	simm.s32 $0xFFFFFFFF;
	p2 =	slt.u32 s8, $0xFFFFF086  }
0x1c: {  	p1 =	slt.u32 s9, $0xF7A;
	s5 =	simm.s32 @!p2 $0x0  }
0x1d: {  	s5 =	simm.s32 @p1 $0x1;
	p0 =	seq.s32 s7, s2  }
0x1e: {  	s7 =	smul.u32 @!p0 $0xF7A, s2;
	p2 =	seq.s32 @!p0 s5, $0x0  }
0x1f: {  	s9 =	smul.u32 $0xF7A, s1;
	s8 =	simm.s32 @!p0 $0x1BF5;
	p2 =	por !p2, p0  }
0x20: {  	[sflag:s8] =	ssyncset.s32 @!p0 $0xFFFFF086;
	s6 =	sadd.s32 @!p0 s3, s7;
	s7 =	simm.s32 @!p0 $0x108  }
0x21: {  	s3 =	sadd.s32 s3, s9;
	s6 =	sadd.s32 @!p0 $0x88, s6;
	s7 =	simm.s32 @p2 $0x1082  }
0x22: {  	[simem:s7], [sflag:s8] =	dma.local @!p0 [hbm:s6], $0xF7A  }
0x23: {  	s9 =	sor.u32 $0xD0000000, s2;
	s6 =	simm.s32 $0x108;
	_ =	swait.ge @!p0 [sflag:s8], $0x0  }
0x24: {  	s3 =	sadd.s32 $0x88, s3;
	s6 =	simm.s32 @!p1 $0x1082;
	[sflag:s4] =	ssyncset.s32 $0xFFFFF086  }
0x25: {  	[simem:s6], [sflag:s4] =	dma.local [hbm:s3], $0xF7A  }
0x26: {  	[smem:$0x3F97] =	sst s1;
	(tag) =	ssettag s2;
	_ =	strace s9  }
0x27: {  	s1 =	sld [smem:$0x3FA7]  }
0x28: {  	s2 =	sld [smem:$0x3FA8]  }
0x29: {  	s4 =	sld [smem:$0x3FAA]  }
0x2a: {  	p0 =	seq.s32 s5, $0x0;
	s5 =	sld [smem:$0x3FAB]  }
0x2b: {  	s6 =	sld [smem:$0x3FAC]  }
0x2c: {  	s7 =	sld [smem:$0x3FAD]  }
0x2d: {  	s3 =	simm.s32 $0x108;
	s8 =	sld [smem:$0x3FAE]  }
0x2e: {  	s3 =	simm.s32 @!p0 $0x1082;
	s9 =	sld [smem:$0x3FAF]  }
0x2f: {  	lr =	sadd.s32 s0, s3;
	s0 =	sld [smem:$0x3FA6]  }
0x30: {  	s3 =	sld [smem:$0x3FA9]  }
0x31: {  	[smem:$0x3FB2] =	sst s10  }
0x32: {  	s10 =	sld [smem:$0x3FB0];
	_ =	sdelay $0x3  }
0x33: {  	p0 =	seq.s32 s10, $0x1;
	s10 =	sld [smem:$0x3FB2];
	_ =	sdelay $0x3  }
0x34: {  	[smem:$0x3FB2] =	sst s10  }
0x35: {  	s10 =	sld [smem:$0x3FB1];
	_ =	sdelay $0x3  }
0x36: {  	p1 =	seq.s32 s10, $0x1;
	s10 =	sld [smem:$0x3FB2];
	_ =	sdelay $0x3  }
0x37: {  	[smem:$0x3FB2] =	sst s10  }
0x38: {  	s10 =	sld [smem:$0x3FB3]  }
0x39: {  	_ = 	snop;
	(pc) =	sbr.ind lr, $3  }
0x3a: {  	_ = 	snop  }
0x3b: {  	_ = 	snop  }
0x3c: {  	p2 =	seq.s32 s10, $0x1;
	s10 =	sld [smem:$0x3FB2]  }
0x3d: {  	_ =	shalt  }
0x3e: {  	_ =	shalt  }
0x3f: {  	_ =	shalt  }
0x40: {  	_ =	shalt  }
0x41: {  	_ =	shalt  }
0x42: {  	_ =	shalt  }
0x43: {  	_ =	shalt  }
0x44: {  	_ =	shalt  }
0x45: {  	_ =	shalt  }
0x46: {  	_ =	shalt  }
0x47: {  	_ =	shalt  }
0x48: {  	_ =	shalt  }
0x49: {  	_ =	shalt  }
0x4a: {  	_ =	shalt  }
0x4b: {  	_ =	shalt  }
0x4c: {  	_ =	shalt  }
0x4d: {  	_ =	shalt  }
0x4e: {  	_ =	shalt  }
0x4f: {  	_ =	shalt  }
0x50: {  	_ =	shalt  }
0x51: {  	_ =	shalt  }
0x52: {  	_ =	shalt  }
0x53: {  	_ =	shalt  }
0x54: {  	_ =	shalt  }
0x55: {  	_ =	shalt  }
0x56: {  	_ =	shalt  }
0x57: {  	_ =	shalt  }
0x58: {  	_ =	shalt  }
0x59: {  	_ =	shalt  }
0x5a: {  	_ =	shalt  }
0x5b: {  	_ =	shalt  }
0x5c: {  	_ =	shalt  }
0x5d: {  	_ =	shalt  }
0x5e: {  	_ =	shalt  }
0x5f: {  	_ =	shalt  }
0x60: {  	_ =	shalt  }
0x61: {  	_ =	shalt  }
0x62: {  	_ =	shalt  }
0x63: {  	_ =	shalt  }
0x64: {  	_ =	shalt  }
0x65: {  	_ =	shalt  }
0x66: {  	_ =	shalt  }
0x67: {  	_ =	shalt  }
0x68: {  	_ =	shalt  }
0x69: {  	_ =	shalt  }
0x6a: {  	_ =	shalt  }
0x6b: {  	_ =	shalt  }
0x6c: {  	_ =	shalt  }
0x6d: {  	_ =	shalt  }
0x6e: {  	_ =	shalt  }
0x6f: {  	_ =	shalt  }
0x70: {  	_ =	shalt  }
0x71: {  	_ =	shalt  }
0x72: {  	_ =	shalt  }
0x73: {  	_ =	shalt  }
0x74: {  	_ =	shalt  }
0x75: {  	_ =	shalt  }
0x76: {  	_ =	shalt  }
0x77: {  	_ =	shalt  }
0x78: {  	_ =	shalt  }
0x79: {  	_ =	shalt  }
0x7a: {  	_ =	shalt  }
0x7b: {  	_ =	shalt  }
0x7c: {  	_ =	shalt  }
0x7d: {  	_ =	shalt  }
0x7e: {  	_ =	shalt  }
0x7f: {  	_ =	shalt  }
0x80: {  	_ =	shalt  }
0x81: {  	_ =	shalt  }
0x82: {  	_ =	shalt  }
0x83: {  	_ =	shalt  }
0x84: {  	_ =	shalt  }
0x85: {  	_ =	shalt  }
0x86: {  	_ =	shalt  }
0x87: {  	_ =	shalt  }
.Lfunc_end0:
.L_simem_size_0:
called_computation_lowered:
.L_overlay_start_0:
0x88: {  	s2 =	sld [smem:$0x3FD9]  }
0x89: {  	s3 =	sld [smem:$0x3FFE];
	_ =	sdelay $0x1  }
0x8a: {  	s1 =	srdreg.scid  }
0x8b: {  	s0 =	sand.u32 $0x1, s1  }
0x8c: {  	s16 =	sshll.u32 s0, $0xA;
	s2 =	sadd.s32 s3, s2  }
0x8d: {  	s2 =	sadd.s32 s2, s16  }
0x8e: {  	[smem:$0x3FBE] =	sst s2  }
0x8f: {  	_ = 	snop  }
0x90: {  	(tm) =	ssettm $0x1  }
0x91: {  	s17 =	sld [smem:$0x3FFB];
	_ =	sdelay $0x3  }
0x92: {  	_ =	strace s17  }
0x93: {  	s2 =	sld [smem:$0x3FFC];
	_ =	sdelay $0x3  }
0x94: {  	_ =	strace s2  }
0x95: {  	s2 =	sld [smem:$0x3FFD];
	_ =	sdelay $0x3  }
0x96: {  	_ =	strace s2  }
0x97: {  	_ =	strace $0x8FFFFFFF  }
0x98: {  	s18 =	sld [smem:$0x3FDB];
	_ =	sdelay $0x1  }
0x99: {  	s19 =	simm.s32 $_scs_section_size  }
0x9a: {  	s4 =	simm.s32 $_size__tile_overlayer_lowered;
	s5 =	simm.s32 $_tile_overlayer_lowered  }
0x9b: {  	s22 =	simm.s32 $0x1BFF;
	s21 =	sshll.u32 s5, $0x1;
	s2 =	sadd.s32 s19, s18  }
0x9c: {  	s6 =	simm.s32 $0x0;
	s20 =	sshll.u32 s4, $0x1;
	s4 =	sadd.s32 s21, s2  }
0x9d: {  	[timem:s6], [sflag:s22] =	dma.local [hbm:s4], s20  }
0x9e: {  	_ =	swait.ge [sflag:s22], s20  }
0x9f: {  	s3 =	ssub.s32 $0x0, s20;
	[sflag:s22] =	ssyncset.done $0x0  }
0xa0: {  	[sflag:s22] =	ssyncadd.s32 s3;
	_ =	sdelay $0x1  }
0xa1: {  	s23 =	simm.s32 $0x1B8B  }
0xa2: {  	_ =	swait.ge [sflag:s23], $0x1  }
0xa3: {  	[sflag:s23] =	ssyncset.done $0x0  }
0xa4: {  	s25 =	simm.s32 $0x1B8E;
	s24 =	sld [smem:$0x3FFE];
	[sflag:s23] =	ssyncadd.s32 $0xFFFFFFFF  }
0xa5: {  	s26 =	simm.s32 $execute0_lowered;
	[smem:$0x3FD2] =	sst s25  }
0xa6: {  	s4 =	sshll.u32 s26, $0x1;
	_ =	strace $0x80000046;
	[dreg:$0x1] =	wrdreg $0xFFFFFFFF  }
0xa7: {  	s28 =	simm.s32 $_size_execute0_lowered;
	s2 =	sadd.s32 s2, s4;
	[dreg:$0x0] =	wrdreg $0x0  }
0xa8: {  	s4 =	sshll.u32 s28, $0x1;
	[dreg:$0x2] =	wrdreg s2  }
0xa9: {  	[dreg:$0x3] =	wrdreg s4  }
0xaa: {  	[dreg:$0x4] =	wrdreg $0xC0  }
0xab: {  	_ =	task [dreg:s6], $0x5FFFF  }
0xac: {  	[dreg:$0x1] =	wrdreg $0xFFFFFFFF  }
0xad: {  	[dreg:$0x0] =	wrdreg $0x60  }
0xae: {  	[dreg:$0x2] =	wrdreg s24  }
0xaf: {  	[dreg:$0x3] =	wrdreg $0x9  }
0xb0: {  	_ =	task.clear_ibuf [dreg:s6], $0x4FFFF;
	_ =	strace $0x90000046  }
0xb1: {  	s29 =	simm.s32 $0x9;
	_ =	strace $0x80000048  }
0xb2: {  	_ =	swait.ge [sflag:s29], $0x1  }
0xb3: {  	[sflag:s29] =	ssyncadd.s32 $0xFFFFFFFF  }
0xb4: {  	_ =	strace $0x90000048  }
0xb5: {  	_ =	sfence  }
0xb6: {  	s30 =	sld [smem:$0x0];
	_ =	sdelay $0x2  }
0xb7: {  	s31 =	sshll.u32 s1, $0xD;
	s1 =	sshrl.u32 s1, $0x2  }
0xb8: {  	s3 =	sand.u32 $0x4000, s31;
	s1 =	sadd.s32 s1, s30  }
0xb9: {  	s0 =	sor.u32 s3, s0;
	s1 =	sshll.u32 s1, $0x11  }
0xba: {  	s0 =	sor.u32 s1, s0  }
0xbb: {  	s0 =	sadd.s32 $0x8F2B, s0  }
0xbc: {  	[sflag:s0] =	ssyncadd.remote.s32 $0x1  }
0xbd: {  	_ =	sfence.sel $0xFFFF  }
0xbe: {  	[dreg:$0x0] =	wrdreg $0xFFFFFFFF;
	(pc) =	sbr.abs _section_cstart, $3  }
0xbf: {  	[dreg:$0x1] =	wrdreg $0xFFFFFFFF  }
0xc0: {  	_ =	task.clear_ibuf [dreg:s6], $0x2FFFF;
	_ =	strace $0x9FFFFFFF  }
0xc1: {  	(tm) =	ssettm $0x7FFFFFFF  }
tec
execute0_lowered:
.L_overlay_start_1:
0x0: {  	(tag) =	ssettag $0x1  }
0x1: {  	s0 =	rddreg [dreg:$0x0];
	s1 =	srdreg.scid  }
0x2: {  	s2 =	simm.s32 $0x0;
	s3 =	stileid.u32;
	s7 =	simm.s32 $0x5  }
0x3: {  	s8 =	simm.s32 $0x32;
	s21 =	simm.s32 $0x14B00;
	s22 =	simm.s32 $0x380  }
0x4: {  	s23 =	simm.s32 $0x15780;
	s24 =	simm.s32 $0x16400;
	s25 =	simm.s32 $0x17080  }
0x5: {  	s28 =	simm.s32 $0x18980;
	s29 =	simm.s32 $0x19600;
	s30 =	simm.s32 $0x1A280  }
0x6: {  	s31 =	simm.s32 $0x1AF00;
	s9 =	simm.s32 $0x1C800;
	s10 =	simm.s32 $0x2  }
0x7: {  	s11 =	simm.s32 $0x1CC00;
	s12 =	simm.s32 $0x3;
	s13 =	simm.s32 $0x4  }
0x8: {  	s14 =	simm.s32 $0x0;
	s1 =	sand.u32 $0x1, s1;
	[smem:$0x7FF] =	sst s2  }
0x9: {  	s3 =	sshll.u32 s3, $0xE;
	s4 =	sshll.u32 s1, $0xD;
	s1 =	ssub.s32 $0x2, s1  }
0xa: {  	_ =	strace $0x80000047;
	s4 =	sor.u32 s4, s3;
	s26 =	sshrl.u32 s1, $0x1  }
0xb: {  	s3 =	sadd.s32 $0xF44000, s0;
	s0 =	sadd.s32 s4, s0;
	s1 =	ssub.s32 s1, s26  }
0xc: {  	s26 =	simm.s32 $0x17D00;
	s4 =	sadd.s32 $0x1C00, s0;
	s5 =	sadd.s32 $0x41C00, s0  }
0xd: {  	s6 =	smax.u32 s1, $0x1;
	s0 =	simm.s32 $0x1BB80;
	s1 =	simm.s32 $0x1  }
.LBB2_1:
0xe: {  	[tilespmem:s2], [sflag:$0x5] =	stream.linear.gather [hbm4b:s4+s2], $0x10000, $0x38;
	[tilespmem:$0x1D000] =	vst v63  }
0xf: {  	_ =	swait.ge [sflag:s7], $0x10000  }
0x10: {  	[sflag:s7] =	ssyncset.done $0x0  }
0x11: {  	s15 =	simm.s32 $0x10000;
	[sflag:s7] =	ssyncadd.s32 $0xFFFF0000  }
0x12: {  	[tilespmem:s15], [sflag:$0x1] =	stream.indirect.gather [hbm4b:s3+s8], $0x40, s2, s8, $0xb8;
	[tilespmem:$0x1D000] =	vst v63  }
0x13: {  	s20 =	simm.s32 $0x80;
	s16 =	simm.s32 $0x10C80  }
0x14: {  	[tilespmem:s16], [sflag:$0x1] =	stream.indirect.gather [hbm4b:s3+s8], $0x40, s20, s8, $0xb8;
	[tilespmem:$0x1D000] =	vst v63  }
0x15: {  	s17 =	simm.s32 $0x100;
	s18 =	simm.s32 $0x11900  }
0x16: {  	[tilespmem:s18], [sflag:$0x1] =	stream.indirect.gather [hbm4b:s3+s8], $0x40, s17, s8, $0xb8;
	[tilespmem:$0x1D000] =	vst v63  }
0x17: {  	s19 =	simm.s32 $0x180;
	s20 =	simm.s32 $0x12580  }
0x18: {  	[tilespmem:s20], [sflag:$0x1] =	stream.indirect.gather [hbm4b:s3+s8], $0x40, s19, s8, $0xb8;
	[tilespmem:$0x1D000] =	vst v63  }
0x19: {  	s16 =	simm.s32 $0x200;
	s17 =	simm.s32 $0x13200  }
0x1a: {  	[tilespmem:s17], [sflag:$0x1] =	stream.indirect.gather [hbm4b:s3+s8], $0x40, s16, s8, $0xb8;
	[tilespmem:$0x1D000] =	vst v63  }
0x1b: {  	s18 =	simm.s32 $0x280;
	s19 =	simm.s32 $0x13E80  }
0x1c: {  	[tilespmem:s19], [sflag:$0x1] =	stream.indirect.gather [hbm4b:s3+s8], $0x40, s18, s8, $0xb8;
	[tilespmem:$0x1D000] =	vst v63  }
0x1d: {  	s20 =	simm.s32 $0x300  }
0x1e: {  	[tilespmem:s21], [sflag:$0x1] =	stream.indirect.gather [hbm4b:s3+s8], $0x40, s20, s8, $0xb8;
	[tilespmem:$0x1D000] =	vst v63  }
0x1f: {  	s15 =	simm.s32 $0x0  }
0x20: {  	[tilespmem:s23], [sflag:$0x1] =	stream.indirect.gather [hbm4b:s3+s8], $0x40, s22, s8, $0xb8;
	[tilespmem:$0x1D000] =	vst v63  }
.LBB2_2:
0x21: {  	s16 =	sshllo.u32 s15, $0x1  }
0x22: {  	s17 =	sshll.u32 s16, $0xA  }
0x23: {  	s17 =	sand.u32 $0x3FFFFC00, s17  }
0x24: {  	[tilespmem:s24], [sflag:$0x2] =	stream.indirect.gather [hbm4b:s3+s8], $0x40, s17, s8, $0xb8;
	[tilespmem:$0x1D000] =	vst v63  }
0x25: {  	s18 =	sor.u32 $0x80, s17  }
0x26: {  	[tilespmem:s25], [sflag:$0x2] =	stream.indirect.gather [hbm4b:s3+s8], $0x40, s18, s8, $0xb8;
	[tilespmem:$0x1D000] =	vst v63  }
0x27: {  	s20 =	sor.u32 $0x100, s17  }
0x28: {  	[tilespmem:s26], [sflag:$0x2] =	stream.indirect.gather [hbm4b:s3+s8], $0x40, s20, s8, $0xb8;
	[tilespmem:$0x1D000] =	vst v63  }
0x29: {  	s19 =	sor.u32 $0x180, s17  }
0x2a: {  	[tilespmem:s28], [sflag:$0x2] =	stream.indirect.gather [hbm4b:s3+s8], $0x40, s19, s8, $0xb8;
	[tilespmem:$0x1D000] =	vst v63  }
0x2b: {  	s20 =	sor.u32 $0x200, s17  }
0x2c: {  	[tilespmem:s29], [sflag:$0x2] =	stream.indirect.gather [hbm4b:s3+s8], $0x40, s20, s8, $0xb8;
	[tilespmem:$0x1D000] =	vst v63  }
0x2d: {  	s19 =	sor.u32 $0x280, s17  }
0x2e: {  	[tilespmem:s30], [sflag:$0x2] =	stream.indirect.gather [hbm4b:s3+s8], $0x40, s19, s8, $0xb8;
	[tilespmem:$0x1D000] =	vst v63  }
0x2f: {  	s20 =	sor.u32 $0x300, s17  }
0x30: {  	[tilespmem:s31], [sflag:$0x2] =	stream.indirect.gather [hbm4b:s3+s8], $0x40, s20, s8, $0xb8;
	[tilespmem:$0x1D000] =	vst v63  }
0x31: {  	s17 =	sor.u32 $0x380, s17  }
0x32: {  	[tilespmem:s0], [sflag:$0x2] =	stream.indirect.gather [hbm4b:s3+s8], $0x40, s17, s8, $0xb8;
	[tilespmem:$0x1D000] =	vst v63  }
0x33: {  	_ =	swait.ge [sflag:s1], $0xC80  }
0x34: {  	[sflag:s1] =	ssyncset.done $0x0  }
0x35: {  	[sflag:s1] =	ssyncadd.s32 $0xFFFFF380  }
0x36: {  	_ =	swait.ge [sflag:s1], $0xC80  }
0x37: {  	[sflag:s1] =	ssyncset.done $0x0  }
0x38: {  	[sflag:s1] =	ssyncadd.s32 $0xFFFFF380  }
0x39: {  	_ =	swait.ge [sflag:s1], $0xC80  }
0x3a: {  	[sflag:s1] =	ssyncset.done $0x0  }
0x3b: {  	[sflag:s1] =	ssyncadd.s32 $0xFFFFF380  }
0x3c: {  	_ =	swait.ge [sflag:s1], $0xC80  }
0x3d: {  	[sflag:s1] =	ssyncset.done $0x0  }
0x3e: {  	[sflag:s1] =	ssyncadd.s32 $0xFFFFF380  }
0x3f: {  	_ =	swait.ge [sflag:s1], $0xC80  }
0x40: {  	[sflag:s1] =	ssyncset.done $0x0  }
0x41: {  	[sflag:s1] =	ssyncadd.s32 $0xFFFFF380  }
0x42: {  	_ =	swait.ge [sflag:s1], $0xC80  }
0x43: {  	[sflag:s1] =	ssyncset.done $0x0  }
0x44: {  	[sflag:s1] =	ssyncadd.s32 $0xFFFFF380  }
0x45: {  	_ =	swait.ge [sflag:s1], $0xC80  }
0x46: {  	[sflag:s1] =	ssyncset.done $0x0  }
0x47: {  	[sflag:s1] =	ssyncadd.s32 $0xFFFFF380  }
0x48: {  	_ =	swait.ge [sflag:s1], $0xC80  }
0x49: {  	p0 =	seq.s32 s15, $0x0;
	[sflag:s1] =	ssyncset.done $0x0  }
0x4a: {  	s17 =	simm.s32 @!p0 $0x3;
	[sflag:s1] =	ssyncadd.s32 $0xFFFFF380  }
0x4b: {  	_ =	swait.ge @!p0 [sflag:s17], $0x400  }
0x4c: {  	[sflag:s17] =	ssyncset.done @!p0 $0x0  }
0x4d: {  	[sflag:s17] =	ssyncadd.s32 @!p0 $0xFFFFFC00  }
0x4e: {  	v11 =	vld [tilespmem:$0x10000]  }
0x4f: {  	v10 =	vld [tilespmem:$0x10010]  }
0x50: {  	v9 =	vld [tilespmem:$0x10020]  }
0x51: {  	s17 =	simm.s32 $0x0;
	v8 =	vld [tilespmem:$0x10030]  }
0x52: {  	v0 =	vld [tilespmem:s17+$0x101C0]  }
0x53: {  	v1 =	vld [tilespmem:s17+$0x101D0]  }
0x54: {  	v2 =	vld [tilespmem:s17+$0x10180]  }
0x55: {  	v3 =	vld [tilespmem:s17+$0x10190]  }
0x56: {  	v4 =	vld [tilespmem:s17+$0x10140]  }
0x57: {  	v5 =	vld [tilespmem:s17+$0x10150]  }
0x58: {  	v6 =	vld [tilespmem:s17+$0x10100]  }
0x59: {  	v7 =	vld [tilespmem:s17+$0x10110]  }
0x5a: {  	v13 =	vld [tilespmem:s17+$0x100C0]  }
0x5b: {  	v12 =	vld [tilespmem:s17+$0x100D0]  }
0x5c: {  	v15 =	vld [tilespmem:s17+$0x10080]  }
0x5d: {  	v14 =	vld [tilespmem:s17+$0x10090]  }
0x5e: {  	v17 =	vld [tilespmem:s17+$0x10040]  }
0x5f: {  	v18 =	vld [tilespmem:s17+$0x10050]  }
0x60: {  	s16 =	sshll.u32 s16, $0x7;
	s18 =	simm.s32 $0x700;
	v16 =	vld [tilespmem:s17+$0x10060]  }
.LBB2_3:
0x61: {  	p1 =	sne.s32 s18, $0x2A00;
	v19 =	vld [tilespmem:s17+$0x10070]  }
0x62: {  	v20 =	vld [tilespmem:s17+$0x100A0]  }
0x63: {  	v21 =	vld [tilespmem:s17+$0x100B0]  }
0x64: {  	v22 =	vld [tilespmem:s17+$0x100E0]  }
0x65: {  	v11 =	vadd.f32 v17, v11;
	v10 =	vadd.f32 v18, v10;
	v17 =	vld [tilespmem:s17+$0x100F0]  }
0x66: {  	v9 =	vadd.f32 v16, v9;
	v8 =	vadd.f32 v19, v8;
	v16 =	vld [tilespmem:s17+$0x10120]  }
0x67: {  	v11 =	vadd.f32 v15, v11;
	v10 =	vadd.f32 v14, v10;
	v14 =	vld [tilespmem:s17+$0x10130]  }
0x68: {  	v9 =	vadd.f32 v20, v9;
	v8 =	vadd.f32 v21, v8;
	v15 =	vld [tilespmem:s17+$0x10160]  }
0x69: {  	v11 =	vadd.f32 v13, v11;
	v10 =	vadd.f32 v12, v10;
	v12 =	vld [tilespmem:s17+$0x10170]  }
0x6a: {  	v9 =	vadd.f32 v22, v9;
	v8 =	vadd.f32 v17, v8;
	v13 =	vld [tilespmem:s17+$0x101A0]  }
0x6b: {  	v6 =	vadd.f32 v6, v11;
	v7 =	vadd.f32 v7, v10;
	v10 =	vld [tilespmem:s17+$0x101B0]  }
0x6c: {  	v9 =	vadd.f32 v16, v9;
	v8 =	vadd.f32 v14, v8;
	v14 =	vld [tilespmem:s17+$0x101E0]  }
0x6d: {  	v4 =	vadd.f32 v4, v6;
	v5 =	vadd.f32 v5, v7;
	v6 =	vld [tilespmem:s17+$0x101F0];
	s17 =	sshra.s32 s18, $0x2  }
0x6e: {  	v9 =	vadd.f32 v15, v9;
	v7 =	vld [tilespmem:s17+$0x101C0];
	v8 =	vadd.f32 v12, v8  }
0x6f: {  	v4 =	vadd.f32 v2, v4;
	v5 =	vadd.f32 v3, v5;
	v12 =	vld [tilespmem:s17+$0x101D0]  }
0x70: {  	v9 =	vadd.f32 v13, v9;
	v2 =	vld [tilespmem:s17+$0x10180];
	v8 =	vadd.f32 v10, v8  }
0x71: {  	v11 =	vadd.f32 v0, v4;
	v10 =	vadd.f32 v1, v5;
	v3 =	vld [tilespmem:s17+$0x10190]  }
0x72: {  	v9 =	vadd.f32 v14, v9;
	v4 =	vld [tilespmem:s17+$0x10140];
	v8 =	vadd.f32 v6, v8  }
0x73: {  	v5 =	vld [tilespmem:s17+$0x10150];
	v0 =	vmov v7  }
0x74: {  	v6 =	vld [tilespmem:s17+$0x10100];
	v1 =	vmov v12  }
0x75: {  	v7 =	vld [tilespmem:s17+$0x10110]  }
0x76: {  	v13 =	vld [tilespmem:s17+$0x100C0]  }
0x77: {  	v12 =	vld [tilespmem:s17+$0x100D0]  }
.Ltmp0:
0x78: {  	v15 =	vld [tilespmem:s17+$0x10080];
	(pc) =	sbr.rel @p1 .LBB2_3-.Ltmp0, $4  }
0x79: {  	v14 =	vld [tilespmem:s17+$0x10090]  }
0x7a: {  	v17 =	vld [tilespmem:s17+$0x10040]  }
0x7b: {  	v18 =	vld [tilespmem:s17+$0x10050]  }
0x7c: {  	s18 =	sadd.s32 $0x700, s18;
	v16 =	vld [tilespmem:s17+$0x10060]  }
0x7d: {  	v19 =	vld [tilespmem:s17+$0x10070]  }
0x7e: {  	v20 =	vld [tilespmem:s17+$0x100A0]  }
0x7f: {  	v21 =	vld [tilespmem:s17+$0x100B0];
	v11 =	vadd.f32 v17, v11  }
0x80: {  	v17 =	vld [tilespmem:s17+$0x100E0];
	v10 =	vadd.f32 v18, v10  }
0x81: {  	v18 =	vld [tilespmem:s17+$0x100F0];
	v9 =	vadd.f32 v16, v9;
	v11 =	vadd.f32 v15, v11  }
0x82: {  	v15 =	vld [tilespmem:s17+$0x10120];
	v8 =	vadd.f32 v19, v8;
	v10 =	vadd.f32 v14, v10  }
0x83: {  	v14 =	vld [tilespmem:s17+$0x10130];
	v9 =	vadd.f32 v20, v9;
	v11 =	vadd.f32 v13, v11  }
0x84: {  	v13 =	vld [tilespmem:s17+$0x10160];
	v8 =	vadd.f32 v21, v8;
	v10 =	vadd.f32 v12, v10  }
0x85: {  	v12 =	vld [tilespmem:s17+$0x10170];
	v9 =	vadd.f32 v17, v9;
	v6 =	vadd.f32 v6, v11  }
0x86: {  	v11 =	vld [tilespmem:s17+$0x101A0];
	v8 =	vadd.f32 v18, v8;
	v7 =	vadd.f32 v7, v10  }
0x87: {  	v10 =	vld [tilespmem:s17+$0x101B0];
	v9 =	vadd.f32 v15, v9;
	v4 =	vadd.f32 v4, v6  }
0x88: {  	v6 =	vadd.f32 v14, v8;
	v8 =	vld [tilespmem:s17+$0x101E0];
	v5 =	vadd.f32 v5, v7  }
0x89: {  	v7 =	vld [tilespmem:s17+$0x101F0];
	v9 =	vadd.f32 v13, v9;
	v2 =	vadd.f32 v2, v4  }
0x8a: {  	v4 =	vadd.f32 v12, v6;
	v3 =	vadd.f32 v3, v5  }
0x8b: {  	v5 =	vadd.f32 v11, v9;
	v0 =	vadd.f32 v0, v2  }
0x8c: {  	v2 =	vadd.f32 v10, v4;
	v1 =	vadd.f32 v1, v3  }
0x8d: {  	v9 =	vld [tilespmem:$0x10C90];
	v3 =	vadd.f32 v8, v5;
	[tilespmem:$0x1C800] =	vst v0  }
0x8e: {  	v11 =	vld [tilespmem:$0x10CB0];
	v0 =	vadd.f32 v7, v2;
	[tilespmem:$0x1C810] =	vst v1  }
0x8f: {  	v10 =	vld [tilespmem:$0x10CA0];
	[tilespmem:$0x1C820] =	vst v3  }
0x90: {  	s17 =	simm.s32 $0x0;
	v8 =	vld [tilespmem:$0x10C80];
	[tilespmem:$0x1C830] =	vst v0  }
0x91: {  	v0 =	vld [tilespmem:s17+$0x10E40]  }
0x92: {  	v1 =	vld [tilespmem:s17+$0x10E50]  }
0x93: {  	v2 =	vld [tilespmem:s17+$0x10E00]  }
0x94: {  	v3 =	vld [tilespmem:s17+$0x10E10]  }
0x95: {  	v4 =	vld [tilespmem:s17+$0x10DC0]  }
0x96: {  	v5 =	vld [tilespmem:s17+$0x10DD0]  }
0x97: {  	v6 =	vld [tilespmem:s17+$0x10D80]  }
0x98: {  	v7 =	vld [tilespmem:s17+$0x10D90]  }
0x99: {  	v13 =	vld [tilespmem:s17+$0x10D40]  }
0x9a: {  	v12 =	vld [tilespmem:s17+$0x10D50]  }
0x9b: {  	v15 =	vld [tilespmem:s17+$0x10D00]  }
0x9c: {  	v14 =	vld [tilespmem:s17+$0x10D10]  }
0x9d: {  	v17 =	vld [tilespmem:s17+$0x10CC0]  }
0x9e: {  	v18 =	vld [tilespmem:s17+$0x10CD0]  }
0x9f: {  	s18 =	simm.s32 $0x700;
	v16 =	vld [tilespmem:s17+$0x10CE0]  }
.LBB2_5:
0xa0: {  	p1 =	sne.s32 s18, $0x2A00;
	v19 =	vld [tilespmem:s17+$0x10CF0]  }
0xa1: {  	v20 =	vld [tilespmem:s17+$0x10D20]  }
0xa2: {  	v21 =	vld [tilespmem:s17+$0x10D30]  }
0xa3: {  	v22 =	vld [tilespmem:s17+$0x10D60]  }
0xa4: {  	v8 =	vadd.f32 v17, v8;
	v9 =	vadd.f32 v18, v9;
	v17 =	vld [tilespmem:s17+$0x10D70]  }
0xa5: {  	v10 =	vadd.f32 v16, v10;
	v11 =	vadd.f32 v19, v11;
	v16 =	vld [tilespmem:s17+$0x10DA0]  }
0xa6: {  	v8 =	vadd.f32 v15, v8;
	v9 =	vadd.f32 v14, v9;
	v14 =	vld [tilespmem:s17+$0x10DB0]  }
0xa7: {  	v10 =	vadd.f32 v20, v10;
	v11 =	vadd.f32 v21, v11;
	v15 =	vld [tilespmem:s17+$0x10DE0]  }
0xa8: {  	v8 =	vadd.f32 v13, v8;
	v9 =	vadd.f32 v12, v9;
	v12 =	vld [tilespmem:s17+$0x10DF0]  }
0xa9: {  	v10 =	vadd.f32 v22, v10;
	v11 =	vadd.f32 v17, v11;
	v13 =	vld [tilespmem:s17+$0x10E20]  }
0xaa: {  	v6 =	vadd.f32 v6, v8;
	v7 =	vadd.f32 v7, v9;
	v8 =	vld [tilespmem:s17+$0x10E30]  }
0xab: {  	v9 =	vadd.f32 v16, v10;
	v10 =	vadd.f32 v14, v11;
	v11 =	vld [tilespmem:s17+$0x10E60]  }
0xac: {  	v4 =	vadd.f32 v4, v6;
	v5 =	vadd.f32 v5, v7;
	v6 =	vld [tilespmem:s17+$0x10E70];
	s17 =	sshra.s32 s18, $0x2  }
0xad: {  	v9 =	vadd.f32 v15, v9;
	v7 =	vld [tilespmem:s17+$0x10E40];
	v10 =	vadd.f32 v12, v10  }
0xae: {  	v4 =	vadd.f32 v2, v4;
	v5 =	vadd.f32 v3, v5;
	v12 =	vld [tilespmem:s17+$0x10E50]  }
0xaf: {  	v13 =	vadd.f32 v13, v9;
	v2 =	vld [tilespmem:s17+$0x10E00];
	v14 =	vadd.f32 v8, v10  }
0xb0: {  	v8 =	vadd.f32 v0, v4;
	v9 =	vadd.f32 v1, v5;
	v3 =	vld [tilespmem:s17+$0x10E10]  }
0xb1: {  	v10 =	vadd.f32 v11, v13;
	v4 =	vld [tilespmem:s17+$0x10DC0];
	v11 =	vadd.f32 v6, v14  }
0xb2: {  	v5 =	vld [tilespmem:s17+$0x10DD0];
	v0 =	vmov v7  }
0xb3: {  	v6 =	vld [tilespmem:s17+$0x10D80];
	v1 =	vmov v12  }
0xb4: {  	v7 =	vld [tilespmem:s17+$0x10D90]  }
0xb5: {  	v13 =	vld [tilespmem:s17+$0x10D40]  }
0xb6: {  	v12 =	vld [tilespmem:s17+$0x10D50]  }
.Ltmp1:
0xb7: {  	v15 =	vld [tilespmem:s17+$0x10D00];
	(pc) =	sbr.rel @p1 .LBB2_5-.Ltmp1, $4  }
0xb8: {  	v14 =	vld [tilespmem:s17+$0x10D10]  }
0xb9: {  	v17 =	vld [tilespmem:s17+$0x10CC0]  }
0xba: {  	v18 =	vld [tilespmem:s17+$0x10CD0]  }
0xbb: {  	s18 =	sadd.s32 $0x700, s18;
	v16 =	vld [tilespmem:s17+$0x10CE0]  }
0xbc: {  	v19 =	vld [tilespmem:s17+$0x10CF0]  }
0xbd: {  	v20 =	vld [tilespmem:s17+$0x10D20]  }
0xbe: {  	v21 =	vld [tilespmem:s17+$0x10D30];
	v8 =	vadd.f32 v17, v8  }
0xbf: {  	v17 =	vld [tilespmem:s17+$0x10D60];
	v9 =	vadd.f32 v18, v9  }
0xc0: {  	v18 =	vld [tilespmem:s17+$0x10D70];
	v10 =	vadd.f32 v16, v10;
	v8 =	vadd.f32 v15, v8  }
0xc1: {  	v15 =	vld [tilespmem:s17+$0x10DA0];
	v11 =	vadd.f32 v19, v11;
	v9 =	vadd.f32 v14, v9  }
0xc2: {  	v14 =	vld [tilespmem:s17+$0x10DB0];
	v10 =	vadd.f32 v20, v10;
	v8 =	vadd.f32 v13, v8  }
0xc3: {  	v13 =	vld [tilespmem:s17+$0x10DE0];
	v11 =	vadd.f32 v21, v11;
	v9 =	vadd.f32 v12, v9  }
0xc4: {  	v12 =	vld [tilespmem:s17+$0x10DF0];
	v10 =	vadd.f32 v17, v10;
	v6 =	vadd.f32 v6, v8  }
0xc5: {  	v8 =	vadd.f32 v18, v11;
	v11 =	vld [tilespmem:s17+$0x10E20];
	v7 =	vadd.f32 v7, v9  }
0xc6: {  	v9 =	vld [tilespmem:s17+$0x10E30];
	v10 =	vadd.f32 v15, v10;
	v4 =	vadd.f32 v4, v6  }
0xc7: {  	v6 =	vadd.f32 v14, v8;
	v8 =	vld [tilespmem:s17+$0x10E60];
	v5 =	vadd.f32 v5, v7  }
0xc8: {  	v7 =	vld [tilespmem:s17+$0x10E70];
	v10 =	vadd.f32 v13, v10;
	v2 =	vadd.f32 v2, v4  }
0xc9: {  	v4 =	vadd.f32 v12, v6;
	v3 =	vadd.f32 v3, v5  }
0xca: {  	v5 =	vadd.f32 v11, v10;
	v0 =	vadd.f32 v0, v2  }
0xcb: {  	v2 =	vadd.f32 v9, v4;
	v1 =	vadd.f32 v1, v3  }
0xcc: {  	v10 =	vld [tilespmem:$0x11920];
	v3 =	vadd.f32 v8, v5;
	[tilespmem:$0x1C880] =	vst v0  }
0xcd: {  	v11 =	vld [tilespmem:$0x11930];
	v0 =	vadd.f32 v7, v2;
	[tilespmem:$0x1C890] =	vst v1  }
0xce: {  	v9 =	vld [tilespmem:$0x11910];
	[tilespmem:$0x1C8A0] =	vst v3  }
0xcf: {  	s17 =	simm.s32 $0x0;
	v8 =	vld [tilespmem:$0x11900];
	[tilespmem:$0x1C8B0] =	vst v0  }
0xd0: {  	v0 =	vld [tilespmem:s17+$0x11AC0]  }
0xd1: {  	v1 =	vld [tilespmem:s17+$0x11AD0]  }
0xd2: {  	v2 =	vld [tilespmem:s17+$0x11A80]  }
0xd3: {  	v3 =	vld [tilespmem:s17+$0x11A90]  }
0xd4: {  	v4 =	vld [tilespmem:s17+$0x11A40]  }
0xd5: {  	v5 =	vld [tilespmem:s17+$0x11A50]  }
0xd6: {  	v6 =	vld [tilespmem:s17+$0x11A00]  }
0xd7: {  	v7 =	vld [tilespmem:s17+$0x11A10]  }
0xd8: {  	v13 =	vld [tilespmem:s17+$0x119C0]  }
0xd9: {  	v12 =	vld [tilespmem:s17+$0x119D0]  }
0xda: {  	v15 =	vld [tilespmem:s17+$0x11980]  }
0xdb: {  	v14 =	vld [tilespmem:s17+$0x11990]  }
0xdc: {  	v17 =	vld [tilespmem:s17+$0x11940]  }
0xdd: {  	v18 =	vld [tilespmem:s17+$0x11950]  }
0xde: {  	s18 =	simm.s32 $0x700;
	v16 =	vld [tilespmem:s17+$0x11960]  }
.LBB2_7:
0xdf: {  	p1 =	sne.s32 s18, $0x2A00;
	v19 =	vld [tilespmem:s17+$0x11970]  }
0xe0: {  	v20 =	vld [tilespmem:s17+$0x119A0]  }
0xe1: {  	v21 =	vld [tilespmem:s17+$0x119B0]  }
0xe2: {  	v22 =	vld [tilespmem:s17+$0x119E0]  }
0xe3: {  	v8 =	vadd.f32 v17, v8;
	v9 =	vadd.f32 v18, v9;
	v17 =	vld [tilespmem:s17+$0x119F0]  }
0xe4: {  	v10 =	vadd.f32 v16, v10;
	v11 =	vadd.f32 v19, v11;
	v16 =	vld [tilespmem:s17+$0x11A20]  }
0xe5: {  	v8 =	vadd.f32 v15, v8;
	v9 =	vadd.f32 v14, v9;
	v14 =	vld [tilespmem:s17+$0x11A30]  }
0xe6: {  	v10 =	vadd.f32 v20, v10;
	v11 =	vadd.f32 v21, v11;
	v15 =	vld [tilespmem:s17+$0x11A60]  }
0xe7: {  	v8 =	vadd.f32 v13, v8;
	v9 =	vadd.f32 v12, v9;
	v12 =	vld [tilespmem:s17+$0x11A70]  }
0xe8: {  	v10 =	vadd.f32 v22, v10;
	v11 =	vadd.f32 v17, v11;
	v13 =	vld [tilespmem:s17+$0x11AA0]  }
0xe9: {  	v6 =	vadd.f32 v6, v8;
	v7 =	vadd.f32 v7, v9;
	v8 =	vld [tilespmem:s17+$0x11AB0]  }
0xea: {  	v9 =	vadd.f32 v16, v10;
	v10 =	vadd.f32 v14, v11;
	v11 =	vld [tilespmem:s17+$0x11AE0]  }
0xeb: {  	v4 =	vadd.f32 v4, v6;
	v5 =	vadd.f32 v5, v7;
	v6 =	vld [tilespmem:s17+$0x11AF0];
	s17 =	sshra.s32 s18, $0x2  }
0xec: {  	v9 =	vadd.f32 v15, v9;
	v7 =	vld [tilespmem:s17+$0x11AC0];
	v10 =	vadd.f32 v12, v10  }
0xed: {  	v4 =	vadd.f32 v2, v4;
	v5 =	vadd.f32 v3, v5;
	v12 =	vld [tilespmem:s17+$0x11AD0]  }
0xee: {  	v13 =	vadd.f32 v13, v9;
	v2 =	vld [tilespmem:s17+$0x11A80];
	v14 =	vadd.f32 v8, v10  }
0xef: {  	v8 =	vadd.f32 v0, v4;
	v9 =	vadd.f32 v1, v5;
	v3 =	vld [tilespmem:s17+$0x11A90]  }
0xf0: {  	v10 =	vadd.f32 v11, v13;
	v4 =	vld [tilespmem:s17+$0x11A40];
	v11 =	vadd.f32 v6, v14  }
0xf1: {  	v5 =	vld [tilespmem:s17+$0x11A50];
	v0 =	vmov v7  }
0xf2: {  	v6 =	vld [tilespmem:s17+$0x11A00];
	v1 =	vmov v12  }
0xf3: {  	v7 =	vld [tilespmem:s17+$0x11A10]  }
0xf4: {  	v13 =	vld [tilespmem:s17+$0x119C0]  }
0xf5: {  	v12 =	vld [tilespmem:s17+$0x119D0]  }
.Ltmp2:
0xf6: {  	v15 =	vld [tilespmem:s17+$0x11980];
	(pc) =	sbr.rel @p1 .LBB2_7-.Ltmp2, $4  }
0xf7: {  	v14 =	vld [tilespmem:s17+$0x11990]  }
0xf8: {  	v17 =	vld [tilespmem:s17+$0x11940]  }
0xf9: {  	v18 =	vld [tilespmem:s17+$0x11950]  }
0xfa: {  	s18 =	sadd.s32 $0x700, s18;
	v16 =	vld [tilespmem:s17+$0x11960]  }
0xfb: {  	v19 =	vld [tilespmem:s17+$0x11970]  }
0xfc: {  	v20 =	vld [tilespmem:s17+$0x119A0]  }
0xfd: {  	v21 =	vld [tilespmem:s17+$0x119B0];
	v8 =	vadd.f32 v17, v8  }
0xfe: {  	v17 =	vld [tilespmem:s17+$0x119E0];
	v9 =	vadd.f32 v18, v9  }
0xff: {  	v18 =	vld [tilespmem:s17+$0x119F0];
	v10 =	vadd.f32 v16, v10;
	v8 =	vadd.f32 v15, v8  }
0x100: {  	v15 =	vld [tilespmem:s17+$0x11A20];
	v11 =	vadd.f32 v19, v11;
	v9 =	vadd.f32 v14, v9  }
0x101: {  	v14 =	vld [tilespmem:s17+$0x11A30];
	v10 =	vadd.f32 v20, v10;
	v8 =	vadd.f32 v13, v8  }
0x102: {  	v13 =	vld [tilespmem:s17+$0x11A60];
	v11 =	vadd.f32 v21, v11;
	v9 =	vadd.f32 v12, v9  }
0x103: {  	v12 =	vld [tilespmem:s17+$0x11A70];
	v10 =	vadd.f32 v17, v10;
	v6 =	vadd.f32 v6, v8  }
0x104: {  	v8 =	vadd.f32 v18, v11;
	v11 =	vld [tilespmem:s17+$0x11AA0];
	v7 =	vadd.f32 v7, v9  }
0x105: {  	v9 =	vld [tilespmem:s17+$0x11AB0];
	v10 =	vadd.f32 v15, v10;
	v4 =	vadd.f32 v4, v6  }
0x106: {  	v6 =	vadd.f32 v14, v8;
	v8 =	vld [tilespmem:s17+$0x11AE0];
	v5 =	vadd.f32 v5, v7  }
0x107: {  	v7 =	vld [tilespmem:s17+$0x11AF0];
	v10 =	vadd.f32 v13, v10;
	v2 =	vadd.f32 v2, v4  }
0x108: {  	v4 =	vadd.f32 v12, v6;
	v3 =	vadd.f32 v3, v5  }
0x109: {  	v5 =	vadd.f32 v11, v10;
	v0 =	vadd.f32 v0, v2  }
0x10a: {  	v2 =	vadd.f32 v9, v4;
	v1 =	vadd.f32 v1, v3  }
0x10b: {  	v10 =	vld [tilespmem:$0x125A0];
	v3 =	vadd.f32 v8, v5;
	[tilespmem:$0x1C900] =	vst v0  }
0x10c: {  	v11 =	vld [tilespmem:$0x125B0];
	v0 =	vadd.f32 v7, v2;
	[tilespmem:$0x1C910] =	vst v1  }
0x10d: {  	v9 =	vld [tilespmem:$0x12590];
	[tilespmem:$0x1C920] =	vst v3  }
0x10e: {  	s17 =	simm.s32 $0x0;
	v8 =	vld [tilespmem:$0x12580];
	[tilespmem:$0x1C930] =	vst v0  }
0x10f: {  	v0 =	vld [tilespmem:s17+$0x12740]  }
0x110: {  	v1 =	vld [tilespmem:s17+$0x12750]  }
0x111: {  	v2 =	vld [tilespmem:s17+$0x12700]  }
0x112: {  	v3 =	vld [tilespmem:s17+$0x12710]  }
0x113: {  	v4 =	vld [tilespmem:s17+$0x126C0]  }
0x114: {  	v5 =	vld [tilespmem:s17+$0x126D0]  }
0x115: {  	v6 =	vld [tilespmem:s17+$0x12680]  }
0x116: {  	v7 =	vld [tilespmem:s17+$0x12690]  }
0x117: {  	v13 =	vld [tilespmem:s17+$0x12640]  }
0x118: {  	v12 =	vld [tilespmem:s17+$0x12650]  }
0x119: {  	v15 =	vld [tilespmem:s17+$0x12600]  }
0x11a: {  	v14 =	vld [tilespmem:s17+$0x12610]  }
0x11b: {  	v17 =	vld [tilespmem:s17+$0x125C0]  }
0x11c: {  	v18 =	vld [tilespmem:s17+$0x125D0]  }
0x11d: {  	s18 =	simm.s32 $0x700;
	v16 =	vld [tilespmem:s17+$0x125E0]  }
.LBB2_9:
0x11e: {  	p1 =	sne.s32 s18, $0x2A00;
	v19 =	vld [tilespmem:s17+$0x125F0]  }
0x11f: {  	v20 =	vld [tilespmem:s17+$0x12620]  }
0x120: {  	v21 =	vld [tilespmem:s17+$0x12630]  }
0x121: {  	v22 =	vld [tilespmem:s17+$0x12660]  }
0x122: {  	v8 =	vadd.f32 v17, v8;
	v9 =	vadd.f32 v18, v9;
	v17 =	vld [tilespmem:s17+$0x12670]  }
0x123: {  	v10 =	vadd.f32 v16, v10;
	v11 =	vadd.f32 v19, v11;
	v16 =	vld [tilespmem:s17+$0x126A0]  }
0x124: {  	v8 =	vadd.f32 v15, v8;
	v9 =	vadd.f32 v14, v9;
	v14 =	vld [tilespmem:s17+$0x126B0]  }
0x125: {  	v10 =	vadd.f32 v20, v10;
	v11 =	vadd.f32 v21, v11;
	v15 =	vld [tilespmem:s17+$0x126E0]  }
0x126: {  	v8 =	vadd.f32 v13, v8;
	v9 =	vadd.f32 v12, v9;
	v12 =	vld [tilespmem:s17+$0x126F0]  }
0x127: {  	v10 =	vadd.f32 v22, v10;
	v11 =	vadd.f32 v17, v11;
	v13 =	vld [tilespmem:s17+$0x12720]  }
0x128: {  	v6 =	vadd.f32 v6, v8;
	v7 =	vadd.f32 v7, v9;
	v8 =	vld [tilespmem:s17+$0x12730]  }
0x129: {  	v9 =	vadd.f32 v16, v10;
	v10 =	vadd.f32 v14, v11;
	v11 =	vld [tilespmem:s17+$0x12760]  }
0x12a: {  	v4 =	vadd.f32 v4, v6;
	v5 =	vadd.f32 v5, v7;
	v6 =	vld [tilespmem:s17+$0x12770];
	s17 =	sshra.s32 s18, $0x2  }
0x12b: {  	v9 =	vadd.f32 v15, v9;
	v7 =	vld [tilespmem:s17+$0x12740];
	v10 =	vadd.f32 v12, v10  }
0x12c: {  	v4 =	vadd.f32 v2, v4;
	v5 =	vadd.f32 v3, v5;
	v12 =	vld [tilespmem:s17+$0x12750]  }
0x12d: {  	v13 =	vadd.f32 v13, v9;
	v2 =	vld [tilespmem:s17+$0x12700];
	v14 =	vadd.f32 v8, v10  }
0x12e: {  	v8 =	vadd.f32 v0, v4;
	v9 =	vadd.f32 v1, v5;
	v3 =	vld [tilespmem:s17+$0x12710]  }
0x12f: {  	v10 =	vadd.f32 v11, v13;
	v4 =	vld [tilespmem:s17+$0x126C0];
	v11 =	vadd.f32 v6, v14  }
0x130: {  	v5 =	vld [tilespmem:s17+$0x126D0];
	v0 =	vmov v7  }
0x131: {  	v6 =	vld [tilespmem:s17+$0x12680];
	v1 =	vmov v12  }
0x132: {  	v7 =	vld [tilespmem:s17+$0x12690]  }
0x133: {  	v13 =	vld [tilespmem:s17+$0x12640]  }
0x134: {  	v12 =	vld [tilespmem:s17+$0x12650]  }
.Ltmp3:
0x135: {  	v15 =	vld [tilespmem:s17+$0x12600];
	(pc) =	sbr.rel @p1 .LBB2_9-.Ltmp3, $4  }
0x136: {  	v14 =	vld [tilespmem:s17+$0x12610]  }
0x137: {  	v17 =	vld [tilespmem:s17+$0x125C0]  }
0x138: {  	v18 =	vld [tilespmem:s17+$0x125D0]  }
0x139: {  	s18 =	sadd.s32 $0x700, s18;
	v16 =	vld [tilespmem:s17+$0x125E0]  }
0x13a: {  	v19 =	vld [tilespmem:s17+$0x125F0]  }
0x13b: {  	v20 =	vld [tilespmem:s17+$0x12620]  }
0x13c: {  	v21 =	vld [tilespmem:s17+$0x12630];
	v8 =	vadd.f32 v17, v8  }
0x13d: {  	v17 =	vld [tilespmem:s17+$0x12660];
	v9 =	vadd.f32 v18, v9  }
0x13e: {  	v18 =	vld [tilespmem:s17+$0x12670];
	v10 =	vadd.f32 v16, v10;
	v8 =	vadd.f32 v15, v8  }
0x13f: {  	v15 =	vld [tilespmem:s17+$0x126A0];
	v11 =	vadd.f32 v19, v11;
	v9 =	vadd.f32 v14, v9  }
0x140: {  	v14 =	vld [tilespmem:s17+$0x126B0];
	v10 =	vadd.f32 v20, v10;
	v8 =	vadd.f32 v13, v8  }
0x141: {  	v13 =	vld [tilespmem:s17+$0x126E0];
	v11 =	vadd.f32 v21, v11;
	v9 =	vadd.f32 v12, v9  }
0x142: {  	v12 =	vld [tilespmem:s17+$0x126F0];
	v10 =	vadd.f32 v17, v10;
	v6 =	vadd.f32 v6, v8  }
0x143: {  	v8 =	vadd.f32 v18, v11;
	v11 =	vld [tilespmem:s17+$0x12720];
	v7 =	vadd.f32 v7, v9  }
0x144: {  	v9 =	vld [tilespmem:s17+$0x12730];
	v10 =	vadd.f32 v15, v10;
	v4 =	vadd.f32 v4, v6  }
0x145: {  	v6 =	vadd.f32 v14, v8;
	v8 =	vld [tilespmem:s17+$0x12760];
	v5 =	vadd.f32 v5, v7  }
0x146: {  	v7 =	vld [tilespmem:s17+$0x12770];
	v10 =	vadd.f32 v13, v10;
	v2 =	vadd.f32 v2, v4  }
0x147: {  	v4 =	vadd.f32 v12, v6;
	v3 =	vadd.f32 v3, v5  }
0x148: {  	v5 =	vadd.f32 v11, v10;
	v0 =	vadd.f32 v0, v2  }
0x149: {  	v2 =	vadd.f32 v9, v4;
	v1 =	vadd.f32 v1, v3  }
0x14a: {  	v10 =	vld [tilespmem:$0x13220];
	v3 =	vadd.f32 v8, v5;
	[tilespmem:$0x1C980] =	vst v0  }
0x14b: {  	v11 =	vld [tilespmem:$0x13230];
	v0 =	vadd.f32 v7, v2;
	[tilespmem:$0x1C990] =	vst v1  }
0x14c: {  	v9 =	vld [tilespmem:$0x13210];
	[tilespmem:$0x1C9A0] =	vst v3  }
0x14d: {  	s17 =	simm.s32 $0x0;
	v8 =	vld [tilespmem:$0x13200];
	[tilespmem:$0x1C9B0] =	vst v0  }
0x14e: {  	v0 =	vld [tilespmem:s17+$0x133C0]  }
0x14f: {  	v1 =	vld [tilespmem:s17+$0x133D0]  }
0x150: {  	v2 =	vld [tilespmem:s17+$0x13380]  }
0x151: {  	v3 =	vld [tilespmem:s17+$0x13390]  }
0x152: {  	v4 =	vld [tilespmem:s17+$0x13340]  }
0x153: {  	v5 =	vld [tilespmem:s17+$0x13350]  }
0x154: {  	v6 =	vld [tilespmem:s17+$0x13300]  }
0x155: {  	v7 =	vld [tilespmem:s17+$0x13310]  }
0x156: {  	v13 =	vld [tilespmem:s17+$0x132C0]  }
0x157: {  	v12 =	vld [tilespmem:s17+$0x132D0]  }
0x158: {  	v15 =	vld [tilespmem:s17+$0x13280]  }
0x159: {  	v14 =	vld [tilespmem:s17+$0x13290]  }
0x15a: {  	v17 =	vld [tilespmem:s17+$0x13240]  }
0x15b: {  	v18 =	vld [tilespmem:s17+$0x13250]  }
0x15c: {  	s18 =	simm.s32 $0x700;
	v16 =	vld [tilespmem:s17+$0x13260]  }
.LBB2_11:
0x15d: {  	p1 =	sne.s32 s18, $0x2A00;
	v19 =	vld [tilespmem:s17+$0x13270]  }
0x15e: {  	v20 =	vld [tilespmem:s17+$0x132A0]  }
0x15f: {  	v21 =	vld [tilespmem:s17+$0x132B0]  }
0x160: {  	v22 =	vld [tilespmem:s17+$0x132E0]  }
0x161: {  	v8 =	vadd.f32 v17, v8;
	v9 =	vadd.f32 v18, v9;
	v17 =	vld [tilespmem:s17+$0x132F0]  }
0x162: {  	v10 =	vadd.f32 v16, v10;
	v11 =	vadd.f32 v19, v11;
	v16 =	vld [tilespmem:s17+$0x13320]  }
0x163: {  	v8 =	vadd.f32 v15, v8;
	v9 =	vadd.f32 v14, v9;
	v14 =	vld [tilespmem:s17+$0x13330]  }
0x164: {  	v10 =	vadd.f32 v20, v10;
	v11 =	vadd.f32 v21, v11;
	v15 =	vld [tilespmem:s17+$0x13360]  }
0x165: {  	v8 =	vadd.f32 v13, v8;
	v9 =	vadd.f32 v12, v9;
	v12 =	vld [tilespmem:s17+$0x13370]  }
0x166: {  	v10 =	vadd.f32 v22, v10;
	v11 =	vadd.f32 v17, v11;
	v13 =	vld [tilespmem:s17+$0x133A0]  }
0x167: {  	v6 =	vadd.f32 v6, v8;
	v7 =	vadd.f32 v7, v9;
	v8 =	vld [tilespmem:s17+$0x133B0]  }
0x168: {  	v9 =	vadd.f32 v16, v10;
	v10 =	vadd.f32 v14, v11;
	v11 =	vld [tilespmem:s17+$0x133E0]  }
0x169: {  	v4 =	vadd.f32 v4, v6;
	v5 =	vadd.f32 v5, v7;
	v6 =	vld [tilespmem:s17+$0x133F0];
	s17 =	sshra.s32 s18, $0x2  }
0x16a: {  	v9 =	vadd.f32 v15, v9;
	v7 =	vld [tilespmem:s17+$0x133C0];
	v10 =	vadd.f32 v12, v10  }
0x16b: {  	v4 =	vadd.f32 v2, v4;
	v5 =	vadd.f32 v3, v5;
	v12 =	vld [tilespmem:s17+$0x133D0]  }
0x16c: {  	v13 =	vadd.f32 v13, v9;
	v2 =	vld [tilespmem:s17+$0x13380];
	v14 =	vadd.f32 v8, v10  }
0x16d: {  	v8 =	vadd.f32 v0, v4;
	v9 =	vadd.f32 v1, v5;
	v3 =	vld [tilespmem:s17+$0x13390]  }
0x16e: {  	v10 =	vadd.f32 v11, v13;
	v4 =	vld [tilespmem:s17+$0x13340];
	v11 =	vadd.f32 v6, v14  }
0x16f: {  	v5 =	vld [tilespmem:s17+$0x13350];
	v0 =	vmov v7  }
0x170: {  	v6 =	vld [tilespmem:s17+$0x13300];
	v1 =	vmov v12  }
0x171: {  	v7 =	vld [tilespmem:s17+$0x13310]  }
0x172: {  	v13 =	vld [tilespmem:s17+$0x132C0]  }
0x173: {  	v12 =	vld [tilespmem:s17+$0x132D0]  }
.Ltmp4:
0x174: {  	v15 =	vld [tilespmem:s17+$0x13280];
	(pc) =	sbr.rel @p1 .LBB2_11-.Ltmp4, $4  }
0x175: {  	v14 =	vld [tilespmem:s17+$0x13290]  }
0x176: {  	v17 =	vld [tilespmem:s17+$0x13240]  }
0x177: {  	v18 =	vld [tilespmem:s17+$0x13250]  }
0x178: {  	s18 =	sadd.s32 $0x700, s18;
	v16 =	vld [tilespmem:s17+$0x13260]  }
0x179: {  	v19 =	vld [tilespmem:s17+$0x13270]  }
0x17a: {  	v20 =	vld [tilespmem:s17+$0x132A0]  }
0x17b: {  	v21 =	vld [tilespmem:s17+$0x132B0];
	v8 =	vadd.f32 v17, v8  }
0x17c: {  	v17 =	vld [tilespmem:s17+$0x132E0];
	v9 =	vadd.f32 v18, v9  }
0x17d: {  	v18 =	vld [tilespmem:s17+$0x132F0];
	v10 =	vadd.f32 v16, v10;
	v8 =	vadd.f32 v15, v8  }
0x17e: {  	v15 =	vld [tilespmem:s17+$0x13320];
	v11 =	vadd.f32 v19, v11;
	v9 =	vadd.f32 v14, v9  }
0x17f: {  	v14 =	vld [tilespmem:s17+$0x13330];
	v10 =	vadd.f32 v20, v10;
	v8 =	vadd.f32 v13, v8  }
0x180: {  	v13 =	vld [tilespmem:s17+$0x13360];
	v11 =	vadd.f32 v21, v11;
	v9 =	vadd.f32 v12, v9  }
0x181: {  	v12 =	vld [tilespmem:s17+$0x13370];
	v10 =	vadd.f32 v17, v10;
	v6 =	vadd.f32 v6, v8  }
0x182: {  	v8 =	vadd.f32 v18, v11;
	v11 =	vld [tilespmem:s17+$0x133A0];
	v7 =	vadd.f32 v7, v9  }
0x183: {  	v9 =	vld [tilespmem:s17+$0x133B0];
	v10 =	vadd.f32 v15, v10;
	v4 =	vadd.f32 v4, v6  }
0x184: {  	v6 =	vadd.f32 v14, v8;
	v8 =	vld [tilespmem:s17+$0x133E0];
	v5 =	vadd.f32 v5, v7  }
0x185: {  	v7 =	vld [tilespmem:s17+$0x133F0];
	v10 =	vadd.f32 v13, v10;
	v2 =	vadd.f32 v2, v4  }
0x186: {  	v4 =	vadd.f32 v12, v6;
	v3 =	vadd.f32 v3, v5  }
0x187: {  	v5 =	vadd.f32 v11, v10;
	v0 =	vadd.f32 v0, v2  }
0x188: {  	v2 =	vadd.f32 v9, v4;
	v1 =	vadd.f32 v1, v3  }
0x189: {  	v10 =	vld [tilespmem:$0x13EA0];
	v3 =	vadd.f32 v8, v5;
	[tilespmem:$0x1CA00] =	vst v0  }
0x18a: {  	v11 =	vld [tilespmem:$0x13EB0];
	v0 =	vadd.f32 v7, v2;
	[tilespmem:$0x1CA10] =	vst v1  }
0x18b: {  	v9 =	vld [tilespmem:$0x13E90];
	[tilespmem:$0x1CA20] =	vst v3  }
0x18c: {  	s17 =	simm.s32 $0x0;
	v8 =	vld [tilespmem:$0x13E80];
	[tilespmem:$0x1CA30] =	vst v0  }
0x18d: {  	v0 =	vld [tilespmem:s17+$0x14040]  }
0x18e: {  	v1 =	vld [tilespmem:s17+$0x14050]  }
0x18f: {  	v2 =	vld [tilespmem:s17+$0x14000]  }
0x190: {  	v3 =	vld [tilespmem:s17+$0x14010]  }
0x191: {  	v4 =	vld [tilespmem:s17+$0x13FC0]  }
0x192: {  	v5 =	vld [tilespmem:s17+$0x13FD0]  }
0x193: {  	v6 =	vld [tilespmem:s17+$0x13F80]  }
0x194: {  	v7 =	vld [tilespmem:s17+$0x13F90]  }
0x195: {  	v13 =	vld [tilespmem:s17+$0x13F40]  }
0x196: {  	v12 =	vld [tilespmem:s17+$0x13F50]  }
0x197: {  	v15 =	vld [tilespmem:s17+$0x13F00]  }
0x198: {  	v14 =	vld [tilespmem:s17+$0x13F10]  }
0x199: {  	v17 =	vld [tilespmem:s17+$0x13EC0]  }
0x19a: {  	v18 =	vld [tilespmem:s17+$0x13ED0]  }
0x19b: {  	s18 =	simm.s32 $0x700;
	v16 =	vld [tilespmem:s17+$0x13EE0]  }
.LBB2_13:
0x19c: {  	p1 =	sne.s32 s18, $0x2A00;
	v19 =	vld [tilespmem:s17+$0x13EF0]  }
0x19d: {  	v20 =	vld [tilespmem:s17+$0x13F20]  }
0x19e: {  	v21 =	vld [tilespmem:s17+$0x13F30]  }
0x19f: {  	v22 =	vld [tilespmem:s17+$0x13F60]  }
0x1a0: {  	v8 =	vadd.f32 v17, v8;
	v9 =	vadd.f32 v18, v9;
	v17 =	vld [tilespmem:s17+$0x13F70]  }
0x1a1: {  	v10 =	vadd.f32 v16, v10;
	v11 =	vadd.f32 v19, v11;
	v16 =	vld [tilespmem:s17+$0x13FA0]  }
0x1a2: {  	v8 =	vadd.f32 v15, v8;
	v9 =	vadd.f32 v14, v9;
	v14 =	vld [tilespmem:s17+$0x13FB0]  }
0x1a3: {  	v10 =	vadd.f32 v20, v10;
	v11 =	vadd.f32 v21, v11;
	v15 =	vld [tilespmem:s17+$0x13FE0]  }
0x1a4: {  	v8 =	vadd.f32 v13, v8;
	v9 =	vadd.f32 v12, v9;
	v12 =	vld [tilespmem:s17+$0x13FF0]  }
0x1a5: {  	v10 =	vadd.f32 v22, v10;
	v11 =	vadd.f32 v17, v11;
	v13 =	vld [tilespmem:s17+$0x14020]  }
0x1a6: {  	v6 =	vadd.f32 v6, v8;
	v7 =	vadd.f32 v7, v9;
	v8 =	vld [tilespmem:s17+$0x14030]  }
0x1a7: {  	v9 =	vadd.f32 v16, v10;
	v10 =	vadd.f32 v14, v11;
	v11 =	vld [tilespmem:s17+$0x14060]  }
0x1a8: {  	v4 =	vadd.f32 v4, v6;
	v5 =	vadd.f32 v5, v7;
	v6 =	vld [tilespmem:s17+$0x14070];
	s17 =	sshra.s32 s18, $0x2  }
0x1a9: {  	v9 =	vadd.f32 v15, v9;
	v7 =	vld [tilespmem:s17+$0x14040];
	v10 =	vadd.f32 v12, v10  }
0x1aa: {  	v4 =	vadd.f32 v2, v4;
	v5 =	vadd.f32 v3, v5;
	v12 =	vld [tilespmem:s17+$0x14050]  }
0x1ab: {  	v13 =	vadd.f32 v13, v9;
	v2 =	vld [tilespmem:s17+$0x14000];
	v14 =	vadd.f32 v8, v10  }
0x1ac: {  	v8 =	vadd.f32 v0, v4;
	v9 =	vadd.f32 v1, v5;
	v3 =	vld [tilespmem:s17+$0x14010]  }
0x1ad: {  	v10 =	vadd.f32 v11, v13;
	v4 =	vld [tilespmem:s17+$0x13FC0];
	v11 =	vadd.f32 v6, v14  }
0x1ae: {  	v5 =	vld [tilespmem:s17+$0x13FD0];
	v0 =	vmov v7  }
0x1af: {  	v6 =	vld [tilespmem:s17+$0x13F80];
	v1 =	vmov v12  }
0x1b0: {  	v7 =	vld [tilespmem:s17+$0x13F90]  }
0x1b1: {  	v13 =	vld [tilespmem:s17+$0x13F40]  }
0x1b2: {  	v12 =	vld [tilespmem:s17+$0x13F50]  }
.Ltmp5:
0x1b3: {  	v15 =	vld [tilespmem:s17+$0x13F00];
	(pc) =	sbr.rel @p1 .LBB2_13-.Ltmp5, $4  }
0x1b4: {  	v14 =	vld [tilespmem:s17+$0x13F10]  }
0x1b5: {  	v17 =	vld [tilespmem:s17+$0x13EC0]  }
0x1b6: {  	v18 =	vld [tilespmem:s17+$0x13ED0]  }
0x1b7: {  	s18 =	sadd.s32 $0x700, s18;
	v16 =	vld [tilespmem:s17+$0x13EE0]  }
0x1b8: {  	v19 =	vld [tilespmem:s17+$0x13EF0]  }
0x1b9: {  	v20 =	vld [tilespmem:s17+$0x13F20]  }
0x1ba: {  	v21 =	vld [tilespmem:s17+$0x13F30];
	v8 =	vadd.f32 v17, v8  }
0x1bb: {  	v17 =	vld [tilespmem:s17+$0x13F60];
	v9 =	vadd.f32 v18, v9  }
0x1bc: {  	v18 =	vld [tilespmem:s17+$0x13F70];
	v10 =	vadd.f32 v16, v10;
	v8 =	vadd.f32 v15, v8  }
0x1bd: {  	v15 =	vld [tilespmem:s17+$0x13FA0];
	v11 =	vadd.f32 v19, v11;
	v9 =	vadd.f32 v14, v9  }
0x1be: {  	v14 =	vld [tilespmem:s17+$0x13FB0];
	v10 =	vadd.f32 v20, v10;
	v8 =	vadd.f32 v13, v8  }
0x1bf: {  	v13 =	vld [tilespmem:s17+$0x13FE0];
	v11 =	vadd.f32 v21, v11;
	v9 =	vadd.f32 v12, v9  }
0x1c0: {  	v12 =	vld [tilespmem:s17+$0x13FF0];
	v10 =	vadd.f32 v17, v10;
	v6 =	vadd.f32 v6, v8  }
0x1c1: {  	v8 =	vadd.f32 v18, v11;
	v11 =	vld [tilespmem:s17+$0x14020];
	v7 =	vadd.f32 v7, v9  }
0x1c2: {  	v9 =	vld [tilespmem:s17+$0x14030];
	v10 =	vadd.f32 v15, v10;
	v4 =	vadd.f32 v4, v6  }
0x1c3: {  	v6 =	vadd.f32 v14, v8;
	v8 =	vld [tilespmem:s17+$0x14060];
	v5 =	vadd.f32 v5, v7  }
0x1c4: {  	v7 =	vld [tilespmem:s17+$0x14070];
	v10 =	vadd.f32 v13, v10;
	v2 =	vadd.f32 v2, v4  }
0x1c5: {  	v4 =	vadd.f32 v12, v6;
	v3 =	vadd.f32 v3, v5  }
0x1c6: {  	v5 =	vadd.f32 v11, v10;
	v0 =	vadd.f32 v0, v2  }
0x1c7: {  	v2 =	vadd.f32 v9, v4;
	v1 =	vadd.f32 v1, v3  }
0x1c8: {  	v10 =	vld [tilespmem:$0x14B20];
	v3 =	vadd.f32 v8, v5;
	[tilespmem:$0x1CA80] =	vst v0  }
0x1c9: {  	v11 =	vld [tilespmem:$0x14B30];
	v0 =	vadd.f32 v7, v2;
	[tilespmem:$0x1CA90] =	vst v1  }
0x1ca: {  	v9 =	vld [tilespmem:$0x14B10];
	[tilespmem:$0x1CAA0] =	vst v3  }
0x1cb: {  	s17 =	simm.s32 $0x0;
	v8 =	vld [tilespmem:$0x14B00];
	[tilespmem:$0x1CAB0] =	vst v0  }
0x1cc: {  	v0 =	vld [tilespmem:s17+$0x14CC0]  }
0x1cd: {  	v1 =	vld [tilespmem:s17+$0x14CD0]  }
0x1ce: {  	v2 =	vld [tilespmem:s17+$0x14C80]  }
0x1cf: {  	v3 =	vld [tilespmem:s17+$0x14C90]  }
0x1d0: {  	v4 =	vld [tilespmem:s17+$0x14C40]  }
0x1d1: {  	v5 =	vld [tilespmem:s17+$0x14C50]  }
0x1d2: {  	v6 =	vld [tilespmem:s17+$0x14C00]  }
0x1d3: {  	v7 =	vld [tilespmem:s17+$0x14C10]  }
0x1d4: {  	v13 =	vld [tilespmem:s17+$0x14BC0]  }
0x1d5: {  	v12 =	vld [tilespmem:s17+$0x14BD0]  }
0x1d6: {  	v15 =	vld [tilespmem:s17+$0x14B80]  }
0x1d7: {  	v14 =	vld [tilespmem:s17+$0x14B90]  }
0x1d8: {  	v17 =	vld [tilespmem:s17+$0x14B40]  }
0x1d9: {  	v18 =	vld [tilespmem:s17+$0x14B50]  }
0x1da: {  	s18 =	simm.s32 $0x700;
	v16 =	vld [tilespmem:s17+$0x14B60]  }
.LBB2_15:
0x1db: {  	p1 =	sne.s32 s18, $0x2A00;
	v19 =	vld [tilespmem:s17+$0x14B70]  }
0x1dc: {  	v20 =	vld [tilespmem:s17+$0x14BA0]  }
0x1dd: {  	v21 =	vld [tilespmem:s17+$0x14BB0]  }
0x1de: {  	v22 =	vld [tilespmem:s17+$0x14BE0]  }
0x1df: {  	v8 =	vadd.f32 v17, v8;
	v9 =	vadd.f32 v18, v9;
	v17 =	vld [tilespmem:s17+$0x14BF0]  }
0x1e0: {  	v10 =	vadd.f32 v16, v10;
	v11 =	vadd.f32 v19, v11;
	v16 =	vld [tilespmem:s17+$0x14C20]  }
0x1e1: {  	v8 =	vadd.f32 v15, v8;
	v9 =	vadd.f32 v14, v9;
	v14 =	vld [tilespmem:s17+$0x14C30]  }
0x1e2: {  	v10 =	vadd.f32 v20, v10;
	v11 =	vadd.f32 v21, v11;
	v15 =	vld [tilespmem:s17+$0x14C60]  }
0x1e3: {  	v8 =	vadd.f32 v13, v8;
	v9 =	vadd.f32 v12, v9;
	v12 =	vld [tilespmem:s17+$0x14C70]  }
0x1e4: {  	v10 =	vadd.f32 v22, v10;
	v11 =	vadd.f32 v17, v11;
	v13 =	vld [tilespmem:s17+$0x14CA0]  }
0x1e5: {  	v6 =	vadd.f32 v6, v8;
	v7 =	vadd.f32 v7, v9;
	v8 =	vld [tilespmem:s17+$0x14CB0]  }
0x1e6: {  	v9 =	vadd.f32 v16, v10;
	v10 =	vadd.f32 v14, v11;
	v11 =	vld [tilespmem:s17+$0x14CE0]  }
0x1e7: {  	v4 =	vadd.f32 v4, v6;
	v5 =	vadd.f32 v5, v7;
	v6 =	vld [tilespmem:s17+$0x14CF0];
	s17 =	sshra.s32 s18, $0x2  }
0x1e8: {  	v9 =	vadd.f32 v15, v9;
	v7 =	vld [tilespmem:s17+$0x14CC0];
	v10 =	vadd.f32 v12, v10  }
0x1e9: {  	v4 =	vadd.f32 v2, v4;
	v5 =	vadd.f32 v3, v5;
	v12 =	vld [tilespmem:s17+$0x14CD0]  }
0x1ea: {  	v13 =	vadd.f32 v13, v9;
	v2 =	vld [tilespmem:s17+$0x14C80];
	v14 =	vadd.f32 v8, v10  }
0x1eb: {  	v8 =	vadd.f32 v0, v4;
	v9 =	vadd.f32 v1, v5;
	v3 =	vld [tilespmem:s17+$0x14C90]  }
0x1ec: {  	v10 =	vadd.f32 v11, v13;
	v4 =	vld [tilespmem:s17+$0x14C40];
	v11 =	vadd.f32 v6, v14  }
0x1ed: {  	v5 =	vld [tilespmem:s17+$0x14C50];
	v0 =	vmov v7  }
0x1ee: {  	v6 =	vld [tilespmem:s17+$0x14C00];
	v1 =	vmov v12  }
0x1ef: {  	v7 =	vld [tilespmem:s17+$0x14C10]  }
0x1f0: {  	v13 =	vld [tilespmem:s17+$0x14BC0]  }
0x1f1: {  	v12 =	vld [tilespmem:s17+$0x14BD0]  }
.Ltmp6:
0x1f2: {  	v15 =	vld [tilespmem:s17+$0x14B80];
	(pc) =	sbr.rel @p1 .LBB2_15-.Ltmp6, $4  }
0x1f3: {  	v14 =	vld [tilespmem:s17+$0x14B90]  }
0x1f4: {  	v17 =	vld [tilespmem:s17+$0x14B40]  }
0x1f5: {  	v18 =	vld [tilespmem:s17+$0x14B50]  }
0x1f6: {  	s18 =	sadd.s32 $0x700, s18;
	v16 =	vld [tilespmem:s17+$0x14B60]  }
0x1f7: {  	v19 =	vld [tilespmem:s17+$0x14B70]  }
0x1f8: {  	v20 =	vld [tilespmem:s17+$0x14BA0]  }
0x1f9: {  	v21 =	vld [tilespmem:s17+$0x14BB0];
	v8 =	vadd.f32 v17, v8  }
0x1fa: {  	v17 =	vld [tilespmem:s17+$0x14BE0];
	v9 =	vadd.f32 v18, v9  }
0x1fb: {  	v18 =	vld [tilespmem:s17+$0x14BF0];
	v10 =	vadd.f32 v16, v10;
	v8 =	vadd.f32 v15, v8  }
0x1fc: {  	v15 =	vld [tilespmem:s17+$0x14C20];
	v11 =	vadd.f32 v19, v11;
	v9 =	vadd.f32 v14, v9  }
0x1fd: {  	v14 =	vld [tilespmem:s17+$0x14C30];
	v10 =	vadd.f32 v20, v10;
	v8 =	vadd.f32 v13, v8  }
0x1fe: {  	v13 =	vld [tilespmem:s17+$0x14C60];
	v11 =	vadd.f32 v21, v11;
	v9 =	vadd.f32 v12, v9  }
0x1ff: {  	v12 =	vld [tilespmem:s17+$0x14C70];
	v10 =	vadd.f32 v17, v10;
	v6 =	vadd.f32 v6, v8  }
0x200: {  	v8 =	vadd.f32 v18, v11;
	v11 =	vld [tilespmem:s17+$0x14CA0];
	v7 =	vadd.f32 v7, v9  }
0x201: {  	v9 =	vld [tilespmem:s17+$0x14CB0];
	v10 =	vadd.f32 v15, v10;
	v4 =	vadd.f32 v4, v6  }
0x202: {  	v6 =	vadd.f32 v14, v8;
	v8 =	vld [tilespmem:s17+$0x14CE0];
	v5 =	vadd.f32 v5, v7  }
0x203: {  	v7 =	vld [tilespmem:s17+$0x14CF0];
	v10 =	vadd.f32 v13, v10;
	v2 =	vadd.f32 v2, v4  }
0x204: {  	v4 =	vadd.f32 v12, v6;
	v3 =	vadd.f32 v3, v5  }
0x205: {  	v5 =	vadd.f32 v11, v10;
	v0 =	vadd.f32 v0, v2  }
0x206: {  	v2 =	vadd.f32 v9, v4;
	v1 =	vadd.f32 v1, v3  }
0x207: {  	v10 =	vld [tilespmem:$0x157A0];
	v3 =	vadd.f32 v8, v5;
	[tilespmem:$0x1CB00] =	vst v0  }
0x208: {  	v11 =	vld [tilespmem:$0x157B0];
	v0 =	vadd.f32 v7, v2;
	[tilespmem:$0x1CB10] =	vst v1  }
0x209: {  	v9 =	vld [tilespmem:$0x15790];
	[tilespmem:$0x1CB20] =	vst v3  }
0x20a: {  	s17 =	simm.s32 $0x0;
	v8 =	vld [tilespmem:$0x15780];
	[tilespmem:$0x1CB30] =	vst v0  }
0x20b: {  	v0 =	vld [tilespmem:s17+$0x15940]  }
0x20c: {  	v1 =	vld [tilespmem:s17+$0x15950]  }
0x20d: {  	v2 =	vld [tilespmem:s17+$0x15900]  }
0x20e: {  	v3 =	vld [tilespmem:s17+$0x15910]  }
0x20f: {  	v4 =	vld [tilespmem:s17+$0x158C0]  }
0x210: {  	v5 =	vld [tilespmem:s17+$0x158D0]  }
0x211: {  	v6 =	vld [tilespmem:s17+$0x15880]  }
0x212: {  	v7 =	vld [tilespmem:s17+$0x15890]  }
0x213: {  	v13 =	vld [tilespmem:s17+$0x15840]  }
0x214: {  	v12 =	vld [tilespmem:s17+$0x15850]  }
0x215: {  	v15 =	vld [tilespmem:s17+$0x15800]  }
0x216: {  	v14 =	vld [tilespmem:s17+$0x15810]  }
0x217: {  	v17 =	vld [tilespmem:s17+$0x157C0]  }
0x218: {  	v18 =	vld [tilespmem:s17+$0x157D0]  }
0x219: {  	s18 =	simm.s32 $0x700;
	v16 =	vld [tilespmem:s17+$0x157E0]  }
.LBB2_17:
0x21a: {  	p1 =	sne.s32 s18, $0x2A00;
	v19 =	vld [tilespmem:s17+$0x157F0]  }
0x21b: {  	v20 =	vld [tilespmem:s17+$0x15820]  }
0x21c: {  	v21 =	vld [tilespmem:s17+$0x15830]  }
0x21d: {  	v22 =	vld [tilespmem:s17+$0x15860]  }
0x21e: {  	v8 =	vadd.f32 v17, v8;
	v9 =	vadd.f32 v18, v9;
	v17 =	vld [tilespmem:s17+$0x15870]  }
0x21f: {  	v10 =	vadd.f32 v16, v10;
	v11 =	vadd.f32 v19, v11;
	v16 =	vld [tilespmem:s17+$0x158A0]  }
0x220: {  	v8 =	vadd.f32 v15, v8;
	v9 =	vadd.f32 v14, v9;
	v14 =	vld [tilespmem:s17+$0x158B0]  }
0x221: {  	v10 =	vadd.f32 v20, v10;
	v11 =	vadd.f32 v21, v11;
	v15 =	vld [tilespmem:s17+$0x158E0]  }
0x222: {  	v8 =	vadd.f32 v13, v8;
	v9 =	vadd.f32 v12, v9;
	v12 =	vld [tilespmem:s17+$0x158F0]  }
0x223: {  	v10 =	vadd.f32 v22, v10;
	v11 =	vadd.f32 v17, v11;
	v13 =	vld [tilespmem:s17+$0x15920]  }
0x224: {  	v6 =	vadd.f32 v6, v8;
	v7 =	vadd.f32 v7, v9;
	v8 =	vld [tilespmem:s17+$0x15930]  }
0x225: {  	v9 =	vadd.f32 v16, v10;
	v10 =	vadd.f32 v14, v11;
	v11 =	vld [tilespmem:s17+$0x15960]  }
0x226: {  	v4 =	vadd.f32 v4, v6;
	v5 =	vadd.f32 v5, v7;
	v6 =	vld [tilespmem:s17+$0x15970];
	s17 =	sshra.s32 s18, $0x2  }
0x227: {  	v9 =	vadd.f32 v15, v9;
	v7 =	vld [tilespmem:s17+$0x15940];
	v10 =	vadd.f32 v12, v10  }
0x228: {  	v4 =	vadd.f32 v2, v4;
	v5 =	vadd.f32 v3, v5;
	v12 =	vld [tilespmem:s17+$0x15950]  }
0x229: {  	v13 =	vadd.f32 v13, v9;
	v2 =	vld [tilespmem:s17+$0x15900];
	v14 =	vadd.f32 v8, v10  }
0x22a: {  	v8 =	vadd.f32 v0, v4;
	v9 =	vadd.f32 v1, v5;
	v3 =	vld [tilespmem:s17+$0x15910]  }
0x22b: {  	v10 =	vadd.f32 v11, v13;
	v4 =	vld [tilespmem:s17+$0x158C0];
	v11 =	vadd.f32 v6, v14  }
0x22c: {  	v5 =	vld [tilespmem:s17+$0x158D0];
	v0 =	vmov v7  }
0x22d: {  	v6 =	vld [tilespmem:s17+$0x15880];
	v1 =	vmov v12  }
0x22e: {  	v7 =	vld [tilespmem:s17+$0x15890]  }
0x22f: {  	v13 =	vld [tilespmem:s17+$0x15840]  }
0x230: {  	v12 =	vld [tilespmem:s17+$0x15850]  }
.Ltmp7:
0x231: {  	v15 =	vld [tilespmem:s17+$0x15800];
	(pc) =	sbr.rel @p1 .LBB2_17-.Ltmp7, $4  }
0x232: {  	v14 =	vld [tilespmem:s17+$0x15810]  }
0x233: {  	v17 =	vld [tilespmem:s17+$0x157C0]  }
0x234: {  	v18 =	vld [tilespmem:s17+$0x157D0]  }
0x235: {  	s18 =	sadd.s32 $0x700, s18;
	v16 =	vld [tilespmem:s17+$0x157E0]  }
0x236: {  	v19 =	vld [tilespmem:s17+$0x157F0]  }
0x237: {  	v20 =	vld [tilespmem:s17+$0x15820]  }
0x238: {  	v21 =	vld [tilespmem:s17+$0x15830];
	v8 =	vadd.f32 v17, v8  }
0x239: {  	v17 =	vld [tilespmem:s17+$0x15860];
	v9 =	vadd.f32 v18, v9  }
0x23a: {  	v18 =	vld [tilespmem:s17+$0x15870];
	v10 =	vadd.f32 v16, v10;
	v8 =	vadd.f32 v15, v8  }
0x23b: {  	v15 =	vld [tilespmem:s17+$0x158A0];
	v11 =	vadd.f32 v19, v11;
	v9 =	vadd.f32 v14, v9  }
0x23c: {  	v14 =	vld [tilespmem:s17+$0x158B0];
	v10 =	vadd.f32 v20, v10;
	v8 =	vadd.f32 v13, v8  }
0x23d: {  	v13 =	vld [tilespmem:s17+$0x158E0];
	v11 =	vadd.f32 v21, v11;
	v9 =	vadd.f32 v12, v9  }
0x23e: {  	v12 =	vld [tilespmem:s17+$0x158F0];
	v10 =	vadd.f32 v17, v10;
	v6 =	vadd.f32 v6, v8  }
0x23f: {  	v8 =	vadd.f32 v18, v11;
	v11 =	vld [tilespmem:s17+$0x15920];
	v7 =	vadd.f32 v7, v9  }
0x240: {  	v9 =	vld [tilespmem:s17+$0x15930];
	v10 =	vadd.f32 v15, v10;
	v4 =	vadd.f32 v4, v6  }
0x241: {  	v6 =	vadd.f32 v14, v8;
	v8 =	vld [tilespmem:s17+$0x15960];
	v5 =	vadd.f32 v5, v7  }
0x242: {  	v7 =	vld [tilespmem:s17+$0x15970];
	v10 =	vadd.f32 v13, v10;
	v2 =	vadd.f32 v2, v4  }
0x243: {  	v4 =	vadd.f32 v12, v6;
	v3 =	vadd.f32 v3, v5  }
0x244: {  	v5 =	vadd.f32 v11, v10;
	v0 =	vadd.f32 v0, v2  }
0x245: {  	v2 =	vadd.f32 v9, v4;
	v1 =	vadd.f32 v1, v3  }
0x246: {  	v3 =	vadd.f32 v8, v5;
	[tilespmem:$0x1CB80] =	vst v0  }
0x247: {  	v0 =	vadd.f32 v7, v2;
	[tilespmem:$0x1CB90] =	vst v1  }
0x248: {  	s20 =	sshll.u32 s15, $0x8;
	[tilespmem:$0x1CBA0] =	vst v3  }
0x249: {  	p1 =	seq.s32 s15, $0x1F;
	s17 =	sadd.s32 s20, s5;
	[tilespmem:$0x1CBB0] =	vst v0  }
0x24a: {  	[hbm4b:s17+s2] =	stream.linear.scatter [tilespmem:s9], [sflag:$0x3], $0x400, $0x38;
	[tilespmem:$0x1D000] =	vst v63  }
0x24b: {  	s17 =	sshll.u32 @!p1 s15, $0xB  }
0x24c: {  	s17 =	sand.u32 @!p1 $0x3FFFF800, s17  }
0x24d: {  	s19 =	simm.s32 @!p1 $0x32;
	s20 =	simm.s32 @!p1 $0x10000;
	s18 =	sadd.s32 @!p1 $0x800, s17  }
0x24e: {  	[tilespmem:s20], [sflag:$0x1] =	stream.indirect.gather @!p1 [hbm4b:s3+s19], $0x40, s18, s19, $0xb8;
	[tilespmem:$0x1D000] =	vst v63  }
0x24f: {  	s18 =	sadd.s32 @!p1 $0x880, s17;
	s20 =	simm.s32 @!p1 $0x10C80  }
0x250: {  	[tilespmem:s20], [sflag:$0x1] =	stream.indirect.gather @!p1 [hbm4b:s3+s19], $0x40, s18, s19, $0xb8;
	[tilespmem:$0x1D000] =	vst v63  }
0x251: {  	s18 =	sadd.s32 @!p1 $0x900, s17;
	s20 =	simm.s32 @!p1 $0x11900  }
0x252: {  	[tilespmem:s20], [sflag:$0x1] =	stream.indirect.gather @!p1 [hbm4b:s3+s19], $0x40, s18, s19, $0xb8;
	[tilespmem:$0x1D000] =	vst v63  }
0x253: {  	s18 =	sadd.s32 @!p1 $0x980, s17;
	s20 =	simm.s32 @!p1 $0x12580  }
0x254: {  	[tilespmem:s20], [sflag:$0x1] =	stream.indirect.gather @!p1 [hbm4b:s3+s19], $0x40, s18, s19, $0xb8;
	[tilespmem:$0x1D000] =	vst v63  }
0x255: {  	s18 =	sadd.s32 @!p1 $0xA00, s17;
	s20 =	simm.s32 @!p1 $0x13200  }
0x256: {  	[tilespmem:s20], [sflag:$0x1] =	stream.indirect.gather @!p1 [hbm4b:s3+s19], $0x40, s18, s19, $0xb8;
	[tilespmem:$0x1D000] =	vst v63  }
0x257: {  	s18 =	sadd.s32 @!p1 $0xA80, s17;
	s20 =	simm.s32 @!p1 $0x13E80  }
0x258: {  	[tilespmem:s20], [sflag:$0x1] =	stream.indirect.gather @!p1 [hbm4b:s3+s19], $0x40, s18, s19, $0xb8;
	[tilespmem:$0x1D000] =	vst v63  }
0x259: {  	s18 =	sadd.s32 @!p1 $0xB00, s17;
	s20 =	simm.s32 @!p1 $0x14B00  }
0x25a: {  	[tilespmem:s20], [sflag:$0x1] =	stream.indirect.gather @!p1 [hbm4b:s3+s19], $0x40, s18, s19, $0xb8;
	[tilespmem:$0x1D000] =	vst v63  }
0x25b: {  	s17 =	sadd.s32 @!p1 $0xB80, s17;
	s18 =	simm.s32 @!p1 $0x15780  }
0x25c: {  	[tilespmem:s18], [sflag:$0x1] =	stream.indirect.gather @!p1 [hbm4b:s3+s19], $0x40, s17, s19, $0xb8;
	[tilespmem:$0x1D000] =	vst v63  }
0x25d: {  	_ =	swait.ge [sflag:s10], $0xC80  }
0x25e: {  	[sflag:s10] =	ssyncset.done $0x0  }
0x25f: {  	[sflag:s10] =	ssyncadd.s32 $0xFFFFF380  }
0x260: {  	_ =	swait.ge [sflag:s10], $0xC80  }
0x261: {  	[sflag:s10] =	ssyncset.done $0x0  }
0x262: {  	[sflag:s10] =	ssyncadd.s32 $0xFFFFF380  }
0x263: {  	_ =	swait.ge [sflag:s10], $0xC80  }
0x264: {  	[sflag:s10] =	ssyncset.done $0x0  }
0x265: {  	[sflag:s10] =	ssyncadd.s32 $0xFFFFF380  }
0x266: {  	_ =	swait.ge [sflag:s10], $0xC80  }
0x267: {  	[sflag:s10] =	ssyncset.done $0x0  }
0x268: {  	[sflag:s10] =	ssyncadd.s32 $0xFFFFF380  }
0x269: {  	_ =	swait.ge [sflag:s10], $0xC80  }
0x26a: {  	[sflag:s10] =	ssyncset.done $0x0  }
0x26b: {  	[sflag:s10] =	ssyncadd.s32 $0xFFFFF380  }
0x26c: {  	_ =	swait.ge [sflag:s10], $0xC80  }
0x26d: {  	[sflag:s10] =	ssyncset.done $0x0  }
0x26e: {  	[sflag:s10] =	ssyncadd.s32 $0xFFFFF380  }
0x26f: {  	_ =	swait.ge [sflag:s10], $0xC80  }
0x270: {  	[sflag:s10] =	ssyncset.done $0x0  }
0x271: {  	[sflag:s10] =	ssyncadd.s32 $0xFFFFF380  }
0x272: {  	_ =	swait.ge [sflag:s10], $0xC80  }
0x273: {  	[sflag:s10] =	ssyncset.done $0x0  }
0x274: {  	s17 =	simm.s32 @!p0 $0x4;
	[sflag:s10] =	ssyncadd.s32 $0xFFFFF380  }
0x275: {  	_ =	swait.ge @!p0 [sflag:s17], $0x400  }
0x276: {  	[sflag:s17] =	ssyncset.done @!p0 $0x0  }
0x277: {  	[sflag:s17] =	ssyncadd.s32 @!p0 $0xFFFFFC00  }
0x278: {  	v11 =	vld [tilespmem:$0x16400]  }
0x279: {  	v10 =	vld [tilespmem:$0x16410]  }
0x27a: {  	v9 =	vld [tilespmem:$0x16420]  }
0x27b: {  	s17 =	simm.s32 $0x0;
	v8 =	vld [tilespmem:$0x16430]  }
0x27c: {  	v0 =	vld [tilespmem:s17+$0x165C0]  }
0x27d: {  	v1 =	vld [tilespmem:s17+$0x165D0]  }
0x27e: {  	v2 =	vld [tilespmem:s17+$0x16580]  }
0x27f: {  	v3 =	vld [tilespmem:s17+$0x16590]  }
0x280: {  	v4 =	vld [tilespmem:s17+$0x16540]  }
0x281: {  	v5 =	vld [tilespmem:s17+$0x16550]  }
0x282: {  	v6 =	vld [tilespmem:s17+$0x16500]  }
0x283: {  	v7 =	vld [tilespmem:s17+$0x16510]  }
0x284: {  	v13 =	vld [tilespmem:s17+$0x164C0]  }
0x285: {  	v12 =	vld [tilespmem:s17+$0x164D0]  }
0x286: {  	v15 =	vld [tilespmem:s17+$0x16480]  }
0x287: {  	v14 =	vld [tilespmem:s17+$0x16490]  }
0x288: {  	v17 =	vld [tilespmem:s17+$0x16440]  }
0x289: {  	v18 =	vld [tilespmem:s17+$0x16450]  }
0x28a: {  	s18 =	simm.s32 $0x700;
	v16 =	vld [tilespmem:s17+$0x16460]  }
.LBB2_19:
0x28b: {  	p0 =	sne.s32 s18, $0x2A00;
	v19 =	vld [tilespmem:s17+$0x16470]  }
0x28c: {  	v20 =	vld [tilespmem:s17+$0x164A0]  }
0x28d: {  	v21 =	vld [tilespmem:s17+$0x164B0]  }
0x28e: {  	v22 =	vld [tilespmem:s17+$0x164E0]  }
0x28f: {  	v11 =	vadd.f32 v17, v11;
	v10 =	vadd.f32 v18, v10;
	v17 =	vld [tilespmem:s17+$0x164F0]  }
0x290: {  	v9 =	vadd.f32 v16, v9;
	v8 =	vadd.f32 v19, v8;
	v16 =	vld [tilespmem:s17+$0x16520]  }
0x291: {  	v11 =	vadd.f32 v15, v11;
	v10 =	vadd.f32 v14, v10;
	v14 =	vld [tilespmem:s17+$0x16530]  }
0x292: {  	v9 =	vadd.f32 v20, v9;
	v8 =	vadd.f32 v21, v8;
	v15 =	vld [tilespmem:s17+$0x16560]  }
0x293: {  	v11 =	vadd.f32 v13, v11;
	v10 =	vadd.f32 v12, v10;
	v12 =	vld [tilespmem:s17+$0x16570]  }
0x294: {  	v9 =	vadd.f32 v22, v9;
	v8 =	vadd.f32 v17, v8;
	v13 =	vld [tilespmem:s17+$0x165A0]  }
0x295: {  	v6 =	vadd.f32 v6, v11;
	v7 =	vadd.f32 v7, v10;
	v10 =	vld [tilespmem:s17+$0x165B0]  }
0x296: {  	v9 =	vadd.f32 v16, v9;
	v8 =	vadd.f32 v14, v8;
	v14 =	vld [tilespmem:s17+$0x165E0]  }
0x297: {  	v4 =	vadd.f32 v4, v6;
	v5 =	vadd.f32 v5, v7;
	v6 =	vld [tilespmem:s17+$0x165F0];
	s17 =	sshra.s32 s18, $0x2  }
0x298: {  	v9 =	vadd.f32 v15, v9;
	v7 =	vld [tilespmem:s17+$0x165C0];
	v8 =	vadd.f32 v12, v8  }
0x299: {  	v4 =	vadd.f32 v2, v4;
	v5 =	vadd.f32 v3, v5;
	v12 =	vld [tilespmem:s17+$0x165D0]  }
0x29a: {  	v9 =	vadd.f32 v13, v9;
	v2 =	vld [tilespmem:s17+$0x16580];
	v8 =	vadd.f32 v10, v8  }
0x29b: {  	v11 =	vadd.f32 v0, v4;
	v10 =	vadd.f32 v1, v5;
	v3 =	vld [tilespmem:s17+$0x16590]  }
0x29c: {  	v9 =	vadd.f32 v14, v9;
	v4 =	vld [tilespmem:s17+$0x16540];
	v8 =	vadd.f32 v6, v8  }
0x29d: {  	v5 =	vld [tilespmem:s17+$0x16550];
	v0 =	vmov v7  }
0x29e: {  	v6 =	vld [tilespmem:s17+$0x16500];
	v1 =	vmov v12  }
0x29f: {  	v7 =	vld [tilespmem:s17+$0x16510]  }
0x2a0: {  	v13 =	vld [tilespmem:s17+$0x164C0]  }
0x2a1: {  	v12 =	vld [tilespmem:s17+$0x164D0]  }
.Ltmp8:
0x2a2: {  	v15 =	vld [tilespmem:s17+$0x16480];
	(pc) =	sbr.rel @p0 .LBB2_19-.Ltmp8, $4  }
0x2a3: {  	v14 =	vld [tilespmem:s17+$0x16490]  }
0x2a4: {  	v17 =	vld [tilespmem:s17+$0x16440]  }
0x2a5: {  	v18 =	vld [tilespmem:s17+$0x16450]  }
0x2a6: {  	s18 =	sadd.s32 $0x700, s18;
	v16 =	vld [tilespmem:s17+$0x16460]  }
0x2a7: {  	v19 =	vld [tilespmem:s17+$0x16470]  }
0x2a8: {  	v20 =	vld [tilespmem:s17+$0x164A0]  }
0x2a9: {  	v21 =	vld [tilespmem:s17+$0x164B0];
	v11 =	vadd.f32 v17, v11  }
0x2aa: {  	v17 =	vld [tilespmem:s17+$0x164E0];
	v10 =	vadd.f32 v18, v10  }
0x2ab: {  	v18 =	vld [tilespmem:s17+$0x164F0];
	v9 =	vadd.f32 v16, v9;
	v11 =	vadd.f32 v15, v11  }
0x2ac: {  	v15 =	vld [tilespmem:s17+$0x16520];
	v8 =	vadd.f32 v19, v8;
	v10 =	vadd.f32 v14, v10  }
0x2ad: {  	v14 =	vld [tilespmem:s17+$0x16530];
	v9 =	vadd.f32 v20, v9;
	v11 =	vadd.f32 v13, v11  }
0x2ae: {  	v13 =	vld [tilespmem:s17+$0x16560];
	v8 =	vadd.f32 v21, v8;
	v10 =	vadd.f32 v12, v10  }
0x2af: {  	v12 =	vld [tilespmem:s17+$0x16570];
	v9 =	vadd.f32 v17, v9;
	v6 =	vadd.f32 v6, v11  }
0x2b0: {  	v11 =	vld [tilespmem:s17+$0x165A0];
	v8 =	vadd.f32 v18, v8;
	v7 =	vadd.f32 v7, v10  }
0x2b1: {  	v10 =	vld [tilespmem:s17+$0x165B0];
	v9 =	vadd.f32 v15, v9;
	v4 =	vadd.f32 v4, v6  }
0x2b2: {  	v6 =	vadd.f32 v14, v8;
	v8 =	vld [tilespmem:s17+$0x165E0];
	v5 =	vadd.f32 v5, v7  }
0x2b3: {  	v7 =	vld [tilespmem:s17+$0x165F0];
	v9 =	vadd.f32 v13, v9;
	v2 =	vadd.f32 v2, v4  }
0x2b4: {  	v4 =	vadd.f32 v12, v6;
	v3 =	vadd.f32 v3, v5  }
0x2b5: {  	v5 =	vadd.f32 v11, v9;
	v0 =	vadd.f32 v0, v2  }
0x2b6: {  	v2 =	vadd.f32 v10, v4;
	v1 =	vadd.f32 v1, v3  }
0x2b7: {  	v9 =	vld [tilespmem:$0x17090];
	v3 =	vadd.f32 v8, v5;
	[tilespmem:$0x1CC00] =	vst v0  }
0x2b8: {  	v11 =	vld [tilespmem:$0x170B0];
	v0 =	vadd.f32 v7, v2;
	[tilespmem:$0x1CC10] =	vst v1  }
0x2b9: {  	v10 =	vld [tilespmem:$0x170A0];
	[tilespmem:$0x1CC20] =	vst v3  }
0x2ba: {  	s17 =	simm.s32 $0x0;
	v8 =	vld [tilespmem:$0x17080];
	[tilespmem:$0x1CC30] =	vst v0  }
0x2bb: {  	v0 =	vld [tilespmem:s17+$0x17240]  }
0x2bc: {  	v1 =	vld [tilespmem:s17+$0x17250]  }
0x2bd: {  	v2 =	vld [tilespmem:s17+$0x17200]  }
0x2be: {  	v3 =	vld [tilespmem:s17+$0x17210]  }
0x2bf: {  	v4 =	vld [tilespmem:s17+$0x171C0]  }
0x2c0: {  	v5 =	vld [tilespmem:s17+$0x171D0]  }
0x2c1: {  	v6 =	vld [tilespmem:s17+$0x17180]  }
0x2c2: {  	v7 =	vld [tilespmem:s17+$0x17190]  }
0x2c3: {  	v13 =	vld [tilespmem:s17+$0x17140]  }
0x2c4: {  	v12 =	vld [tilespmem:s17+$0x17150]  }
0x2c5: {  	v15 =	vld [tilespmem:s17+$0x17100]  }
0x2c6: {  	v14 =	vld [tilespmem:s17+$0x17110]  }
0x2c7: {  	v17 =	vld [tilespmem:s17+$0x170C0]  }
0x2c8: {  	v18 =	vld [tilespmem:s17+$0x170D0]  }
0x2c9: {  	s18 =	simm.s32 $0x700;
	v16 =	vld [tilespmem:s17+$0x170E0]  }
.LBB2_21:
0x2ca: {  	p0 =	sne.s32 s18, $0x2A00;
	v19 =	vld [tilespmem:s17+$0x170F0]  }
0x2cb: {  	v20 =	vld [tilespmem:s17+$0x17120]  }
0x2cc: {  	v21 =	vld [tilespmem:s17+$0x17130]  }
0x2cd: {  	v22 =	vld [tilespmem:s17+$0x17160]  }
0x2ce: {  	v8 =	vadd.f32 v17, v8;
	v9 =	vadd.f32 v18, v9;
	v17 =	vld [tilespmem:s17+$0x17170]  }
0x2cf: {  	v10 =	vadd.f32 v16, v10;
	v11 =	vadd.f32 v19, v11;
	v16 =	vld [tilespmem:s17+$0x171A0]  }
0x2d0: {  	v8 =	vadd.f32 v15, v8;
	v9 =	vadd.f32 v14, v9;
	v14 =	vld [tilespmem:s17+$0x171B0]  }
0x2d1: {  	v10 =	vadd.f32 v20, v10;
	v11 =	vadd.f32 v21, v11;
	v15 =	vld [tilespmem:s17+$0x171E0]  }
0x2d2: {  	v8 =	vadd.f32 v13, v8;
	v9 =	vadd.f32 v12, v9;
	v12 =	vld [tilespmem:s17+$0x171F0]  }
0x2d3: {  	v10 =	vadd.f32 v22, v10;
	v11 =	vadd.f32 v17, v11;
	v13 =	vld [tilespmem:s17+$0x17220]  }
0x2d4: {  	v6 =	vadd.f32 v6, v8;
	v7 =	vadd.f32 v7, v9;
	v8 =	vld [tilespmem:s17+$0x17230]  }
0x2d5: {  	v9 =	vadd.f32 v16, v10;
	v10 =	vadd.f32 v14, v11;
	v11 =	vld [tilespmem:s17+$0x17260]  }
0x2d6: {  	v4 =	vadd.f32 v4, v6;
	v5 =	vadd.f32 v5, v7;
	v6 =	vld [tilespmem:s17+$0x17270];
	s17 =	sshra.s32 s18, $0x2  }
0x2d7: {  	v9 =	vadd.f32 v15, v9;
	v7 =	vld [tilespmem:s17+$0x17240];
	v10 =	vadd.f32 v12, v10  }
0x2d8: {  	v4 =	vadd.f32 v2, v4;
	v5 =	vadd.f32 v3, v5;
	v12 =	vld [tilespmem:s17+$0x17250]  }
0x2d9: {  	v13 =	vadd.f32 v13, v9;
	v2 =	vld [tilespmem:s17+$0x17200];
	v14 =	vadd.f32 v8, v10  }
0x2da: {  	v8 =	vadd.f32 v0, v4;
	v9 =	vadd.f32 v1, v5;
	v3 =	vld [tilespmem:s17+$0x17210]  }
0x2db: {  	v10 =	vadd.f32 v11, v13;
	v4 =	vld [tilespmem:s17+$0x171C0];
	v11 =	vadd.f32 v6, v14  }
0x2dc: {  	v5 =	vld [tilespmem:s17+$0x171D0];
	v0 =	vmov v7  }
0x2dd: {  	v6 =	vld [tilespmem:s17+$0x17180];
	v1 =	vmov v12  }
0x2de: {  	v7 =	vld [tilespmem:s17+$0x17190]  }
0x2df: {  	v13 =	vld [tilespmem:s17+$0x17140]  }
0x2e0: {  	v12 =	vld [tilespmem:s17+$0x17150]  }
.Ltmp9:
0x2e1: {  	v15 =	vld [tilespmem:s17+$0x17100];
	(pc) =	sbr.rel @p0 .LBB2_21-.Ltmp9, $4  }
0x2e2: {  	v14 =	vld [tilespmem:s17+$0x17110]  }
0x2e3: {  	v17 =	vld [tilespmem:s17+$0x170C0]  }
0x2e4: {  	v18 =	vld [tilespmem:s17+$0x170D0]  }
0x2e5: {  	s18 =	sadd.s32 $0x700, s18;
	v16 =	vld [tilespmem:s17+$0x170E0]  }
0x2e6: {  	v19 =	vld [tilespmem:s17+$0x170F0]  }
0x2e7: {  	v20 =	vld [tilespmem:s17+$0x17120]  }
0x2e8: {  	v21 =	vld [tilespmem:s17+$0x17130];
	v8 =	vadd.f32 v17, v8  }
0x2e9: {  	v17 =	vld [tilespmem:s17+$0x17160];
	v9 =	vadd.f32 v18, v9  }
0x2ea: {  	v18 =	vld [tilespmem:s17+$0x17170];
	v10 =	vadd.f32 v16, v10;
	v8 =	vadd.f32 v15, v8  }
0x2eb: {  	v15 =	vld [tilespmem:s17+$0x171A0];
	v11 =	vadd.f32 v19, v11;
	v9 =	vadd.f32 v14, v9  }
0x2ec: {  	v14 =	vld [tilespmem:s17+$0x171B0];
	v10 =	vadd.f32 v20, v10;
	v8 =	vadd.f32 v13, v8  }
0x2ed: {  	v13 =	vld [tilespmem:s17+$0x171E0];
	v11 =	vadd.f32 v21, v11;
	v9 =	vadd.f32 v12, v9  }
0x2ee: {  	v12 =	vld [tilespmem:s17+$0x171F0];
	v10 =	vadd.f32 v17, v10;
	v6 =	vadd.f32 v6, v8  }
0x2ef: {  	v8 =	vadd.f32 v18, v11;
	v11 =	vld [tilespmem:s17+$0x17220];
	v7 =	vadd.f32 v7, v9  }
0x2f0: {  	v9 =	vld [tilespmem:s17+$0x17230];
	v10 =	vadd.f32 v15, v10;
	v4 =	vadd.f32 v4, v6  }
0x2f1: {  	v6 =	vadd.f32 v14, v8;
	v8 =	vld [tilespmem:s17+$0x17260];
	v5 =	vadd.f32 v5, v7  }
0x2f2: {  	v7 =	vld [tilespmem:s17+$0x17270];
	v10 =	vadd.f32 v13, v10;
	v2 =	vadd.f32 v2, v4  }
0x2f3: {  	v4 =	vadd.f32 v12, v6;
	v3 =	vadd.f32 v3, v5  }
0x2f4: {  	v5 =	vadd.f32 v11, v10;
	v0 =	vadd.f32 v0, v2  }
0x2f5: {  	v2 =	vadd.f32 v9, v4;
	v1 =	vadd.f32 v1, v3  }
0x2f6: {  	v10 =	vld [tilespmem:$0x17D20];
	v3 =	vadd.f32 v8, v5;
	[tilespmem:$0x1CC80] =	vst v0  }
0x2f7: {  	v11 =	vld [tilespmem:$0x17D30];
	v0 =	vadd.f32 v7, v2;
	[tilespmem:$0x1CC90] =	vst v1  }
0x2f8: {  	v9 =	vld [tilespmem:$0x17D10];
	[tilespmem:$0x1CCA0] =	vst v3  }
0x2f9: {  	s17 =	simm.s32 $0x0;
	v8 =	vld [tilespmem:$0x17D00];
	[tilespmem:$0x1CCB0] =	vst v0  }
0x2fa: {  	v0 =	vld [tilespmem:s17+$0x17EC0]  }
0x2fb: {  	v1 =	vld [tilespmem:s17+$0x17ED0]  }
0x2fc: {  	v2 =	vld [tilespmem:s17+$0x17E80]  }
0x2fd: {  	v3 =	vld [tilespmem:s17+$0x17E90]  }
0x2fe: {  	v4 =	vld [tilespmem:s17+$0x17E40]  }
0x2ff: {  	v5 =	vld [tilespmem:s17+$0x17E50]  }
0x300: {  	v6 =	vld [tilespmem:s17+$0x17E00]  }
0x301: {  	v7 =	vld [tilespmem:s17+$0x17E10]  }
0x302: {  	v13 =	vld [tilespmem:s17+$0x17DC0]  }
0x303: {  	v12 =	vld [tilespmem:s17+$0x17DD0]  }
0x304: {  	v15 =	vld [tilespmem:s17+$0x17D80]  }
0x305: {  	v14 =	vld [tilespmem:s17+$0x17D90]  }
0x306: {  	v17 =	vld [tilespmem:s17+$0x17D40]  }
0x307: {  	v18 =	vld [tilespmem:s17+$0x17D50]  }
0x308: {  	s18 =	simm.s32 $0x700;
	v16 =	vld [tilespmem:s17+$0x17D60]  }
.LBB2_23:
0x309: {  	p0 =	sne.s32 s18, $0x2A00;
	v19 =	vld [tilespmem:s17+$0x17D70]  }
0x30a: {  	v20 =	vld [tilespmem:s17+$0x17DA0]  }
0x30b: {  	v21 =	vld [tilespmem:s17+$0x17DB0]  }
0x30c: {  	v22 =	vld [tilespmem:s17+$0x17DE0]  }
0x30d: {  	v8 =	vadd.f32 v17, v8;
	v9 =	vadd.f32 v18, v9;
	v17 =	vld [tilespmem:s17+$0x17DF0]  }
0x30e: {  	v10 =	vadd.f32 v16, v10;
	v11 =	vadd.f32 v19, v11;
	v16 =	vld [tilespmem:s17+$0x17E20]  }
0x30f: {  	v8 =	vadd.f32 v15, v8;
	v9 =	vadd.f32 v14, v9;
	v14 =	vld [tilespmem:s17+$0x17E30]  }
0x310: {  	v10 =	vadd.f32 v20, v10;
	v11 =	vadd.f32 v21, v11;
	v15 =	vld [tilespmem:s17+$0x17E60]  }
0x311: {  	v8 =	vadd.f32 v13, v8;
	v9 =	vadd.f32 v12, v9;
	v12 =	vld [tilespmem:s17+$0x17E70]  }
0x312: {  	v10 =	vadd.f32 v22, v10;
	v11 =	vadd.f32 v17, v11;
	v13 =	vld [tilespmem:s17+$0x17EA0]  }
0x313: {  	v6 =	vadd.f32 v6, v8;
	v7 =	vadd.f32 v7, v9;
	v8 =	vld [tilespmem:s17+$0x17EB0]  }
0x314: {  	v9 =	vadd.f32 v16, v10;
	v10 =	vadd.f32 v14, v11;
	v11 =	vld [tilespmem:s17+$0x17EE0]  }
0x315: {  	v4 =	vadd.f32 v4, v6;
	v5 =	vadd.f32 v5, v7;
	v6 =	vld [tilespmem:s17+$0x17EF0];
	s17 =	sshra.s32 s18, $0x2  }
0x316: {  	v9 =	vadd.f32 v15, v9;
	v7 =	vld [tilespmem:s17+$0x17EC0];
	v10 =	vadd.f32 v12, v10  }
0x317: {  	v4 =	vadd.f32 v2, v4;
	v5 =	vadd.f32 v3, v5;
	v12 =	vld [tilespmem:s17+$0x17ED0]  }
0x318: {  	v13 =	vadd.f32 v13, v9;
	v2 =	vld [tilespmem:s17+$0x17E80];
	v14 =	vadd.f32 v8, v10  }
0x319: {  	v8 =	vadd.f32 v0, v4;
	v9 =	vadd.f32 v1, v5;
	v3 =	vld [tilespmem:s17+$0x17E90]  }
0x31a: {  	v10 =	vadd.f32 v11, v13;
	v4 =	vld [tilespmem:s17+$0x17E40];
	v11 =	vadd.f32 v6, v14  }
0x31b: {  	v5 =	vld [tilespmem:s17+$0x17E50];
	v0 =	vmov v7  }
0x31c: {  	v6 =	vld [tilespmem:s17+$0x17E00];
	v1 =	vmov v12  }
0x31d: {  	v7 =	vld [tilespmem:s17+$0x17E10]  }
0x31e: {  	v13 =	vld [tilespmem:s17+$0x17DC0]  }
0x31f: {  	v12 =	vld [tilespmem:s17+$0x17DD0]  }
.Ltmp10:
0x320: {  	v15 =	vld [tilespmem:s17+$0x17D80];
	(pc) =	sbr.rel @p0 .LBB2_23-.Ltmp10, $4  }
0x321: {  	v14 =	vld [tilespmem:s17+$0x17D90]  }
0x322: {  	v17 =	vld [tilespmem:s17+$0x17D40]  }
0x323: {  	v18 =	vld [tilespmem:s17+$0x17D50]  }
0x324: {  	s18 =	sadd.s32 $0x700, s18;
	v16 =	vld [tilespmem:s17+$0x17D60]  }
0x325: {  	v19 =	vld [tilespmem:s17+$0x17D70]  }
0x326: {  	v20 =	vld [tilespmem:s17+$0x17DA0]  }
0x327: {  	v21 =	vld [tilespmem:s17+$0x17DB0];
	v8 =	vadd.f32 v17, v8  }
0x328: {  	v17 =	vld [tilespmem:s17+$0x17DE0];
	v9 =	vadd.f32 v18, v9  }
0x329: {  	v18 =	vld [tilespmem:s17+$0x17DF0];
	v10 =	vadd.f32 v16, v10;
	v8 =	vadd.f32 v15, v8  }
0x32a: {  	v15 =	vld [tilespmem:s17+$0x17E20];
	v11 =	vadd.f32 v19, v11;
	v9 =	vadd.f32 v14, v9  }
0x32b: {  	v14 =	vld [tilespmem:s17+$0x17E30];
	v10 =	vadd.f32 v20, v10;
	v8 =	vadd.f32 v13, v8  }
0x32c: {  	v13 =	vld [tilespmem:s17+$0x17E60];
	v11 =	vadd.f32 v21, v11;
	v9 =	vadd.f32 v12, v9  }
0x32d: {  	v12 =	vld [tilespmem:s17+$0x17E70];
	v10 =	vadd.f32 v17, v10;
	v6 =	vadd.f32 v6, v8  }
0x32e: {  	v8 =	vadd.f32 v18, v11;
	v11 =	vld [tilespmem:s17+$0x17EA0];
	v7 =	vadd.f32 v7, v9  }
0x32f: {  	v9 =	vld [tilespmem:s17+$0x17EB0];
	v10 =	vadd.f32 v15, v10;
	v4 =	vadd.f32 v4, v6  }
0x330: {  	v6 =	vadd.f32 v14, v8;
	v8 =	vld [tilespmem:s17+$0x17EE0];
	v5 =	vadd.f32 v5, v7  }
0x331: {  	v7 =	vld [tilespmem:s17+$0x17EF0];
	v10 =	vadd.f32 v13, v10;
	v2 =	vadd.f32 v2, v4  }
0x332: {  	v4 =	vadd.f32 v12, v6;
	v3 =	vadd.f32 v3, v5  }
0x333: {  	v5 =	vadd.f32 v11, v10;
	v0 =	vadd.f32 v0, v2  }
0x334: {  	v2 =	vadd.f32 v9, v4;
	v1 =	vadd.f32 v1, v3  }
0x335: {  	v10 =	vld [tilespmem:$0x189A0];
	v3 =	vadd.f32 v8, v5;
	[tilespmem:$0x1CD00] =	vst v0  }
0x336: {  	v11 =	vld [tilespmem:$0x189B0];
	v0 =	vadd.f32 v7, v2;
	[tilespmem:$0x1CD10] =	vst v1  }
0x337: {  	v9 =	vld [tilespmem:$0x18990];
	[tilespmem:$0x1CD20] =	vst v3  }
0x338: {  	s17 =	simm.s32 $0x0;
	v8 =	vld [tilespmem:$0x18980];
	[tilespmem:$0x1CD30] =	vst v0  }
0x339: {  	v0 =	vld [tilespmem:s17+$0x18B40]  }
0x33a: {  	v1 =	vld [tilespmem:s17+$0x18B50]  }
0x33b: {  	v2 =	vld [tilespmem:s17+$0x18B00]  }
0x33c: {  	v3 =	vld [tilespmem:s17+$0x18B10]  }
0x33d: {  	v4 =	vld [tilespmem:s17+$0x18AC0]  }
0x33e: {  	v5 =	vld [tilespmem:s17+$0x18AD0]  }
0x33f: {  	v6 =	vld [tilespmem:s17+$0x18A80]  }
0x340: {  	v7 =	vld [tilespmem:s17+$0x18A90]  }
0x341: {  	v13 =	vld [tilespmem:s17+$0x18A40]  }
0x342: {  	v12 =	vld [tilespmem:s17+$0x18A50]  }
0x343: {  	v15 =	vld [tilespmem:s17+$0x18A00]  }
0x344: {  	v14 =	vld [tilespmem:s17+$0x18A10]  }
0x345: {  	v17 =	vld [tilespmem:s17+$0x189C0]  }
0x346: {  	v18 =	vld [tilespmem:s17+$0x189D0]  }
0x347: {  	s18 =	simm.s32 $0x700;
	v16 =	vld [tilespmem:s17+$0x189E0]  }
.LBB2_25:
0x348: {  	p0 =	sne.s32 s18, $0x2A00;
	v19 =	vld [tilespmem:s17+$0x189F0]  }
0x349: {  	v20 =	vld [tilespmem:s17+$0x18A20]  }
0x34a: {  	v21 =	vld [tilespmem:s17+$0x18A30]  }
0x34b: {  	v22 =	vld [tilespmem:s17+$0x18A60]  }
0x34c: {  	v8 =	vadd.f32 v17, v8;
	v9 =	vadd.f32 v18, v9;
	v17 =	vld [tilespmem:s17+$0x18A70]  }
0x34d: {  	v10 =	vadd.f32 v16, v10;
	v11 =	vadd.f32 v19, v11;
	v16 =	vld [tilespmem:s17+$0x18AA0]  }
0x34e: {  	v8 =	vadd.f32 v15, v8;
	v9 =	vadd.f32 v14, v9;
	v14 =	vld [tilespmem:s17+$0x18AB0]  }
0x34f: {  	v10 =	vadd.f32 v20, v10;
	v11 =	vadd.f32 v21, v11;
	v15 =	vld [tilespmem:s17+$0x18AE0]  }
0x350: {  	v8 =	vadd.f32 v13, v8;
	v9 =	vadd.f32 v12, v9;
	v12 =	vld [tilespmem:s17+$0x18AF0]  }
0x351: {  	v10 =	vadd.f32 v22, v10;
	v11 =	vadd.f32 v17, v11;
	v13 =	vld [tilespmem:s17+$0x18B20]  }
0x352: {  	v6 =	vadd.f32 v6, v8;
	v7 =	vadd.f32 v7, v9;
	v8 =	vld [tilespmem:s17+$0x18B30]  }
0x353: {  	v9 =	vadd.f32 v16, v10;
	v10 =	vadd.f32 v14, v11;
	v11 =	vld [tilespmem:s17+$0x18B60]  }
0x354: {  	v4 =	vadd.f32 v4, v6;
	v5 =	vadd.f32 v5, v7;
	v6 =	vld [tilespmem:s17+$0x18B70];
	s17 =	sshra.s32 s18, $0x2  }
0x355: {  	v9 =	vadd.f32 v15, v9;
	v7 =	vld [tilespmem:s17+$0x18B40];
	v10 =	vadd.f32 v12, v10  }
0x356: {  	v4 =	vadd.f32 v2, v4;
	v5 =	vadd.f32 v3, v5;
	v12 =	vld [tilespmem:s17+$0x18B50]  }
0x357: {  	v13 =	vadd.f32 v13, v9;
	v2 =	vld [tilespmem:s17+$0x18B00];
	v14 =	vadd.f32 v8, v10  }
0x358: {  	v8 =	vadd.f32 v0, v4;
	v9 =	vadd.f32 v1, v5;
	v3 =	vld [tilespmem:s17+$0x18B10]  }
0x359: {  	v10 =	vadd.f32 v11, v13;
	v4 =	vld [tilespmem:s17+$0x18AC0];
	v11 =	vadd.f32 v6, v14  }
0x35a: {  	v5 =	vld [tilespmem:s17+$0x18AD0];
	v0 =	vmov v7  }
0x35b: {  	v6 =	vld [tilespmem:s17+$0x18A80];
	v1 =	vmov v12  }
0x35c: {  	v7 =	vld [tilespmem:s17+$0x18A90]  }
0x35d: {  	v13 =	vld [tilespmem:s17+$0x18A40]  }
0x35e: {  	v12 =	vld [tilespmem:s17+$0x18A50]  }
.Ltmp11:
0x35f: {  	v15 =	vld [tilespmem:s17+$0x18A00];
	(pc) =	sbr.rel @p0 .LBB2_25-.Ltmp11, $4  }
0x360: {  	v14 =	vld [tilespmem:s17+$0x18A10]  }
0x361: {  	v17 =	vld [tilespmem:s17+$0x189C0]  }
0x362: {  	v18 =	vld [tilespmem:s17+$0x189D0]  }
0x363: {  	s18 =	sadd.s32 $0x700, s18;
	v16 =	vld [tilespmem:s17+$0x189E0]  }
0x364: {  	v19 =	vld [tilespmem:s17+$0x189F0]  }
0x365: {  	v20 =	vld [tilespmem:s17+$0x18A20]  }
0x366: {  	v21 =	vld [tilespmem:s17+$0x18A30];
	v8 =	vadd.f32 v17, v8  }
0x367: {  	v17 =	vld [tilespmem:s17+$0x18A60];
	v9 =	vadd.f32 v18, v9  }
0x368: {  	v18 =	vld [tilespmem:s17+$0x18A70];
	v10 =	vadd.f32 v16, v10;
	v8 =	vadd.f32 v15, v8  }
0x369: {  	v15 =	vld [tilespmem:s17+$0x18AA0];
	v11 =	vadd.f32 v19, v11;
	v9 =	vadd.f32 v14, v9  }
0x36a: {  	v14 =	vld [tilespmem:s17+$0x18AB0];
	v10 =	vadd.f32 v20, v10;
	v8 =	vadd.f32 v13, v8  }
0x36b: {  	v13 =	vld [tilespmem:s17+$0x18AE0];
	v11 =	vadd.f32 v21, v11;
	v9 =	vadd.f32 v12, v9  }
0x36c: {  	v12 =	vld [tilespmem:s17+$0x18AF0];
	v10 =	vadd.f32 v17, v10;
	v6 =	vadd.f32 v6, v8  }
0x36d: {  	v8 =	vadd.f32 v18, v11;
	v11 =	vld [tilespmem:s17+$0x18B20];
	v7 =	vadd.f32 v7, v9  }
0x36e: {  	v9 =	vld [tilespmem:s17+$0x18B30];
	v10 =	vadd.f32 v15, v10;
	v4 =	vadd.f32 v4, v6  }
0x36f: {  	v6 =	vadd.f32 v14, v8;
	v8 =	vld [tilespmem:s17+$0x18B60];
	v5 =	vadd.f32 v5, v7  }
0x370: {  	v7 =	vld [tilespmem:s17+$0x18B70];
	v10 =	vadd.f32 v13, v10;
	v2 =	vadd.f32 v2, v4  }
0x371: {  	v4 =	vadd.f32 v12, v6;
	v3 =	vadd.f32 v3, v5  }
0x372: {  	v5 =	vadd.f32 v11, v10;
	v0 =	vadd.f32 v0, v2  }
0x373: {  	v2 =	vadd.f32 v9, v4;
	v1 =	vadd.f32 v1, v3  }
0x374: {  	v10 =	vld [tilespmem:$0x19620];
	v3 =	vadd.f32 v8, v5;
	[tilespmem:$0x1CD80] =	vst v0  }
0x375: {  	v11 =	vld [tilespmem:$0x19630];
	v0 =	vadd.f32 v7, v2;
	[tilespmem:$0x1CD90] =	vst v1  }
0x376: {  	v9 =	vld [tilespmem:$0x19610];
	[tilespmem:$0x1CDA0] =	vst v3  }
0x377: {  	s17 =	simm.s32 $0x0;
	v8 =	vld [tilespmem:$0x19600];
	[tilespmem:$0x1CDB0] =	vst v0  }
0x378: {  	v0 =	vld [tilespmem:s17+$0x197C0]  }
0x379: {  	v1 =	vld [tilespmem:s17+$0x197D0]  }
0x37a: {  	v2 =	vld [tilespmem:s17+$0x19780]  }
0x37b: {  	v3 =	vld [tilespmem:s17+$0x19790]  }
0x37c: {  	v4 =	vld [tilespmem:s17+$0x19740]  }
0x37d: {  	v5 =	vld [tilespmem:s17+$0x19750]  }
0x37e: {  	v6 =	vld [tilespmem:s17+$0x19700]  }
0x37f: {  	v7 =	vld [tilespmem:s17+$0x19710]  }
0x380: {  	v13 =	vld [tilespmem:s17+$0x196C0]  }
0x381: {  	v12 =	vld [tilespmem:s17+$0x196D0]  }
0x382: {  	v15 =	vld [tilespmem:s17+$0x19680]  }
0x383: {  	v14 =	vld [tilespmem:s17+$0x19690]  }
0x384: {  	v17 =	vld [tilespmem:s17+$0x19640]  }
0x385: {  	v18 =	vld [tilespmem:s17+$0x19650]  }
0x386: {  	s18 =	simm.s32 $0x700;
	v16 =	vld [tilespmem:s17+$0x19660]  }
.LBB2_27:
0x387: {  	p0 =	sne.s32 s18, $0x2A00;
	v19 =	vld [tilespmem:s17+$0x19670]  }
0x388: {  	v20 =	vld [tilespmem:s17+$0x196A0]  }
0x389: {  	v21 =	vld [tilespmem:s17+$0x196B0]  }
0x38a: {  	v22 =	vld [tilespmem:s17+$0x196E0]  }
0x38b: {  	v8 =	vadd.f32 v17, v8;
	v9 =	vadd.f32 v18, v9;
	v17 =	vld [tilespmem:s17+$0x196F0]  }
0x38c: {  	v10 =	vadd.f32 v16, v10;
	v11 =	vadd.f32 v19, v11;
	v16 =	vld [tilespmem:s17+$0x19720]  }
0x38d: {  	v8 =	vadd.f32 v15, v8;
	v9 =	vadd.f32 v14, v9;
	v14 =	vld [tilespmem:s17+$0x19730]  }
0x38e: {  	v10 =	vadd.f32 v20, v10;
	v11 =	vadd.f32 v21, v11;
	v15 =	vld [tilespmem:s17+$0x19760]  }
0x38f: {  	v8 =	vadd.f32 v13, v8;
	v9 =	vadd.f32 v12, v9;
	v12 =	vld [tilespmem:s17+$0x19770]  }
0x390: {  	v10 =	vadd.f32 v22, v10;
	v11 =	vadd.f32 v17, v11;
	v13 =	vld [tilespmem:s17+$0x197A0]  }
0x391: {  	v6 =	vadd.f32 v6, v8;
	v7 =	vadd.f32 v7, v9;
	v8 =	vld [tilespmem:s17+$0x197B0]  }
0x392: {  	v9 =	vadd.f32 v16, v10;
	v10 =	vadd.f32 v14, v11;
	v11 =	vld [tilespmem:s17+$0x197E0]  }
0x393: {  	v4 =	vadd.f32 v4, v6;
	v5 =	vadd.f32 v5, v7;
	v6 =	vld [tilespmem:s17+$0x197F0];
	s17 =	sshra.s32 s18, $0x2  }
0x394: {  	v9 =	vadd.f32 v15, v9;
	v7 =	vld [tilespmem:s17+$0x197C0];
	v10 =	vadd.f32 v12, v10  }
0x395: {  	v4 =	vadd.f32 v2, v4;
	v5 =	vadd.f32 v3, v5;
	v12 =	vld [tilespmem:s17+$0x197D0]  }
0x396: {  	v13 =	vadd.f32 v13, v9;
	v2 =	vld [tilespmem:s17+$0x19780];
	v14 =	vadd.f32 v8, v10  }
0x397: {  	v8 =	vadd.f32 v0, v4;
	v9 =	vadd.f32 v1, v5;
	v3 =	vld [tilespmem:s17+$0x19790]  }
0x398: {  	v10 =	vadd.f32 v11, v13;
	v4 =	vld [tilespmem:s17+$0x19740];
	v11 =	vadd.f32 v6, v14  }
0x399: {  	v5 =	vld [tilespmem:s17+$0x19750];
	v0 =	vmov v7  }
0x39a: {  	v6 =	vld [tilespmem:s17+$0x19700];
	v1 =	vmov v12  }
0x39b: {  	v7 =	vld [tilespmem:s17+$0x19710]  }
0x39c: {  	v13 =	vld [tilespmem:s17+$0x196C0]  }
0x39d: {  	v12 =	vld [tilespmem:s17+$0x196D0]  }
.Ltmp12:
0x39e: {  	v15 =	vld [tilespmem:s17+$0x19680];
	(pc) =	sbr.rel @p0 .LBB2_27-.Ltmp12, $4  }
0x39f: {  	v14 =	vld [tilespmem:s17+$0x19690]  }
0x3a0: {  	v17 =	vld [tilespmem:s17+$0x19640]  }
0x3a1: {  	v18 =	vld [tilespmem:s17+$0x19650]  }
0x3a2: {  	s18 =	sadd.s32 $0x700, s18;
	v16 =	vld [tilespmem:s17+$0x19660]  }
0x3a3: {  	v19 =	vld [tilespmem:s17+$0x19670]  }
0x3a4: {  	v20 =	vld [tilespmem:s17+$0x196A0]  }
0x3a5: {  	v21 =	vld [tilespmem:s17+$0x196B0];
	v8 =	vadd.f32 v17, v8  }
0x3a6: {  	v17 =	vld [tilespmem:s17+$0x196E0];
	v9 =	vadd.f32 v18, v9  }
0x3a7: {  	v18 =	vld [tilespmem:s17+$0x196F0];
	v10 =	vadd.f32 v16, v10;
	v8 =	vadd.f32 v15, v8  }
0x3a8: {  	v15 =	vld [tilespmem:s17+$0x19720];
	v11 =	vadd.f32 v19, v11;
	v9 =	vadd.f32 v14, v9  }
0x3a9: {  	v14 =	vld [tilespmem:s17+$0x19730];
	v10 =	vadd.f32 v20, v10;
	v8 =	vadd.f32 v13, v8  }
0x3aa: {  	v13 =	vld [tilespmem:s17+$0x19760];
	v11 =	vadd.f32 v21, v11;
	v9 =	vadd.f32 v12, v9  }
0x3ab: {  	v12 =	vld [tilespmem:s17+$0x19770];
	v10 =	vadd.f32 v17, v10;
	v6 =	vadd.f32 v6, v8  }
0x3ac: {  	v8 =	vadd.f32 v18, v11;
	v11 =	vld [tilespmem:s17+$0x197A0];
	v7 =	vadd.f32 v7, v9  }
0x3ad: {  	v9 =	vld [tilespmem:s17+$0x197B0];
	v10 =	vadd.f32 v15, v10;
	v4 =	vadd.f32 v4, v6  }
0x3ae: {  	v6 =	vadd.f32 v14, v8;
	v8 =	vld [tilespmem:s17+$0x197E0];
	v5 =	vadd.f32 v5, v7  }
0x3af: {  	v7 =	vld [tilespmem:s17+$0x197F0];
	v10 =	vadd.f32 v13, v10;
	v2 =	vadd.f32 v2, v4  }
0x3b0: {  	v4 =	vadd.f32 v12, v6;
	v3 =	vadd.f32 v3, v5  }
0x3b1: {  	v5 =	vadd.f32 v11, v10;
	v0 =	vadd.f32 v0, v2  }
0x3b2: {  	v2 =	vadd.f32 v9, v4;
	v1 =	vadd.f32 v1, v3  }
0x3b3: {  	v10 =	vld [tilespmem:$0x1A2A0];
	v3 =	vadd.f32 v8, v5;
	[tilespmem:$0x1CE00] =	vst v0  }
0x3b4: {  	v11 =	vld [tilespmem:$0x1A2B0];
	v0 =	vadd.f32 v7, v2;
	[tilespmem:$0x1CE10] =	vst v1  }
0x3b5: {  	v9 =	vld [tilespmem:$0x1A290];
	[tilespmem:$0x1CE20] =	vst v3  }
0x3b6: {  	s17 =	simm.s32 $0x0;
	v8 =	vld [tilespmem:$0x1A280];
	[tilespmem:$0x1CE30] =	vst v0  }
0x3b7: {  	v0 =	vld [tilespmem:s17+$0x1A440]  }
0x3b8: {  	v1 =	vld [tilespmem:s17+$0x1A450]  }
0x3b9: {  	v2 =	vld [tilespmem:s17+$0x1A400]  }
0x3ba: {  	v3 =	vld [tilespmem:s17+$0x1A410]  }
0x3bb: {  	v4 =	vld [tilespmem:s17+$0x1A3C0]  }
0x3bc: {  	v5 =	vld [tilespmem:s17+$0x1A3D0]  }
0x3bd: {  	v6 =	vld [tilespmem:s17+$0x1A380]  }
0x3be: {  	v7 =	vld [tilespmem:s17+$0x1A390]  }
0x3bf: {  	v13 =	vld [tilespmem:s17+$0x1A340]  }
0x3c0: {  	v12 =	vld [tilespmem:s17+$0x1A350]  }
0x3c1: {  	v15 =	vld [tilespmem:s17+$0x1A300]  }
0x3c2: {  	v14 =	vld [tilespmem:s17+$0x1A310]  }
0x3c3: {  	v17 =	vld [tilespmem:s17+$0x1A2C0]  }
0x3c4: {  	v18 =	vld [tilespmem:s17+$0x1A2D0]  }
0x3c5: {  	s18 =	simm.s32 $0x700;
	v16 =	vld [tilespmem:s17+$0x1A2E0]  }
.LBB2_29:
0x3c6: {  	p0 =	sne.s32 s18, $0x2A00;
	v19 =	vld [tilespmem:s17+$0x1A2F0]  }
0x3c7: {  	v20 =	vld [tilespmem:s17+$0x1A320]  }
0x3c8: {  	v21 =	vld [tilespmem:s17+$0x1A330]  }
0x3c9: {  	v22 =	vld [tilespmem:s17+$0x1A360]  }
0x3ca: {  	v8 =	vadd.f32 v17, v8;
	v9 =	vadd.f32 v18, v9;
	v17 =	vld [tilespmem:s17+$0x1A370]  }
0x3cb: {  	v10 =	vadd.f32 v16, v10;
	v11 =	vadd.f32 v19, v11;
	v16 =	vld [tilespmem:s17+$0x1A3A0]  }
0x3cc: {  	v8 =	vadd.f32 v15, v8;
	v9 =	vadd.f32 v14, v9;
	v14 =	vld [tilespmem:s17+$0x1A3B0]  }
0x3cd: {  	v10 =	vadd.f32 v20, v10;
	v11 =	vadd.f32 v21, v11;
	v15 =	vld [tilespmem:s17+$0x1A3E0]  }
0x3ce: {  	v8 =	vadd.f32 v13, v8;
	v9 =	vadd.f32 v12, v9;
	v12 =	vld [tilespmem:s17+$0x1A3F0]  }
0x3cf: {  	v10 =	vadd.f32 v22, v10;
	v11 =	vadd.f32 v17, v11;
	v13 =	vld [tilespmem:s17+$0x1A420]  }
0x3d0: {  	v6 =	vadd.f32 v6, v8;
	v7 =	vadd.f32 v7, v9;
	v8 =	vld [tilespmem:s17+$0x1A430]  }
0x3d1: {  	v9 =	vadd.f32 v16, v10;
	v10 =	vadd.f32 v14, v11;
	v11 =	vld [tilespmem:s17+$0x1A460]  }
0x3d2: {  	v4 =	vadd.f32 v4, v6;
	v5 =	vadd.f32 v5, v7;
	v6 =	vld [tilespmem:s17+$0x1A470];
	s17 =	sshra.s32 s18, $0x2  }
0x3d3: {  	v9 =	vadd.f32 v15, v9;
	v7 =	vld [tilespmem:s17+$0x1A440];
	v10 =	vadd.f32 v12, v10  }
0x3d4: {  	v4 =	vadd.f32 v2, v4;
	v5 =	vadd.f32 v3, v5;
	v12 =	vld [tilespmem:s17+$0x1A450]  }
0x3d5: {  	v13 =	vadd.f32 v13, v9;
	v2 =	vld [tilespmem:s17+$0x1A400];
	v14 =	vadd.f32 v8, v10  }
0x3d6: {  	v8 =	vadd.f32 v0, v4;
	v9 =	vadd.f32 v1, v5;
	v3 =	vld [tilespmem:s17+$0x1A410]  }
0x3d7: {  	v10 =	vadd.f32 v11, v13;
	v4 =	vld [tilespmem:s17+$0x1A3C0];
	v11 =	vadd.f32 v6, v14  }
0x3d8: {  	v5 =	vld [tilespmem:s17+$0x1A3D0];
	v0 =	vmov v7  }
0x3d9: {  	v6 =	vld [tilespmem:s17+$0x1A380];
	v1 =	vmov v12  }
0x3da: {  	v7 =	vld [tilespmem:s17+$0x1A390]  }
0x3db: {  	v13 =	vld [tilespmem:s17+$0x1A340]  }
0x3dc: {  	v12 =	vld [tilespmem:s17+$0x1A350]  }
.Ltmp13:
0x3dd: {  	v15 =	vld [tilespmem:s17+$0x1A300];
	(pc) =	sbr.rel @p0 .LBB2_29-.Ltmp13, $4  }
0x3de: {  	v14 =	vld [tilespmem:s17+$0x1A310]  }
0x3df: {  	v17 =	vld [tilespmem:s17+$0x1A2C0]  }
0x3e0: {  	v18 =	vld [tilespmem:s17+$0x1A2D0]  }
0x3e1: {  	s18 =	sadd.s32 $0x700, s18;
	v16 =	vld [tilespmem:s17+$0x1A2E0]  }
0x3e2: {  	v19 =	vld [tilespmem:s17+$0x1A2F0]  }
0x3e3: {  	v20 =	vld [tilespmem:s17+$0x1A320]  }
0x3e4: {  	v21 =	vld [tilespmem:s17+$0x1A330];
	v8 =	vadd.f32 v17, v8  }
0x3e5: {  	v17 =	vld [tilespmem:s17+$0x1A360];
	v9 =	vadd.f32 v18, v9  }
0x3e6: {  	v18 =	vld [tilespmem:s17+$0x1A370];
	v10 =	vadd.f32 v16, v10;
	v8 =	vadd.f32 v15, v8  }
0x3e7: {  	v15 =	vld [tilespmem:s17+$0x1A3A0];
	v11 =	vadd.f32 v19, v11;
	v9 =	vadd.f32 v14, v9  }
0x3e8: {  	v14 =	vld [tilespmem:s17+$0x1A3B0];
	v10 =	vadd.f32 v20, v10;
	v8 =	vadd.f32 v13, v8  }
0x3e9: {  	v13 =	vld [tilespmem:s17+$0x1A3E0];
	v11 =	vadd.f32 v21, v11;
	v9 =	vadd.f32 v12, v9  }
0x3ea: {  	v12 =	vld [tilespmem:s17+$0x1A3F0];
	v10 =	vadd.f32 v17, v10;
	v6 =	vadd.f32 v6, v8  }
0x3eb: {  	v8 =	vadd.f32 v18, v11;
	v11 =	vld [tilespmem:s17+$0x1A420];
	v7 =	vadd.f32 v7, v9  }
0x3ec: {  	v9 =	vld [tilespmem:s17+$0x1A430];
	v10 =	vadd.f32 v15, v10;
	v4 =	vadd.f32 v4, v6  }
0x3ed: {  	v6 =	vadd.f32 v14, v8;
	v8 =	vld [tilespmem:s17+$0x1A460];
	v5 =	vadd.f32 v5, v7  }
0x3ee: {  	v7 =	vld [tilespmem:s17+$0x1A470];
	v10 =	vadd.f32 v13, v10;
	v2 =	vadd.f32 v2, v4  }
0x3ef: {  	v4 =	vadd.f32 v12, v6;
	v3 =	vadd.f32 v3, v5  }
0x3f0: {  	v5 =	vadd.f32 v11, v10;
	v0 =	vadd.f32 v0, v2  }
0x3f1: {  	v2 =	vadd.f32 v9, v4;
	v1 =	vadd.f32 v1, v3  }
0x3f2: {  	v10 =	vld [tilespmem:$0x1AF20];
	v3 =	vadd.f32 v8, v5;
	[tilespmem:$0x1CE80] =	vst v0  }
0x3f3: {  	v11 =	vld [tilespmem:$0x1AF30];
	v0 =	vadd.f32 v7, v2;
	[tilespmem:$0x1CE90] =	vst v1  }
0x3f4: {  	v9 =	vld [tilespmem:$0x1AF10];
	[tilespmem:$0x1CEA0] =	vst v3  }
0x3f5: {  	s17 =	simm.s32 $0x0;
	v8 =	vld [tilespmem:$0x1AF00];
	[tilespmem:$0x1CEB0] =	vst v0  }
0x3f6: {  	v0 =	vld [tilespmem:s17+$0x1B0C0]  }
0x3f7: {  	v1 =	vld [tilespmem:s17+$0x1B0D0]  }
0x3f8: {  	v2 =	vld [tilespmem:s17+$0x1B080]  }
0x3f9: {  	v3 =	vld [tilespmem:s17+$0x1B090]  }
0x3fa: {  	v4 =	vld [tilespmem:s17+$0x1B040]  }
0x3fb: {  	v5 =	vld [tilespmem:s17+$0x1B050]  }
0x3fc: {  	v6 =	vld [tilespmem:s17+$0x1B000]  }
0x3fd: {  	v7 =	vld [tilespmem:s17+$0x1B010]  }
0x3fe: {  	v13 =	vld [tilespmem:s17+$0x1AFC0]  }
0x3ff: {  	v12 =	vld [tilespmem:s17+$0x1AFD0]  }
0x400: {  	v15 =	vld [tilespmem:s17+$0x1AF80]  }
0x401: {  	v14 =	vld [tilespmem:s17+$0x1AF90]  }
0x402: {  	v17 =	vld [tilespmem:s17+$0x1AF40]  }
0x403: {  	v18 =	vld [tilespmem:s17+$0x1AF50]  }
0x404: {  	s18 =	simm.s32 $0x700;
	v16 =	vld [tilespmem:s17+$0x1AF60]  }
.LBB2_31:
0x405: {  	p0 =	sne.s32 s18, $0x2A00;
	v19 =	vld [tilespmem:s17+$0x1AF70]  }
0x406: {  	v20 =	vld [tilespmem:s17+$0x1AFA0]  }
0x407: {  	v21 =	vld [tilespmem:s17+$0x1AFB0]  }
0x408: {  	v22 =	vld [tilespmem:s17+$0x1AFE0]  }
0x409: {  	v8 =	vadd.f32 v17, v8;
	v9 =	vadd.f32 v18, v9;
	v17 =	vld [tilespmem:s17+$0x1AFF0]  }
0x40a: {  	v10 =	vadd.f32 v16, v10;
	v11 =	vadd.f32 v19, v11;
	v16 =	vld [tilespmem:s17+$0x1B020]  }
0x40b: {  	v8 =	vadd.f32 v15, v8;
	v9 =	vadd.f32 v14, v9;
	v14 =	vld [tilespmem:s17+$0x1B030]  }
0x40c: {  	v10 =	vadd.f32 v20, v10;
	v11 =	vadd.f32 v21, v11;
	v15 =	vld [tilespmem:s17+$0x1B060]  }
0x40d: {  	v8 =	vadd.f32 v13, v8;
	v9 =	vadd.f32 v12, v9;
	v12 =	vld [tilespmem:s17+$0x1B070]  }
0x40e: {  	v10 =	vadd.f32 v22, v10;
	v11 =	vadd.f32 v17, v11;
	v13 =	vld [tilespmem:s17+$0x1B0A0]  }
0x40f: {  	v6 =	vadd.f32 v6, v8;
	v7 =	vadd.f32 v7, v9;
	v8 =	vld [tilespmem:s17+$0x1B0B0]  }
0x410: {  	v9 =	vadd.f32 v16, v10;
	v10 =	vadd.f32 v14, v11;
	v11 =	vld [tilespmem:s17+$0x1B0E0]  }
0x411: {  	v4 =	vadd.f32 v4, v6;
	v5 =	vadd.f32 v5, v7;
	v6 =	vld [tilespmem:s17+$0x1B0F0];
	s17 =	sshra.s32 s18, $0x2  }
0x412: {  	v9 =	vadd.f32 v15, v9;
	v7 =	vld [tilespmem:s17+$0x1B0C0];
	v10 =	vadd.f32 v12, v10  }
0x413: {  	v4 =	vadd.f32 v2, v4;
	v5 =	vadd.f32 v3, v5;
	v12 =	vld [tilespmem:s17+$0x1B0D0]  }
0x414: {  	v13 =	vadd.f32 v13, v9;
	v2 =	vld [tilespmem:s17+$0x1B080];
	v14 =	vadd.f32 v8, v10  }
0x415: {  	v8 =	vadd.f32 v0, v4;
	v9 =	vadd.f32 v1, v5;
	v3 =	vld [tilespmem:s17+$0x1B090]  }
0x416: {  	v10 =	vadd.f32 v11, v13;
	v4 =	vld [tilespmem:s17+$0x1B040];
	v11 =	vadd.f32 v6, v14  }
0x417: {  	v5 =	vld [tilespmem:s17+$0x1B050];
	v0 =	vmov v7  }
0x418: {  	v6 =	vld [tilespmem:s17+$0x1B000];
	v1 =	vmov v12  }
0x419: {  	v7 =	vld [tilespmem:s17+$0x1B010]  }
0x41a: {  	v13 =	vld [tilespmem:s17+$0x1AFC0]  }
0x41b: {  	v12 =	vld [tilespmem:s17+$0x1AFD0]  }
.Ltmp14:
0x41c: {  	v15 =	vld [tilespmem:s17+$0x1AF80];
	(pc) =	sbr.rel @p0 .LBB2_31-.Ltmp14, $4  }
0x41d: {  	v14 =	vld [tilespmem:s17+$0x1AF90]  }
0x41e: {  	v17 =	vld [tilespmem:s17+$0x1AF40]  }
0x41f: {  	v18 =	vld [tilespmem:s17+$0x1AF50]  }
0x420: {  	s18 =	sadd.s32 $0x700, s18;
	v16 =	vld [tilespmem:s17+$0x1AF60]  }
0x421: {  	v19 =	vld [tilespmem:s17+$0x1AF70]  }
0x422: {  	v20 =	vld [tilespmem:s17+$0x1AFA0]  }
0x423: {  	v21 =	vld [tilespmem:s17+$0x1AFB0];
	v8 =	vadd.f32 v17, v8  }
0x424: {  	v17 =	vld [tilespmem:s17+$0x1AFE0];
	v9 =	vadd.f32 v18, v9  }
0x425: {  	v18 =	vld [tilespmem:s17+$0x1AFF0];
	v10 =	vadd.f32 v16, v10;
	v8 =	vadd.f32 v15, v8  }
0x426: {  	v15 =	vld [tilespmem:s17+$0x1B020];
	v11 =	vadd.f32 v19, v11;
	v9 =	vadd.f32 v14, v9  }
0x427: {  	v14 =	vld [tilespmem:s17+$0x1B030];
	v10 =	vadd.f32 v20, v10;
	v8 =	vadd.f32 v13, v8  }
0x428: {  	v13 =	vld [tilespmem:s17+$0x1B060];
	v11 =	vadd.f32 v21, v11;
	v9 =	vadd.f32 v12, v9  }
0x429: {  	v12 =	vld [tilespmem:s17+$0x1B070];
	v10 =	vadd.f32 v17, v10;
	v6 =	vadd.f32 v6, v8  }
0x42a: {  	v8 =	vadd.f32 v18, v11;
	v11 =	vld [tilespmem:s17+$0x1B0A0];
	v7 =	vadd.f32 v7, v9  }
0x42b: {  	v9 =	vld [tilespmem:s17+$0x1B0B0];
	v10 =	vadd.f32 v15, v10;
	v4 =	vadd.f32 v4, v6  }
0x42c: {  	v6 =	vadd.f32 v14, v8;
	v8 =	vld [tilespmem:s17+$0x1B0E0];
	v5 =	vadd.f32 v5, v7  }
0x42d: {  	v7 =	vld [tilespmem:s17+$0x1B0F0];
	v10 =	vadd.f32 v13, v10;
	v2 =	vadd.f32 v2, v4  }
0x42e: {  	v4 =	vadd.f32 v12, v6;
	v3 =	vadd.f32 v3, v5  }
0x42f: {  	v5 =	vadd.f32 v11, v10;
	v0 =	vadd.f32 v0, v2  }
0x430: {  	v2 =	vadd.f32 v9, v4;
	v1 =	vadd.f32 v1, v3  }
0x431: {  	v10 =	vld [tilespmem:$0x1BBA0];
	v3 =	vadd.f32 v8, v5;
	[tilespmem:$0x1CF00] =	vst v0  }
0x432: {  	v11 =	vld [tilespmem:$0x1BBB0];
	v0 =	vadd.f32 v7, v2;
	[tilespmem:$0x1CF10] =	vst v1  }
0x433: {  	v9 =	vld [tilespmem:$0x1BB90];
	[tilespmem:$0x1CF20] =	vst v3  }
0x434: {  	s17 =	simm.s32 $0x0;
	v8 =	vld [tilespmem:$0x1BB80];
	[tilespmem:$0x1CF30] =	vst v0  }
0x435: {  	v0 =	vld [tilespmem:s17+$0x1BD40]  }
0x436: {  	v1 =	vld [tilespmem:s17+$0x1BD50]  }
0x437: {  	v2 =	vld [tilespmem:s17+$0x1BD00]  }
0x438: {  	v3 =	vld [tilespmem:s17+$0x1BD10]  }
0x439: {  	v4 =	vld [tilespmem:s17+$0x1BCC0]  }
0x43a: {  	v5 =	vld [tilespmem:s17+$0x1BCD0]  }
0x43b: {  	v6 =	vld [tilespmem:s17+$0x1BC80]  }
0x43c: {  	v7 =	vld [tilespmem:s17+$0x1BC90]  }
0x43d: {  	v13 =	vld [tilespmem:s17+$0x1BC40]  }
0x43e: {  	v12 =	vld [tilespmem:s17+$0x1BC50]  }
0x43f: {  	v15 =	vld [tilespmem:s17+$0x1BC00]  }
0x440: {  	v14 =	vld [tilespmem:s17+$0x1BC10]  }
0x441: {  	v17 =	vld [tilespmem:s17+$0x1BBC0]  }
0x442: {  	v18 =	vld [tilespmem:s17+$0x1BBD0]  }
0x443: {  	s18 =	simm.s32 $0x700;
	v16 =	vld [tilespmem:s17+$0x1BBE0]  }
.LBB2_33:
0x444: {  	p0 =	sne.s32 s18, $0x2A00;
	v19 =	vld [tilespmem:s17+$0x1BBF0]  }
0x445: {  	v20 =	vld [tilespmem:s17+$0x1BC20]  }
0x446: {  	v21 =	vld [tilespmem:s17+$0x1BC30]  }
0x447: {  	v22 =	vld [tilespmem:s17+$0x1BC60]  }
0x448: {  	v8 =	vadd.f32 v17, v8;
	v9 =	vadd.f32 v18, v9;
	v17 =	vld [tilespmem:s17+$0x1BC70]  }
0x449: {  	v10 =	vadd.f32 v16, v10;
	v11 =	vadd.f32 v19, v11;
	v16 =	vld [tilespmem:s17+$0x1BCA0]  }
0x44a: {  	v8 =	vadd.f32 v15, v8;
	v9 =	vadd.f32 v14, v9;
	v14 =	vld [tilespmem:s17+$0x1BCB0]  }
0x44b: {  	v10 =	vadd.f32 v20, v10;
	v11 =	vadd.f32 v21, v11;
	v15 =	vld [tilespmem:s17+$0x1BCE0]  }
0x44c: {  	v8 =	vadd.f32 v13, v8;
	v9 =	vadd.f32 v12, v9;
	v12 =	vld [tilespmem:s17+$0x1BCF0]  }
0x44d: {  	v10 =	vadd.f32 v22, v10;
	v11 =	vadd.f32 v17, v11;
	v13 =	vld [tilespmem:s17+$0x1BD20]  }
0x44e: {  	v6 =	vadd.f32 v6, v8;
	v7 =	vadd.f32 v7, v9;
	v8 =	vld [tilespmem:s17+$0x1BD30]  }
0x44f: {  	v9 =	vadd.f32 v16, v10;
	v10 =	vadd.f32 v14, v11;
	v11 =	vld [tilespmem:s17+$0x1BD60]  }
0x450: {  	v4 =	vadd.f32 v4, v6;
	v5 =	vadd.f32 v5, v7;
	v6 =	vld [tilespmem:s17+$0x1BD70];
	s17 =	sshra.s32 s18, $0x2  }
0x451: {  	v9 =	vadd.f32 v15, v9;
	v7 =	vld [tilespmem:s17+$0x1BD40];
	v10 =	vadd.f32 v12, v10  }
0x452: {  	v4 =	vadd.f32 v2, v4;
	v5 =	vadd.f32 v3, v5;
	v12 =	vld [tilespmem:s17+$0x1BD50]  }
0x453: {  	v13 =	vadd.f32 v13, v9;
	v2 =	vld [tilespmem:s17+$0x1BD00];
	v14 =	vadd.f32 v8, v10  }
0x454: {  	v8 =	vadd.f32 v0, v4;
	v9 =	vadd.f32 v1, v5;
	v3 =	vld [tilespmem:s17+$0x1BD10]  }
0x455: {  	v10 =	vadd.f32 v11, v13;
	v4 =	vld [tilespmem:s17+$0x1BCC0];
	v11 =	vadd.f32 v6, v14  }
0x456: {  	v5 =	vld [tilespmem:s17+$0x1BCD0];
	v0 =	vmov v7  }
0x457: {  	v6 =	vld [tilespmem:s17+$0x1BC80];
	v1 =	vmov v12  }
0x458: {  	v7 =	vld [tilespmem:s17+$0x1BC90]  }
0x459: {  	v13 =	vld [tilespmem:s17+$0x1BC40]  }
0x45a: {  	v12 =	vld [tilespmem:s17+$0x1BC50]  }
.Ltmp15:
0x45b: {  	v15 =	vld [tilespmem:s17+$0x1BC00];
	(pc) =	sbr.rel @p0 .LBB2_33-.Ltmp15, $4  }
0x45c: {  	v14 =	vld [tilespmem:s17+$0x1BC10]  }
0x45d: {  	v17 =	vld [tilespmem:s17+$0x1BBC0]  }
0x45e: {  	v18 =	vld [tilespmem:s17+$0x1BBD0]  }
0x45f: {  	s18 =	sadd.s32 $0x700, s18;
	v16 =	vld [tilespmem:s17+$0x1BBE0]  }
0x460: {  	v19 =	vld [tilespmem:s17+$0x1BBF0]  }
0x461: {  	v20 =	vld [tilespmem:s17+$0x1BC20]  }
0x462: {  	v21 =	vld [tilespmem:s17+$0x1BC30];
	v8 =	vadd.f32 v17, v8  }
0x463: {  	v47 =	vld [tilespmem:s17+$0x1BC60];
	v9 =	vadd.f32 v18, v9  }
0x464: {  	v48 =	vld [tilespmem:s17+$0x1BC70];
	v10 =	vadd.f32 v16, v10;
	v8 =	vadd.f32 v15, v8  }
0x465: {  	v49 =	vld [tilespmem:s17+$0x1BCA0];
	v11 =	vadd.f32 v19, v11;
	v9 =	vadd.f32 v14, v9  }
0x466: {  	v50 =	vld [tilespmem:s17+$0x1BCB0];
	v10 =	vadd.f32 v20, v10;
	v8 =	vadd.f32 v13, v8  }
0x467: {  	v51 =	vld [tilespmem:s17+$0x1BCE0];
	v11 =	vadd.f32 v21, v11;
	v9 =	vadd.f32 v12, v9  }
0x468: {  	v52 =	vld [tilespmem:s17+$0x1BCF0];
	v10 =	vadd.f32 v47, v10;
	v6 =	vadd.f32 v6, v8  }
0x469: {  	v54 =	vld [tilespmem:s17+$0x1BD20];
	v53 =	vadd.f32 v48, v11;
	v7 =	vadd.f32 v7, v9  }
0x46a: {  	v55 =	vld [tilespmem:s17+$0x1BD30];
	v10 =	vadd.f32 v49, v10;
	v4 =	vadd.f32 v4, v6  }
0x46b: {  	v57 =	vld [tilespmem:s17+$0x1BD60];
	v56 =	vadd.f32 v50, v53;
	v5 =	vadd.f32 v5, v7  }
0x46c: {  	v58 =	vld [tilespmem:s17+$0x1BD70];
	v10 =	vadd.f32 v51, v10;
	v2 =	vadd.f32 v2, v4  }
0x46d: {  	v59 =	vadd.f32 v52, v56;
	v3 =	vadd.f32 v3, v5  }
0x46e: {  	s15 =	sadd.s32 $0x1, s15;
	v60 =	vadd.f32 v54, v10;
	v0 =	vadd.f32 v0, v2  }
0x46f: {  	p0 =	sne.s32 s15, $0x20;
	v61 =	vadd.f32 v55, v59;
	v1 =	vadd.f32 v1, v3  }
.Ltmp16:
0x470: {  	v62 =	vadd.f32 v57, v60;
	[tilespmem:$0x1CF80] =	vst v0;
	(pc) =	sbr.rel @p0 .LBB2_2-.Ltmp16, $4  }
0x471: {  	v63 =	vadd.f32 v58, v61;
	[tilespmem:$0x1CF90] =	vst v1  }
0x472: {  	[tilespmem:$0x1CFA0] =	vst v62  }
0x473: {  	s16 =	sadd.s32 s16, s5;
	[tilespmem:$0x1CFB0] =	vst v63  }
0x474: {  	[hbm4b:s16+s2] =	stream.linear.scatter [tilespmem:s11], [sflag:$0x4], $0x400, $0x38;
	[tilespmem:$0x1D000] =	vst v63  }
0x475: {  	s14 =	sadd.s32 $0x1, s14  }
0x476: {  	_ =	swait.ge [sflag:s12], $0x400;
	p0 =	sne.s32 s14, s6  }
.Ltmp17:
0x477: {  	[sflag:s12] =	ssyncset.done $0x0;
	(pc) =	sbr.rel @p0 .LBB2_1-.Ltmp17, $4  }
0x478: {  	[sflag:s12] =	ssyncadd.s32 $0xFFFFFC00  }
0x479: {  	_ =	swait.ge [sflag:s13], $0x400  }
0x47a: {  	[sflag:s13] =	ssyncset.done $0x0  }
0x47b: {  	[sflag:s13] =	ssyncadd.s32 $0xFFFFFC00  }
0x47c: {  	_ =	sfence.sel $0x180000  }
0x47d: {  	[bflag:$0x0] =	sbarrier.arrive $0xFFFF  }
0x47e: {  	_ =	strace $0x90000047  }
0x47f: {  	s0 =	stileid.u32;
	[bflag:$0x2] =	sbarrier.arrive $0xFFFF  }
0x480: {  	p0 =	sne.s32 s0, $0x0;
	s0 =	rddreg [dreg:$0x1]  }
0x481: {  	s0 =	sadd.s32 @!p0 $0x100000, s0  }
0x482: {  	[sflag:s0] =	ssyncadd.tile.s32 @!p0 $0x1;
	_ =	shalt  }
.Lfunc_end2:
_tile_overlayer_lowered:
.L_overlay_start_2:
0x483: {  	(tag) =	ssettag $0x2  }
0x484: {  	s0 =	rddreg [dreg:$0x0];
	s2 =	stileid.u32  }
0x485: {  	s1 =	rddreg [dreg:$0x1];
	p0 =	sne.s32 s2, $0x0  }
0x486: {  	s3 =	rddreg [dreg:$0x2];
	[bflag:$0x3] =	sbarrier.arrive $0xFFFF;
	s2 =	simm.s32 @!p0 $0x1C05  }
0x487: {  	[timem:s3], [sflag:s2] =	dma.local @!p0 [hbm:s0], s1  }
0x488: {  	s0 =	simm.s32 @!p0 $0x5  }
0x489: {  	_ =	swait.ge @!p0 [sflag:s0], s1  }
0x48a: {  	s1 =	ssub.s32 @!p0 $0x0, s1;
	[sflag:s0] =	ssyncset.done @!p0 $0x0  }
0x48b: {  	[sflag:s0] =	ssyncadd.s32 @!p0 s1  }
0x48c: {  	[bflag:$0x3] =	sbarrier.arrive $0xFFFF  }
0x48d: {  	_ =	shalt  }

</sc_bundles>
